<compile_context>
chip_gen: v7x
topology: tpu7x:2x2x1
jax: 0.10.2.dev20260603
libtpu: 0.0.44.dev20260713+nightly
codegen_flags: <defaults>
</compile_context>

<pallas_src>
import jax
import jax.numpy as jnp
from jax import lax
from jax.experimental import pallas as pl
from jax.experimental.pallas import tpu as pltpu
from jax.experimental.pallas import tpu_sc as plsc

_NUM_CORES = 2
_NUM_SUBCORES = 16
_LANES = 16
_NUM_WORKERS = _NUM_CORES * _NUM_SUBCORES

_B, _S, _D = 4, 4096, 1024
_ROWS_PER_W = _S // _NUM_WORKERS
_R = 16
_NTILES = _ROWS_PER_W // _R
_NSTEPS = _NTILES * _B
_NBIN = 3
_NBOUT = 2
_NBT = 2


def _add_tile(xi_ref, t_ref, xo_ref):
    @plsc.parallel_loop(0, _R * _D, step=_LANES, unroll=8)
    def _(i):
        r = i >> 10
        c = pl.multiple_of(i & (_D - 1), _LANES)
        xo_ref[r, pl.ds(c, _LANES)] = (
            xi_ref[r, pl.ds(c, _LANES)] + t_ref[r, pl.ds(c, _LANES)]
        )


def _sc_body(x_hbm, t_hbm, o_hbm,
             xi0, xi1, xi2, xo0, xo1, tb0, tb1,
             li0, li1, li2, so0, so1, ts0, ts1):
    wid = lax.axis_index("s") * _NUM_CORES + lax.axis_index("c")
    row0 = wid * _ROWS_PER_W

    xin, xout, tbuf = [xi0, xi1, xi2], [xo0, xo1], [tb0, tb1]
    lsem, ssem, tsem = [li0, li1, li2], [so0, so1], [ts0, ts1]

    def t_load(j):
        return pltpu.async_copy(
            t_hbm.at[pl.ds(row0 + j * _R, _R)],
            tbuf[j % _NBT], tsem[j % _NBT])

    def x_load(s):
        j, b = s // _B, s % _B
        return pltpu.async_copy(
            x_hbm.at[b, pl.ds(row0 + j * _R, _R)],
            xin[s % _NBIN], lsem[s % _NBIN])

    def x_store(s):
        j, b = s // _B, s % _B
        return pltpu.async_copy(
            xout[s % _NBOUT],
            o_hbm.at[b, pl.ds(row0 + j * _R, _R)], ssem[s % _NBOUT])

    tdesc = {0: t_load(0), 1: t_load(1)}
    xdesc = {s: x_load(s) for s in range(_NBIN)}
    sdesc = {}

    for s in range(_NSTEPS):
        j, b = s // _B, s % _B
        if s - _NBOUT in sdesc:
            sdesc[s - _NBOUT].wait()
        if b == 0:
            tdesc[j].wait()
        xdesc[s].wait()
        _add_tile(xin[s % _NBIN], tbuf[j % _NBT], xout[s % _NBOUT])
        sdesc[s] = x_store(s)
        if s + _NBIN < _NSTEPS:
            xdesc[s + _NBIN] = x_load(s + _NBIN)
        if b == _B - 1 and j + _NBT < _NTILES:
            tdesc[j + _NBT] = t_load(j + _NBT)

    for s in range(_NSTEPS - _NBOUT, _NSTEPS):
        sdesc[s].wait()


def kernel(inputs, pos_table):
    B, S, D = inputs.shape

    mesh = plsc.VectorSubcoreMesh(
        core_axis_name="c", subcore_axis_name="s",
        num_cores=_NUM_CORES, num_subcores=_NUM_SUBCORES,
    )
    return pl.kernel(
        _sc_body,
        out_type=jax.ShapeDtypeStruct((B, S, D), jnp.float32),
        mesh=mesh,
        compiler_params=pltpu.CompilerParams(
            use_tc_tiling_on_sc=True,
            skip_device_barrier=True,
            disable_bounds_checks=True,
            disable_semaphore_checks=True,
        ),
        scratch_types=(
            [pltpu.VMEM((_R, _D), jnp.float32)] * (_NBIN + _NBOUT + _NBT)
            + [pltpu.SemaphoreType.DMA] * (_NBIN + _NBOUT + _NBT)
        ),
    )(inputs, pos_table)

# --- scband reference (transcript-rebuilt; emitter-appended) ---
"""Pipeline reference for scband-positional-embedding-9225589752351 (READ-ONLY COPY).

The authoritative reference and input builder live on the scoring server;
editing this copy changes nothing except your own understanding.
"""

import jax, jax.numpy as jnp
import numpy as np

SEQ_LEN = 4096
OUT_DIM = 1024
BATCH = 4

def setup_inputs(seed: int = 0) -> dict:
    key = jax.random.key(seed)
    k1, k2 = jax.random.split(key)
    inputs = jax.random.normal(k1, (BATCH, SEQ_LEN, OUT_DIM), dtype=jnp.float32)
    # Embedding table: Keras Embedding default init is uniform(-0.05, 0.05)
    pos_table = jax.random.uniform(k2, (SEQ_LEN, OUT_DIM), dtype=jnp.float32, minval=-0.05, maxval=0.05)
    return {"inputs": inputs, "pos_table": pos_table}

def reference(inputs, pos_table):
    length = inputs.shape[1]
    positions = jnp.arange(0, length)
    embedded_positions = jnp.take(pos_table, positions, axis=0)
    return inputs + embedded_positions

if __name__ == "__main__":
    import jax
    _d = setup_inputs()
    print(jax.jit(kernel)(*tuple(_d.values())))

</pallas_src>

<mosaic_0001>
#map = affine_map<(d0, d1) -> (0, 0, 0)>
#map1 = affine_map<(d0, d1) -> (0, 0)>
module attributes {stable_mosaic.version = 14 : i64} {
  func.func @_sc_body(%arg0: i32, %arg1: i32, %arg2: memref<4x4096x1024xf32, #tpu.memory_space<hbm>>, %arg3: memref<4096x1024xf32, #tpu.memory_space<hbm>>, %arg4: memref<4x4096x1024xf32, #tpu.memory_space<hbm>>, %arg5: memref<16x1024xf32, #tpu.memory_space<vmem>>, %arg6: memref<16x1024xf32, #tpu.memory_space<vmem>>, %arg7: memref<16x1024xf32, #tpu.memory_space<vmem>>, %arg8: memref<16x1024xf32, #tpu.memory_space<vmem>>, %arg9: memref<16x1024xf32, #tpu.memory_space<vmem>>, %arg10: memref<16x1024xf32, #tpu.memory_space<vmem>>, %arg11: memref<16x1024xf32, #tpu.memory_space<vmem>>, %arg12: memref<!tpu.dma_semaphore, #tpu.memory_space<semaphore_mem>>, %arg13: memref<!tpu.dma_semaphore, #tpu.memory_space<semaphore_mem>>, %arg14: memref<!tpu.dma_semaphore, #tpu.memory_space<semaphore_mem>>, %arg15: memref<!tpu.dma_semaphore, #tpu.memory_space<semaphore_mem>>, %arg16: memref<!tpu.dma_semaphore, #tpu.memory_space<semaphore_mem>>, %arg17: memref<!tpu.dma_semaphore, #tpu.memory_space<semaphore_mem>>, %arg18: memref<!tpu.dma_semaphore, #tpu.memory_space<semaphore_mem>>) attributes {dimension_semantics = [#tpu.dimension_semantics<core_parallel>, #tpu.dimension_semantics<subcore_parallel>], iteration_bounds = array<i64: 2, 16>, scalar_prefetch = 0 : i64, scratch_operands = 14 : i64, tpu.core_type = #tpu.core_type<sc_vector_subcore>, window_params = [{transform_indices = #map}, {transform_indices = #map1}, {transform_indices = #map}]} {
    %mul3A = arith.constant 2 : i32
    %mul3A_0 = arith.muli %arg1, %mul3A : i32
    %add3A = arith.addi %mul3A_0, %arg0 : i32
    %mul3A_1 = arith.constant 128 : i32
    %mul3A_2 = arith.muli %add3A, %mul3A_1 : i32
    %add3A_3 = arith.constant 0 : i32
    %add3A_4 = arith.addi %mul3A_2, %add3A_3 : i32
    %dma_start3A = arith.constant 0 : i32
    %dma_start3A_5 = tpu.memref_slice %arg3[%add3A_4, %dma_start3A] : memref<4096x1024xf32, #tpu.memory_space<hbm>> -> memref<16x1024xf32, #tpu.memory_space<hbm>>
    %dma_start3A_6 = arith.constant 0 : i32
    %dma_start3A_7 = tpu.memref_slice %arg3[%add3A_4, %dma_start3A_6] : memref<4096x1024xf32, #tpu.memory_space<hbm>> -> memref<16x1024xf32, #tpu.memory_space<hbm>>
    tpu.enqueue_dma source(%dma_start3A_7 : memref<16x1024xf32, #tpu.memory_space<hbm>>) target(%arg10 : memref<16x1024xf32, #tpu.memory_space<vmem>>) target_semaphore(%arg17 : memref<!tpu.dma_semaphore, #tpu.memory_space<semaphore_mem>>)
    %add3A_8 = arith.constant 16 : i32
    %add3A_9 = arith.addi %mul3A_2, %add3A_8 : i32
    %dma_start3A_10 = arith.constant 0 : i32
    %dma_start3A_11 = tpu.memref_slice %arg3[%add3A_9, %dma_start3A_10] : memref<4096x1024xf32, #tpu.memory_space<hbm>> -> memref<16x1024xf32, #tpu.memory_space<hbm>>
    %dma_start3A_12 = arith.constant 0 : i32
    %dma_start3A_13 = tpu.memref_slice %arg3[%add3A_9, %dma_start3A_12] : memref<4096x1024xf32, #tpu.memory_space<hbm>> -> memref<16x1024xf32, #tpu.memory_space<hbm>>
    tpu.enqueue_dma source(%dma_start3A_13 : memref<16x1024xf32, #tpu.memory_space<hbm>>) target(%arg11 : memref<16x1024xf32, #tpu.memory_space<vmem>>) target_semaphore(%arg18 : memref<!tpu.dma_semaphore, #tpu.memory_space<semaphore_mem>>)
    %add3A_14 = arith.constant 0 : i32
    %add3A_15 = arith.addi %mul3A_2, %add3A_14 : i32
    %dma_start3A_16 = arith.constant 0 : i32
    %dma_start3A_17 = arith.constant 0 : i32
    %dma_start3A_18 = tpu.memref_slice %arg2[%dma_start3A_16, %add3A_15, %dma_start3A_17] : memref<4x4096x1024xf32, #tpu.memory_space<hbm>> -> memref<1x16x1024xf32, #tpu.memory_space<hbm>>
    %dma_start3A_19 = tpu.memref_squeeze %dma_start3A_18 : memref<1x16x1024xf32, #tpu.memory_space<hbm>> -> memref<16x1024xf32, #tpu.memory_space<hbm>>
    %dma_start3A_20 = arith.constant 0 : i32
    %dma_start3A_21 = tpu.memref_slice %arg2[%dma_start3A_16, %add3A_15, %dma_start3A_20] : memref<4x4096x1024xf32, #tpu.memory_space<hbm>> -> memref<1x16x1024xf32, #tpu.memory_space<hbm>>
    %dma_start3A_22 = tpu.memref_squeeze %dma_start3A_21 : memref<1x16x1024xf32, #tpu.memory_space<hbm>> -> memref<16x1024xf32, #tpu.memory_space<hbm>>
    tpu.enqueue_dma source(%dma_start3A_22 : memref<16x1024xf32, #tpu.memory_space<hbm>>) target(%arg5 : memref<16x1024xf32, #tpu.memory_space<vmem>>) target_semaphore(%arg12 : memref<!tpu.dma_semaphore, #tpu.memory_space<semaphore_mem>>)
    %add3A_23 = arith.constant 0 : i32
    %add3A_24 = arith.addi %mul3A_2, %add3A_23 : i32
    %dma_start3A_25 = arith.constant 1 : i32
    %dma_start3A_26 = arith.constant 0 : i32
    %dma_start3A_27 = tpu.memref_slice %arg2[%dma_start3A_25, %add3A_24, %dma_start3A_26] : memref<4x4096x1024xf32, #tpu.memory_space<hbm>> -> memref<1x16x1024xf32, #tpu.memory_space<hbm>>
    %dma_start3A_28 = tpu.memref_squeeze %dma_start3A_27 : memref<1x16x1024xf32, #tpu.memory_space<hbm>> -> memref<16x1024xf32, #tpu.memory_space<hbm>>
    %dma_start3A_29 = arith.constant 0 : i32
    %dma_start3A_30 = tpu.memref_slice %arg2[%dma_start3A_25, %add3A_24, %dma_start3A_29] : memref<4x4096x1024xf32, #tpu.memory_space<hbm>> -> memref<1x16x1024xf32, #tpu.memory_space<hbm>>
    %dma_start3A_31 = tpu.memref_squeeze %dma_start3A_30 : memref<1x16x1024xf32, #tpu.memory_space<hbm>> -> memref<16x1024xf32, #tpu.memory_space<hbm>>
    tpu.enqueue_dma source(%dma_start3A_31 : memref<16x1024xf32, #tpu.memory_space<hbm>>) target(%arg6 : memref<16x1024xf32, #tpu.memory_space<vmem>>) target_semaphore(%arg13 : memref<!tpu.dma_semaphore, #tpu.memory_space<semaphore_mem>>)
    %add3A_32 = arith.constant 0 : i32
    %add3A_33 = arith.addi %mul3A_2, %add3A_32 : i32
    %dma_start3A_34 = arith.constant 2 : i32
    %dma_start3A_35 = arith.constant 0 : i32
    %dma_start3A_36 = tpu.memref_slice %arg2[%dma_start3A_34, %add3A_33, %dma_start3A_35] : memref<4x4096x1024xf32, #tpu.memory_space<hbm>> -> memref<1x16x1024xf32, #tpu.memory_space<hbm>>
    %dma_start3A_37 = tpu.memref_squeeze %dma_start3A_36 : memref<1x16x1024xf32, #tpu.memory_space<hbm>> -> memref<16x1024xf32, #tpu.memory_space<hbm>>
    %dma_start3A_38 = arith.constant 0 : i32
    %dma_start3A_39 = tpu.memref_slice %arg2[%dma_start3A_34, %add3A_33, %dma_start3A_38] : memref<4x4096x1024xf32, #tpu.memory_space<hbm>> -> memref<1x16x1024xf32, #tpu.memory_space<hbm>>
    %dma_start3A_40 = tpu.memref_squeeze %dma_start3A_39 : memref<1x16x1024xf32, #tpu.memory_space<hbm>> -> memref<16x1024xf32, #tpu.memory_space<hbm>>
    tpu.enqueue_dma source(%dma_start3A_40 : memref<16x1024xf32, #tpu.memory_space<hbm>>) target(%arg7 : memref<16x1024xf32, #tpu.memory_space<vmem>>) target_semaphore(%arg14 : memref<!tpu.dma_semaphore, #tpu.memory_space<semaphore_mem>>)
    %dma_wait3A = arith.constant 0 : i32
    %dma_wait3A_41 = tpu.memref_slice %arg3[%add3A_4, %dma_wait3A] : memref<4096x1024xf32, #tpu.memory_space<hbm>> -> memref<16x1024xf32, #tpu.memory_space<hbm>>
    %dma_wait3A_42 = arith.constant 0 : i32
    %dma_wait3A_43 = tpu.memref_slice %arg3[%add3A_4, %dma_wait3A_42] : memref<4096x1024xf32, #tpu.memory_space<hbm>> -> memref<16x1024xf32, #tpu.memory_space<hbm>>
    tpu.wait_dma2 semaphore(%arg17 : memref<!tpu.dma_semaphore, #tpu.memory_space<semaphore_mem>>) src(%dma_wait3A_43 : memref<16x1024xf32, #tpu.memory_space<hbm>>) dst(%arg10 : memref<16x1024xf32, #tpu.memory_space<vmem>>)
    %dma_wait3A_44 = arith.constant 0 : i32
    %dma_wait3A_45 = arith.constant 0 : i32
    %dma_wait3A_46 = tpu.memref_slice %arg2[%dma_wait3A_44, %add3A_15, %dma_wait3A_45] : memref<4x4096x1024xf32, #tpu.memory_space<hbm>> -> memref<1x16x1024xf32, #tpu.memory_space<hbm>>
    %dma_wait3A_47 = tpu.memref_squeeze %dma_wait3A_46 : memref<1x16x1024xf32, #tpu.memory_space<hbm>> -> memref<16x1024xf32, #tpu.memory_space<hbm>>
    %dma_wait3A_48 = arith.constant 0 : i32
    %dma_wait3A_49 = tpu.memref_slice %arg2[%dma_wait3A_44, %add3A_15, %dma_wait3A_48] : memref<4x4096x1024xf32, #tpu.memory_space<hbm>> -> memref<1x16x1024xf32, #tpu.memory_space<hbm>>
    %dma_wait3A_50 = tpu.memref_squeeze %dma_wait3A_49 : memref<1x16x1024xf32, #tpu.memory_space<hbm>> -> memref<16x1024xf32, #tpu.memory_space<hbm>>
    tpu.wait_dma2 semaphore(%arg12 : memref<!tpu.dma_semaphore, #tpu.memory_space<semaphore_mem>>) src(%dma_wait3A_50 : memref<16x1024xf32, #tpu.memory_space<hbm>>) dst(%arg5 : memref<16x1024xf32, #tpu.memory_space<vmem>>)
    %parallel_loop3A = arith.constant 0 : i32
    %parallel_loop3A_51 = arith.constant 16384 : i32
    %parallel_loop3A_52 = arith.constant 16 : i32
    scf.for %parallel_loop3A_1200 = %parallel_loop3A to %parallel_loop3A_51 step %parallel_loop3A_52  : i32 {
      %parallel_loop3A_1201 = arith.constant 10 : i32
      %parallel_loop3A_1202 = arith.shrsi %parallel_loop3A_1200, %parallel_loop3A_1201 : i32
      %parallel_loop3A_1203 = arith.constant 1023 : i32
      %parallel_loop3A_1204 = arith.andi %parallel_loop3A_1200, %parallel_loop3A_1203 : i32
      %parallel_loop3A_1205 = tpu.assume_multiple %parallel_loop3A_1204, 16 : i32
      %parallel_loop3A_1206 = arith.index_cast %parallel_loop3A_1202 : i32 to index
      %parallel_loop3A_1207 = arith.index_cast %parallel_loop3A_1205 : i32 to index
      %parallel_loop3A_1208 = tpu.vector_load %arg5[%parallel_loop3A_1206, %parallel_loop3A_1207] {strides = array<i32>} : memref<16x1024xf32, #tpu.memory_space<vmem>>, vector<1x16xf32>,
      %parallel_loop3A_1209 = vector.shape_cast %parallel_loop3A_1208 : vector<1x16xf32> to vector<16xf32>
      %parallel_loop3A_1210 = arith.index_cast %parallel_loop3A_1202 : i32 to index
      %parallel_loop3A_1211 = arith.index_cast %parallel_loop3A_1205 : i32 to index
      %parallel_loop3A_1212 = tpu.vector_load %arg10[%parallel_loop3A_1210, %parallel_loop3A_1211] {strides = array<i32>} : memref<16x1024xf32, #tpu.memory_space<vmem>>, vector<1x16xf32>,
      %parallel_loop3A_1213 = vector.shape_cast %parallel_loop3A_1212 : vector<1x16xf32> to vector<16xf32>
      %parallel_loop3A_1214 = arith.addf %parallel_loop3A_1209, %parallel_loop3A_1213 : vector<16xf32>
      %parallel_loop3A_1215 = arith.index_cast %parallel_loop3A_1202 : i32 to index
      %parallel_loop3A_1216 = arith.index_cast %parallel_loop3A_1205 : i32 to index
      %parallel_loop3A_1217 = tpu.vector_load %arg8[%parallel_loop3A_1215, %parallel_loop3A_1216] {strides = array<i32>} : memref<16x1024xf32, #tpu.memory_space<vmem>>, vector<1x16xf32>,
      %parallel_loop3A_1218 = vector.shape_cast %parallel_loop3A_1217 : vector<1x16xf32> to vector<16xf32>
      %parallel_loop3A_1219 = vector.shape_cast %parallel_loop3A_1214 : vector<16xf32> to vector<1x16xf32>
      tpu.vector_store %arg8[%parallel_loop3A_1215, %parallel_loop3A_1216], %parallel_loop3A_1219 {strides = array<i32>} : memref<16x1024xf32, #tpu.memory_space<vmem>>, vector<1x16xf32>,
    } {sc.loop_unroll_factor = 8 : i64, sc.parallel_access}
    %add3A_53 = arith.constant 0 : i32
    %add3A_54 = arith.addi %mul3A_2, %add3A_53 : i32
    %dma_start3A_55 = arith.constant 0 : i32
    %dma_start3A_56 = arith.constant 0 : i32
    %dma_start3A_57 = tpu.memref_slice %arg4[%dma_start3A_55, %add3A_54, %dma_start3A_56] : memref<4x4096x1024xf32, #tpu.memory_space<hbm>> -> memref<1x16x1024xf32, #tpu.memory_space<hbm>>
    %dma_start3A_58 = tpu.memref_squeeze %dma_start3A_57 : memref<1x16x1024xf32, #tpu.memory_space<hbm>> -> memref<16x1024xf32, #tpu.memory_space<hbm>>
    %dma_start3A_59 = arith.constant 0 : i32
    %dma_start3A_60 = tpu.memref_slice %arg4[%dma_start3A_55, %add3A_54, %dma_start3A_59] : memref<4x4096x1024xf32, #tpu.memory_space<hbm>> -> memref<1x16x1024xf32, #tpu.memory_space<hbm>>
    %dma_start3A_61 = tpu.memref_squeeze %dma_start3A_60 : memref<1x16x1024xf32, #tpu.memory_space<hbm>> -> memref<16x1024xf32, #tpu.memory_space<hbm>>
    tpu.enqueue_dma source(%arg8 : memref<16x1024xf32, #tpu.memory_space<vmem>>) target(%dma_start3A_61 : memref<16x1024xf32, #tpu.memory_space<hbm>>) target_semaphore(%arg15 : memref<!tpu.dma_semaphore, #tpu.memory_space<semaphore_mem>>)
    %add3A_62 = arith.constant 0 : i32
    %add3A_63 = arith.addi %mul3A_2, %add3A_62 : i32
    %dma_start3A_64 = arith.constant 3 : i32
    %dma_start3A_65 = arith.constant 0 : i32
    %dma_start3A_66 = tpu.memref_slice %arg2[%dma_start3A_64, %add3A_63, %dma_start3A_65] : memref<4x4096x1024xf32, #tpu.memory_space<hbm>> -> memref<1x16x1024xf32, #tpu.memory_space<hbm>>
    %dma_start3A_67 = tpu.memref_squeeze %dma_start3A_66 : memref<1x16x1024xf32, #tpu.memory_space<hbm>> -> memref<16x1024xf32, #tpu.memory_space<hbm>>
    %dma_start3A_68 = arith.constant 0 : i32
    %dma_start3A_69 = tpu.memref_slice %arg2[%dma_start3A_64, %add3A_63, %dma_start3A_68] : memref<4x4096x1024xf32, #tpu.memory_space<hbm>> -> memref<1x16x1024xf32, #tpu.memory_space<hbm>>
    %dma_start3A_70 = tpu.memref_squeeze %dma_start3A_69 : memref<1x16x1024xf32, #tpu.memory_space<hbm>> -> memref<16x1024xf32, #tpu.memory_space<hbm>>
    tpu.enqueue_dma source(%dma_start3A_70 : memref<16x1024xf32, #tpu.memory_space<hbm>>) target(%arg5 : memref<16x1024xf32, #tpu.memory_space<vmem>>) target_semaphore(%arg12 : memref<!tpu.dma_semaphore, #tpu.memory_space<semaphore_mem>>)
    %dma_wait3A_71 = arith.constant 1 : i32
    %dma_wait3A_72 = arith.constant 0 : i32
    %dma_wait3A_73 = tpu.memref_slice %arg2[%dma_wait3A_71, %add3A_24, %dma_wait3A_72] : memref<4x4096x1024xf32, #tpu.memory_space<hbm>> -> memref<1x16x1024xf32, #tpu.memory_space<hbm>>
    %dma_wait3A_74 = tpu.memref_squeeze %dma_wait3A_73 : memref<1x16x1024xf32, #tpu.memory_space<hbm>> -> memref<16x1024xf32, #tpu.memory_space<hbm>>
    %dma_wait3A_75 = arith.constant 0 : i32
    %dma_wait3A_76 = tpu.memref_slice %arg2[%dma_wait3A_71, %add3A_24, %dma_wait3A_75] : memref<4x4096x1024xf32, #tpu.memory_space<hbm>> -> memref<1x16x1024xf32, #tpu.memory_space<hbm>>
    %dma_wait3A_77 = tpu.memref_squeeze %dma_wait3A_76 : memref<1x16x1024xf32, #tpu.memory_space<hbm>> -> memref<16x1024xf32, #tpu.memory_space<hbm>>
    tpu.wait_dma2 semaphore(%arg13 : memref<!tpu.dma_semaphore, #tpu.memory_space<semaphore_mem>>) src(%dma_wait3A_77 : memref<16x1024xf32, #tpu.memory_space<hbm>>) dst(%arg6 : memref<16x1024xf32, #tpu.memory_space<vmem>>)
    %parallel_loop3A_78 = arith.constant 0 : i32
    %parallel_loop3A_79 = arith.constant 16384 : i32
    %parallel_loop3A_80 = arith.constant 16 : i32
    scf.for %parallel_loop3A_1200 = %parallel_loop3A_78 to %parallel_loop3A_79 step %parallel_loop3A_80  : i32 {
      %parallel_loop3A_1201 = arith.constant 10 : i32
      %parallel_loop3A_1202 = arith.shrsi %parallel_loop3A_1200, %parallel_loop3A_1201 : i32
      %parallel_loop3A_1203 = arith.constant 1023 : i32
      %parallel_loop3A_1204 = arith.andi %parallel_loop3A_1200, %parallel_loop3A_1203 : i32
      %parallel_loop3A_1205 = tpu.assume_multiple %parallel_loop3A_1204, 16 : i32
      %parallel_loop3A_1206 = arith.index_cast %parallel_loop3A_1202 : i32 to index
      %parallel_loop3A_1207 = arith.index_cast %parallel_loop3A_1205 : i32 to index
      %parallel_loop3A_1208 = tpu.vector_load %arg6[%parallel_loop3A_1206, %parallel_loop3A_1207] {strides = array<i32>} : memref<16x1024xf32, #tpu.memory_space<vmem>>, vector<1x16xf32>,
      %parallel_loop3A_1209 = vector.shape_cast %parallel_loop3A_1208 : vector<1x16xf32> to vector<16xf32>
      %parallel_loop3A_1210 = arith.index_cast %parallel_loop3A_1202 : i32 to index
      %parallel_loop3A_1211 = arith.index_cast %parallel_loop3A_1205 : i32 to index
      %parallel_loop3A_1212 = tpu.vector_load %arg10[%parallel_loop3A_1210, %parallel_loop3A_1211] {strides = array<i32>} : memref<16x1024xf32, #tpu.memory_space<vmem>>, vector<1x16xf32>,
      %parallel_loop3A_1213 = vector.shape_cast %parallel_loop3A_1212 : vector<1x16xf32> to vector<16xf32>
      %parallel_loop3A_1214 = arith.addf %parallel_loop3A_1209, %parallel_loop3A_1213 : vector<16xf32>
      %parallel_loop3A_1215 = arith.index_cast %parallel_loop3A_1202 : i32 to index
      %parallel_loop3A_1216 = arith.index_cast %parallel_loop3A_1205 : i32 to index
      %parallel_loop3A_1217 = tpu.vector_load %arg9[%parallel_loop3A_1215, %parallel_loop3A_1216] {strides = array<i32>} : memref<16x1024xf32, #tpu.memory_space<vmem>>, vector<1x16xf32>,
      %parallel_loop3A_1218 = vector.shape_cast %parallel_loop3A_1217 : vector<1x16xf32> to vector<16xf32>
      %parallel_loop3A_1219 = vector.shape_cast %parallel_loop3A_1214 : vector<16xf32> to vector<1x16xf32>
      tpu.vector_store %arg9[%parallel_loop3A_1215, %parallel_loop3A_1216], %parallel_loop3A_1219 {strides = array<i32>} : memref<16x1024xf32, #tpu.memory_space<vmem>>, vector<1x16xf32>,
    } {sc.loop_unroll_factor = 8 : i64, sc.parallel_access}
    %add3A_81 = arith.constant 0 : i32
    %add3A_82 = arith.addi %mul3A_2, %add3A_81 : i32
    %dma_start3A_83 = arith.constant 1 : i32
    %dma_start3A_84 = arith.constant 0 : i32
    %dma_start3A_85 = tpu.memref_slice %arg4[%dma_start3A_83, %add3A_82, %dma_start3A_84] : memref<4x4096x1024xf32, #tpu.memory_space<hbm>> -> memref<1x16x1024xf32, #tpu.memory_space<hbm>>
    %dma_start3A_86 = tpu.memref_squeeze %dma_start3A_85 : memref<1x16x1024xf32, #tpu.memory_space<hbm>> -> memref<16x1024xf32, #tpu.memory_space<hbm>>
    %dma_start3A_87 = arith.constant 0 : i32
    %dma_start3A_88 = tpu.memref_slice %arg4[%dma_start3A_83, %add3A_82, %dma_start3A_87] : memref<4x4096x1024xf32, #tpu.memory_space<hbm>> -> memref<1x16x1024xf32, #tpu.memory_space<hbm>>
    %dma_start3A_89 = tpu.memref_squeeze %dma_start3A_88 : memref<1x16x1024xf32, #tpu.memory_space<hbm>> -> memref<16x1024xf32, #tpu.memory_space<hbm>>
    tpu.enqueue_dma source(%arg9 : memref<16x1024xf32, #tpu.memory_space<vmem>>) target(%dma_start3A_89 : memref<16x1024xf32, #tpu.memory_space<hbm>>) target_semaphore(%arg16 : memref<!tpu.dma_semaphore, #tpu.memory_space<semaphore_mem>>)
    %add3A_90 = arith.constant 16 : i32
    %add3A_91 = arith.addi %mul3A_2, %add3A_90 : i32
    %dma_start3A_92 = arith.constant 0 : i32
    %dma_start3A_93 = arith.constant 0 : i32
    %dma_start3A_94 = tpu.memref_slice %arg2[%dma_start3A_92, %add3A_91, %dma_start3A_93] : memref<4x4096x1024xf32, #tpu.memory_space<hbm>> -> memref<1x16x1024xf32, #tpu.memory_space<hbm>>
    %dma_start3A_95 = tpu.memref_squeeze %dma_start3A_94 : memref<1x16x1024xf32, #tpu.memory_space<hbm>> -> memref<16x1024xf32, #tpu.memory_space<hbm>>
    %dma_start3A_96 = arith.constant 0 : i32
    %dma_start3A_97 = tpu.memref_slice %arg2[%dma_start3A_92, %add3A_91, %dma_start3A_96] : memref<4x4096x1024xf32, #tpu.memory_space<hbm>> -> memref<1x16x1024xf32, #tpu.memory_space<hbm>>
    %dma_start3A_98 = tpu.memref_squeeze %dma_start3A_97 : memref<1x16x1024xf32, #tpu.memory_space<hbm>> -> memref<16x1024xf32, #tpu.memory_space<hbm>>
    tpu.enqueue_dma source(%dma_start3A_98 : memref<16x1024xf32, #tpu.memory_space<hbm>>) target(%arg6 : memref<16x1024xf32, #tpu.memory_space<vmem>>) target_semaphore(%arg13 : memref<!tpu.dma_semaphore, #tpu.memory_space<semaphore_mem>>)
    %dma_wait3A_99 = arith.constant 0 : i32
    %dma_wait3A_100 = arith.constant 0 : i32
    %dma_wait3A_101 = tpu.memref_slice %arg4[%dma_wait3A_99, %add3A_54, %dma_wait3A_100] : memref<4x4096x1024xf32, #tpu.memory_space<hbm>> -> memref<1x16x1024xf32, #tpu.memory_space<hbm>>
    %dma_wait3A_102 = tpu.memref_squeeze %dma_wait3A_101 : memref<1x16x1024xf32, #tpu.memory_space<hbm>> -> memref<16x1024xf32, #tpu.memory_space<hbm>>
    %dma_wait3A_103 = arith.constant 0 : i32
    %dma_wait3A_104 = tpu.memref_slice %arg4[%dma_wait3A_99, %add3A_54, %dma_wait3A_103] : memref<4x4096x1024xf32, #tpu.memory_space<hbm>> -> memref<1x16x1024xf32, #tpu.memory_space<hbm>>
    %dma_wait3A_105 = tpu.memref_squeeze %dma_wait3A_104 : memref<1x16x1024xf32, #tpu.memory_space<hbm>> -> memref<16x1024xf32, #tpu.memory_space<hbm>>
    tpu.wait_dma2 semaphore(%arg15 : memref<!tpu.dma_semaphore, #tpu.memory_space<semaphore_mem>>) src(%arg8 : memref<16x1024xf32, #tpu.memory_space<vmem>>) dst(%dma_wait3A_105 : memref<16x1024xf32, #tpu.memory_space<hbm>>)
    %dma_wait3A_106 = arith.constant 2 : i32
    %dma_wait3A_107 = arith.constant 0 : i32
    %dma_wait3A_108 = tpu.memref_slice %arg2[%dma_wait3A_106, %add3A_33, %dma_wait3A_107] : memref<4x4096x1024xf32, #tpu.memory_space<hbm>> -> memref<1x16x1024xf32, #tpu.memory_space<hbm>>
    %dma_wait3A_109 = tpu.memref_squeeze %dma_wait3A_108 : memref<1x16x1024xf32, #tpu.memory_space<hbm>> -> memref<16x1024xf32, #tpu.memory_space<hbm>>
    %dma_wait3A_110 = arith.constant 0 : i32
    %dma_wait3A_111 = tpu.memref_slice %arg2[%dma_wait3A_106, %add3A_33, %dma_wait3A_110] : memref<4x4096x1024xf32, #tpu.memory_space<hbm>> -> memref<1x16x1024xf32, #tpu.memory_space<hbm>>
    %dma_wait3A_112 = tpu.memref_squeeze %dma_wait3A_111 : memref<1x16x1024xf32, #tpu.memory_space<hbm>> -> memref<16x1024xf32, #tpu.memory_space<hbm>>
    tpu.wait_dma2 semaphore(%arg14 : memref<!tpu.dma_semaphore, #tpu.memory_space<semaphore_mem>>) src(%dma_wait3A_112 : memref<16x1024xf32, #tpu.memory_space<hbm>>) dst(%arg7 : memref<16x1024xf32, #tpu.memory_space<vmem>>)
    %parallel_loop3A_113 = arith.constant 0 : i32
    %parallel_loop3A_114 = arith.constant 16384 : i32
    %parallel_loop3A_115 = arith.constant 16 : i32
    scf.for %parallel_loop3A_1200 = %parallel_loop3A_113 to %parallel_loop3A_114 step %parallel_loop3A_115  : i32 {
      %parallel_loop3A_1201 = arith.constant 10 : i32
      %parallel_loop3A_1202 = arith.shrsi %parallel_loop3A_1200, %parallel_loop3A_1201 : i32
      %parallel_loop3A_1203 = arith.constant 1023 : i32
      %parallel_loop3A_1204 = arith.andi %parallel_loop3A_1200, %parallel_loop3A_1203 : i32
      %parallel_loop3A_1205 = tpu.assume_multiple %parallel_loop3A_1204, 16 : i32
      %parallel_loop3A_1206 = arith.index_cast %parallel_loop3A_1202 : i32 to index
      %parallel_loop3A_1207 = arith.index_cast %parallel_loop3A_1205 : i32 to index
      %parallel_loop3A_1208 = tpu.vector_load %arg7[%parallel_loop3A_1206, %parallel_loop3A_1207] {strides = array<i32>} : memref<16x1024xf32, #tpu.memory_space<vmem>>, vector<1x16xf32>,
      %parallel_loop3A_1209 = vector.shape_cast %parallel_loop3A_1208 : vector<1x16xf32> to vector<16xf32>
      %parallel_loop3A_1210 = arith.index_cast %parallel_loop3A_1202 : i32 to index
      %parallel_loop3A_1211 = arith.index_cast %parallel_loop3A_1205 : i32 to index
      %parallel_loop3A_1212 = tpu.vector_load %arg10[%parallel_loop3A_1210, %parallel_loop3A_1211] {strides = array<i32>} : memref<16x1024xf32, #tpu.memory_space<vmem>>, vector<1x16xf32>,
      %parallel_loop3A_1213 = vector.shape_cast %parallel_loop3A_1212 : vector<1x16xf32> to vector<16xf32>
      %parallel_loop3A_1214 = arith.addf %parallel_loop3A_1209, %parallel_loop3A_1213 : vector<16xf32>
      %parallel_loop3A_1215 = arith.index_cast %parallel_loop3A_1202 : i32 to index
      %parallel_loop3A_1216 = arith.index_cast %parallel_loop3A_1205 : i32 to index
      %parallel_loop3A_1217 = tpu.vector_load %arg8[%parallel_loop3A_1215, %parallel_loop3A_1216] {strides = array<i32>} : memref<16x1024xf32, #tpu.memory_space<vmem>>, vector<1x16xf32>,
      %parallel_loop3A_1218 = vector.shape_cast %parallel_loop3A_1217 : vector<1x16xf32> to vector<16xf32>
      %parallel_loop3A_1219 = vector.shape_cast %parallel_loop3A_1214 : vector<16xf32> to vector<1x16xf32>
      tpu.vector_store %arg8[%parallel_loop3A_1215, %parallel_loop3A_1216], %parallel_loop3A_1219 {strides = array<i32>} : memref<16x1024xf32, #tpu.memory_space<vmem>>, vector<1x16xf32>,
    } {sc.loop_unroll_factor = 8 : i64, sc.parallel_access}
    %add3A_116 = arith.constant 0 : i32
    %add3A_117 = arith.addi %mul3A_2, %add3A_116 : i32
    %dma_start3A_118 = arith.constant 2 : i32
    %dma_start3A_119 = arith.constant 0 : i32
    %dma_start3A_120 = tpu.memref_slice %arg4[%dma_start3A_118, %add3A_117, %dma_start3A_119] : memref<4x4096x1024xf32, #tpu.memory_space<hbm>> -> memref<1x16x1024xf32, #tpu.memory_space<hbm>>
    %dma_start3A_121 = tpu.memref_squeeze %dma_start3A_120 : memref<1x16x1024xf32, #tpu.memory_space<hbm>> -> memref<16x1024xf32, #tpu.memory_space<hbm>>
    %dma_start3A_122 = arith.constant 0 : i32
    %dma_start3A_123 = tpu.memref_slice %arg4[%dma_start3A_118, %add3A_117, %dma_start3A_122] : memref<4x4096x1024xf32, #tpu.memory_space<hbm>> -> memref<1x16x1024xf32, #tpu.memory_space<hbm>>
    %dma_start3A_124 = tpu.memref_squeeze %dma_start3A_123 : memref<1x16x1024xf32, #tpu.memory_space<hbm>> -> memref<16x1024xf32, #tpu.memory_space<hbm>>
    tpu.enqueue_dma source(%arg8 : memref<16x1024xf32, #tpu.memory_space<vmem>>) target(%dma_start3A_124 : memref<16x1024xf32, #tpu.memory_space<hbm>>) target_semaphore(%arg15 : memref<!tpu.dma_semaphore, #tpu.memory_space<semaphore_mem>>)
    %add3A_125 = arith.constant 16 : i32
    %add3A_126 = arith.addi %mul3A_2, %add3A_125 : i32
    %dma_start3A_127 = arith.constant 1 : i32
    %dma_start3A_128 = arith.constant 0 : i32
    %dma_start3A_129 = tpu.memref_slice %arg2[%dma_start3A_127, %add3A_126, %dma_start3A_128] : memref<4x4096x1024xf32, #tpu.memory_space<hbm>> -> memref<1x16x1024xf32, #tpu.memory_space<hbm>>
    %dma_start3A_130 = tpu.memref_squeeze %dma_start3A_129 : memref<1x16x1024xf32, #tpu.memory_space<hbm>> -> memref<16x1024xf32, #tpu.memory_space<hbm>>
    %dma_start3A_131 = arith.constant 0 : i32
    %dma_start3A_132 = tpu.memref_slice %arg2[%dma_start3A_127, %add3A_126, %dma_start3A_131] : memref<4x4096x1024xf32, #tpu.memory_space<hbm>> -> memref<1x16x1024xf32, #tpu.memory_space<hbm>>
    %dma_start3A_133 = tpu.memref_squeeze %dma_start3A_132 : memref<1x16x1024xf32, #tpu.memory_space<hbm>> -> memref<16x1024xf32, #tpu.memory_space<hbm>>
    tpu.enqueue_dma source(%dma_start3A_133 : memref<16x1024xf32, #tpu.memory_space<hbm>>) target(%arg7 : memref<16x1024xf32, #tpu.memory_space<vmem>>) target_semaphore(%arg14 : memref<!tpu.dma_semaphore, #tpu.memory_space<semaphore_mem>>)
    %dma_wait3A_134 = arith.constant 1 : i32
    %dma_wait3A_135 = arith.constant 0 : i32
    %dma_wait3A_136 = tpu.memref_slice %arg4[%dma_wait3A_134, %add3A_82, %dma_wait3A_135] : memref<4x4096x1024xf32, #tpu.memory_space<hbm>> -> memref<1x16x1024xf32, #tpu.memory_space<hbm>>
    %dma_wait3A_137 = tpu.memref_squeeze %dma_wait3A_136 : memref<1x16x1024xf32, #tpu.memory_space<hbm>> -> memref<16x1024xf32, #tpu.memory_space<hbm>>
    %dma_wait3A_138 = arith.constant 0 : i32
    %dma_wait3A_139 = tpu.memref_slice %arg4[%dma_wait3A_134, %add3A_82, %dma_wait3A_138] : memref<4x4096x1024xf32, #tpu.memory_space<hbm>> -> memref<1x16x1024xf32, #tpu.memory_space<hbm>>
    %dma_wait3A_140 = tpu.memref_squeeze %dma_wait3A_139 : memref<1x16x1024xf32, #tpu.memory_space<hbm>> -> memref<16x1024xf32, #tpu.memory_space<hbm>>
    tpu.wait_dma2 semaphore(%arg16 : memref<!tpu.dma_semaphore, #tpu.memory_space<semaphore_mem>>) src(%arg9 : memref<16x1024xf32, #tpu.memory_space<vmem>>) dst(%dma_wait3A_140 : memref<16x1024xf32, #tpu.memory_space<hbm>>)
    %dma_wait3A_141 = arith.constant 3 : i32
    %dma_wait3A_142 = arith.constant 0 : i32
    %dma_wait3A_143 = tpu.memref_slice %arg2[%dma_wait3A_141, %add3A_63, %dma_wait3A_142] : memref<4x4096x1024xf32, #tpu.memory_space<hbm>> -> memref<1x16x1024xf32, #tpu.memory_space<hbm>>
    %dma_wait3A_144 = tpu.memref_squeeze %dma_wait3A_143 : memref<1x16x1024xf32, #tpu.memory_space<hbm>> -> memref<16x1024xf32, #tpu.memory_space<hbm>>
    %dma_wait3A_145 = arith.constant 0 : i32
    %dma_wait3A_146 = tpu.memref_slice %arg2[%dma_wait3A_141, %add3A_63, %dma_wait3A_145] : memref<4x4096x1024xf32, #tpu.memory_space<hbm>> -> memref<1x16x1024xf32, #tpu.memory_space<hbm>>
    %dma_wait3A_147 = tpu.memref_squeeze %dma_wait3A_146 : memref<1x16x1024xf32, #tpu.memory_space<hbm>> -> memref<16x1024xf32, #tpu.memory_space<hbm>>
    tpu.wait_dma2 semaphore(%arg12 : memref<!tpu.dma_semaphore, #tpu.memory_space<semaphore_mem>>) src(%dma_wait3A_147 : memref<16x1024xf32, #tpu.memory_space<hbm>>) dst(%arg5 : memref<16x1024xf32, #tpu.memory_space<vmem>>)
    %parallel_loop3A_148 = arith.constant 0 : i32
    %parallel_loop3A_149 = arith.constant 16384 : i32
    %parallel_loop3A_150 = arith.constant 16 : i32
    scf.for %parallel_loop3A_1200 = %parallel_loop3A_148 to %parallel_loop3A_149 step %parallel_loop3A_150  : i32 {
      %parallel_loop3A_1201 = arith.constant 10 : i32
      %parallel_loop3A_1202 = arith.shrsi %parallel_loop3A_1200, %parallel_loop3A_1201 : i32
      %parallel_loop3A_1203 = arith.constant 1023 : i32
      %parallel_loop3A_1204 = arith.andi %parallel_loop3A_1200, %parallel_loop3A_1203 : i32
      %parallel_loop3A_1205 = tpu.assume_multiple %parallel_loop3A_1204, 16 : i32
      %parallel_loop3A_1206 = arith.index_cast %parallel_loop3A_1202 : i32 to index
      %parallel_loop3A_1207 = arith.index_cast %parallel_loop3A_1205 : i32 to index
      %parallel_loop3A_1208 = tpu.vector_load %arg5[%parallel_loop3A_1206, %parallel_loop3A_1207] {strides = array<i32>} : memref<16x1024xf32, #tpu.memory_space<vmem>>, vector<1x16xf32>,
      %parallel_loop3A_1209 = vector.shape_cast %parallel_loop3A_1208 : vector<1x16xf32> to vector<16xf32>
      %parallel_loop3A_1210 = arith.index_cast %parallel_loop3A_1202 : i32 to index
      %parallel_loop3A_1211 = arith.index_cast %parallel_loop3A_1205 : i32 to index
      %parallel_loop3A_1212 = tpu.vector_load %arg10[%parallel_loop3A_1210, %parallel_loop3A_1211] {strides = array<i32>} : memref<16x1024xf32, #tpu.memory_space<vmem>>, vector<1x16xf32>,
      %parallel_loop3A_1213 = vector.shape_cast %parallel_loop3A_1212 : vector<1x16xf32> to vector<16xf32>
      %parallel_loop3A_1214 = arith.addf %parallel_loop3A_1209, %parallel_loop3A_1213 : vector<16xf32>
      %parallel_loop3A_1215 = arith.index_cast %parallel_loop3A_1202 : i32 to index
      %parallel_loop3A_1216 = arith.index_cast %parallel_loop3A_1205 : i32 to index
      %parallel_loop3A_1217 = tpu.vector_load %arg9[%parallel_loop3A_1215, %parallel_loop3A_1216] {strides = array<i32>} : memref<16x1024xf32, #tpu.memory_space<vmem>>, vector<1x16xf32>,
      %parallel_loop3A_1218 = vector.shape_cast %parallel_loop3A_1217 : vector<1x16xf32> to vector<16xf32>
      %parallel_loop3A_1219 = vector.shape_cast %parallel_loop3A_1214 : vector<16xf32> to vector<1x16xf32>
      tpu.vector_store %arg9[%parallel_loop3A_1215, %parallel_loop3A_1216], %parallel_loop3A_1219 {strides = array<i32>} : memref<16x1024xf32, #tpu.memory_space<vmem>>, vector<1x16xf32>,
    } {sc.loop_unroll_factor = 8 : i64, sc.parallel_access}
    %add3A_151 = arith.constant 0 : i32
    %add3A_152 = arith.addi %mul3A_2, %add3A_151 : i32
    %dma_start3A_153 = arith.constant 3 : i32
    %dma_start3A_154 = arith.constant 0 : i32
    %dma_start3A_155 = tpu.memref_slice %arg4[%dma_start3A_153, %add3A_152, %dma_start3A_154] : memref<4x4096x1024xf32, #tpu.memory_space<hbm>> -> memref<1x16x1024xf32, #tpu.memory_space<hbm>>
    %dma_start3A_156 = tpu.memref_squeeze %dma_start3A_155 : memref<1x16x1024xf32, #tpu.memory_space<hbm>> -> memref<16x1024xf32, #tpu.memory_space<hbm>>
    %dma_start3A_157 = arith.constant 0 : i32
    %dma_start3A_158 = tpu.memref_slice %arg4[%dma_start3A_153, %add3A_152, %dma_start3A_157] : memref<4x4096x1024xf32, #tpu.memory_space<hbm>> -> memref<1x16x1024xf32, #tpu.memory_space<hbm>>
    %dma_start3A_159 = tpu.memref_squeeze %dma_start3A_158 : memref<1x16x1024xf32, #tpu.memory_space<hbm>> -> memref<16x1024xf32, #tpu.memory_space<hbm>>
    tpu.enqueue_dma source(%arg9 : memref<16x1024xf32, #tpu.memory_space<vmem>>) target(%dma_start3A_159 : memref<16x1024xf32, #tpu.memory_space<hbm>>) target_semaphore(%arg16 : memref<!tpu.dma_semaphore, #tpu.memory_space<semaphore_mem>>)
    %add3A_160 = arith.constant 16 : i32
    %add3A_161 = arith.addi %mul3A_2, %add3A_160 : i32
    %dma_start3A_162 = arith.constant 2 : i32
    %dma_start3A_163 = arith.constant 0 : i32
    %dma_start3A_164 = tpu.memref_slice %arg2[%dma_start3A_162, %add3A_161, %dma_start3A_163] : memref<4x4096x1024xf32, #tpu.memory_space<hbm>> -> memref<1x16x1024xf32, #tpu.memory_space<hbm>>
    %dma_start3A_165 = tpu.memref_squeeze %dma_start3A_164 : memref<1x16x1024xf32, #tpu.memory_space<hbm>> -> memref<16x1024xf32, #tpu.memory_space<hbm>>
    %dma_start3A_166 = arith.constant 0 : i32
    %dma_start3A_167 = tpu.memref_slice %arg2[%dma_start3A_162, %add3A_161, %dma_start3A_166] : memref<4x4096x1024xf32, #tpu.memory_space<hbm>> -> memref<1x16x1024xf32, #tpu.memory_space<hbm>>
    %dma_start3A_168 = tpu.memref_squeeze %dma_start3A_167 : memref<1x16x1024xf32, #tpu.memory_space<hbm>> -> memref<16x1024xf32, #tpu.memory_space<hbm>>
    tpu.enqueue_dma source(%dma_start3A_168 : memref<16x1024xf32, #tpu.memory_space<hbm>>) target(%arg5 : memref<16x1024xf32, #tpu.memory_space<vmem>>) target_semaphore(%arg12 : memref<!tpu.dma_semaphore, #tpu.memory_space<semaphore_mem>>)
    %add3A_169 = arith.constant 32 : i32
    %add3A_170 = arith.addi %mul3A_2, %add3A_169 : i32
    %dma_start3A_171 = arith.constant 0 : i32
    %dma_start3A_172 = tpu.memref_slice %arg3[%add3A_170, %dma_start3A_171] : memref<4096x1024xf32, #tpu.memory_space<hbm>> -> memref<16x1024xf32, #tpu.memory_space<hbm>>
    %dma_start3A_173 = arith.constant 0 : i32
    %dma_start3A_174 = tpu.memref_slice %arg3[%add3A_170, %dma_start3A_173] : memref<4096x1024xf32, #tpu.memory_space<hbm>> -> memref<16x1024xf32, #tpu.memory_space<hbm>>
    tpu.enqueue_dma source(%dma_start3A_174 : memref<16x1024xf32, #tpu.memory_space<hbm>>) target(%arg10 : memref<16x1024xf32, #tpu.memory_space<vmem>>) target_semaphore(%arg17 : memref<!tpu.dma_semaphore, #tpu.memory_space<semaphore_mem>>)
    %dma_wait3A_175 = arith.constant 2 : i32
    %dma_wait3A_176 = arith.constant 0 : i32
    %dma_wait3A_177 = tpu.memref_slice %arg4[%dma_wait3A_175, %add3A_117, %dma_wait3A_176] : memref<4x4096x1024xf32, #tpu.memory_space<hbm>> -> memref<1x16x1024xf32, #tpu.memory_space<hbm>>
    %dma_wait3A_178 = tpu.memref_squeeze %dma_wait3A_177 : memref<1x16x1024xf32, #tpu.memory_space<hbm>> -> memref<16x1024xf32, #tpu.memory_space<hbm>>
    %dma_wait3A_179 = arith.constant 0 : i32
    %dma_wait3A_180 = tpu.memref_slice %arg4[%dma_wait3A_175, %add3A_117, %dma_wait3A_179] : memref<4x4096x1024xf32, #tpu.memory_space<hbm>> -> memref<1x16x1024xf32, #tpu.memory_space<hbm>>
    %dma_wait3A_181 = tpu.memref_squeeze %dma_wait3A_180 : memref<1x16x1024xf32, #tpu.memory_space<hbm>> -> memref<16x1024xf32, #tpu.memory_space<hbm>>
    tpu.wait_dma2 semaphore(%arg15 : memref<!tpu.dma_semaphore, #tpu.memory_space<semaphore_mem>>) src(%arg8 : memref<16x1024xf32, #tpu.memory_space<vmem>>) dst(%dma_wait3A_181 : memref<16x1024xf32, #tpu.memory_space<hbm>>)
    %dma_wait3A_182 = arith.constant 0 : i32
    %dma_wait3A_183 = tpu.memref_slice %arg3[%add3A_9, %dma_wait3A_182] : memref<4096x1024xf32, #tpu.memory_space<hbm>> -> memref<16x1024xf32, #tpu.memory_space<hbm>>
    %dma_wait3A_184 = arith.constant 0 : i32
    %dma_wait3A_185 = tpu.memref_slice %arg3[%add3A_9, %dma_wait3A_184] : memref<4096x1024xf32, #tpu.memory_space<hbm>> -> memref<16x1024xf32, #tpu.memory_space<hbm>>
    tpu.wait_dma2 semaphore(%arg18 : memref<!tpu.dma_semaphore, #tpu.memory_space<semaphore_mem>>) src(%dma_wait3A_185 : memref<16x1024xf32, #tpu.memory_space<hbm>>) dst(%arg11 : memref<16x1024xf32, #tpu.memory_space<vmem>>)
    %dma_wait3A_186 = arith.constant 0 : i32
    %dma_wait3A_187 = arith.constant 0 : i32
    %dma_wait3A_188 = tpu.memref_slice %arg2[%dma_wait3A_186, %add3A_91, %dma_wait3A_187] : memref<4x4096x1024xf32, #tpu.memory_space<hbm>> -> memref<1x16x1024xf32, #tpu.memory_space<hbm>>
    %dma_wait3A_189 = tpu.memref_squeeze %dma_wait3A_188 : memref<1x16x1024xf32, #tpu.memory_space<hbm>> -> memref<16x1024xf32, #tpu.memory_space<hbm>>
    %dma_wait3A_190 = arith.constant 0 : i32
    %dma_wait3A_191 = tpu.memref_slice %arg2[%dma_wait3A_186, %add3A_91, %dma_wait3A_190] : memref<4x4096x1024xf32, #tpu.memory_space<hbm>> -> memref<1x16x1024xf32, #tpu.memory_space<hbm>>
    %dma_wait3A_192 = tpu.memref_squeeze %dma_wait3A_191 : memref<1x16x1024xf32, #tpu.memory_space<hbm>> -> memref<16x1024xf32, #tpu.memory_space<hbm>>
    tpu.wait_dma2 semaphore(%arg13 : memref<!tpu.dma_semaphore, #tpu.memory_space<semaphore_mem>>) src(%dma_wait3A_192 : memref<16x1024xf32, #tpu.memory_space<hbm>>) dst(%arg6 : memref<16x1024xf32, #tpu.memory_space<vmem>>)
    %parallel_loop3A_193 = arith.constant 0 : i32
    %parallel_loop3A_194 = arith.constant 16384 : i32
    %parallel_loop3A_195 = arith.constant 16 : i32
    scf.for %parallel_loop3A_1200 = %parallel_loop3A_193 to %parallel_loop3A_194 step %parallel_loop3A_195  : i32 {
      %parallel_loop3A_1201 = arith.constant 10 : i32
      %parallel_loop3A_1202 = arith.shrsi %parallel_loop3A_1200, %parallel_loop3A_1201 : i32
      %parallel_loop3A_1203 = arith.constant 1023 : i32
      %parallel_loop3A_1204 = arith.andi %parallel_loop3A_1200, %parallel_loop3A_1203 : i32
      %parallel_loop3A_1205 = tpu.assume_multiple %parallel_loop3A_1204, 16 : i32
      %parallel_loop3A_1206 = arith.index_cast %parallel_loop3A_1202 : i32 to index
      %parallel_loop3A_1207 = arith.index_cast %parallel_loop3A_1205 : i32 to index
      %parallel_loop3A_1208 = tpu.vector_load %arg6[%parallel_loop3A_1206, %parallel_loop3A_1207] {strides = array<i32>} : memref<16x1024xf32, #tpu.memory_space<vmem>>, vector<1x16xf32>,
      %parallel_loop3A_1209 = vector.shape_cast %parallel_loop3A_1208 : vector<1x16xf32> to vector<16xf32>
      %parallel_loop3A_1210 = arith.index_cast %parallel_loop3A_1202 : i32 to index
      %parallel_loop3A_1211 = arith.index_cast %parallel_loop3A_1205 : i32 to index
      %parallel_loop3A_1212 = tpu.vector_load %arg11[%parallel_loop3A_1210, %parallel_loop3A_1211] {strides = array<i32>} : memref<16x1024xf32, #tpu.memory_space<vmem>>, vector<1x16xf32>,
      %parallel_loop3A_1213 = vector.shape_cast %parallel_loop3A_1212 : vector<1x16xf32> to vector<16xf32>
      %parallel_loop3A_1214 = arith.addf %parallel_loop3A_1209, %parallel_loop3A_1213 : vector<16xf32>
      %parallel_loop3A_1215 = arith.index_cast %parallel_loop3A_1202 : i32 to index
      %parallel_loop3A_1216 = arith.index_cast %parallel_loop3A_1205 : i32 to index
      %parallel_loop3A_1217 = tpu.vector_load %arg8[%parallel_loop3A_1215, %parallel_loop3A_1216] {strides = array<i32>} : memref<16x1024xf32, #tpu.memory_space<vmem>>, vector<1x16xf32>,
      %parallel_loop3A_1218 = vector.shape_cast %parallel_loop3A_1217 : vector<1x16xf32> to vector<16xf32>
      %parallel_loop3A_1219 = vector.shape_cast %parallel_loop3A_1214 : vector<16xf32> to vector<1x16xf32>
      tpu.vector_store %arg8[%parallel_loop3A_1215, %parallel_loop3A_1216], %parallel_loop3A_1219 {strides = array<i32>} : memref<16x1024xf32, #tpu.memory_space<vmem>>, vector<1x16xf32>,
    } {sc.loop_unroll_factor = 8 : i64, sc.parallel_access}
    %add3A_196 = arith.constant 16 : i32
    %add3A_197 = arith.addi %mul3A_2, %add3A_196 : i32
    %dma_start3A_198 = arith.constant 0 : i32
    %dma_start3A_199 = arith.constant 0 : i32
    %dma_start3A_200 = tpu.memref_slice %arg4[%dma_start3A_198, %add3A_197, %dma_start3A_199] : memref<4x4096x1024xf32, #tpu.memory_space<hbm>> -> memref<1x16x1024xf32, #tpu.memory_space<hbm>>
    %dma_start3A_201 = tpu.memref_squeeze %dma_start3A_200 : memref<1x16x1024xf32, #tpu.memory_space<hbm>> -> memref<16x1024xf32, #tpu.memory_space<hbm>>
    %dma_start3A_202 = arith.constant 0 : i32
    %dma_start3A_203 = tpu.memref_slice %arg4[%dma_start3A_198, %add3A_197, %dma_start3A_202] : memref<4x4096x1024xf32, #tpu.memory_space<hbm>> -> memref<1x16x1024xf32, #tpu.memory_space<hbm>>
    %dma_start3A_204 = tpu.memref_squeeze %dma_start3A_203 : memref<1x16x1024xf32, #tpu.memory_space<hbm>> -> memref<16x1024xf32, #tpu.memory_space<hbm>>
    tpu.enqueue_dma source(%arg8 : memref<16x1024xf32, #tpu.memory_space<vmem>>) target(%dma_start3A_204 : memref<16x1024xf32, #tpu.memory_space<hbm>>) target_semaphore(%arg15 : memref<!tpu.dma_semaphore, #tpu.memory_space<semaphore_mem>>)
    %add3A_205 = arith.constant 16 : i32
    %add3A_206 = arith.addi %mul3A_2, %add3A_205 : i32
    %dma_start3A_207 = arith.constant 3 : i32
    %dma_start3A_208 = arith.constant 0 : i32
    %dma_start3A_209 = tpu.memref_slice %arg2[%dma_start3A_207, %add3A_206, %dma_start3A_208] : memref<4x4096x1024xf32, #tpu.memory_space<hbm>> -> memref<1x16x1024xf32, #tpu.memory_space<hbm>>
    %dma_start3A_210 = tpu.memref_squeeze %dma_start3A_209 : memref<1x16x1024xf32, #tpu.memory_space<hbm>> -> memref<16x1024xf32, #tpu.memory_space<hbm>>
    %dma_start3A_211 = arith.constant 0 : i32
    %dma_start3A_212 = tpu.memref_slice %arg2[%dma_start3A_207, %add3A_206, %dma_start3A_211] : memref<4x4096x1024xf32, #tpu.memory_space<hbm>> -> memref<1x16x1024xf32, #tpu.memory_space<hbm>>
    %dma_start3A_213 = tpu.memref_squeeze %dma_start3A_212 : memref<1x16x1024xf32, #tpu.memory_space<hbm>> -> memref<16x1024xf32, #tpu.memory_space<hbm>>
    tpu.enqueue_dma source(%dma_start3A_213 : memref<16x1024xf32, #tpu.memory_space<hbm>>) target(%arg6 : memref<16x1024xf32, #tpu.memory_space<vmem>>) target_semaphore(%arg13 : memref<!tpu.dma_semaphore, #tpu.memory_space<semaphore_mem>>)
    %dma_wait3A_214 = arith.constant 3 : i32
    %dma_wait3A_215 = arith.constant 0 : i32
    %dma_wait3A_216 = tpu.memref_slice %arg4[%dma_wait3A_214, %add3A_152, %dma_wait3A_215] : memref<4x4096x1024xf32, #tpu.memory_space<hbm>> -> memref<1x16x1024xf32, #tpu.memory_space<hbm>>
    %dma_wait3A_217 = tpu.memref_squeeze %dma_wait3A_216 : memref<1x16x1024xf32, #tpu.memory_space<hbm>> -> memref<16x1024xf32, #tpu.memory_space<hbm>>
    %dma_wait3A_218 = arith.constant 0 : i32
    %dma_wait3A_219 = tpu.memref_slice %arg4[%dma_wait3A_214, %add3A_152, %dma_wait3A_218] : memref<4x4096x1024xf32, #tpu.memory_space<hbm>> -> memref<1x16x1024xf32, #tpu.memory_space<hbm>>
    %dma_wait3A_220 = tpu.memref_squeeze %dma_wait3A_219 : memref<1x16x1024xf32, #tpu.memory_space<hbm>> -> memref<16x1024xf32, #tpu.memory_space<hbm>>
    tpu.wait_dma2 semaphore(%arg16 : memref<!tpu.dma_semaphore, #tpu.memory_space<semaphore_mem>>) src(%arg9 : memref<16x1024xf32, #tpu.memory_space<vmem>>) dst(%dma_wait3A_220 : memref<16x1024xf32, #tpu.memory_space<hbm>>)
    %dma_wait3A_221 = arith.constant 1 : i32
    %dma_wait3A_222 = arith.constant 0 : i32
    %dma_wait3A_223 = tpu.memref_slice %arg2[%dma_wait3A_221, %add3A_126, %dma_wait3A_222] : memref<4x4096x1024xf32, #tpu.memory_space<hbm>> -> memref<1x16x1024xf32, #tpu.memory_space<hbm>>
    %dma_wait3A_224 = tpu.memref_squeeze %dma_wait3A_223 : memref<1x16x1024xf32, #tpu.memory_space<hbm>> -> memref<16x1024xf32, #tpu.memory_space<hbm>>
    %dma_wait3A_225 = arith.constant 0 : i32
    %dma_wait3A_226 = tpu.memref_slice %arg2[%dma_wait3A_221, %add3A_126, %dma_wait3A_225] : memref<4x4096x1024xf32, #tpu.memory_space<hbm>> -> memref<1x16x1024xf32, #tpu.memory_space<hbm>>
    %dma_wait3A_227 = tpu.memref_squeeze %dma_wait3A_226 : memref<1x16x1024xf32, #tpu.memory_space<hbm>> -> memref<16x1024xf32, #tpu.memory_space<hbm>>
    tpu.wait_dma2 semaphore(%arg14 : memref<!tpu.dma_semaphore, #tpu.memory_space<semaphore_mem>>) src(%dma_wait3A_227 : memref<16x1024xf32, #tpu.memory_space<hbm>>) dst(%arg7 : memref<16x1024xf32, #tpu.memory_space<vmem>>)
    %parallel_loop3A_228 = arith.constant 0 : i32
    %parallel_loop3A_229 = arith.constant 16384 : i32
    %parallel_loop3A_230 = arith.constant 16 : i32
    scf.for %parallel_loop3A_1200 = %parallel_loop3A_228 to %parallel_loop3A_229 step %parallel_loop3A_230  : i32 {
      %parallel_loop3A_1201 = arith.constant 10 : i32
      %parallel_loop3A_1202 = arith.shrsi %parallel_loop3A_1200, %parallel_loop3A_1201 : i32
      %parallel_loop3A_1203 = arith.constant 1023 : i32
      %parallel_loop3A_1204 = arith.andi %parallel_loop3A_1200, %parallel_loop3A_1203 : i32
      %parallel_loop3A_1205 = tpu.assume_multiple %parallel_loop3A_1204, 16 : i32
      %parallel_loop3A_1206 = arith.index_cast %parallel_loop3A_1202 : i32 to index
      %parallel_loop3A_1207 = arith.index_cast %parallel_loop3A_1205 : i32 to index
      %parallel_loop3A_1208 = tpu.vector_load %arg7[%parallel_loop3A_1206, %parallel_loop3A_1207] {strides = array<i32>} : memref<16x1024xf32, #tpu.memory_space<vmem>>, vector<1x16xf32>,
      %parallel_loop3A_1209 = vector.shape_cast %parallel_loop3A_1208 : vector<1x16xf32> to vector<16xf32>
      %parallel_loop3A_1210 = arith.index_cast %parallel_loop3A_1202 : i32 to index
      %parallel_loop3A_1211 = arith.index_cast %parallel_loop3A_1205 : i32 to index
      %parallel_loop3A_1212 = tpu.vector_load %arg11[%parallel_loop3A_1210, %parallel_loop3A_1211] {strides = array<i32>} : memref<16x1024xf32, #tpu.memory_space<vmem>>, vector<1x16xf32>,
      %parallel_loop3A_1213 = vector.shape_cast %parallel_loop3A_1212 : vector<1x16xf32> to vector<16xf32>
      %parallel_loop3A_1214 = arith.addf %parallel_loop3A_1209, %parallel_loop3A_1213 : vector<16xf32>
      %parallel_loop3A_1215 = arith.index_cast %parallel_loop3A_1202 : i32 to index
      %parallel_loop3A_1216 = arith.index_cast %parallel_loop3A_1205 : i32 to index
      %parallel_loop3A_1217 = tpu.vector_load %arg9[%parallel_loop3A_1215, %parallel_loop3A_1216] {strides = array<i32>} : memref<16x1024xf32, #tpu.memory_space<vmem>>, vector<1x16xf32>,
      %parallel_loop3A_1218 = vector.shape_cast %parallel_loop3A_1217 : vector<1x16xf32> to vector<16xf32>
      %parallel_loop3A_1219 = vector.shape_cast %parallel_loop3A_1214 : vector<16xf32> to vector<1x16xf32>
      tpu.vector_store %arg9[%parallel_loop3A_1215, %parallel_loop3A_1216], %parallel_loop3A_1219 {strides = array<i32>} : memref<16x1024xf32, #tpu.memory_space<vmem>>, vector<1x16xf32>,
    } {sc.loop_unroll_factor = 8 : i64, sc.parallel_access}
    %add3A_231 = arith.constant 16 : i32
    %add3A_232 = arith.addi %mul3A_2, %add3A_231 : i32
    %dma_start3A_233 = arith.constant 1 : i32
    %dma_start3A_234 = arith.constant 0 : i32
    %dma_start3A_235 = tpu.memref_slice %arg4[%dma_start3A_233, %add3A_232, %dma_start3A_234] : memref<4x4096x1024xf32, #tpu.memory_space<hbm>> -> memref<1x16x1024xf32, #tpu.memory_space<hbm>>
    %dma_start3A_236 = tpu.memref_squeeze %dma_start3A_235 : memref<1x16x1024xf32, #tpu.memory_space<hbm>> -> memref<16x1024xf32, #tpu.memory_space<hbm>>
    %dma_start3A_237 = arith.constant 0 : i32
    %dma_start3A_238 = tpu.memref_slice %arg4[%dma_start3A_233, %add3A_232, %dma_start3A_237] : memref<4x4096x1024xf32, #tpu.memory_space<hbm>> -> memref<1x16x1024xf32, #tpu.memory_space<hbm>>
    %dma_start3A_239 = tpu.memref_squeeze %dma_start3A_238 : memref<1x16x1024xf32, #tpu.memory_space<hbm>> -> memref<16x1024xf32, #tpu.memory_space<hbm>>
    tpu.enqueue_dma source(%arg9 : memref<16x1024xf32, #tpu.memory_space<vmem>>) target(%dma_start3A_239 : memref<16x1024xf32, #tpu.memory_space<hbm>>) target_semaphore(%arg16 : memref<!tpu.dma_semaphore, #tpu.memory_space<semaphore_mem>>)
    %add3A_240 = arith.constant 32 : i32
    %add3A_241 = arith.addi %mul3A_2, %add3A_240 : i32
    %dma_start3A_242 = arith.constant 0 : i32
    %dma_start3A_243 = arith.constant 0 : i32
    %dma_start3A_244 = tpu.memref_slice %arg2[%dma_start3A_242, %add3A_241, %dma_start3A_243] : memref<4x4096x1024xf32, #tpu.memory_space<hbm>> -> memref<1x16x1024xf32, #tpu.memory_space<hbm>>
    %dma_start3A_245 = tpu.memref_squeeze %dma_start3A_244 : memref<1x16x1024xf32, #tpu.memory_space<hbm>> -> memref<16x1024xf32, #tpu.memory_space<hbm>>
    %dma_start3A_246 = arith.constant 0 : i32
    %dma_start3A_247 = tpu.memref_slice %arg2[%dma_start3A_242, %add3A_241, %dma_start3A_246] : memref<4x4096x1024xf32, #tpu.memory_space<hbm>> -> memref<1x16x1024xf32, #tpu.memory_space<hbm>>
    %dma_start3A_248 = tpu.memref_squeeze %dma_start3A_247 : memref<1x16x1024xf32, #tpu.memory_space<hbm>> -> memref<16x1024xf32, #tpu.memory_space<hbm>>
    tpu.enqueue_dma source(%dma_start3A_248 : memref<16x1024xf32, #tpu.memory_space<hbm>>) target(%arg7 : memref<16x1024xf32, #tpu.memory_space<vmem>>) target_semaphore(%arg14 : memref<!tpu.dma_semaphore, #tpu.memory_space<semaphore_mem>>)
    %dma_wait3A_249 = arith.constant 0 : i32
    %dma_wait3A_250 = arith.constant 0 : i32
    %dma_wait3A_251 = tpu.memref_slice %arg4[%dma_wait3A_249, %add3A_197, %dma_wait3A_250] : memref<4x4096x1024xf32, #tpu.memory_space<hbm>> -> memref<1x16x1024xf32, #tpu.memory_space<hbm>>
    %dma_wait3A_252 = tpu.memref_squeeze %dma_wait3A_251 : memref<1x16x1024xf32, #tpu.memory_space<hbm>> -> memref<16x1024xf32, #tpu.memory_space<hbm>>
    %dma_wait3A_253 = arith.constant 0 : i32
    %dma_wait3A_254 = tpu.memref_slice %arg4[%dma_wait3A_249, %add3A_197, %dma_wait3A_253] : memref<4x4096x1024xf32, #tpu.memory_space<hbm>> -> memref<1x16x1024xf32, #tpu.memory_space<hbm>>
    %dma_wait3A_255 = tpu.memref_squeeze %dma_wait3A_254 : memref<1x16x1024xf32, #tpu.memory_space<hbm>> -> memref<16x1024xf32, #tpu.memory_space<hbm>>
    tpu.wait_dma2 semaphore(%arg15 : memref<!tpu.dma_semaphore, #tpu.memory_space<semaphore_mem>>) src(%arg8 : memref<16x1024xf32, #tpu.memory_space<vmem>>) dst(%dma_wait3A_255 : memref<16x1024xf32, #tpu.memory_space<hbm>>)
    %dma_wait3A_256 = arith.constant 2 : i32
    %dma_wait3A_257 = arith.constant 0 : i32
    %dma_wait3A_258 = tpu.memref_slice %arg2[%dma_wait3A_256, %add3A_161, %dma_wait3A_257] : memref<4x4096x1024xf32, #tpu.memory_space<hbm>> -> memref<1x16x1024xf32, #tpu.memory_space<hbm>>
    %dma_wait3A_259 = tpu.memref_squeeze %dma_wait3A_258 : memref<1x16x1024xf32, #tpu.memory_space<hbm>> -> memref<16x1024xf32, #tpu.memory_space<hbm>>
    %dma_wait3A_260 = arith.constant 0 : i32
    %dma_wait3A_261 = tpu.memref_slice %arg2[%dma_wait3A_256, %add3A_161, %dma_wait3A_260] : memref<4x4096x1024xf32, #tpu.memory_space<hbm>> -> memref<1x16x1024xf32, #tpu.memory_space<hbm>>
    %dma_wait3A_262 = tpu.memref_squeeze %dma_wait3A_261 : memref<1x16x1024xf32, #tpu.memory_space<hbm>> -> memref<16x1024xf32, #tpu.memory_space<hbm>>
    tpu.wait_dma2 semaphore(%arg12 : memref<!tpu.dma_semaphore, #tpu.memory_space<semaphore_mem>>) src(%dma_wait3A_262 : memref<16x1024xf32, #tpu.memory_space<hbm>>) dst(%arg5 : memref<16x1024xf32, #tpu.memory_space<vmem>>)
    %parallel_loop3A_263 = arith.constant 0 : i32
    %parallel_loop3A_264 = arith.constant 16384 : i32
    %parallel_loop3A_265 = arith.constant 16 : i32
    scf.for %parallel_loop3A_1200 = %parallel_loop3A_263 to %parallel_loop3A_264 step %parallel_loop3A_265  : i32 {
      %parallel_loop3A_1201 = arith.constant 10 : i32
      %parallel_loop3A_1202 = arith.shrsi %parallel_loop3A_1200, %parallel_loop3A_1201 : i32
      %parallel_loop3A_1203 = arith.constant 1023 : i32
      %parallel_loop3A_1204 = arith.andi %parallel_loop3A_1200, %parallel_loop3A_1203 : i32
      %parallel_loop3A_1205 = tpu.assume_multiple %parallel_loop3A_1204, 16 : i32
      %parallel_loop3A_1206 = arith.index_cast %parallel_loop3A_1202 : i32 to index
      %parallel_loop3A_1207 = arith.index_cast %parallel_loop3A_1205 : i32 to index
      %parallel_loop3A_1208 = tpu.vector_load %arg5[%parallel_loop3A_1206, %parallel_loop3A_1207] {strides = array<i32>} : memref<16x1024xf32, #tpu.memory_space<vmem>>, vector<1x16xf32>,
      %parallel_loop3A_1209 = vector.shape_cast %parallel_loop3A_1208 : vector<1x16xf32> to vector<16xf32>
      %parallel_loop3A_1210 = arith.index_cast %parallel_loop3A_1202 : i32 to index
      %parallel_loop3A_1211 = arith.index_cast %parallel_loop3A_1205 : i32 to index
      %parallel_loop3A_1212 = tpu.vector_load %arg11[%parallel_loop3A_1210, %parallel_loop3A_1211] {strides = array<i32>} : memref<16x1024xf32, #tpu.memory_space<vmem>>, vector<1x16xf32>,
      %parallel_loop3A_1213 = vector.shape_cast %parallel_loop3A_1212 : vector<1x16xf32> to vector<16xf32>
      %parallel_loop3A_1214 = arith.addf %parallel_loop3A_1209, %parallel_loop3A_1213 : vector<16xf32>
      %parallel_loop3A_1215 = arith.index_cast %parallel_loop3A_1202 : i32 to index
      %parallel_loop3A_1216 = arith.index_cast %parallel_loop3A_1205 : i32 to index
      %parallel_loop3A_1217 = tpu.vector_load %arg8[%parallel_loop3A_1215, %parallel_loop3A_1216] {strides = array<i32>} : memref<16x1024xf32, #tpu.memory_space<vmem>>, vector<1x16xf32>,
      %parallel_loop3A_1218 = vector.shape_cast %parallel_loop3A_1217 : vector<1x16xf32> to vector<16xf32>
      %parallel_loop3A_1219 = vector.shape_cast %parallel_loop3A_1214 : vector<16xf32> to vector<1x16xf32>
      tpu.vector_store %arg8[%parallel_loop3A_1215, %parallel_loop3A_1216], %parallel_loop3A_1219 {strides = array<i32>} : memref<16x1024xf32, #tpu.memory_space<vmem>>, vector<1x16xf32>,
    } {sc.loop_unroll_factor = 8 : i64, sc.parallel_access}
    %add3A_266 = arith.constant 16 : i32
    %add3A_267 = arith.addi %mul3A_2, %add3A_266 : i32
    %dma_start3A_268 = arith.constant 2 : i32
    %dma_start3A_269 = arith.constant 0 : i32
    %dma_start3A_270 = tpu.memref_slice %arg4[%dma_start3A_268, %add3A_267, %dma_start3A_269] : memref<4x4096x1024xf32, #tpu.memory_space<hbm>> -> memref<1x16x1024xf32, #tpu.memory_space<hbm>>
    %dma_start3A_271 = tpu.memref_squeeze %dma_start3A_270 : memref<1x16x1024xf32, #tpu.memory_space<hbm>> -> memref<16x1024xf32, #tpu.memory_space<hbm>>
    %dma_start3A_272 = arith.constant 0 : i32
    %dma_start3A_273 = tpu.memref_slice %arg4[%dma_start3A_268, %add3A_267, %dma_start3A_272] : memref<4x4096x1024xf32, #tpu.memory_space<hbm>> -> memref<1x16x1024xf32, #tpu.memory_space<hbm>>
    %dma_start3A_274 = tpu.memref_squeeze %dma_start3A_273 : memref<1x16x1024xf32, #tpu.memory_space<hbm>> -> memref<16x1024xf32, #tpu.memory_space<hbm>>
    tpu.enqueue_dma source(%arg8 : memref<16x1024xf32, #tpu.memory_space<vmem>>) target(%dma_start3A_274 : memref<16x1024xf32, #tpu.memory_space<hbm>>) target_semaphore(%arg15 : memref<!tpu.dma_semaphore, #tpu.memory_space<semaphore_mem>>)
    %add3A_275 = arith.constant 32 : i32
    %add3A_276 = arith.addi %mul3A_2, %add3A_275 : i32
    %dma_start3A_277 = arith.constant 1 : i32
    %dma_start3A_278 = arith.constant 0 : i32
    %dma_start3A_279 = tpu.memref_slice %arg2[%dma_start3A_277, %add3A_276, %dma_start3A_278] : memref<4x4096x1024xf32, #tpu.memory_space<hbm>> -> memref<1x16x1024xf32, #tpu.memory_space<hbm>>
    %dma_start3A_280 = tpu.memref_squeeze %dma_start3A_279 : memref<1x16x1024xf32, #tpu.memory_space<hbm>> -> memref<16x1024xf32, #tpu.memory_space<hbm>>
    %dma_start3A_281 = arith.constant 0 : i32
    %dma_start3A_282 = tpu.memref_slice %arg2[%dma_start3A_277, %add3A_276, %dma_start3A_281] : memref<4x4096x1024xf32, #tpu.memory_space<hbm>> -> memref<1x16x1024xf32, #tpu.memory_space<hbm>>
    %dma_start3A_283 = tpu.memref_squeeze %dma_start3A_282 : memref<1x16x1024xf32, #tpu.memory_space<hbm>> -> memref<16x1024xf32, #tpu.memory_space<hbm>>
    tpu.enqueue_dma source(%dma_start3A_283 : memref<16x1024xf32, #tpu.memory_space<hbm>>) target(%arg5 : memref<16x1024xf32, #tpu.memory_space<vmem>>) target_semaphore(%arg12 : memref<!tpu.dma_semaphore, #tpu.memory_space<semaphore_mem>>)
    %dma_wait3A_284 = arith.constant 1 : i32
    %dma_wait3A_285 = arith.constant 0 : i32
    %dma_wait3A_286 = tpu.memref_slice %arg4[%dma_wait3A_284, %add3A_232, %dma_wait3A_285] : memref<4x4096x1024xf32, #tpu.memory_space<hbm>> -> memref<1x16x1024xf32, #tpu.memory_space<hbm>>
    %dma_wait3A_287 = tpu.memref_squeeze %dma_wait3A_286 : memref<1x16x1024xf32, #tpu.memory_space<hbm>> -> memref<16x1024xf32, #tpu.memory_space<hbm>>
    %dma_wait3A_288 = arith.constant 0 : i32
    %dma_wait3A_289 = tpu.memref_slice %arg4[%dma_wait3A_284, %add3A_232, %dma_wait3A_288] : memref<4x4096x1024xf32, #tpu.memory_space<hbm>> -> memref<1x16x1024xf32, #tpu.memory_space<hbm>>
    %dma_wait3A_290 = tpu.memref_squeeze %dma_wait3A_289 : memref<1x16x1024xf32, #tpu.memory_space<hbm>> -> memref<16x1024xf32, #tpu.memory_space<hbm>>
    tpu.wait_dma2 semaphore(%arg16 : memref<!tpu.dma_semaphore, #tpu.memory_space<semaphore_mem>>) src(%arg9 : memref<16x1024xf32, #tpu.memory_space<vmem>>) dst(%dma_wait3A_290 : memref<16x1024xf32, #tpu.memory_space<hbm>>)
    %dma_wait3A_291 = arith.constant 3 : i32
    %dma_wait3A_292 = arith.constant 0 : i32
    %dma_wait3A_293 = tpu.memref_slice %arg2[%dma_wait3A_291, %add3A_206, %dma_wait3A_292] : memref<4x4096x1024xf32, #tpu.memory_space<hbm>> -> memref<1x16x1024xf32, #tpu.memory_space<hbm>>
    %dma_wait3A_294 = tpu.memref_squeeze %dma_wait3A_293 : memref<1x16x1024xf32, #tpu.memory_space<hbm>> -> memref<16x1024xf32, #tpu.memory_space<hbm>>
    %dma_wait3A_295 = arith.constant 0 : i32
    %dma_wait3A_296 = tpu.memref_slice %arg2[%dma_wait3A_291, %add3A_206, %dma_wait3A_295] : memref<4x4096x1024xf32, #tpu.memory_space<hbm>> -> memref<1x16x1024xf32, #tpu.memory_space<hbm>>
    %dma_wait3A_297 = tpu.memref_squeeze %dma_wait3A_296 : memref<1x16x1024xf32, #tpu.memory_space<hbm>> -> memref<16x1024xf32, #tpu.memory_space<hbm>>
    tpu.wait_dma2 semaphore(%arg13 : memref<!tpu.dma_semaphore, #tpu.memory_space<semaphore_mem>>) src(%dma_wait3A_297 : memref<16x1024xf32, #tpu.memory_space<hbm>>) dst(%arg6 : memref<16x1024xf32, #tpu.memory_space<vmem>>)
    %parallel_loop3A_298 = arith.constant 0 : i32
    %parallel_loop3A_299 = arith.constant 16384 : i32
    %parallel_loop3A_300 = arith.constant 16 : i32
    scf.for %parallel_loop3A_1200 = %parallel_loop3A_298 to %parallel_loop3A_299 step %parallel_loop3A_300  : i32 {
      %parallel_loop3A_1201 = arith.constant 10 : i32
      %parallel_loop3A_1202 = arith.shrsi %parallel_loop3A_1200, %parallel_loop3A_1201 : i32
      %parallel_loop3A_1203 = arith.constant 1023 : i32
      %parallel_loop3A_1204 = arith.andi %parallel_loop3A_1200, %parallel_loop3A_1203 : i32
      %parallel_loop3A_1205 = tpu.assume_multiple %parallel_loop3A_1204, 16 : i32
      %parallel_loop3A_1206 = arith.index_cast %parallel_loop3A_1202 : i32 to index
      %parallel_loop3A_1207 = arith.index_cast %parallel_loop3A_1205 : i32 to index
      %parallel_loop3A_1208 = tpu.vector_load %arg6[%parallel_loop3A_1206, %parallel_loop3A_1207] {strides = array<i32>} : memref<16x1024xf32, #tpu.memory_space<vmem>>, vector<1x16xf32>,
      %parallel_loop3A_1209 = vector.shape_cast %parallel_loop3A_1208 : vector<1x16xf32> to vector<16xf32>
      %parallel_loop3A_1210 = arith.index_cast %parallel_loop3A_1202 : i32 to index
      %parallel_loop3A_1211 = arith.index_cast %parallel_loop3A_1205 : i32 to index
      %parallel_loop3A_1212 = tpu.vector_load %arg11[%parallel_loop3A_1210, %parallel_loop3A_1211] {strides = array<i32>} : memref<16x1024xf32, #tpu.memory_space<vmem>>, vector<1x16xf32>,
      %parallel_loop3A_1213 = vector.shape_cast %parallel_loop3A_1212 : vector<1x16xf32> to vector<16xf32>
      %parallel_loop3A_1214 = arith.addf %parallel_loop3A_1209, %parallel_loop3A_1213 : vector<16xf32>
      %parallel_loop3A_1215 = arith.index_cast %parallel_loop3A_1202 : i32 to index
      %parallel_loop3A_1216 = arith.index_cast %parallel_loop3A_1205 : i32 to index
      %parallel_loop3A_1217 = tpu.vector_load %arg9[%parallel_loop3A_1215, %parallel_loop3A_1216] {strides = array<i32>} : memref<16x1024xf32, #tpu.memory_space<vmem>>, vector<1x16xf32>,
      %parallel_loop3A_1218 = vector.shape_cast %parallel_loop3A_1217 : vector<1x16xf32> to vector<16xf32>
      %parallel_loop3A_1219 = vector.shape_cast %parallel_loop3A_1214 : vector<16xf32> to vector<1x16xf32>
      tpu.vector_store %arg9[%parallel_loop3A_1215, %parallel_loop3A_1216], %parallel_loop3A_1219 {strides = array<i32>} : memref<16x1024xf32, #tpu.memory_space<vmem>>, vector<1x16xf32>,
    } {sc.loop_unroll_factor = 8 : i64, sc.parallel_access}
    %add3A_301 = arith.constant 16 : i32
    %add3A_302 = arith.addi %mul3A_2, %add3A_301 : i32
    %dma_start3A_303 = arith.constant 3 : i32
    %dma_start3A_304 = arith.constant 0 : i32
    %dma_start3A_305 = tpu.memref_slice %arg4[%dma_start3A_303, %add3A_302, %dma_start3A_304] : memref<4x4096x1024xf32, #tpu.memory_space<hbm>> -> memref<1x16x1024xf32, #tpu.memory_space<hbm>>
    %dma_start3A_306 = tpu.memref_squeeze %dma_start3A_305 : memref<1x16x1024xf32, #tpu.memory_space<hbm>> -> memref<16x1024xf32, #tpu.memory_space<hbm>>
    %dma_start3A_307 = arith.constant 0 : i32
    %dma_start3A_308 = tpu.memref_slice %arg4[%dma_start3A_303, %add3A_302, %dma_start3A_307] : memref<4x4096x1024xf32, #tpu.memory_space<hbm>> -> memref<1x16x1024xf32, #tpu.memory_space<hbm>>
    %dma_start3A_309 = tpu.memref_squeeze %dma_start3A_308 : memref<1x16x1024xf32, #tpu.memory_space<hbm>> -> memref<16x1024xf32, #tpu.memory_space<hbm>>
    tpu.enqueue_dma source(%arg9 : memref<16x1024xf32, #tpu.memory_space<vmem>>) target(%dma_start3A_309 : memref<16x1024xf32, #tpu.memory_space<hbm>>) target_semaphore(%arg16 : memref<!tpu.dma_semaphore, #tpu.memory_space<semaphore_mem>>)
    %add3A_310 = arith.constant 32 : i32
    %add3A_311 = arith.addi %mul3A_2, %add3A_310 : i32
    %dma_start3A_312 = arith.constant 2 : i32
    %dma_start3A_313 = arith.constant 0 : i32
    %dma_start3A_314 = tpu.memref_slice %arg2[%dma_start3A_312, %add3A_311, %dma_start3A_313] : memref<4x4096x1024xf32, #tpu.memory_space<hbm>> -> memref<1x16x1024xf32, #tpu.memory_space<hbm>>
    %dma_start3A_315 = tpu.memref_squeeze %dma_start3A_314 : memref<1x16x1024xf32, #tpu.memory_space<hbm>> -> memref<16x1024xf32, #tpu.memory_space<hbm>>
    %dma_start3A_316 = arith.constant 0 : i32
    %dma_start3A_317 = tpu.memref_slice %arg2[%dma_start3A_312, %add3A_311, %dma_start3A_316] : memref<4x4096x1024xf32, #tpu.memory_space<hbm>> -> memref<1x16x1024xf32, #tpu.memory_space<hbm>>
    %dma_start3A_318 = tpu.memref_squeeze %dma_start3A_317 : memref<1x16x1024xf32, #tpu.memory_space<hbm>> -> memref<16x1024xf32, #tpu.memory_space<hbm>>
    tpu.enqueue_dma source(%dma_start3A_318 : memref<16x1024xf32, #tpu.memory_space<hbm>>) target(%arg6 : memref<16x1024xf32, #tpu.memory_space<vmem>>) target_semaphore(%arg13 : memref<!tpu.dma_semaphore, #tpu.memory_space<semaphore_mem>>)
    %add3A_319 = arith.constant 48 : i32
    %add3A_320 = arith.addi %mul3A_2, %add3A_319 : i32
    %dma_start3A_321 = arith.constant 0 : i32
    %dma_start3A_322 = tpu.memref_slice %arg3[%add3A_320, %dma_start3A_321] : memref<4096x1024xf32, #tpu.memory_space<hbm>> -> memref<16x1024xf32, #tpu.memory_space<hbm>>
    %dma_start3A_323 = arith.constant 0 : i32
    %dma_start3A_324 = tpu.memref_slice %arg3[%add3A_320, %dma_start3A_323] : memref<4096x1024xf32, #tpu.memory_space<hbm>> -> memref<16x1024xf32, #tpu.memory_space<hbm>>
    tpu.enqueue_dma source(%dma_start3A_324 : memref<16x1024xf32, #tpu.memory_space<hbm>>) target(%arg11 : memref<16x1024xf32, #tpu.memory_space<vmem>>) target_semaphore(%arg18 : memref<!tpu.dma_semaphore, #tpu.memory_space<semaphore_mem>>)
    %dma_wait3A_325 = arith.constant 2 : i32
    %dma_wait3A_326 = arith.constant 0 : i32
    %dma_wait3A_327 = tpu.memref_slice %arg4[%dma_wait3A_325, %add3A_267, %dma_wait3A_326] : memref<4x4096x1024xf32, #tpu.memory_space<hbm>> -> memref<1x16x1024xf32, #tpu.memory_space<hbm>>
    %dma_wait3A_328 = tpu.memref_squeeze %dma_wait3A_327 : memref<1x16x1024xf32, #tpu.memory_space<hbm>> -> memref<16x1024xf32, #tpu.memory_space<hbm>>
    %dma_wait3A_329 = arith.constant 0 : i32
    %dma_wait3A_330 = tpu.memref_slice %arg4[%dma_wait3A_325, %add3A_267, %dma_wait3A_329] : memref<4x4096x1024xf32, #tpu.memory_space<hbm>> -> memref<1x16x1024xf32, #tpu.memory_space<hbm>>
    %dma_wait3A_331 = tpu.memref_squeeze %dma_wait3A_330 : memref<1x16x1024xf32, #tpu.memory_space<hbm>> -> memref<16x1024xf32, #tpu.memory_space<hbm>>
    tpu.wait_dma2 semaphore(%arg15 : memref<!tpu.dma_semaphore, #tpu.memory_space<semaphore_mem>>) src(%arg8 : memref<16x1024xf32, #tpu.memory_space<vmem>>) dst(%dma_wait3A_331 : memref<16x1024xf32, #tpu.memory_space<hbm>>)
    %dma_wait3A_332 = arith.constant 0 : i32
    %dma_wait3A_333 = tpu.memref_slice %arg3[%add3A_170, %dma_wait3A_332] : memref<4096x1024xf32, #tpu.memory_space<hbm>> -> memref<16x1024xf32, #tpu.memory_space<hbm>>
    %dma_wait3A_334 = arith.constant 0 : i32
    %dma_wait3A_335 = tpu.memref_slice %arg3[%add3A_170, %dma_wait3A_334] : memref<4096x1024xf32, #tpu.memory_space<hbm>> -> memref<16x1024xf32, #tpu.memory_space<hbm>>
    tpu.wait_dma2 semaphore(%arg17 : memref<!tpu.dma_semaphore, #tpu.memory_space<semaphore_mem>>) src(%dma_wait3A_335 : memref<16x1024xf32, #tpu.memory_space<hbm>>) dst(%arg10 : memref<16x1024xf32, #tpu.memory_space<vmem>>)
    %dma_wait3A_336 = arith.constant 0 : i32
    %dma_wait3A_337 = arith.constant 0 : i32
    %dma_wait3A_338 = tpu.memref_slice %arg2[%dma_wait3A_336, %add3A_241, %dma_wait3A_337] : memref<4x4096x1024xf32, #tpu.memory_space<hbm>> -> memref<1x16x1024xf32, #tpu.memory_space<hbm>>
    %dma_wait3A_339 = tpu.memref_squeeze %dma_wait3A_338 : memref<1x16x1024xf32, #tpu.memory_space<hbm>> -> memref<16x1024xf32, #tpu.memory_space<hbm>>
    %dma_wait3A_340 = arith.constant 0 : i32
    %dma_wait3A_341 = tpu.memref_slice %arg2[%dma_wait3A_336, %add3A_241, %dma_wait3A_340] : memref<4x4096x1024xf32, #tpu.memory_space<hbm>> -> memref<1x16x1024xf32, #tpu.memory_space<hbm>>
    %dma_wait3A_342 = tpu.memref_squeeze %dma_wait3A_341 : memref<1x16x1024xf32, #tpu.memory_space<hbm>> -> memref<16x1024xf32, #tpu.memory_space<hbm>>
    tpu.wait_dma2 semaphore(%arg14 : memref<!tpu.dma_semaphore, #tpu.memory_space<semaphore_mem>>) src(%dma_wait3A_342 : memref<16x1024xf32, #tpu.memory_space<hbm>>) dst(%arg7 : memref<16x1024xf32, #tpu.memory_space<vmem>>)
    %parallel_loop3A_343 = arith.constant 0 : i32
    %parallel_loop3A_344 = arith.constant 16384 : i32
    %parallel_loop3A_345 = arith.constant 16 : i32
    scf.for %parallel_loop3A_1200 = %parallel_loop3A_343 to %parallel_loop3A_344 step %parallel_loop3A_345  : i32 {
      %parallel_loop3A_1201 = arith.constant 10 : i32
      %parallel_loop3A_1202 = arith.shrsi %parallel_loop3A_1200, %parallel_loop3A_1201 : i32
      %parallel_loop3A_1203 = arith.constant 1023 : i32
      %parallel_loop3A_1204 = arith.andi %parallel_loop3A_1200, %parallel_loop3A_1203 : i32
      %parallel_loop3A_1205 = tpu.assume_multiple %parallel_loop3A_1204, 16 : i32
      %parallel_loop3A_1206 = arith.index_cast %parallel_loop3A_1202 : i32 to index
      %parallel_loop3A_1207 = arith.index_cast %parallel_loop3A_1205 : i32 to index
      %parallel_loop3A_1208 = tpu.vector_load %arg7[%parallel_loop3A_1206, %parallel_loop3A_1207] {strides = array<i32>} : memref<16x1024xf32, #tpu.memory_space<vmem>>, vector<1x16xf32>,
      %parallel_loop3A_1209 = vector.shape_cast %parallel_loop3A_1208 : vector<1x16xf32> to vector<16xf32>
      %parallel_loop3A_1210 = arith.index_cast %parallel_loop3A_1202 : i32 to index
      %parallel_loop3A_1211 = arith.index_cast %parallel_loop3A_1205 : i32 to index
      %parallel_loop3A_1212 = tpu.vector_load %arg10[%parallel_loop3A_1210, %parallel_loop3A_1211] {strides = array<i32>} : memref<16x1024xf32, #tpu.memory_space<vmem>>, vector<1x16xf32>,
      %parallel_loop3A_1213 = vector.shape_cast %parallel_loop3A_1212 : vector<1x16xf32> to vector<16xf32>
      %parallel_loop3A_1214 = arith.addf %parallel_loop3A_1209, %parallel_loop3A_1213 : vector<16xf32>
      %parallel_loop3A_1215 = arith.index_cast %parallel_loop3A_1202 : i32 to index
      %parallel_loop3A_1216 = arith.index_cast %parallel_loop3A_1205 : i32 to index
      %parallel_loop3A_1217 = tpu.vector_load %arg8[%parallel_loop3A_1215, %parallel_loop3A_1216] {strides = array<i32>} : memref<16x1024xf32, #tpu.memory_space<vmem>>, vector<1x16xf32>,
      %parallel_loop3A_1218 = vector.shape_cast %parallel_loop3A_1217 : vector<1x16xf32> to vector<16xf32>
      %parallel_loop3A_1219 = vector.shape_cast %parallel_loop3A_1214 : vector<16xf32> to vector<1x16xf32>
      tpu.vector_store %arg8[%parallel_loop3A_1215, %parallel_loop3A_1216], %parallel_loop3A_1219 {strides = array<i32>} : memref<16x1024xf32, #tpu.memory_space<vmem>>, vector<1x16xf32>,
    } {sc.loop_unroll_factor = 8 : i64, sc.parallel_access}
    %add3A_346 = arith.constant 32 : i32
    %add3A_347 = arith.addi %mul3A_2, %add3A_346 : i32
    %dma_start3A_348 = arith.constant 0 : i32
    %dma_start3A_349 = arith.constant 0 : i32
    %dma_start3A_350 = tpu.memref_slice %arg4[%dma_start3A_348, %add3A_347, %dma_start3A_349] : memref<4x4096x1024xf32, #tpu.memory_space<hbm>> -> memref<1x16x1024xf32, #tpu.memory_space<hbm>>
    %dma_start3A_351 = tpu.memref_squeeze %dma_start3A_350 : memref<1x16x1024xf32, #tpu.memory_space<hbm>> -> memref<16x1024xf32, #tpu.memory_space<hbm>>
    %dma_start3A_352 = arith.constant 0 : i32
    %dma_start3A_353 = tpu.memref_slice %arg4[%dma_start3A_348, %add3A_347, %dma_start3A_352] : memref<4x4096x1024xf32, #tpu.memory_space<hbm>> -> memref<1x16x1024xf32, #tpu.memory_space<hbm>>
    %dma_start3A_354 = tpu.memref_squeeze %dma_start3A_353 : memref<1x16x1024xf32, #tpu.memory_space<hbm>> -> memref<16x1024xf32, #tpu.memory_space<hbm>>
    tpu.enqueue_dma source(%arg8 : memref<16x1024xf32, #tpu.memory_space<vmem>>) target(%dma_start3A_354 : memref<16x1024xf32, #tpu.memory_space<hbm>>) target_semaphore(%arg15 : memref<!tpu.dma_semaphore, #tpu.memory_space<semaphore_mem>>)
    %add3A_355 = arith.constant 32 : i32
    %add3A_356 = arith.addi %mul3A_2, %add3A_355 : i32
    %dma_start3A_357 = arith.constant 3 : i32
    %dma_start3A_358 = arith.constant 0 : i32
    %dma_start3A_359 = tpu.memref_slice %arg2[%dma_start3A_357, %add3A_356, %dma_start3A_358] : memref<4x4096x1024xf32, #tpu.memory_space<hbm>> -> memref<1x16x1024xf32, #tpu.memory_space<hbm>>
    %dma_start3A_360 = tpu.memref_squeeze %dma_start3A_359 : memref<1x16x1024xf32, #tpu.memory_space<hbm>> -> memref<16x1024xf32, #tpu.memory_space<hbm>>
    %dma_start3A_361 = arith.constant 0 : i32
    %dma_start3A_362 = tpu.memref_slice %arg2[%dma_start3A_357, %add3A_356, %dma_start3A_361] : memref<4x4096x1024xf32, #tpu.memory_space<hbm>> -> memref<1x16x1024xf32, #tpu.memory_space<hbm>>
    %dma_start3A_363 = tpu.memref_squeeze %dma_start3A_362 : memref<1x16x1024xf32, #tpu.memory_space<hbm>> -> memref<16x1024xf32, #tpu.memory_space<hbm>>
    tpu.enqueue_dma source(%dma_start3A_363 : memref<16x1024xf32, #tpu.memory_space<hbm>>) target(%arg7 : memref<16x1024xf32, #tpu.memory_space<vmem>>) target_semaphore(%arg14 : memref<!tpu.dma_semaphore, #tpu.memory_space<semaphore_mem>>)
    %dma_wait3A_364 = arith.constant 3 : i32
    %dma_wait3A_365 = arith.constant 0 : i32
    %dma_wait3A_366 = tpu.memref_slice %arg4[%dma_wait3A_364, %add3A_302, %dma_wait3A_365] : memref<4x4096x1024xf32, #tpu.memory_space<hbm>> -> memref<1x16x1024xf32, #tpu.memory_space<hbm>>
    %dma_wait3A_367 = tpu.memref_squeeze %dma_wait3A_366 : memref<1x16x1024xf32, #tpu.memory_space<hbm>> -> memref<16x1024xf32, #tpu.memory_space<hbm>>
    %dma_wait3A_368 = arith.constant 0 : i32
    %dma_wait3A_369 = tpu.memref_slice %arg4[%dma_wait3A_364, %add3A_302, %dma_wait3A_368] : memref<4x4096x1024xf32, #tpu.memory_space<hbm>> -> memref<1x16x1024xf32, #tpu.memory_space<hbm>>
    %dma_wait3A_370 = tpu.memref_squeeze %dma_wait3A_369 : memref<1x16x1024xf32, #tpu.memory_space<hbm>> -> memref<16x1024xf32, #tpu.memory_space<hbm>>
    tpu.wait_dma2 semaphore(%arg16 : memref<!tpu.dma_semaphore, #tpu.memory_space<semaphore_mem>>) src(%arg9 : memref<16x1024xf32, #tpu.memory_space<vmem>>) dst(%dma_wait3A_370 : memref<16x1024xf32, #tpu.memory_space<hbm>>)
    %dma_wait3A_371 = arith.constant 1 : i32
    %dma_wait3A_372 = arith.constant 0 : i32
    %dma_wait3A_373 = tpu.memref_slice %arg2[%dma_wait3A_371, %add3A_276, %dma_wait3A_372] : memref<4x4096x1024xf32, #tpu.memory_space<hbm>> -> memref<1x16x1024xf32, #tpu.memory_space<hbm>>
    %dma_wait3A_374 = tpu.memref_squeeze %dma_wait3A_373 : memref<1x16x1024xf32, #tpu.memory_space<hbm>> -> memref<16x1024xf32, #tpu.memory_space<hbm>>
    %dma_wait3A_375 = arith.constant 0 : i32
    %dma_wait3A_376 = tpu.memref_slice %arg2[%dma_wait3A_371, %add3A_276, %dma_wait3A_375] : memref<4x4096x1024xf32, #tpu.memory_space<hbm>> -> memref<1x16x1024xf32, #tpu.memory_space<hbm>>
    %dma_wait3A_377 = tpu.memref_squeeze %dma_wait3A_376 : memref<1x16x1024xf32, #tpu.memory_space<hbm>> -> memref<16x1024xf32, #tpu.memory_space<hbm>>
    tpu.wait_dma2 semaphore(%arg12 : memref<!tpu.dma_semaphore, #tpu.memory_space<semaphore_mem>>) src(%dma_wait3A_377 : memref<16x1024xf32, #tpu.memory_space<hbm>>) dst(%arg5 : memref<16x1024xf32, #tpu.memory_space<vmem>>)
    %parallel_loop3A_378 = arith.constant 0 : i32
    %parallel_loop3A_379 = arith.constant 16384 : i32
    %parallel_loop3A_380 = arith.constant 16 : i32
    scf.for %parallel_loop3A_1200 = %parallel_loop3A_378 to %parallel_loop3A_379 step %parallel_loop3A_380  : i32 {
      %parallel_loop3A_1201 = arith.constant 10 : i32
      %parallel_loop3A_1202 = arith.shrsi %parallel_loop3A_1200, %parallel_loop3A_1201 : i32
      %parallel_loop3A_1203 = arith.constant 1023 : i32
      %parallel_loop3A_1204 = arith.andi %parallel_loop3A_1200, %parallel_loop3A_1203 : i32
      %parallel_loop3A_1205 = tpu.assume_multiple %parallel_loop3A_1204, 16 : i32
      %parallel_loop3A_1206 = arith.index_cast %parallel_loop3A_1202 : i32 to index
      %parallel_loop3A_1207 = arith.index_cast %parallel_loop3A_1205 : i32 to index
      %parallel_loop3A_1208 = tpu.vector_load %arg5[%parallel_loop3A_1206, %parallel_loop3A_1207] {strides = array<i32>} : memref<16x1024xf32, #tpu.memory_space<vmem>>, vector<1x16xf32>,
      %parallel_loop3A_1209 = vector.shape_cast %parallel_loop3A_1208 : vector<1x16xf32> to vector<16xf32>
      %parallel_loop3A_1210 = arith.index_cast %parallel_loop3A_1202 : i32 to index
      %parallel_loop3A_1211 = arith.index_cast %parallel_loop3A_1205 : i32 to index
      %parallel_loop3A_1212 = tpu.vector_load %arg10[%parallel_loop3A_1210, %parallel_loop3A_1211] {strides = array<i32>} : memref<16x1024xf32, #tpu.memory_space<vmem>>, vector<1x16xf32>,
      %parallel_loop3A_1213 = vector.shape_cast %parallel_loop3A_1212 : vector<1x16xf32> to vector<16xf32>
      %parallel_loop3A_1214 = arith.addf %parallel_loop3A_1209, %parallel_loop3A_1213 : vector<16xf32>
      %parallel_loop3A_1215 = arith.index_cast %parallel_loop3A_1202 : i32 to index
      %parallel_loop3A_1216 = arith.index_cast %parallel_loop3A_1205 : i32 to index
      %parallel_loop3A_1217 = tpu.vector_load %arg9[%parallel_loop3A_1215, %parallel_loop3A_1216] {strides = array<i32>} : memref<16x1024xf32, #tpu.memory_space<vmem>>, vector<1x16xf32>,
      %parallel_loop3A_1218 = vector.shape_cast %parallel_loop3A_1217 : vector<1x16xf32> to vector<16xf32>
      %parallel_loop3A_1219 = vector.shape_cast %parallel_loop3A_1214 : vector<16xf32> to vector<1x16xf32>
      tpu.vector_store %arg9[%parallel_loop3A_1215, %parallel_loop3A_1216], %parallel_loop3A_1219 {strides = array<i32>} : memref<16x1024xf32, #tpu.memory_space<vmem>>, vector<1x16xf32>,
    } {sc.loop_unroll_factor = 8 : i64, sc.parallel_access}
    %add3A_381 = arith.constant 32 : i32
    %add3A_382 = arith.addi %mul3A_2, %add3A_381 : i32
    %dma_start3A_383 = arith.constant 1 : i32
    %dma_start3A_384 = arith.constant 0 : i32
    %dma_start3A_385 = tpu.memref_slice %arg4[%dma_start3A_383, %add3A_382, %dma_start3A_384] : memref<4x4096x1024xf32, #tpu.memory_space<hbm>> -> memref<1x16x1024xf32, #tpu.memory_space<hbm>>
    %dma_start3A_386 = tpu.memref_squeeze %dma_start3A_385 : memref<1x16x1024xf32, #tpu.memory_space<hbm>> -> memref<16x1024xf32, #tpu.memory_space<hbm>>
    %dma_start3A_387 = arith.constant 0 : i32
    %dma_start3A_388 = tpu.memref_slice %arg4[%dma_start3A_383, %add3A_382, %dma_start3A_387] : memref<4x4096x1024xf32, #tpu.memory_space<hbm>> -> memref<1x16x1024xf32, #tpu.memory_space<hbm>>
    %dma_start3A_389 = tpu.memref_squeeze %dma_start3A_388 : memref<1x16x1024xf32, #tpu.memory_space<hbm>> -> memref<16x1024xf32, #tpu.memory_space<hbm>>
    tpu.enqueue_dma source(%arg9 : memref<16x1024xf32, #tpu.memory_space<vmem>>) target(%dma_start3A_389 : memref<16x1024xf32, #tpu.memory_space<hbm>>) target_semaphore(%arg16 : memref<!tpu.dma_semaphore, #tpu.memory_space<semaphore_mem>>)
    %add3A_390 = arith.constant 48 : i32
    %add3A_391 = arith.addi %mul3A_2, %add3A_390 : i32
    %dma_start3A_392 = arith.constant 0 : i32
    %dma_start3A_393 = arith.constant 0 : i32
    %dma_start3A_394 = tpu.memref_slice %arg2[%dma_start3A_392, %add3A_391, %dma_start3A_393] : memref<4x4096x1024xf32, #tpu.memory_space<hbm>> -> memref<1x16x1024xf32, #tpu.memory_space<hbm>>
    %dma_start3A_395 = tpu.memref_squeeze %dma_start3A_394 : memref<1x16x1024xf32, #tpu.memory_space<hbm>> -> memref<16x1024xf32, #tpu.memory_space<hbm>>
    %dma_start3A_396 = arith.constant 0 : i32
    %dma_start3A_397 = tpu.memref_slice %arg2[%dma_start3A_392, %add3A_391, %dma_start3A_396] : memref<4x4096x1024xf32, #tpu.memory_space<hbm>> -> memref<1x16x1024xf32, #tpu.memory_space<hbm>>
    %dma_start3A_398 = tpu.memref_squeeze %dma_start3A_397 : memref<1x16x1024xf32, #tpu.memory_space<hbm>> -> memref<16x1024xf32, #tpu.memory_space<hbm>>
    tpu.enqueue_dma source(%dma_start3A_398 : memref<16x1024xf32, #tpu.memory_space<hbm>>) target(%arg5 : memref<16x1024xf32, #tpu.memory_space<vmem>>) target_semaphore(%arg12 : memref<!tpu.dma_semaphore, #tpu.memory_space<semaphore_mem>>)
    %dma_wait3A_399 = arith.constant 0 : i32
    %dma_wait3A_400 = arith.constant 0 : i32
    %dma_wait3A_401 = tpu.memref_slice %arg4[%dma_wait3A_399, %add3A_347, %dma_wait3A_400] : memref<4x4096x1024xf32, #tpu.memory_space<hbm>> -> memref<1x16x1024xf32, #tpu.memory_space<hbm>>
    %dma_wait3A_402 = tpu.memref_squeeze %dma_wait3A_401 : memref<1x16x1024xf32, #tpu.memory_space<hbm>> -> memref<16x1024xf32, #tpu.memory_space<hbm>>
    %dma_wait3A_403 = arith.constant 0 : i32
    %dma_wait3A_404 = tpu.memref_slice %arg4[%dma_wait3A_399, %add3A_347, %dma_wait3A_403] : memref<4x4096x1024xf32, #tpu.memory_space<hbm>> -> memref<1x16x1024xf32, #tpu.memory_space<hbm>>
    %dma_wait3A_405 = tpu.memref_squeeze %dma_wait3A_404 : memref<1x16x1024xf32, #tpu.memory_space<hbm>> -> memref<16x1024xf32, #tpu.memory_space<hbm>>
    tpu.wait_dma2 semaphore(%arg15 : memref<!tpu.dma_semaphore, #tpu.memory_space<semaphore_mem>>) src(%arg8 : memref<16x1024xf32, #tpu.memory_space<vmem>>) dst(%dma_wait3A_405 : memref<16x1024xf32, #tpu.memory_space<hbm>>)
    %dma_wait3A_406 = arith.constant 2 : i32
    %dma_wait3A_407 = arith.constant 0 : i32
    %dma_wait3A_408 = tpu.memref_slice %arg2[%dma_wait3A_406, %add3A_311, %dma_wait3A_407] : memref<4x4096x1024xf32, #tpu.memory_space<hbm>> -> memref<1x16x1024xf32, #tpu.memory_space<hbm>>
    %dma_wait3A_409 = tpu.memref_squeeze %dma_wait3A_408 : memref<1x16x1024xf32, #tpu.memory_space<hbm>> -> memref<16x1024xf32, #tpu.memory_space<hbm>>
    %dma_wait3A_410 = arith.constant 0 : i32
    %dma_wait3A_411 = tpu.memref_slice %arg2[%dma_wait3A_406, %add3A_311, %dma_wait3A_410] : memref<4x4096x1024xf32, #tpu.memory_space<hbm>> -> memref<1x16x1024xf32, #tpu.memory_space<hbm>>
    %dma_wait3A_412 = tpu.memref_squeeze %dma_wait3A_411 : memref<1x16x1024xf32, #tpu.memory_space<hbm>> -> memref<16x1024xf32, #tpu.memory_space<hbm>>
    tpu.wait_dma2 semaphore(%arg13 : memref<!tpu.dma_semaphore, #tpu.memory_space<semaphore_mem>>) src(%dma_wait3A_412 : memref<16x1024xf32, #tpu.memory_space<hbm>>) dst(%arg6 : memref<16x1024xf32, #tpu.memory_space<vmem>>)
    %parallel_loop3A_413 = arith.constant 0 : i32
    %parallel_loop3A_414 = arith.constant 16384 : i32
    %parallel_loop3A_415 = arith.constant 16 : i32
    scf.for %parallel_loop3A_1200 = %parallel_loop3A_413 to %parallel_loop3A_414 step %parallel_loop3A_415  : i32 {
      %parallel_loop3A_1201 = arith.constant 10 : i32
      %parallel_loop3A_1202 = arith.shrsi %parallel_loop3A_1200, %parallel_loop3A_1201 : i32
      %parallel_loop3A_1203 = arith.constant 1023 : i32
      %parallel_loop3A_1204 = arith.andi %parallel_loop3A_1200, %parallel_loop3A_1203 : i32
      %parallel_loop3A_1205 = tpu.assume_multiple %parallel_loop3A_1204, 16 : i32
      %parallel_loop3A_1206 = arith.index_cast %parallel_loop3A_1202 : i32 to index
      %parallel_loop3A_1207 = arith.index_cast %parallel_loop3A_1205 : i32 to index
      %parallel_loop3A_1208 = tpu.vector_load %arg6[%parallel_loop3A_1206, %parallel_loop3A_1207] {strides = array<i32>} : memref<16x1024xf32, #tpu.memory_space<vmem>>, vector<1x16xf32>,
      %parallel_loop3A_1209 = vector.shape_cast %parallel_loop3A_1208 : vector<1x16xf32> to vector<16xf32>
      %parallel_loop3A_1210 = arith.index_cast %parallel_loop3A_1202 : i32 to index
      %parallel_loop3A_1211 = arith.index_cast %parallel_loop3A_1205 : i32 to index
      %parallel_loop3A_1212 = tpu.vector_load %arg10[%parallel_loop3A_1210, %parallel_loop3A_1211] {strides = array<i32>} : memref<16x1024xf32, #tpu.memory_space<vmem>>, vector<1x16xf32>,
      %parallel_loop3A_1213 = vector.shape_cast %parallel_loop3A_1212 : vector<1x16xf32> to vector<16xf32>
      %parallel_loop3A_1214 = arith.addf %parallel_loop3A_1209, %parallel_loop3A_1213 : vector<16xf32>
      %parallel_loop3A_1215 = arith.index_cast %parallel_loop3A_1202 : i32 to index
      %parallel_loop3A_1216 = arith.index_cast %parallel_loop3A_1205 : i32 to index
      %parallel_loop3A_1217 = tpu.vector_load %arg8[%parallel_loop3A_1215, %parallel_loop3A_1216] {strides = array<i32>} : memref<16x1024xf32, #tpu.memory_space<vmem>>, vector<1x16xf32>,
      %parallel_loop3A_1218 = vector.shape_cast %parallel_loop3A_1217 : vector<1x16xf32> to vector<16xf32>
      %parallel_loop3A_1219 = vector.shape_cast %parallel_loop3A_1214 : vector<16xf32> to vector<1x16xf32>
      tpu.vector_store %arg8[%parallel_loop3A_1215, %parallel_loop3A_1216], %parallel_loop3A_1219 {strides = array<i32>} : memref<16x1024xf32, #tpu.memory_space<vmem>>, vector<1x16xf32>,
    } {sc.loop_unroll_factor = 8 : i64, sc.parallel_access}
    %add3A_416 = arith.constant 32 : i32
    %add3A_417 = arith.addi %mul3A_2, %add3A_416 : i32
    %dma_start3A_418 = arith.constant 2 : i32
    %dma_start3A_419 = arith.constant 0 : i32
    %dma_start3A_420 = tpu.memref_slice %arg4[%dma_start3A_418, %add3A_417, %dma_start3A_419] : memref<4x4096x1024xf32, #tpu.memory_space<hbm>> -> memref<1x16x1024xf32, #tpu.memory_space<hbm>>
    %dma_start3A_421 = tpu.memref_squeeze %dma_start3A_420 : memref<1x16x1024xf32, #tpu.memory_space<hbm>> -> memref<16x1024xf32, #tpu.memory_space<hbm>>
    %dma_start3A_422 = arith.constant 0 : i32
    %dma_start3A_423 = tpu.memref_slice %arg4[%dma_start3A_418, %add3A_417, %dma_start3A_422] : memref<4x4096x1024xf32, #tpu.memory_space<hbm>> -> memref<1x16x1024xf32, #tpu.memory_space<hbm>>
    %dma_start3A_424 = tpu.memref_squeeze %dma_start3A_423 : memref<1x16x1024xf32, #tpu.memory_space<hbm>> -> memref<16x1024xf32, #tpu.memory_space<hbm>>
    tpu.enqueue_dma source(%arg8 : memref<16x1024xf32, #tpu.memory_space<vmem>>) target(%dma_start3A_424 : memref<16x1024xf32, #tpu.memory_space<hbm>>) target_semaphore(%arg15 : memref<!tpu.dma_semaphore, #tpu.memory_space<semaphore_mem>>)
    %add3A_425 = arith.constant 48 : i32
    %add3A_426 = arith.addi %mul3A_2, %add3A_425 : i32
    %dma_start3A_427 = arith.constant 1 : i32
    %dma_start3A_428 = arith.constant 0 : i32
    %dma_start3A_429 = tpu.memref_slice %arg2[%dma_start3A_427, %add3A_426, %dma_start3A_428] : memref<4x4096x1024xf32, #tpu.memory_space<hbm>> -> memref<1x16x1024xf32, #tpu.memory_space<hbm>>
    %dma_start3A_430 = tpu.memref_squeeze %dma_start3A_429 : memref<1x16x1024xf32, #tpu.memory_space<hbm>> -> memref<16x1024xf32, #tpu.memory_space<hbm>>
    %dma_start3A_431 = arith.constant 0 : i32
    %dma_start3A_432 = tpu.memref_slice %arg2[%dma_start3A_427, %add3A_426, %dma_start3A_431] : memref<4x4096x1024xf32, #tpu.memory_space<hbm>> -> memref<1x16x1024xf32, #tpu.memory_space<hbm>>
    %dma_start3A_433 = tpu.memref_squeeze %dma_start3A_432 : memref<1x16x1024xf32, #tpu.memory_space<hbm>> -> memref<16x1024xf32, #tpu.memory_space<hbm>>
    tpu.enqueue_dma source(%dma_start3A_433 : memref<16x1024xf32, #tpu.memory_space<hbm>>) target(%arg6 : memref<16x1024xf32, #tpu.memory_space<vmem>>) target_semaphore(%arg13 : memref<!tpu.dma_semaphore, #tpu.memory_space<semaphore_mem>>)
    %dma_wait3A_434 = arith.constant 1 : i32
    %dma_wait3A_435 = arith.constant 0 : i32
    %dma_wait3A_436 = tpu.memref_slice %arg4[%dma_wait3A_434, %add3A_382, %dma_wait3A_435] : memref<4x4096x1024xf32, #tpu.memory_space<hbm>> -> memref<1x16x1024xf32, #tpu.memory_space<hbm>>
    %dma_wait3A_437 = tpu.memref_squeeze %dma_wait3A_436 : memref<1x16x1024xf32, #tpu.memory_space<hbm>> -> memref<16x1024xf32, #tpu.memory_space<hbm>>
    %dma_wait3A_438 = arith.constant 0 : i32
    %dma_wait3A_439 = tpu.memref_slice %arg4[%dma_wait3A_434, %add3A_382, %dma_wait3A_438] : memref<4x4096x1024xf32, #tpu.memory_space<hbm>> -> memref<1x16x1024xf32, #tpu.memory_space<hbm>>
    %dma_wait3A_440 = tpu.memref_squeeze %dma_wait3A_439 : memref<1x16x1024xf32, #tpu.memory_space<hbm>> -> memref<16x1024xf32, #tpu.memory_space<hbm>>
    tpu.wait_dma2 semaphore(%arg16 : memref<!tpu.dma_semaphore, #tpu.memory_space<semaphore_mem>>) src(%arg9 : memref<16x1024xf32, #tpu.memory_space<vmem>>) dst(%dma_wait3A_440 : memref<16x1024xf32, #tpu.memory_space<hbm>>)
    %dma_wait3A_441 = arith.constant 3 : i32
    %dma_wait3A_442 = arith.constant 0 : i32
    %dma_wait3A_443 = tpu.memref_slice %arg2[%dma_wait3A_441, %add3A_356, %dma_wait3A_442] : memref<4x4096x1024xf32, #tpu.memory_space<hbm>> -> memref<1x16x1024xf32, #tpu.memory_space<hbm>>
    %dma_wait3A_444 = tpu.memref_squeeze %dma_wait3A_443 : memref<1x16x1024xf32, #tpu.memory_space<hbm>> -> memref<16x1024xf32, #tpu.memory_space<hbm>>
    %dma_wait3A_445 = arith.constant 0 : i32
    %dma_wait3A_446 = tpu.memref_slice %arg2[%dma_wait3A_441, %add3A_356, %dma_wait3A_445] : memref<4x4096x1024xf32, #tpu.memory_space<hbm>> -> memref<1x16x1024xf32, #tpu.memory_space<hbm>>
    %dma_wait3A_447 = tpu.memref_squeeze %dma_wait3A_446 : memref<1x16x1024xf32, #tpu.memory_space<hbm>> -> memref<16x1024xf32, #tpu.memory_space<hbm>>
    tpu.wait_dma2 semaphore(%arg14 : memref<!tpu.dma_semaphore, #tpu.memory_space<semaphore_mem>>) src(%dma_wait3A_447 : memref<16x1024xf32, #tpu.memory_space<hbm>>) dst(%arg7 : memref<16x1024xf32, #tpu.memory_space<vmem>>)
    %parallel_loop3A_448 = arith.constant 0 : i32
    %parallel_loop3A_449 = arith.constant 16384 : i32
    %parallel_loop3A_450 = arith.constant 16 : i32
    scf.for %parallel_loop3A_1200 = %parallel_loop3A_448 to %parallel_loop3A_449 step %parallel_loop3A_450  : i32 {
      %parallel_loop3A_1201 = arith.constant 10 : i32
      %parallel_loop3A_1202 = arith.shrsi %parallel_loop3A_1200, %parallel_loop3A_1201 : i32
      %parallel_loop3A_1203 = arith.constant 1023 : i32
      %parallel_loop3A_1204 = arith.andi %parallel_loop3A_1200, %parallel_loop3A_1203 : i32
      %parallel_loop3A_1205 = tpu.assume_multiple %parallel_loop3A_1204, 16 : i32
      %parallel_loop3A_1206 = arith.index_cast %parallel_loop3A_1202 : i32 to index
      %parallel_loop3A_1207 = arith.index_cast %parallel_loop3A_1205 : i32 to index
      %parallel_loop3A_1208 = tpu.vector_load %arg7[%parallel_loop3A_1206, %parallel_loop3A_1207] {strides = array<i32>} : memref<16x1024xf32, #tpu.memory_space<vmem>>, vector<1x16xf32>,
      %parallel_loop3A_1209 = vector.shape_cast %parallel_loop3A_1208 : vector<1x16xf32> to vector<16xf32>
      %parallel_loop3A_1210 = arith.index_cast %parallel_loop3A_1202 : i32 to index
      %parallel_loop3A_1211 = arith.index_cast %parallel_loop3A_1205 : i32 to index
      %parallel_loop3A_1212 = tpu.vector_load %arg10[%parallel_loop3A_1210, %parallel_loop3A_1211] {strides = array<i32>} : memref<16x1024xf32, #tpu.memory_space<vmem>>, vector<1x16xf32>,
      %parallel_loop3A_1213 = vector.shape_cast %parallel_loop3A_1212 : vector<1x16xf32> to vector<16xf32>
      %parallel_loop3A_1214 = arith.addf %parallel_loop3A_1209, %parallel_loop3A_1213 : vector<16xf32>
      %parallel_loop3A_1215 = arith.index_cast %parallel_loop3A_1202 : i32 to index
      %parallel_loop3A_1216 = arith.index_cast %parallel_loop3A_1205 : i32 to index
      %parallel_loop3A_1217 = tpu.vector_load %arg9[%parallel_loop3A_1215, %parallel_loop3A_1216] {strides = array<i32>} : memref<16x1024xf32, #tpu.memory_space<vmem>>, vector<1x16xf32>,
      %parallel_loop3A_1218 = vector.shape_cast %parallel_loop3A_1217 : vector<1x16xf32> to vector<16xf32>
      %parallel_loop3A_1219 = vector.shape_cast %parallel_loop3A_1214 : vector<16xf32> to vector<1x16xf32>
      tpu.vector_store %arg9[%parallel_loop3A_1215, %parallel_loop3A_1216], %parallel_loop3A_1219 {strides = array<i32>} : memref<16x1024xf32, #tpu.memory_space<vmem>>, vector<1x16xf32>,
    } {sc.loop_unroll_factor = 8 : i64, sc.parallel_access}
    %add3A_451 = arith.constant 32 : i32
    %add3A_452 = arith.addi %mul3A_2, %add3A_451 : i32
    %dma_start3A_453 = arith.constant 3 : i32
    %dma_start3A_454 = arith.constant 0 : i32
    %dma_start3A_455 = tpu.memref_slice %arg4[%dma_start3A_453, %add3A_452, %dma_start3A_454] : memref<4x4096x1024xf32, #tpu.memory_space<hbm>> -> memref<1x16x1024xf32, #tpu.memory_space<hbm>>
    %dma_start3A_456 = tpu.memref_squeeze %dma_start3A_455 : memref<1x16x1024xf32, #tpu.memory_space<hbm>> -> memref<16x1024xf32, #tpu.memory_space<hbm>>
    %dma_start3A_457 = arith.constant 0 : i32
    %dma_start3A_458 = tpu.memref_slice %arg4[%dma_start3A_453, %add3A_452, %dma_start3A_457] : memref<4x4096x1024xf32, #tpu.memory_space<hbm>> -> memref<1x16x1024xf32, #tpu.memory_space<hbm>>
    %dma_start3A_459 = tpu.memref_squeeze %dma_start3A_458 : memref<1x16x1024xf32, #tpu.memory_space<hbm>> -> memref<16x1024xf32, #tpu.memory_space<hbm>>
    tpu.enqueue_dma source(%arg9 : memref<16x1024xf32, #tpu.memory_space<vmem>>) target(%dma_start3A_459 : memref<16x1024xf32, #tpu.memory_space<hbm>>) target_semaphore(%arg16 : memref<!tpu.dma_semaphore, #tpu.memory_space<semaphore_mem>>)
    %add3A_460 = arith.constant 48 : i32
    %add3A_461 = arith.addi %mul3A_2, %add3A_460 : i32
    %dma_start3A_462 = arith.constant 2 : i32
    %dma_start3A_463 = arith.constant 0 : i32
    %dma_start3A_464 = tpu.memref_slice %arg2[%dma_start3A_462, %add3A_461, %dma_start3A_463] : memref<4x4096x1024xf32, #tpu.memory_space<hbm>> -> memref<1x16x1024xf32, #tpu.memory_space<hbm>>
    %dma_start3A_465 = tpu.memref_squeeze %dma_start3A_464 : memref<1x16x1024xf32, #tpu.memory_space<hbm>> -> memref<16x1024xf32, #tpu.memory_space<hbm>>
    %dma_start3A_466 = arith.constant 0 : i32
    %dma_start3A_467 = tpu.memref_slice %arg2[%dma_start3A_462, %add3A_461, %dma_start3A_466] : memref<4x4096x1024xf32, #tpu.memory_space<hbm>> -> memref<1x16x1024xf32, #tpu.memory_space<hbm>>
    %dma_start3A_468 = tpu.memref_squeeze %dma_start3A_467 : memref<1x16x1024xf32, #tpu.memory_space<hbm>> -> memref<16x1024xf32, #tpu.memory_space<hbm>>
    tpu.enqueue_dma source(%dma_start3A_468 : memref<16x1024xf32, #tpu.memory_space<hbm>>) target(%arg7 : memref<16x1024xf32, #tpu.memory_space<vmem>>) target_semaphore(%arg14 : memref<!tpu.dma_semaphore, #tpu.memory_space<semaphore_mem>>)
    %add3A_469 = arith.constant 64 : i32
    %add3A_470 = arith.addi %mul3A_2, %add3A_469 : i32
    %dma_start3A_471 = arith.constant 0 : i32
    %dma_start3A_472 = tpu.memref_slice %arg3[%add3A_470, %dma_start3A_471] : memref<4096x1024xf32, #tpu.memory_space<hbm>> -> memref<16x1024xf32, #tpu.memory_space<hbm>>
    %dma_start3A_473 = arith.constant 0 : i32
    %dma_start3A_474 = tpu.memref_slice %arg3[%add3A_470, %dma_start3A_473] : memref<4096x1024xf32, #tpu.memory_space<hbm>> -> memref<16x1024xf32, #tpu.memory_space<hbm>>
    tpu.enqueue_dma source(%dma_start3A_474 : memref<16x1024xf32, #tpu.memory_space<hbm>>) target(%arg10 : memref<16x1024xf32, #tpu.memory_space<vmem>>) target_semaphore(%arg17 : memref<!tpu.dma_semaphore, #tpu.memory_space<semaphore_mem>>)
    %dma_wait3A_475 = arith.constant 2 : i32
    %dma_wait3A_476 = arith.constant 0 : i32
    %dma_wait3A_477 = tpu.memref_slice %arg4[%dma_wait3A_475, %add3A_417, %dma_wait3A_476] : memref<4x4096x1024xf32, #tpu.memory_space<hbm>> -> memref<1x16x1024xf32, #tpu.memory_space<hbm>>
    %dma_wait3A_478 = tpu.memref_squeeze %dma_wait3A_477 : memref<1x16x1024xf32, #tpu.memory_space<hbm>> -> memref<16x1024xf32, #tpu.memory_space<hbm>>
    %dma_wait3A_479 = arith.constant 0 : i32
    %dma_wait3A_480 = tpu.memref_slice %arg4[%dma_wait3A_475, %add3A_417, %dma_wait3A_479] : memref<4x4096x1024xf32, #tpu.memory_space<hbm>> -> memref<1x16x1024xf32, #tpu.memory_space<hbm>>
    %dma_wait3A_481 = tpu.memref_squeeze %dma_wait3A_480 : memref<1x16x1024xf32, #tpu.memory_space<hbm>> -> memref<16x1024xf32, #tpu.memory_space<hbm>>
    tpu.wait_dma2 semaphore(%arg15 : memref<!tpu.dma_semaphore, #tpu.memory_space<semaphore_mem>>) src(%arg8 : memref<16x1024xf32, #tpu.memory_space<vmem>>) dst(%dma_wait3A_481 : memref<16x1024xf32, #tpu.memory_space<hbm>>)
    %dma_wait3A_482 = arith.constant 0 : i32
    %dma_wait3A_483 = tpu.memref_slice %arg3[%add3A_320, %dma_wait3A_482] : memref<4096x1024xf32, #tpu.memory_space<hbm>> -> memref<16x1024xf32, #tpu.memory_space<hbm>>
    %dma_wait3A_484 = arith.constant 0 : i32
    %dma_wait3A_485 = tpu.memref_slice %arg3[%add3A_320, %dma_wait3A_484] : memref<4096x1024xf32, #tpu.memory_space<hbm>> -> memref<16x1024xf32, #tpu.memory_space<hbm>>
    tpu.wait_dma2 semaphore(%arg18 : memref<!tpu.dma_semaphore, #tpu.memory_space<semaphore_mem>>) src(%dma_wait3A_485 : memref<16x1024xf32, #tpu.memory_space<hbm>>) dst(%arg11 : memref<16x1024xf32, #tpu.memory_space<vmem>>)
    %dma_wait3A_486 = arith.constant 0 : i32
    %dma_wait3A_487 = arith.constant 0 : i32
    %dma_wait3A_488 = tpu.memref_slice %arg2[%dma_wait3A_486, %add3A_391, %dma_wait3A_487] : memref<4x4096x1024xf32, #tpu.memory_space<hbm>> -> memref<1x16x1024xf32, #tpu.memory_space<hbm>>
    %dma_wait3A_489 = tpu.memref_squeeze %dma_wait3A_488 : memref<1x16x1024xf32, #tpu.memory_space<hbm>> -> memref<16x1024xf32, #tpu.memory_space<hbm>>
    %dma_wait3A_490 = arith.constant 0 : i32
    %dma_wait3A_491 = tpu.memref_slice %arg2[%dma_wait3A_486, %add3A_391, %dma_wait3A_490] : memref<4x4096x1024xf32, #tpu.memory_space<hbm>> -> memref<1x16x1024xf32, #tpu.memory_space<hbm>>
    %dma_wait3A_492 = tpu.memref_squeeze %dma_wait3A_491 : memref<1x16x1024xf32, #tpu.memory_space<hbm>> -> memref<16x1024xf32, #tpu.memory_space<hbm>>
    tpu.wait_dma2 semaphore(%arg12 : memref<!tpu.dma_semaphore, #tpu.memory_space<semaphore_mem>>) src(%dma_wait3A_492 : memref<16x1024xf32, #tpu.memory_space<hbm>>) dst(%arg5 : memref<16x1024xf32, #tpu.memory_space<vmem>>)
    %parallel_loop3A_493 = arith.constant 0 : i32
    %parallel_loop3A_494 = arith.constant 16384 : i32
    %parallel_loop3A_495 = arith.constant 16 : i32
    scf.for %parallel_loop3A_1200 = %parallel_loop3A_493 to %parallel_loop3A_494 step %parallel_loop3A_495  : i32 {
      %parallel_loop3A_1201 = arith.constant 10 : i32
      %parallel_loop3A_1202 = arith.shrsi %parallel_loop3A_1200, %parallel_loop3A_1201 : i32
      %parallel_loop3A_1203 = arith.constant 1023 : i32
      %parallel_loop3A_1204 = arith.andi %parallel_loop3A_1200, %parallel_loop3A_1203 : i32
      %parallel_loop3A_1205 = tpu.assume_multiple %parallel_loop3A_1204, 16 : i32
      %parallel_loop3A_1206 = arith.index_cast %parallel_loop3A_1202 : i32 to index
      %parallel_loop3A_1207 = arith.index_cast %parallel_loop3A_1205 : i32 to index
      %parallel_loop3A_1208 = tpu.vector_load %arg5[%parallel_loop3A_1206, %parallel_loop3A_1207] {strides = array<i32>} : memref<16x1024xf32, #tpu.memory_space<vmem>>, vector<1x16xf32>,
      %parallel_loop3A_1209 = vector.shape_cast %parallel_loop3A_1208 : vector<1x16xf32> to vector<16xf32>
      %parallel_loop3A_1210 = arith.index_cast %parallel_loop3A_1202 : i32 to index
      %parallel_loop3A_1211 = arith.index_cast %parallel_loop3A_1205 : i32 to index
      %parallel_loop3A_1212 = tpu.vector_load %arg11[%parallel_loop3A_1210, %parallel_loop3A_1211] {strides = array<i32>} : memref<16x1024xf32, #tpu.memory_space<vmem>>, vector<1x16xf32>,
      %parallel_loop3A_1213 = vector.shape_cast %parallel_loop3A_1212 : vector<1x16xf32> to vector<16xf32>
      %parallel_loop3A_1214 = arith.addf %parallel_loop3A_1209, %parallel_loop3A_1213 : vector<16xf32>
      %parallel_loop3A_1215 = arith.index_cast %parallel_loop3A_1202 : i32 to index
      %parallel_loop3A_1216 = arith.index_cast %parallel_loop3A_1205 : i32 to index
      %parallel_loop3A_1217 = tpu.vector_load %arg8[%parallel_loop3A_1215, %parallel_loop3A_1216] {strides = array<i32>} : memref<16x1024xf32, #tpu.memory_space<vmem>>, vector<1x16xf32>,
      %parallel_loop3A_1218 = vector.shape_cast %parallel_loop3A_1217 : vector<1x16xf32> to vector<16xf32>
      %parallel_loop3A_1219 = vector.shape_cast %parallel_loop3A_1214 : vector<16xf32> to vector<1x16xf32>
      tpu.vector_store %arg8[%parallel_loop3A_1215, %parallel_loop3A_1216], %parallel_loop3A_1219 {strides = array<i32>} : memref<16x1024xf32, #tpu.memory_space<vmem>>, vector<1x16xf32>,
    } {sc.loop_unroll_factor = 8 : i64, sc.parallel_access}
    %add3A_496 = arith.constant 48 : i32
    %add3A_497 = arith.addi %mul3A_2, %add3A_496 : i32
    %dma_start3A_498 = arith.constant 0 : i32
    %dma_start3A_499 = arith.constant 0 : i32
    %dma_start3A_500 = tpu.memref_slice %arg4[%dma_start3A_498, %add3A_497, %dma_start3A_499] : memref<4x4096x1024xf32, #tpu.memory_space<hbm>> -> memref<1x16x1024xf32, #tpu.memory_space<hbm>>
    %dma_start3A_501 = tpu.memref_squeeze %dma_start3A_500 : memref<1x16x1024xf32, #tpu.memory_space<hbm>> -> memref<16x1024xf32, #tpu.memory_space<hbm>>
    %dma_start3A_502 = arith.constant 0 : i32
    %dma_start3A_503 = tpu.memref_slice %arg4[%dma_start3A_498, %add3A_497, %dma_start3A_502] : memref<4x4096x1024xf32, #tpu.memory_space<hbm>> -> memref<1x16x1024xf32, #tpu.memory_space<hbm>>
    %dma_start3A_504 = tpu.memref_squeeze %dma_start3A_503 : memref<1x16x1024xf32, #tpu.memory_space<hbm>> -> memref<16x1024xf32, #tpu.memory_space<hbm>>
    tpu.enqueue_dma source(%arg8 : memref<16x1024xf32, #tpu.memory_space<vmem>>) target(%dma_start3A_504 : memref<16x1024xf32, #tpu.memory_space<hbm>>) target_semaphore(%arg15 : memref<!tpu.dma_semaphore, #tpu.memory_space<semaphore_mem>>)
    %add3A_505 = arith.constant 48 : i32
    %add3A_506 = arith.addi %mul3A_2, %add3A_505 : i32
    %dma_start3A_507 = arith.constant 3 : i32
    %dma_start3A_508 = arith.constant 0 : i32
    %dma_start3A_509 = tpu.memref_slice %arg2[%dma_start3A_507, %add3A_506, %dma_start3A_508] : memref<4x4096x1024xf32, #tpu.memory_space<hbm>> -> memref<1x16x1024xf32, #tpu.memory_space<hbm>>
    %dma_start3A_510 = tpu.memref_squeeze %dma_start3A_509 : memref<1x16x1024xf32, #tpu.memory_space<hbm>> -> memref<16x1024xf32, #tpu.memory_space<hbm>>
    %dma_start3A_511 = arith.constant 0 : i32
    %dma_start3A_512 = tpu.memref_slice %arg2[%dma_start3A_507, %add3A_506, %dma_start3A_511] : memref<4x4096x1024xf32, #tpu.memory_space<hbm>> -> memref<1x16x1024xf32, #tpu.memory_space<hbm>>
    %dma_start3A_513 = tpu.memref_squeeze %dma_start3A_512 : memref<1x16x1024xf32, #tpu.memory_space<hbm>> -> memref<16x1024xf32, #tpu.memory_space<hbm>>
    tpu.enqueue_dma source(%dma_start3A_513 : memref<16x1024xf32, #tpu.memory_space<hbm>>) target(%arg5 : memref<16x1024xf32, #tpu.memory_space<vmem>>) target_semaphore(%arg12 : memref<!tpu.dma_semaphore, #tpu.memory_space<semaphore_mem>>)
    %dma_wait3A_514 = arith.constant 3 : i32
    %dma_wait3A_515 = arith.constant 0 : i32
    %dma_wait3A_516 = tpu.memref_slice %arg4[%dma_wait3A_514, %add3A_452, %dma_wait3A_515] : memref<4x4096x1024xf32, #tpu.memory_space<hbm>> -> memref<1x16x1024xf32, #tpu.memory_space<hbm>>
    %dma_wait3A_517 = tpu.memref_squeeze %dma_wait3A_516 : memref<1x16x1024xf32, #tpu.memory_space<hbm>> -> memref<16x1024xf32, #tpu.memory_space<hbm>>
    %dma_wait3A_518 = arith.constant 0 : i32
    %dma_wait3A_519 = tpu.memref_slice %arg4[%dma_wait3A_514, %add3A_452, %dma_wait3A_518] : memref<4x4096x1024xf32, #tpu.memory_space<hbm>> -> memref<1x16x1024xf32, #tpu.memory_space<hbm>>
    %dma_wait3A_520 = tpu.memref_squeeze %dma_wait3A_519 : memref<1x16x1024xf32, #tpu.memory_space<hbm>> -> memref<16x1024xf32, #tpu.memory_space<hbm>>
    tpu.wait_dma2 semaphore(%arg16 : memref<!tpu.dma_semaphore, #tpu.memory_space<semaphore_mem>>) src(%arg9 : memref<16x1024xf32, #tpu.memory_space<vmem>>) dst(%dma_wait3A_520 : memref<16x1024xf32, #tpu.memory_space<hbm>>)
    %dma_wait3A_521 = arith.constant 1 : i32
    %dma_wait3A_522 = arith.constant 0 : i32
    %dma_wait3A_523 = tpu.memref_slice %arg2[%dma_wait3A_521, %add3A_426, %dma_wait3A_522] : memref<4x4096x1024xf32, #tpu.memory_space<hbm>> -> memref<1x16x1024xf32, #tpu.memory_space<hbm>>
    %dma_wait3A_524 = tpu.memref_squeeze %dma_wait3A_523 : memref<1x16x1024xf32, #tpu.memory_space<hbm>> -> memref<16x1024xf32, #tpu.memory_space<hbm>>
    %dma_wait3A_525 = arith.constant 0 : i32
    %dma_wait3A_526 = tpu.memref_slice %arg2[%dma_wait3A_521, %add3A_426, %dma_wait3A_525] : memref<4x4096x1024xf32, #tpu.memory_space<hbm>> -> memref<1x16x1024xf32, #tpu.memory_space<hbm>>
    %dma_wait3A_527 = tpu.memref_squeeze %dma_wait3A_526 : memref<1x16x1024xf32, #tpu.memory_space<hbm>> -> memref<16x1024xf32, #tpu.memory_space<hbm>>
    tpu.wait_dma2 semaphore(%arg13 : memref<!tpu.dma_semaphore, #tpu.memory_space<semaphore_mem>>) src(%dma_wait3A_527 : memref<16x1024xf32, #tpu.memory_space<hbm>>) dst(%arg6 : memref<16x1024xf32, #tpu.memory_space<vmem>>)
    %parallel_loop3A_528 = arith.constant 0 : i32
    %parallel_loop3A_529 = arith.constant 16384 : i32
    %parallel_loop3A_530 = arith.constant 16 : i32
    scf.for %parallel_loop3A_1200 = %parallel_loop3A_528 to %parallel_loop3A_529 step %parallel_loop3A_530  : i32 {
      %parallel_loop3A_1201 = arith.constant 10 : i32
      %parallel_loop3A_1202 = arith.shrsi %parallel_loop3A_1200, %parallel_loop3A_1201 : i32
      %parallel_loop3A_1203 = arith.constant 1023 : i32
      %parallel_loop3A_1204 = arith.andi %parallel_loop3A_1200, %parallel_loop3A_1203 : i32
      %parallel_loop3A_1205 = tpu.assume_multiple %parallel_loop3A_1204, 16 : i32
      %parallel_loop3A_1206 = arith.index_cast %parallel_loop3A_1202 : i32 to index
      %parallel_loop3A_1207 = arith.index_cast %parallel_loop3A_1205 : i32 to index
      %parallel_loop3A_1208 = tpu.vector_load %arg6[%parallel_loop3A_1206, %parallel_loop3A_1207] {strides = array<i32>} : memref<16x1024xf32, #tpu.memory_space<vmem>>, vector<1x16xf32>,
      %parallel_loop3A_1209 = vector.shape_cast %parallel_loop3A_1208 : vector<1x16xf32> to vector<16xf32>
      %parallel_loop3A_1210 = arith.index_cast %parallel_loop3A_1202 : i32 to index
      %parallel_loop3A_1211 = arith.index_cast %parallel_loop3A_1205 : i32 to index
      %parallel_loop3A_1212 = tpu.vector_load %arg11[%parallel_loop3A_1210, %parallel_loop3A_1211] {strides = array<i32>} : memref<16x1024xf32, #tpu.memory_space<vmem>>, vector<1x16xf32>,
      %parallel_loop3A_1213 = vector.shape_cast %parallel_loop3A_1212 : vector<1x16xf32> to vector<16xf32>
      %parallel_loop3A_1214 = arith.addf %parallel_loop3A_1209, %parallel_loop3A_1213 : vector<16xf32>
      %parallel_loop3A_1215 = arith.index_cast %parallel_loop3A_1202 : i32 to index
      %parallel_loop3A_1216 = arith.index_cast %parallel_loop3A_1205 : i32 to index
      %parallel_loop3A_1217 = tpu.vector_load %arg9[%parallel_loop3A_1215, %parallel_loop3A_1216] {strides = array<i32>} : memref<16x1024xf32, #tpu.memory_space<vmem>>, vector<1x16xf32>,
      %parallel_loop3A_1218 = vector.shape_cast %parallel_loop3A_1217 : vector<1x16xf32> to vector<16xf32>
      %parallel_loop3A_1219 = vector.shape_cast %parallel_loop3A_1214 : vector<16xf32> to vector<1x16xf32>
      tpu.vector_store %arg9[%parallel_loop3A_1215, %parallel_loop3A_1216], %parallel_loop3A_1219 {strides = array<i32>} : memref<16x1024xf32, #tpu.memory_space<vmem>>, vector<1x16xf32>,
    } {sc.loop_unroll_factor = 8 : i64, sc.parallel_access}
    %add3A_531 = arith.constant 48 : i32
    %add3A_532 = arith.addi %mul3A_2, %add3A_531 : i32
    %dma_start3A_533 = arith.constant 1 : i32
    %dma_start3A_534 = arith.constant 0 : i32
    %dma_start3A_535 = tpu.memref_slice %arg4[%dma_start3A_533, %add3A_532, %dma_start3A_534] : memref<4x4096x1024xf32, #tpu.memory_space<hbm>> -> memref<1x16x1024xf32, #tpu.memory_space<hbm>>
    %dma_start3A_536 = tpu.memref_squeeze %dma_start3A_535 : memref<1x16x1024xf32, #tpu.memory_space<hbm>> -> memref<16x1024xf32, #tpu.memory_space<hbm>>
    %dma_start3A_537 = arith.constant 0 : i32
    %dma_start3A_538 = tpu.memref_slice %arg4[%dma_start3A_533, %add3A_532, %dma_start3A_537] : memref<4x4096x1024xf32, #tpu.memory_space<hbm>> -> memref<1x16x1024xf32, #tpu.memory_space<hbm>>
    %dma_start3A_539 = tpu.memref_squeeze %dma_start3A_538 : memref<1x16x1024xf32, #tpu.memory_space<hbm>> -> memref<16x1024xf32, #tpu.memory_space<hbm>>
    tpu.enqueue_dma source(%arg9 : memref<16x1024xf32, #tpu.memory_space<vmem>>) target(%dma_start3A_539 : memref<16x1024xf32, #tpu.memory_space<hbm>>) target_semaphore(%arg16 : memref<!tpu.dma_semaphore, #tpu.memory_space<semaphore_mem>>)
    %add3A_540 = arith.constant 64 : i32
    %add3A_541 = arith.addi %mul3A_2, %add3A_540 : i32
    %dma_start3A_542 = arith.constant 0 : i32
    %dma_start3A_543 = arith.constant 0 : i32
    %dma_start3A_544 = tpu.memref_slice %arg2[%dma_start3A_542, %add3A_541, %dma_start3A_543] : memref<4x4096x1024xf32, #tpu.memory_space<hbm>> -> memref<1x16x1024xf32, #tpu.memory_space<hbm>>
    %dma_start3A_545 = tpu.memref_squeeze %dma_start3A_544 : memref<1x16x1024xf32, #tpu.memory_space<hbm>> -> memref<16x1024xf32, #tpu.memory_space<hbm>>
    %dma_start3A_546 = arith.constant 0 : i32
    %dma_start3A_547 = tpu.memref_slice %arg2[%dma_start3A_542, %add3A_541, %dma_start3A_546] : memref<4x4096x1024xf32, #tpu.memory_space<hbm>> -> memref<1x16x1024xf32, #tpu.memory_space<hbm>>
    %dma_start3A_548 = tpu.memref_squeeze %dma_start3A_547 : memref<1x16x1024xf32, #tpu.memory_space<hbm>> -> memref<16x1024xf32, #tpu.memory_space<hbm>>
    tpu.enqueue_dma source(%dma_start3A_548 : memref<16x1024xf32, #tpu.memory_space<hbm>>) target(%arg6 : memref<16x1024xf32, #tpu.memory_space<vmem>>) target_semaphore(%arg13 : memref<!tpu.dma_semaphore, #tpu.memory_space<semaphore_mem>>)
    %dma_wait3A_549 = arith.constant 0 : i32
    %dma_wait3A_550 = arith.constant 0 : i32
    %dma_wait3A_551 = tpu.memref_slice %arg4[%dma_wait3A_549, %add3A_497, %dma_wait3A_550] : memref<4x4096x1024xf32, #tpu.memory_space<hbm>> -> memref<1x16x1024xf32, #tpu.memory_space<hbm>>
    %dma_wait3A_552 = tpu.memref_squeeze %dma_wait3A_551 : memref<1x16x1024xf32, #tpu.memory_space<hbm>> -> memref<16x1024xf32, #tpu.memory_space<hbm>>
    %dma_wait3A_553 = arith.constant 0 : i32
    %dma_wait3A_554 = tpu.memref_slice %arg4[%dma_wait3A_549, %add3A_497, %dma_wait3A_553] : memref<4x4096x1024xf32, #tpu.memory_space<hbm>> -> memref<1x16x1024xf32, #tpu.memory_space<hbm>>
    %dma_wait3A_555 = tpu.memref_squeeze %dma_wait3A_554 : memref<1x16x1024xf32, #tpu.memory_space<hbm>> -> memref<16x1024xf32, #tpu.memory_space<hbm>>
    tpu.wait_dma2 semaphore(%arg15 : memref<!tpu.dma_semaphore, #tpu.memory_space<semaphore_mem>>) src(%arg8 : memref<16x1024xf32, #tpu.memory_space<vmem>>) dst(%dma_wait3A_555 : memref<16x1024xf32, #tpu.memory_space<hbm>>)
    %dma_wait3A_556 = arith.constant 2 : i32
    %dma_wait3A_557 = arith.constant 0 : i32
    %dma_wait3A_558 = tpu.memref_slice %arg2[%dma_wait3A_556, %add3A_461, %dma_wait3A_557] : memref<4x4096x1024xf32, #tpu.memory_space<hbm>> -> memref<1x16x1024xf32, #tpu.memory_space<hbm>>
    %dma_wait3A_559 = tpu.memref_squeeze %dma_wait3A_558 : memref<1x16x1024xf32, #tpu.memory_space<hbm>> -> memref<16x1024xf32, #tpu.memory_space<hbm>>
    %dma_wait3A_560 = arith.constant 0 : i32
    %dma_wait3A_561 = tpu.memref_slice %arg2[%dma_wait3A_556, %add3A_461, %dma_wait3A_560] : memref<4x4096x1024xf32, #tpu.memory_space<hbm>> -> memref<1x16x1024xf32, #tpu.memory_space<hbm>>
    %dma_wait3A_562 = tpu.memref_squeeze %dma_wait3A_561 : memref<1x16x1024xf32, #tpu.memory_space<hbm>> -> memref<16x1024xf32, #tpu.memory_space<hbm>>
    tpu.wait_dma2 semaphore(%arg14 : memref<!tpu.dma_semaphore, #tpu.memory_space<semaphore_mem>>) src(%dma_wait3A_562 : memref<16x1024xf32, #tpu.memory_space<hbm>>) dst(%arg7 : memref<16x1024xf32, #tpu.memory_space<vmem>>)
    %parallel_loop3A_563 = arith.constant 0 : i32
    %parallel_loop3A_564 = arith.constant 16384 : i32
    %parallel_loop3A_565 = arith.constant 16 : i32
    scf.for %parallel_loop3A_1200 = %parallel_loop3A_563 to %parallel_loop3A_564 step %parallel_loop3A_565  : i32 {
      %parallel_loop3A_1201 = arith.constant 10 : i32
      %parallel_loop3A_1202 = arith.shrsi %parallel_loop3A_1200, %parallel_loop3A_1201 : i32
      %parallel_loop3A_1203 = arith.constant 1023 : i32
      %parallel_loop3A_1204 = arith.andi %parallel_loop3A_1200, %parallel_loop3A_1203 : i32
      %parallel_loop3A_1205 = tpu.assume_multiple %parallel_loop3A_1204, 16 : i32
      %parallel_loop3A_1206 = arith.index_cast %parallel_loop3A_1202 : i32 to index
      %parallel_loop3A_1207 = arith.index_cast %parallel_loop3A_1205 : i32 to index
      %parallel_loop3A_1208 = tpu.vector_load %arg7[%parallel_loop3A_1206, %parallel_loop3A_1207] {strides = array<i32>} : memref<16x1024xf32, #tpu.memory_space<vmem>>, vector<1x16xf32>,
      %parallel_loop3A_1209 = vector.shape_cast %parallel_loop3A_1208 : vector<1x16xf32> to vector<16xf32>
      %parallel_loop3A_1210 = arith.index_cast %parallel_loop3A_1202 : i32 to index
      %parallel_loop3A_1211 = arith.index_cast %parallel_loop3A_1205 : i32 to index
      %parallel_loop3A_1212 = tpu.vector_load %arg11[%parallel_loop3A_1210, %parallel_loop3A_1211] {strides = array<i32>} : memref<16x1024xf32, #tpu.memory_space<vmem>>, vector<1x16xf32>,
      %parallel_loop3A_1213 = vector.shape_cast %parallel_loop3A_1212 : vector<1x16xf32> to vector<16xf32>
      %parallel_loop3A_1214 = arith.addf %parallel_loop3A_1209, %parallel_loop3A_1213 : vector<16xf32>
      %parallel_loop3A_1215 = arith.index_cast %parallel_loop3A_1202 : i32 to index
      %parallel_loop3A_1216 = arith.index_cast %parallel_loop3A_1205 : i32 to index
      %parallel_loop3A_1217 = tpu.vector_load %arg8[%parallel_loop3A_1215, %parallel_loop3A_1216] {strides = array<i32>} : memref<16x1024xf32, #tpu.memory_space<vmem>>, vector<1x16xf32>,
      %parallel_loop3A_1218 = vector.shape_cast %parallel_loop3A_1217 : vector<1x16xf32> to vector<16xf32>
      %parallel_loop3A_1219 = vector.shape_cast %parallel_loop3A_1214 : vector<16xf32> to vector<1x16xf32>
      tpu.vector_store %arg8[%parallel_loop3A_1215, %parallel_loop3A_1216], %parallel_loop3A_1219 {strides = array<i32>} : memref<16x1024xf32, #tpu.memory_space<vmem>>, vector<1x16xf32>,
    } {sc.loop_unroll_factor = 8 : i64, sc.parallel_access}
    %add3A_566 = arith.constant 48 : i32
    %add3A_567 = arith.addi %mul3A_2, %add3A_566 : i32
    %dma_start3A_568 = arith.constant 2 : i32
    %dma_start3A_569 = arith.constant 0 : i32
    %dma_start3A_570 = tpu.memref_slice %arg4[%dma_start3A_568, %add3A_567, %dma_start3A_569] : memref<4x4096x1024xf32, #tpu.memory_space<hbm>> -> memref<1x16x1024xf32, #tpu.memory_space<hbm>>
    %dma_start3A_571 = tpu.memref_squeeze %dma_start3A_570 : memref<1x16x1024xf32, #tpu.memory_space<hbm>> -> memref<16x1024xf32, #tpu.memory_space<hbm>>
    %dma_start3A_572 = arith.constant 0 : i32
    %dma_start3A_573 = tpu.memref_slice %arg4[%dma_start3A_568, %add3A_567, %dma_start3A_572] : memref<4x4096x1024xf32, #tpu.memory_space<hbm>> -> memref<1x16x1024xf32, #tpu.memory_space<hbm>>
    %dma_start3A_574 = tpu.memref_squeeze %dma_start3A_573 : memref<1x16x1024xf32, #tpu.memory_space<hbm>> -> memref<16x1024xf32, #tpu.memory_space<hbm>>
    tpu.enqueue_dma source(%arg8 : memref<16x1024xf32, #tpu.memory_space<vmem>>) target(%dma_start3A_574 : memref<16x1024xf32, #tpu.memory_space<hbm>>) target_semaphore(%arg15 : memref<!tpu.dma_semaphore, #tpu.memory_space<semaphore_mem>>)
    %add3A_575 = arith.constant 64 : i32
    %add3A_576 = arith.addi %mul3A_2, %add3A_575 : i32
    %dma_start3A_577 = arith.constant 1 : i32
    %dma_start3A_578 = arith.constant 0 : i32
    %dma_start3A_579 = tpu.memref_slice %arg2[%dma_start3A_577, %add3A_576, %dma_start3A_578] : memref<4x4096x1024xf32, #tpu.memory_space<hbm>> -> memref<1x16x1024xf32, #tpu.memory_space<hbm>>
    %dma_start3A_580 = tpu.memref_squeeze %dma_start3A_579 : memref<1x16x1024xf32, #tpu.memory_space<hbm>> -> memref<16x1024xf32, #tpu.memory_space<hbm>>
    %dma_start3A_581 = arith.constant 0 : i32
    %dma_start3A_582 = tpu.memref_slice %arg2[%dma_start3A_577, %add3A_576, %dma_start3A_581] : memref<4x4096x1024xf32, #tpu.memory_space<hbm>> -> memref<1x16x1024xf32, #tpu.memory_space<hbm>>
    %dma_start3A_583 = tpu.memref_squeeze %dma_start3A_582 : memref<1x16x1024xf32, #tpu.memory_space<hbm>> -> memref<16x1024xf32, #tpu.memory_space<hbm>>
    tpu.enqueue_dma source(%dma_start3A_583 : memref<16x1024xf32, #tpu.memory_space<hbm>>) target(%arg7 : memref<16x1024xf32, #tpu.memory_space<vmem>>) target_semaphore(%arg14 : memref<!tpu.dma_semaphore, #tpu.memory_space<semaphore_mem>>)
    %dma_wait3A_584 = arith.constant 1 : i32
    %dma_wait3A_585 = arith.constant 0 : i32
    %dma_wait3A_586 = tpu.memref_slice %arg4[%dma_wait3A_584, %add3A_532, %dma_wait3A_585] : memref<4x4096x1024xf32, #tpu.memory_space<hbm>> -> memref<1x16x1024xf32, #tpu.memory_space<hbm>>
    %dma_wait3A_587 = tpu.memref_squeeze %dma_wait3A_586 : memref<1x16x1024xf32, #tpu.memory_space<hbm>> -> memref<16x1024xf32, #tpu.memory_space<hbm>>
    %dma_wait3A_588 = arith.constant 0 : i32
    %dma_wait3A_589 = tpu.memref_slice %arg4[%dma_wait3A_584, %add3A_532, %dma_wait3A_588] : memref<4x4096x1024xf32, #tpu.memory_space<hbm>> -> memref<1x16x1024xf32, #tpu.memory_space<hbm>>
    %dma_wait3A_590 = tpu.memref_squeeze %dma_wait3A_589 : memref<1x16x1024xf32, #tpu.memory_space<hbm>> -> memref<16x1024xf32, #tpu.memory_space<hbm>>
    tpu.wait_dma2 semaphore(%arg16 : memref<!tpu.dma_semaphore, #tpu.memory_space<semaphore_mem>>) src(%arg9 : memref<16x1024xf32, #tpu.memory_space<vmem>>) dst(%dma_wait3A_590 : memref<16x1024xf32, #tpu.memory_space<hbm>>)
    %dma_wait3A_591 = arith.constant 3 : i32
    %dma_wait3A_592 = arith.constant 0 : i32
    %dma_wait3A_593 = tpu.memref_slice %arg2[%dma_wait3A_591, %add3A_506, %dma_wait3A_592] : memref<4x4096x1024xf32, #tpu.memory_space<hbm>> -> memref<1x16x1024xf32, #tpu.memory_space<hbm>>
    %dma_wait3A_594 = tpu.memref_squeeze %dma_wait3A_593 : memref<1x16x1024xf32, #tpu.memory_space<hbm>> -> memref<16x1024xf32, #tpu.memory_space<hbm>>
    %dma_wait3A_595 = arith.constant 0 : i32
    %dma_wait3A_596 = tpu.memref_slice %arg2[%dma_wait3A_591, %add3A_506, %dma_wait3A_595] : memref<4x4096x1024xf32, #tpu.memory_space<hbm>> -> memref<1x16x1024xf32, #tpu.memory_space<hbm>>
    %dma_wait3A_597 = tpu.memref_squeeze %dma_wait3A_596 : memref<1x16x1024xf32, #tpu.memory_space<hbm>> -> memref<16x1024xf32, #tpu.memory_space<hbm>>
    tpu.wait_dma2 semaphore(%arg12 : memref<!tpu.dma_semaphore, #tpu.memory_space<semaphore_mem>>) src(%dma_wait3A_597 : memref<16x1024xf32, #tpu.memory_space<hbm>>) dst(%arg5 : memref<16x1024xf32, #tpu.memory_space<vmem>>)
    %parallel_loop3A_598 = arith.constant 0 : i32
    %parallel_loop3A_599 = arith.constant 16384 : i32
    %parallel_loop3A_600 = arith.constant 16 : i32
    scf.for %parallel_loop3A_1200 = %parallel_loop3A_598 to %parallel_loop3A_599 step %parallel_loop3A_600  : i32 {
      %parallel_loop3A_1201 = arith.constant 10 : i32
      %parallel_loop3A_1202 = arith.shrsi %parallel_loop3A_1200, %parallel_loop3A_1201 : i32
      %parallel_loop3A_1203 = arith.constant 1023 : i32
      %parallel_loop3A_1204 = arith.andi %parallel_loop3A_1200, %parallel_loop3A_1203 : i32
      %parallel_loop3A_1205 = tpu.assume_multiple %parallel_loop3A_1204, 16 : i32
      %parallel_loop3A_1206 = arith.index_cast %parallel_loop3A_1202 : i32 to index
      %parallel_loop3A_1207 = arith.index_cast %parallel_loop3A_1205 : i32 to index
      %parallel_loop3A_1208 = tpu.vector_load %arg5[%parallel_loop3A_1206, %parallel_loop3A_1207] {strides = array<i32>} : memref<16x1024xf32, #tpu.memory_space<vmem>>, vector<1x16xf32>,
      %parallel_loop3A_1209 = vector.shape_cast %parallel_loop3A_1208 : vector<1x16xf32> to vector<16xf32>
      %parallel_loop3A_1210 = arith.index_cast %parallel_loop3A_1202 : i32 to index
      %parallel_loop3A_1211 = arith.index_cast %parallel_loop3A_1205 : i32 to index
      %parallel_loop3A_1212 = tpu.vector_load %arg11[%parallel_loop3A_1210, %parallel_loop3A_1211] {strides = array<i32>} : memref<16x1024xf32, #tpu.memory_space<vmem>>, vector<1x16xf32>,
      %parallel_loop3A_1213 = vector.shape_cast %parallel_loop3A_1212 : vector<1x16xf32> to vector<16xf32>
      %parallel_loop3A_1214 = arith.addf %parallel_loop3A_1209, %parallel_loop3A_1213 : vector<16xf32>
      %parallel_loop3A_1215 = arith.index_cast %parallel_loop3A_1202 : i32 to index
      %parallel_loop3A_1216 = arith.index_cast %parallel_loop3A_1205 : i32 to index
      %parallel_loop3A_1217 = tpu.vector_load %arg9[%parallel_loop3A_1215, %parallel_loop3A_1216] {strides = array<i32>} : memref<16x1024xf32, #tpu.memory_space<vmem>>, vector<1x16xf32>,
      %parallel_loop3A_1218 = vector.shape_cast %parallel_loop3A_1217 : vector<1x16xf32> to vector<16xf32>
      %parallel_loop3A_1219 = vector.shape_cast %parallel_loop3A_1214 : vector<16xf32> to vector<1x16xf32>
      tpu.vector_store %arg9[%parallel_loop3A_1215, %parallel_loop3A_1216], %parallel_loop3A_1219 {strides = array<i32>} : memref<16x1024xf32, #tpu.memory_space<vmem>>, vector<1x16xf32>,
    } {sc.loop_unroll_factor = 8 : i64, sc.parallel_access}
    %add3A_601 = arith.constant 48 : i32
    %add3A_602 = arith.addi %mul3A_2, %add3A_601 : i32
    %dma_start3A_603 = arith.constant 3 : i32
    %dma_start3A_604 = arith.constant 0 : i32
    %dma_start3A_605 = tpu.memref_slice %arg4[%dma_start3A_603, %add3A_602, %dma_start3A_604] : memref<4x4096x1024xf32, #tpu.memory_space<hbm>> -> memref<1x16x1024xf32, #tpu.memory_space<hbm>>
    %dma_start3A_606 = tpu.memref_squeeze %dma_start3A_605 : memref<1x16x1024xf32, #tpu.memory_space<hbm>> -> memref<16x1024xf32, #tpu.memory_space<hbm>>
    %dma_start3A_607 = arith.constant 0 : i32
    %dma_start3A_608 = tpu.memref_slice %arg4[%dma_start3A_603, %add3A_602, %dma_start3A_607] : memref<4x4096x1024xf32, #tpu.memory_space<hbm>> -> memref<1x16x1024xf32, #tpu.memory_space<hbm>>
    %dma_start3A_609 = tpu.memref_squeeze %dma_start3A_608 : memref<1x16x1024xf32, #tpu.memory_space<hbm>> -> memref<16x1024xf32, #tpu.memory_space<hbm>>
    tpu.enqueue_dma source(%arg9 : memref<16x1024xf32, #tpu.memory_space<vmem>>) target(%dma_start3A_609 : memref<16x1024xf32, #tpu.memory_space<hbm>>) target_semaphore(%arg16 : memref<!tpu.dma_semaphore, #tpu.memory_space<semaphore_mem>>)
    %add3A_610 = arith.constant 64 : i32
    %add3A_611 = arith.addi %mul3A_2, %add3A_610 : i32
    %dma_start3A_612 = arith.constant 2 : i32
    %dma_start3A_613 = arith.constant 0 : i32
    %dma_start3A_614 = tpu.memref_slice %arg2[%dma_start3A_612, %add3A_611, %dma_start3A_613] : memref<4x4096x1024xf32, #tpu.memory_space<hbm>> -> memref<1x16x1024xf32, #tpu.memory_space<hbm>>
    %dma_start3A_615 = tpu.memref_squeeze %dma_start3A_614 : memref<1x16x1024xf32, #tpu.memory_space<hbm>> -> memref<16x1024xf32, #tpu.memory_space<hbm>>
    %dma_start3A_616 = arith.constant 0 : i32
    %dma_start3A_617 = tpu.memref_slice %arg2[%dma_start3A_612, %add3A_611, %dma_start3A_616] : memref<4x4096x1024xf32, #tpu.memory_space<hbm>> -> memref<1x16x1024xf32, #tpu.memory_space<hbm>>
    %dma_start3A_618 = tpu.memref_squeeze %dma_start3A_617 : memref<1x16x1024xf32, #tpu.memory_space<hbm>> -> memref<16x1024xf32, #tpu.memory_space<hbm>>
    tpu.enqueue_dma source(%dma_start3A_618 : memref<16x1024xf32, #tpu.memory_space<hbm>>) target(%arg5 : memref<16x1024xf32, #tpu.memory_space<vmem>>) target_semaphore(%arg12 : memref<!tpu.dma_semaphore, #tpu.memory_space<semaphore_mem>>)
    %add3A_619 = arith.constant 80 : i32
    %add3A_620 = arith.addi %mul3A_2, %add3A_619 : i32
    %dma_start3A_621 = arith.constant 0 : i32
    %dma_start3A_622 = tpu.memref_slice %arg3[%add3A_620, %dma_start3A_621] : memref<4096x1024xf32, #tpu.memory_space<hbm>> -> memref<16x1024xf32, #tpu.memory_space<hbm>>
    %dma_start3A_623 = arith.constant 0 : i32
    %dma_start3A_624 = tpu.memref_slice %arg3[%add3A_620, %dma_start3A_623] : memref<4096x1024xf32, #tpu.memory_space<hbm>> -> memref<16x1024xf32, #tpu.memory_space<hbm>>
    tpu.enqueue_dma source(%dma_start3A_624 : memref<16x1024xf32, #tpu.memory_space<hbm>>) target(%arg11 : memref<16x1024xf32, #tpu.memory_space<vmem>>) target_semaphore(%arg18 : memref<!tpu.dma_semaphore, #tpu.memory_space<semaphore_mem>>)
    %dma_wait3A_625 = arith.constant 2 : i32
    %dma_wait3A_626 = arith.constant 0 : i32
    %dma_wait3A_627 = tpu.memref_slice %arg4[%dma_wait3A_625, %add3A_567, %dma_wait3A_626] : memref<4x4096x1024xf32, #tpu.memory_space<hbm>> -> memref<1x16x1024xf32, #tpu.memory_space<hbm>>
    %dma_wait3A_628 = tpu.memref_squeeze %dma_wait3A_627 : memref<1x16x1024xf32, #tpu.memory_space<hbm>> -> memref<16x1024xf32, #tpu.memory_space<hbm>>
    %dma_wait3A_629 = arith.constant 0 : i32
    %dma_wait3A_630 = tpu.memref_slice %arg4[%dma_wait3A_625, %add3A_567, %dma_wait3A_629] : memref<4x4096x1024xf32, #tpu.memory_space<hbm>> -> memref<1x16x1024xf32, #tpu.memory_space<hbm>>
    %dma_wait3A_631 = tpu.memref_squeeze %dma_wait3A_630 : memref<1x16x1024xf32, #tpu.memory_space<hbm>> -> memref<16x1024xf32, #tpu.memory_space<hbm>>
    tpu.wait_dma2 semaphore(%arg15 : memref<!tpu.dma_semaphore, #tpu.memory_space<semaphore_mem>>) src(%arg8 : memref<16x1024xf32, #tpu.memory_space<vmem>>) dst(%dma_wait3A_631 : memref<16x1024xf32, #tpu.memory_space<hbm>>)
    %dma_wait3A_632 = arith.constant 0 : i32
    %dma_wait3A_633 = tpu.memref_slice %arg3[%add3A_470, %dma_wait3A_632] : memref<4096x1024xf32, #tpu.memory_space<hbm>> -> memref<16x1024xf32, #tpu.memory_space<hbm>>
    %dma_wait3A_634 = arith.constant 0 : i32
    %dma_wait3A_635 = tpu.memref_slice %arg3[%add3A_470, %dma_wait3A_634] : memref<4096x1024xf32, #tpu.memory_space<hbm>> -> memref<16x1024xf32, #tpu.memory_space<hbm>>
    tpu.wait_dma2 semaphore(%arg17 : memref<!tpu.dma_semaphore, #tpu.memory_space<semaphore_mem>>) src(%dma_wait3A_635 : memref<16x1024xf32, #tpu.memory_space<hbm>>) dst(%arg10 : memref<16x1024xf32, #tpu.memory_space<vmem>>)
    %dma_wait3A_636 = arith.constant 0 : i32
    %dma_wait3A_637 = arith.constant 0 : i32
    %dma_wait3A_638 = tpu.memref_slice %arg2[%dma_wait3A_636, %add3A_541, %dma_wait3A_637] : memref<4x4096x1024xf32, #tpu.memory_space<hbm>> -> memref<1x16x1024xf32, #tpu.memory_space<hbm>>
    %dma_wait3A_639 = tpu.memref_squeeze %dma_wait3A_638 : memref<1x16x1024xf32, #tpu.memory_space<hbm>> -> memref<16x1024xf32, #tpu.memory_space<hbm>>
    %dma_wait3A_640 = arith.constant 0 : i32
    %dma_wait3A_641 = tpu.memref_slice %arg2[%dma_wait3A_636, %add3A_541, %dma_wait3A_640] : memref<4x4096x1024xf32, #tpu.memory_space<hbm>> -> memref<1x16x1024xf32, #tpu.memory_space<hbm>>
    %dma_wait3A_642 = tpu.memref_squeeze %dma_wait3A_641 : memref<1x16x1024xf32, #tpu.memory_space<hbm>> -> memref<16x1024xf32, #tpu.memory_space<hbm>>
    tpu.wait_dma2 semaphore(%arg13 : memref<!tpu.dma_semaphore, #tpu.memory_space<semaphore_mem>>) src(%dma_wait3A_642 : memref<16x1024xf32, #tpu.memory_space<hbm>>) dst(%arg6 : memref<16x1024xf32, #tpu.memory_space<vmem>>)
    %parallel_loop3A_643 = arith.constant 0 : i32
    %parallel_loop3A_644 = arith.constant 16384 : i32
    %parallel_loop3A_645 = arith.constant 16 : i32
    scf.for %parallel_loop3A_1200 = %parallel_loop3A_643 to %parallel_loop3A_644 step %parallel_loop3A_645  : i32 {
      %parallel_loop3A_1201 = arith.constant 10 : i32
      %parallel_loop3A_1202 = arith.shrsi %parallel_loop3A_1200, %parallel_loop3A_1201 : i32
      %parallel_loop3A_1203 = arith.constant 1023 : i32
      %parallel_loop3A_1204 = arith.andi %parallel_loop3A_1200, %parallel_loop3A_1203 : i32
      %parallel_loop3A_1205 = tpu.assume_multiple %parallel_loop3A_1204, 16 : i32
      %parallel_loop3A_1206 = arith.index_cast %parallel_loop3A_1202 : i32 to index
      %parallel_loop3A_1207 = arith.index_cast %parallel_loop3A_1205 : i32 to index
      %parallel_loop3A_1208 = tpu.vector_load %arg6[%parallel_loop3A_1206, %parallel_loop3A_1207] {strides = array<i32>} : memref<16x1024xf32, #tpu.memory_space<vmem>>, vector<1x16xf32>,
      %parallel_loop3A_1209 = vector.shape_cast %parallel_loop3A_1208 : vector<1x16xf32> to vector<16xf32>
      %parallel_loop3A_1210 = arith.index_cast %parallel_loop3A_1202 : i32 to index
      %parallel_loop3A_1211 = arith.index_cast %parallel_loop3A_1205 : i32 to index
      %parallel_loop3A_1212 = tpu.vector_load %arg10[%parallel_loop3A_1210, %parallel_loop3A_1211] {strides = array<i32>} : memref<16x1024xf32, #tpu.memory_space<vmem>>, vector<1x16xf32>,
      %parallel_loop3A_1213 = vector.shape_cast %parallel_loop3A_1212 : vector<1x16xf32> to vector<16xf32>
      %parallel_loop3A_1214 = arith.addf %parallel_loop3A_1209, %parallel_loop3A_1213 : vector<16xf32>
      %parallel_loop3A_1215 = arith.index_cast %parallel_loop3A_1202 : i32 to index
      %parallel_loop3A_1216 = arith.index_cast %parallel_loop3A_1205 : i32 to index
      %parallel_loop3A_1217 = tpu.vector_load %arg8[%parallel_loop3A_1215, %parallel_loop3A_1216] {strides = array<i32>} : memref<16x1024xf32, #tpu.memory_space<vmem>>, vector<1x16xf32>,
      %parallel_loop3A_1218 = vector.shape_cast %parallel_loop3A_1217 : vector<1x16xf32> to vector<16xf32>
      %parallel_loop3A_1219 = vector.shape_cast %parallel_loop3A_1214 : vector<16xf32> to vector<1x16xf32>
      tpu.vector_store %arg8[%parallel_loop3A_1215, %parallel_loop3A_1216], %parallel_loop3A_1219 {strides = array<i32>} : memref<16x1024xf32, #tpu.memory_space<vmem>>, vector<1x16xf32>,
    } {sc.loop_unroll_factor = 8 : i64, sc.parallel_access}
    %add3A_646 = arith.constant 64 : i32
    %add3A_647 = arith.addi %mul3A_2, %add3A_646 : i32
    %dma_start3A_648 = arith.constant 0 : i32
    %dma_start3A_649 = arith.constant 0 : i32
    %dma_start3A_650 = tpu.memref_slice %arg4[%dma_start3A_648, %add3A_647, %dma_start3A_649] : memref<4x4096x1024xf32, #tpu.memory_space<hbm>> -> memref<1x16x1024xf32, #tpu.memory_space<hbm>>
    %dma_start3A_651 = tpu.memref_squeeze %dma_start3A_650 : memref<1x16x1024xf32, #tpu.memory_space<hbm>> -> memref<16x1024xf32, #tpu.memory_space<hbm>>
    %dma_start3A_652 = arith.constant 0 : i32
    %dma_start3A_653 = tpu.memref_slice %arg4[%dma_start3A_648, %add3A_647, %dma_start3A_652] : memref<4x4096x1024xf32, #tpu.memory_space<hbm>> -> memref<1x16x1024xf32, #tpu.memory_space<hbm>>
    %dma_start3A_654 = tpu.memref_squeeze %dma_start3A_653 : memref<1x16x1024xf32, #tpu.memory_space<hbm>> -> memref<16x1024xf32, #tpu.memory_space<hbm>>
    tpu.enqueue_dma source(%arg8 : memref<16x1024xf32, #tpu.memory_space<vmem>>) target(%dma_start3A_654 : memref<16x1024xf32, #tpu.memory_space<hbm>>) target_semaphore(%arg15 : memref<!tpu.dma_semaphore, #tpu.memory_space<semaphore_mem>>)
    %add3A_655 = arith.constant 64 : i32
    %add3A_656 = arith.addi %mul3A_2, %add3A_655 : i32
    %dma_start3A_657 = arith.constant 3 : i32
    %dma_start3A_658 = arith.constant 0 : i32
    %dma_start3A_659 = tpu.memref_slice %arg2[%dma_start3A_657, %add3A_656, %dma_start3A_658] : memref<4x4096x1024xf32, #tpu.memory_space<hbm>> -> memref<1x16x1024xf32, #tpu.memory_space<hbm>>
    %dma_start3A_660 = tpu.memref_squeeze %dma_start3A_659 : memref<1x16x1024xf32, #tpu.memory_space<hbm>> -> memref<16x1024xf32, #tpu.memory_space<hbm>>
    %dma_start3A_661 = arith.constant 0 : i32
    %dma_start3A_662 = tpu.memref_slice %arg2[%dma_start3A_657, %add3A_656, %dma_start3A_661] : memref<4x4096x1024xf32, #tpu.memory_space<hbm>> -> memref<1x16x1024xf32, #tpu.memory_space<hbm>>
    %dma_start3A_663 = tpu.memref_squeeze %dma_start3A_662 : memref<1x16x1024xf32, #tpu.memory_space<hbm>> -> memref<16x1024xf32, #tpu.memory_space<hbm>>
    tpu.enqueue_dma source(%dma_start3A_663 : memref<16x1024xf32, #tpu.memory_space<hbm>>) target(%arg6 : memref<16x1024xf32, #tpu.memory_space<vmem>>) target_semaphore(%arg13 : memref<!tpu.dma_semaphore, #tpu.memory_space<semaphore_mem>>)
    %dma_wait3A_664 = arith.constant 3 : i32
    %dma_wait3A_665 = arith.constant 0 : i32
    %dma_wait3A_666 = tpu.memref_slice %arg4[%dma_wait3A_664, %add3A_602, %dma_wait3A_665] : memref<4x4096x1024xf32, #tpu.memory_space<hbm>> -> memref<1x16x1024xf32, #tpu.memory_space<hbm>>
    %dma_wait3A_667 = tpu.memref_squeeze %dma_wait3A_666 : memref<1x16x1024xf32, #tpu.memory_space<hbm>> -> memref<16x1024xf32, #tpu.memory_space<hbm>>
    %dma_wait3A_668 = arith.constant 0 : i32
    %dma_wait3A_669 = tpu.memref_slice %arg4[%dma_wait3A_664, %add3A_602, %dma_wait3A_668] : memref<4x4096x1024xf32, #tpu.memory_space<hbm>> -> memref<1x16x1024xf32, #tpu.memory_space<hbm>>
    %dma_wait3A_670 = tpu.memref_squeeze %dma_wait3A_669 : memref<1x16x1024xf32, #tpu.memory_space<hbm>> -> memref<16x1024xf32, #tpu.memory_space<hbm>>
    tpu.wait_dma2 semaphore(%arg16 : memref<!tpu.dma_semaphore, #tpu.memory_space<semaphore_mem>>) src(%arg9 : memref<16x1024xf32, #tpu.memory_space<vmem>>) dst(%dma_wait3A_670 : memref<16x1024xf32, #tpu.memory_space<hbm>>)
    %dma_wait3A_671 = arith.constant 1 : i32
    %dma_wait3A_672 = arith.constant 0 : i32
    %dma_wait3A_673 = tpu.memref_slice %arg2[%dma_wait3A_671, %add3A_576, %dma_wait3A_672] : memref<4x4096x1024xf32, #tpu.memory_space<hbm>> -> memref<1x16x1024xf32, #tpu.memory_space<hbm>>
    %dma_wait3A_674 = tpu.memref_squeeze %dma_wait3A_673 : memref<1x16x1024xf32, #tpu.memory_space<hbm>> -> memref<16x1024xf32, #tpu.memory_space<hbm>>
    %dma_wait3A_675 = arith.constant 0 : i32
    %dma_wait3A_676 = tpu.memref_slice %arg2[%dma_wait3A_671, %add3A_576, %dma_wait3A_675] : memref<4x4096x1024xf32, #tpu.memory_space<hbm>> -> memref<1x16x1024xf32, #tpu.memory_space<hbm>>
    %dma_wait3A_677 = tpu.memref_squeeze %dma_wait3A_676 : memref<1x16x1024xf32, #tpu.memory_space<hbm>> -> memref<16x1024xf32, #tpu.memory_space<hbm>>
    tpu.wait_dma2 semaphore(%arg14 : memref<!tpu.dma_semaphore, #tpu.memory_space<semaphore_mem>>) src(%dma_wait3A_677 : memref<16x1024xf32, #tpu.memory_space<hbm>>) dst(%arg7 : memref<16x1024xf32, #tpu.memory_space<vmem>>)
    %parallel_loop3A_678 = arith.constant 0 : i32
    %parallel_loop3A_679 = arith.constant 16384 : i32
    %parallel_loop3A_680 = arith.constant 16 : i32
    scf.for %parallel_loop3A_1200 = %parallel_loop3A_678 to %parallel_loop3A_679 step %parallel_loop3A_680  : i32 {
      %parallel_loop3A_1201 = arith.constant 10 : i32
      %parallel_loop3A_1202 = arith.shrsi %parallel_loop3A_1200, %parallel_loop3A_1201 : i32
      %parallel_loop3A_1203 = arith.constant 1023 : i32
      %parallel_loop3A_1204 = arith.andi %parallel_loop3A_1200, %parallel_loop3A_1203 : i32
      %parallel_loop3A_1205 = tpu.assume_multiple %parallel_loop3A_1204, 16 : i32
      %parallel_loop3A_1206 = arith.index_cast %parallel_loop3A_1202 : i32 to index
      %parallel_loop3A_1207 = arith.index_cast %parallel_loop3A_1205 : i32 to index
      %parallel_loop3A_1208 = tpu.vector_load %arg7[%parallel_loop3A_1206, %parallel_loop3A_1207] {strides = array<i32>} : memref<16x1024xf32, #tpu.memory_space<vmem>>, vector<1x16xf32>,
      %parallel_loop3A_1209 = vector.shape_cast %parallel_loop3A_1208 : vector<1x16xf32> to vector<16xf32>
      %parallel_loop3A_1210 = arith.index_cast %parallel_loop3A_1202 : i32 to index
      %parallel_loop3A_1211 = arith.index_cast %parallel_loop3A_1205 : i32 to index
      %parallel_loop3A_1212 = tpu.vector_load %arg10[%parallel_loop3A_1210, %parallel_loop3A_1211] {strides = array<i32>} : memref<16x1024xf32, #tpu.memory_space<vmem>>, vector<1x16xf32>,
      %parallel_loop3A_1213 = vector.shape_cast %parallel_loop3A_1212 : vector<1x16xf32> to vector<16xf32>
      %parallel_loop3A_1214 = arith.addf %parallel_loop3A_1209, %parallel_loop3A_1213 : vector<16xf32>
      %parallel_loop3A_1215 = arith.index_cast %parallel_loop3A_1202 : i32 to index
      %parallel_loop3A_1216 = arith.index_cast %parallel_loop3A_1205 : i32 to index
      %parallel_loop3A_1217 = tpu.vector_load %arg9[%parallel_loop3A_1215, %parallel_loop3A_1216] {strides = array<i32>} : memref<16x1024xf32, #tpu.memory_space<vmem>>, vector<1x16xf32>,
      %parallel_loop3A_1218 = vector.shape_cast %parallel_loop3A_1217 : vector<1x16xf32> to vector<16xf32>
      %parallel_loop3A_1219 = vector.shape_cast %parallel_loop3A_1214 : vector<16xf32> to vector<1x16xf32>
      tpu.vector_store %arg9[%parallel_loop3A_1215, %parallel_loop3A_1216], %parallel_loop3A_1219 {strides = array<i32>} : memref<16x1024xf32, #tpu.memory_space<vmem>>, vector<1x16xf32>,
    } {sc.loop_unroll_factor = 8 : i64, sc.parallel_access}
    %add3A_681 = arith.constant 64 : i32
    %add3A_682 = arith.addi %mul3A_2, %add3A_681 : i32
    %dma_start3A_683 = arith.constant 1 : i32
    %dma_start3A_684 = arith.constant 0 : i32
    %dma_start3A_685 = tpu.memref_slice %arg4[%dma_start3A_683, %add3A_682, %dma_start3A_684] : memref<4x4096x1024xf32, #tpu.memory_space<hbm>> -> memref<1x16x1024xf32, #tpu.memory_space<hbm>>
    %dma_start3A_686 = tpu.memref_squeeze %dma_start3A_685 : memref<1x16x1024xf32, #tpu.memory_space<hbm>> -> memref<16x1024xf32, #tpu.memory_space<hbm>>
    %dma_start3A_687 = arith.constant 0 : i32
    %dma_start3A_688 = tpu.memref_slice %arg4[%dma_start3A_683, %add3A_682, %dma_start3A_687] : memref<4x4096x1024xf32, #tpu.memory_space<hbm>> -> memref<1x16x1024xf32, #tpu.memory_space<hbm>>
    %dma_start3A_689 = tpu.memref_squeeze %dma_start3A_688 : memref<1x16x1024xf32, #tpu.memory_space<hbm>> -> memref<16x1024xf32, #tpu.memory_space<hbm>>
    tpu.enqueue_dma source(%arg9 : memref<16x1024xf32, #tpu.memory_space<vmem>>) target(%dma_start3A_689 : memref<16x1024xf32, #tpu.memory_space<hbm>>) target_semaphore(%arg16 : memref<!tpu.dma_semaphore, #tpu.memory_space<semaphore_mem>>)
    %add3A_690 = arith.constant 80 : i32
    %add3A_691 = arith.addi %mul3A_2, %add3A_690 : i32
    %dma_start3A_692 = arith.constant 0 : i32
    %dma_start3A_693 = arith.constant 0 : i32
    %dma_start3A_694 = tpu.memref_slice %arg2[%dma_start3A_692, %add3A_691, %dma_start3A_693] : memref<4x4096x1024xf32, #tpu.memory_space<hbm>> -> memref<1x16x1024xf32, #tpu.memory_space<hbm>>
    %dma_start3A_695 = tpu.memref_squeeze %dma_start3A_694 : memref<1x16x1024xf32, #tpu.memory_space<hbm>> -> memref<16x1024xf32, #tpu.memory_space<hbm>>
    %dma_start3A_696 = arith.constant 0 : i32
    %dma_start3A_697 = tpu.memref_slice %arg2[%dma_start3A_692, %add3A_691, %dma_start3A_696] : memref<4x4096x1024xf32, #tpu.memory_space<hbm>> -> memref<1x16x1024xf32, #tpu.memory_space<hbm>>
    %dma_start3A_698 = tpu.memref_squeeze %dma_start3A_697 : memref<1x16x1024xf32, #tpu.memory_space<hbm>> -> memref<16x1024xf32, #tpu.memory_space<hbm>>
    tpu.enqueue_dma source(%dma_start3A_698 : memref<16x1024xf32, #tpu.memory_space<hbm>>) target(%arg7 : memref<16x1024xf32, #tpu.memory_space<vmem>>) target_semaphore(%arg14 : memref<!tpu.dma_semaphore, #tpu.memory_space<semaphore_mem>>)
    %dma_wait3A_699 = arith.constant 0 : i32
    %dma_wait3A_700 = arith.constant 0 : i32
    %dma_wait3A_701 = tpu.memref_slice %arg4[%dma_wait3A_699, %add3A_647, %dma_wait3A_700] : memref<4x4096x1024xf32, #tpu.memory_space<hbm>> -> memref<1x16x1024xf32, #tpu.memory_space<hbm>>
    %dma_wait3A_702 = tpu.memref_squeeze %dma_wait3A_701 : memref<1x16x1024xf32, #tpu.memory_space<hbm>> -> memref<16x1024xf32, #tpu.memory_space<hbm>>
    %dma_wait3A_703 = arith.constant 0 : i32
    %dma_wait3A_704 = tpu.memref_slice %arg4[%dma_wait3A_699, %add3A_647, %dma_wait3A_703] : memref<4x4096x1024xf32, #tpu.memory_space<hbm>> -> memref<1x16x1024xf32, #tpu.memory_space<hbm>>
    %dma_wait3A_705 = tpu.memref_squeeze %dma_wait3A_704 : memref<1x16x1024xf32, #tpu.memory_space<hbm>> -> memref<16x1024xf32, #tpu.memory_space<hbm>>
    tpu.wait_dma2 semaphore(%arg15 : memref<!tpu.dma_semaphore, #tpu.memory_space<semaphore_mem>>) src(%arg8 : memref<16x1024xf32, #tpu.memory_space<vmem>>) dst(%dma_wait3A_705 : memref<16x1024xf32, #tpu.memory_space<hbm>>)
    %dma_wait3A_706 = arith.constant 2 : i32
    %dma_wait3A_707 = arith.constant 0 : i32
    %dma_wait3A_708 = tpu.memref_slice %arg2[%dma_wait3A_706, %add3A_611, %dma_wait3A_707] : memref<4x4096x1024xf32, #tpu.memory_space<hbm>> -> memref<1x16x1024xf32, #tpu.memory_space<hbm>>
    %dma_wait3A_709 = tpu.memref_squeeze %dma_wait3A_708 : memref<1x16x1024xf32, #tpu.memory_space<hbm>> -> memref<16x1024xf32, #tpu.memory_space<hbm>>
    %dma_wait3A_710 = arith.constant 0 : i32
    %dma_wait3A_711 = tpu.memref_slice %arg2[%dma_wait3A_706, %add3A_611, %dma_wait3A_710] : memref<4x4096x1024xf32, #tpu.memory_space<hbm>> -> memref<1x16x1024xf32, #tpu.memory_space<hbm>>
    %dma_wait3A_712 = tpu.memref_squeeze %dma_wait3A_711 : memref<1x16x1024xf32, #tpu.memory_space<hbm>> -> memref<16x1024xf32, #tpu.memory_space<hbm>>
    tpu.wait_dma2 semaphore(%arg12 : memref<!tpu.dma_semaphore, #tpu.memory_space<semaphore_mem>>) src(%dma_wait3A_712 : memref<16x1024xf32, #tpu.memory_space<hbm>>) dst(%arg5 : memref<16x1024xf32, #tpu.memory_space<vmem>>)
    %parallel_loop3A_713 = arith.constant 0 : i32
    %parallel_loop3A_714 = arith.constant 16384 : i32
    %parallel_loop3A_715 = arith.constant 16 : i32
    scf.for %parallel_loop3A_1200 = %parallel_loop3A_713 to %parallel_loop3A_714 step %parallel_loop3A_715  : i32 {
      %parallel_loop3A_1201 = arith.constant 10 : i32
      %parallel_loop3A_1202 = arith.shrsi %parallel_loop3A_1200, %parallel_loop3A_1201 : i32
      %parallel_loop3A_1203 = arith.constant 1023 : i32
      %parallel_loop3A_1204 = arith.andi %parallel_loop3A_1200, %parallel_loop3A_1203 : i32
      %parallel_loop3A_1205 = tpu.assume_multiple %parallel_loop3A_1204, 16 : i32
      %parallel_loop3A_1206 = arith.index_cast %parallel_loop3A_1202 : i32 to index
      %parallel_loop3A_1207 = arith.index_cast %parallel_loop3A_1205 : i32 to index
      %parallel_loop3A_1208 = tpu.vector_load %arg5[%parallel_loop3A_1206, %parallel_loop3A_1207] {strides = array<i32>} : memref<16x1024xf32, #tpu.memory_space<vmem>>, vector<1x16xf32>,
      %parallel_loop3A_1209 = vector.shape_cast %parallel_loop3A_1208 : vector<1x16xf32> to vector<16xf32>
      %parallel_loop3A_1210 = arith.index_cast %parallel_loop3A_1202 : i32 to index
      %parallel_loop3A_1211 = arith.index_cast %parallel_loop3A_1205 : i32 to index
      %parallel_loop3A_1212 = tpu.vector_load %arg10[%parallel_loop3A_1210, %parallel_loop3A_1211] {strides = array<i32>} : memref<16x1024xf32, #tpu.memory_space<vmem>>, vector<1x16xf32>,
      %parallel_loop3A_1213 = vector.shape_cast %parallel_loop3A_1212 : vector<1x16xf32> to vector<16xf32>
      %parallel_loop3A_1214 = arith.addf %parallel_loop3A_1209, %parallel_loop3A_1213 : vector<16xf32>
      %parallel_loop3A_1215 = arith.index_cast %parallel_loop3A_1202 : i32 to index
      %parallel_loop3A_1216 = arith.index_cast %parallel_loop3A_1205 : i32 to index
      %parallel_loop3A_1217 = tpu.vector_load %arg8[%parallel_loop3A_1215, %parallel_loop3A_1216] {strides = array<i32>} : memref<16x1024xf32, #tpu.memory_space<vmem>>, vector<1x16xf32>,
      %parallel_loop3A_1218 = vector.shape_cast %parallel_loop3A_1217 : vector<1x16xf32> to vector<16xf32>
      %parallel_loop3A_1219 = vector.shape_cast %parallel_loop3A_1214 : vector<16xf32> to vector<1x16xf32>
      tpu.vector_store %arg8[%parallel_loop3A_1215, %parallel_loop3A_1216], %parallel_loop3A_1219 {strides = array<i32>} : memref<16x1024xf32, #tpu.memory_space<vmem>>, vector<1x16xf32>,
    } {sc.loop_unroll_factor = 8 : i64, sc.parallel_access}
    %add3A_716 = arith.constant 64 : i32
    %add3A_717 = arith.addi %mul3A_2, %add3A_716 : i32
    %dma_start3A_718 = arith.constant 2 : i32
    %dma_start3A_719 = arith.constant 0 : i32
    %dma_start3A_720 = tpu.memref_slice %arg4[%dma_start3A_718, %add3A_717, %dma_start3A_719] : memref<4x4096x1024xf32, #tpu.memory_space<hbm>> -> memref<1x16x1024xf32, #tpu.memory_space<hbm>>
    %dma_start3A_721 = tpu.memref_squeeze %dma_start3A_720 : memref<1x16x1024xf32, #tpu.memory_space<hbm>> -> memref<16x1024xf32, #tpu.memory_space<hbm>>
    %dma_start3A_722 = arith.constant 0 : i32
    %dma_start3A_723 = tpu.memref_slice %arg4[%dma_start3A_718, %add3A_717, %dma_start3A_722] : memref<4x4096x1024xf32, #tpu.memory_space<hbm>> -> memref<1x16x1024xf32, #tpu.memory_space<hbm>>
    %dma_start3A_724 = tpu.memref_squeeze %dma_start3A_723 : memref<1x16x1024xf32, #tpu.memory_space<hbm>> -> memref<16x1024xf32, #tpu.memory_space<hbm>>
    tpu.enqueue_dma source(%arg8 : memref<16x1024xf32, #tpu.memory_space<vmem>>) target(%dma_start3A_724 : memref<16x1024xf32, #tpu.memory_space<hbm>>) target_semaphore(%arg15 : memref<!tpu.dma_semaphore, #tpu.memory_space<semaphore_mem>>)
    %add3A_725 = arith.constant 80 : i32
    %add3A_726 = arith.addi %mul3A_2, %add3A_725 : i32
    %dma_start3A_727 = arith.constant 1 : i32
    %dma_start3A_728 = arith.constant 0 : i32
    %dma_start3A_729 = tpu.memref_slice %arg2[%dma_start3A_727, %add3A_726, %dma_start3A_728] : memref<4x4096x1024xf32, #tpu.memory_space<hbm>> -> memref<1x16x1024xf32, #tpu.memory_space<hbm>>
    %dma_start3A_730 = tpu.memref_squeeze %dma_start3A_729 : memref<1x16x1024xf32, #tpu.memory_space<hbm>> -> memref<16x1024xf32, #tpu.memory_space<hbm>>
    %dma_start3A_731 = arith.constant 0 : i32
    %dma_start3A_732 = tpu.memref_slice %arg2[%dma_start3A_727, %add3A_726, %dma_start3A_731] : memref<4x4096x1024xf32, #tpu.memory_space<hbm>> -> memref<1x16x1024xf32, #tpu.memory_space<hbm>>
    %dma_start3A_733 = tpu.memref_squeeze %dma_start3A_732 : memref<1x16x1024xf32, #tpu.memory_space<hbm>> -> memref<16x1024xf32, #tpu.memory_space<hbm>>
    tpu.enqueue_dma source(%dma_start3A_733 : memref<16x1024xf32, #tpu.memory_space<hbm>>) target(%arg5 : memref<16x1024xf32, #tpu.memory_space<vmem>>) target_semaphore(%arg12 : memref<!tpu.dma_semaphore, #tpu.memory_space<semaphore_mem>>)
    %dma_wait3A_734 = arith.constant 1 : i32
    %dma_wait3A_735 = arith.constant 0 : i32
    %dma_wait3A_736 = tpu.memref_slice %arg4[%dma_wait3A_734, %add3A_682, %dma_wait3A_735] : memref<4x4096x1024xf32, #tpu.memory_space<hbm>> -> memref<1x16x1024xf32, #tpu.memory_space<hbm>>
    %dma_wait3A_737 = tpu.memref_squeeze %dma_wait3A_736 : memref<1x16x1024xf32, #tpu.memory_space<hbm>> -> memref<16x1024xf32, #tpu.memory_space<hbm>>
    %dma_wait3A_738 = arith.constant 0 : i32
    %dma_wait3A_739 = tpu.memref_slice %arg4[%dma_wait3A_734, %add3A_682, %dma_wait3A_738] : memref<4x4096x1024xf32, #tpu.memory_space<hbm>> -> memref<1x16x1024xf32, #tpu.memory_space<hbm>>
    %dma_wait3A_740 = tpu.memref_squeeze %dma_wait3A_739 : memref<1x16x1024xf32, #tpu.memory_space<hbm>> -> memref<16x1024xf32, #tpu.memory_space<hbm>>
    tpu.wait_dma2 semaphore(%arg16 : memref<!tpu.dma_semaphore, #tpu.memory_space<semaphore_mem>>) src(%arg9 : memref<16x1024xf32, #tpu.memory_space<vmem>>) dst(%dma_wait3A_740 : memref<16x1024xf32, #tpu.memory_space<hbm>>)
    %dma_wait3A_741 = arith.constant 3 : i32
    %dma_wait3A_742 = arith.constant 0 : i32
    %dma_wait3A_743 = tpu.memref_slice %arg2[%dma_wait3A_741, %add3A_656, %dma_wait3A_742] : memref<4x4096x1024xf32, #tpu.memory_space<hbm>> -> memref<1x16x1024xf32, #tpu.memory_space<hbm>>
    %dma_wait3A_744 = tpu.memref_squeeze %dma_wait3A_743 : memref<1x16x1024xf32, #tpu.memory_space<hbm>> -> memref<16x1024xf32, #tpu.memory_space<hbm>>
    %dma_wait3A_745 = arith.constant 0 : i32
    %dma_wait3A_746 = tpu.memref_slice %arg2[%dma_wait3A_741, %add3A_656, %dma_wait3A_745] : memref<4x4096x1024xf32, #tpu.memory_space<hbm>> -> memref<1x16x1024xf32, #tpu.memory_space<hbm>>
    %dma_wait3A_747 = tpu.memref_squeeze %dma_wait3A_746 : memref<1x16x1024xf32, #tpu.memory_space<hbm>> -> memref<16x1024xf32, #tpu.memory_space<hbm>>
    tpu.wait_dma2 semaphore(%arg13 : memref<!tpu.dma_semaphore, #tpu.memory_space<semaphore_mem>>) src(%dma_wait3A_747 : memref<16x1024xf32, #tpu.memory_space<hbm>>) dst(%arg6 : memref<16x1024xf32, #tpu.memory_space<vmem>>)
    %parallel_loop3A_748 = arith.constant 0 : i32
    %parallel_loop3A_749 = arith.constant 16384 : i32
    %parallel_loop3A_750 = arith.constant 16 : i32
    scf.for %parallel_loop3A_1200 = %parallel_loop3A_748 to %parallel_loop3A_749 step %parallel_loop3A_750  : i32 {
      %parallel_loop3A_1201 = arith.constant 10 : i32
      %parallel_loop3A_1202 = arith.shrsi %parallel_loop3A_1200, %parallel_loop3A_1201 : i32
      %parallel_loop3A_1203 = arith.constant 1023 : i32
      %parallel_loop3A_1204 = arith.andi %parallel_loop3A_1200, %parallel_loop3A_1203 : i32
      %parallel_loop3A_1205 = tpu.assume_multiple %parallel_loop3A_1204, 16 : i32
      %parallel_loop3A_1206 = arith.index_cast %parallel_loop3A_1202 : i32 to index
      %parallel_loop3A_1207 = arith.index_cast %parallel_loop3A_1205 : i32 to index
      %parallel_loop3A_1208 = tpu.vector_load %arg6[%parallel_loop3A_1206, %parallel_loop3A_1207] {strides = array<i32>} : memref<16x1024xf32, #tpu.memory_space<vmem>>, vector<1x16xf32>,
      %parallel_loop3A_1209 = vector.shape_cast %parallel_loop3A_1208 : vector<1x16xf32> to vector<16xf32>
      %parallel_loop3A_1210 = arith.index_cast %parallel_loop3A_1202 : i32 to index
      %parallel_loop3A_1211 = arith.index_cast %parallel_loop3A_1205 : i32 to index
      %parallel_loop3A_1212 = tpu.vector_load %arg10[%parallel_loop3A_1210, %parallel_loop3A_1211] {strides = array<i32>} : memref<16x1024xf32, #tpu.memory_space<vmem>>, vector<1x16xf32>,
      %parallel_loop3A_1213 = vector.shape_cast %parallel_loop3A_1212 : vector<1x16xf32> to vector<16xf32>
      %parallel_loop3A_1214 = arith.addf %parallel_loop3A_1209, %parallel_loop3A_1213 : vector<16xf32>
      %parallel_loop3A_1215 = arith.index_cast %parallel_loop3A_1202 : i32 to index
      %parallel_loop3A_1216 = arith.index_cast %parallel_loop3A_1205 : i32 to index
      %parallel_loop3A_1217 = tpu.vector_load %arg9[%parallel_loop3A_1215, %parallel_loop3A_1216] {strides = array<i32>} : memref<16x1024xf32, #tpu.memory_space<vmem>>, vector<1x16xf32>,
      %parallel_loop3A_1218 = vector.shape_cast %parallel_loop3A_1217 : vector<1x16xf32> to vector<16xf32>
      %parallel_loop3A_1219 = vector.shape_cast %parallel_loop3A_1214 : vector<16xf32> to vector<1x16xf32>
      tpu.vector_store %arg9[%parallel_loop3A_1215, %parallel_loop3A_1216], %parallel_loop3A_1219 {strides = array<i32>} : memref<16x1024xf32, #tpu.memory_space<vmem>>, vector<1x16xf32>,
    } {sc.loop_unroll_factor = 8 : i64, sc.parallel_access}
    %add3A_751 = arith.constant 64 : i32
    %add3A_752 = arith.addi %mul3A_2, %add3A_751 : i32
    %dma_start3A_753 = arith.constant 3 : i32
    %dma_start3A_754 = arith.constant 0 : i32
    %dma_start3A_755 = tpu.memref_slice %arg4[%dma_start3A_753, %add3A_752, %dma_start3A_754] : memref<4x4096x1024xf32, #tpu.memory_space<hbm>> -> memref<1x16x1024xf32, #tpu.memory_space<hbm>>
    %dma_start3A_756 = tpu.memref_squeeze %dma_start3A_755 : memref<1x16x1024xf32, #tpu.memory_space<hbm>> -> memref<16x1024xf32, #tpu.memory_space<hbm>>
    %dma_start3A_757 = arith.constant 0 : i32
    %dma_start3A_758 = tpu.memref_slice %arg4[%dma_start3A_753, %add3A_752, %dma_start3A_757] : memref<4x4096x1024xf32, #tpu.memory_space<hbm>> -> memref<1x16x1024xf32, #tpu.memory_space<hbm>>
    %dma_start3A_759 = tpu.memref_squeeze %dma_start3A_758 : memref<1x16x1024xf32, #tpu.memory_space<hbm>> -> memref<16x1024xf32, #tpu.memory_space<hbm>>
    tpu.enqueue_dma source(%arg9 : memref<16x1024xf32, #tpu.memory_space<vmem>>) target(%dma_start3A_759 : memref<16x1024xf32, #tpu.memory_space<hbm>>) target_semaphore(%arg16 : memref<!tpu.dma_semaphore, #tpu.memory_space<semaphore_mem>>)
    %add3A_760 = arith.constant 80 : i32
    %add3A_761 = arith.addi %mul3A_2, %add3A_760 : i32
    %dma_start3A_762 = arith.constant 2 : i32
    %dma_start3A_763 = arith.constant 0 : i32
    %dma_start3A_764 = tpu.memref_slice %arg2[%dma_start3A_762, %add3A_761, %dma_start3A_763] : memref<4x4096x1024xf32, #tpu.memory_space<hbm>> -> memref<1x16x1024xf32, #tpu.memory_space<hbm>>
    %dma_start3A_765 = tpu.memref_squeeze %dma_start3A_764 : memref<1x16x1024xf32, #tpu.memory_space<hbm>> -> memref<16x1024xf32, #tpu.memory_space<hbm>>
    %dma_start3A_766 = arith.constant 0 : i32
    %dma_start3A_767 = tpu.memref_slice %arg2[%dma_start3A_762, %add3A_761, %dma_start3A_766] : memref<4x4096x1024xf32, #tpu.memory_space<hbm>> -> memref<1x16x1024xf32, #tpu.memory_space<hbm>>
    %dma_start3A_768 = tpu.memref_squeeze %dma_start3A_767 : memref<1x16x1024xf32, #tpu.memory_space<hbm>> -> memref<16x1024xf32, #tpu.memory_space<hbm>>
    tpu.enqueue_dma source(%dma_start3A_768 : memref<16x1024xf32, #tpu.memory_space<hbm>>) target(%arg6 : memref<16x1024xf32, #tpu.memory_space<vmem>>) target_semaphore(%arg13 : memref<!tpu.dma_semaphore, #tpu.memory_space<semaphore_mem>>)
    %add3A_769 = arith.constant 96 : i32
    %add3A_770 = arith.addi %mul3A_2, %add3A_769 : i32
    %dma_start3A_771 = arith.constant 0 : i32
    %dma_start3A_772 = tpu.memref_slice %arg3[%add3A_770, %dma_start3A_771] : memref<4096x1024xf32, #tpu.memory_space<hbm>> -> memref<16x1024xf32, #tpu.memory_space<hbm>>
    %dma_start3A_773 = arith.constant 0 : i32
    %dma_start3A_774 = tpu.memref_slice %arg3[%add3A_770, %dma_start3A_773] : memref<4096x1024xf32, #tpu.memory_space<hbm>> -> memref<16x1024xf32, #tpu.memory_space<hbm>>
    tpu.enqueue_dma source(%dma_start3A_774 : memref<16x1024xf32, #tpu.memory_space<hbm>>) target(%arg10 : memref<16x1024xf32, #tpu.memory_space<vmem>>) target_semaphore(%arg17 : memref<!tpu.dma_semaphore, #tpu.memory_space<semaphore_mem>>)
    %dma_wait3A_775 = arith.constant 2 : i32
    %dma_wait3A_776 = arith.constant 0 : i32
    %dma_wait3A_777 = tpu.memref_slice %arg4[%dma_wait3A_775, %add3A_717, %dma_wait3A_776] : memref<4x4096x1024xf32, #tpu.memory_space<hbm>> -> memref<1x16x1024xf32, #tpu.memory_space<hbm>>
    %dma_wait3A_778 = tpu.memref_squeeze %dma_wait3A_777 : memref<1x16x1024xf32, #tpu.memory_space<hbm>> -> memref<16x1024xf32, #tpu.memory_space<hbm>>
    %dma_wait3A_779 = arith.constant 0 : i32
    %dma_wait3A_780 = tpu.memref_slice %arg4[%dma_wait3A_775, %add3A_717, %dma_wait3A_779] : memref<4x4096x1024xf32, #tpu.memory_space<hbm>> -> memref<1x16x1024xf32, #tpu.memory_space<hbm>>
    %dma_wait3A_781 = tpu.memref_squeeze %dma_wait3A_780 : memref<1x16x1024xf32, #tpu.memory_space<hbm>> -> memref<16x1024xf32, #tpu.memory_space<hbm>>
    tpu.wait_dma2 semaphore(%arg15 : memref<!tpu.dma_semaphore, #tpu.memory_space<semaphore_mem>>) src(%arg8 : memref<16x1024xf32, #tpu.memory_space<vmem>>) dst(%dma_wait3A_781 : memref<16x1024xf32, #tpu.memory_space<hbm>>)
    %dma_wait3A_782 = arith.constant 0 : i32
    %dma_wait3A_783 = tpu.memref_slice %arg3[%add3A_620, %dma_wait3A_782] : memref<4096x1024xf32, #tpu.memory_space<hbm>> -> memref<16x1024xf32, #tpu.memory_space<hbm>>
    %dma_wait3A_784 = arith.constant 0 : i32
    %dma_wait3A_785 = tpu.memref_slice %arg3[%add3A_620, %dma_wait3A_784] : memref<4096x1024xf32, #tpu.memory_space<hbm>> -> memref<16x1024xf32, #tpu.memory_space<hbm>>
    tpu.wait_dma2 semaphore(%arg18 : memref<!tpu.dma_semaphore, #tpu.memory_space<semaphore_mem>>) src(%dma_wait3A_785 : memref<16x1024xf32, #tpu.memory_space<hbm>>) dst(%arg11 : memref<16x1024xf32, #tpu.memory_space<vmem>>)
    %dma_wait3A_786 = arith.constant 0 : i32
    %dma_wait3A_787 = arith.constant 0 : i32
    %dma_wait3A_788 = tpu.memref_slice %arg2[%dma_wait3A_786, %add3A_691, %dma_wait3A_787] : memref<4x4096x1024xf32, #tpu.memory_space<hbm>> -> memref<1x16x1024xf32, #tpu.memory_space<hbm>>
    %dma_wait3A_789 = tpu.memref_squeeze %dma_wait3A_788 : memref<1x16x1024xf32, #tpu.memory_space<hbm>> -> memref<16x1024xf32, #tpu.memory_space<hbm>>
    %dma_wait3A_790 = arith.constant 0 : i32
    %dma_wait3A_791 = tpu.memref_slice %arg2[%dma_wait3A_786, %add3A_691, %dma_wait3A_790] : memref<4x4096x1024xf32, #tpu.memory_space<hbm>> -> memref<1x16x1024xf32, #tpu.memory_space<hbm>>
    %dma_wait3A_792 = tpu.memref_squeeze %dma_wait3A_791 : memref<1x16x1024xf32, #tpu.memory_space<hbm>> -> memref<16x1024xf32, #tpu.memory_space<hbm>>
    tpu.wait_dma2 semaphore(%arg14 : memref<!tpu.dma_semaphore, #tpu.memory_space<semaphore_mem>>) src(%dma_wait3A_792 : memref<16x1024xf32, #tpu.memory_space<hbm>>) dst(%arg7 : memref<16x1024xf32, #tpu.memory_space<vmem>>)
    %parallel_loop3A_793 = arith.constant 0 : i32
    %parallel_loop3A_794 = arith.constant 16384 : i32
    %parallel_loop3A_795 = arith.constant 16 : i32
    scf.for %parallel_loop3A_1200 = %parallel_loop3A_793 to %parallel_loop3A_794 step %parallel_loop3A_795  : i32 {
      %parallel_loop3A_1201 = arith.constant 10 : i32
      %parallel_loop3A_1202 = arith.shrsi %parallel_loop3A_1200, %parallel_loop3A_1201 : i32
      %parallel_loop3A_1203 = arith.constant 1023 : i32
      %parallel_loop3A_1204 = arith.andi %parallel_loop3A_1200, %parallel_loop3A_1203 : i32
      %parallel_loop3A_1205 = tpu.assume_multiple %parallel_loop3A_1204, 16 : i32
      %parallel_loop3A_1206 = arith.index_cast %parallel_loop3A_1202 : i32 to index
      %parallel_loop3A_1207 = arith.index_cast %parallel_loop3A_1205 : i32 to index
      %parallel_loop3A_1208 = tpu.vector_load %arg7[%parallel_loop3A_1206, %parallel_loop3A_1207] {strides = array<i32>} : memref<16x1024xf32, #tpu.memory_space<vmem>>, vector<1x16xf32>,
      %parallel_loop3A_1209 = vector.shape_cast %parallel_loop3A_1208 : vector<1x16xf32> to vector<16xf32>
      %parallel_loop3A_1210 = arith.index_cast %parallel_loop3A_1202 : i32 to index
      %parallel_loop3A_1211 = arith.index_cast %parallel_loop3A_1205 : i32 to index
      %parallel_loop3A_1212 = tpu.vector_load %arg11[%parallel_loop3A_1210, %parallel_loop3A_1211] {strides = array<i32>} : memref<16x1024xf32, #tpu.memory_space<vmem>>, vector<1x16xf32>,
      %parallel_loop3A_1213 = vector.shape_cast %parallel_loop3A_1212 : vector<1x16xf32> to vector<16xf32>
      %parallel_loop3A_1214 = arith.addf %parallel_loop3A_1209, %parallel_loop3A_1213 : vector<16xf32>
      %parallel_loop3A_1215 = arith.index_cast %parallel_loop3A_1202 : i32 to index
      %parallel_loop3A_1216 = arith.index_cast %parallel_loop3A_1205 : i32 to index
      %parallel_loop3A_1217 = tpu.vector_load %arg8[%parallel_loop3A_1215, %parallel_loop3A_1216] {strides = array<i32>} : memref<16x1024xf32, #tpu.memory_space<vmem>>, vector<1x16xf32>,
      %parallel_loop3A_1218 = vector.shape_cast %parallel_loop3A_1217 : vector<1x16xf32> to vector<16xf32>
      %parallel_loop3A_1219 = vector.shape_cast %parallel_loop3A_1214 : vector<16xf32> to vector<1x16xf32>
      tpu.vector_store %arg8[%parallel_loop3A_1215, %parallel_loop3A_1216], %parallel_loop3A_1219 {strides = array<i32>} : memref<16x1024xf32, #tpu.memory_space<vmem>>, vector<1x16xf32>,
    } {sc.loop_unroll_factor = 8 : i64, sc.parallel_access}
    %add3A_796 = arith.constant 80 : i32
    %add3A_797 = arith.addi %mul3A_2, %add3A_796 : i32
    %dma_start3A_798 = arith.constant 0 : i32
    %dma_start3A_799 = arith.constant 0 : i32
    %dma_start3A_800 = tpu.memref_slice %arg4[%dma_start3A_798, %add3A_797, %dma_start3A_799] : memref<4x4096x1024xf32, #tpu.memory_space<hbm>> -> memref<1x16x1024xf32, #tpu.memory_space<hbm>>
    %dma_start3A_801 = tpu.memref_squeeze %dma_start3A_800 : memref<1x16x1024xf32, #tpu.memory_space<hbm>> -> memref<16x1024xf32, #tpu.memory_space<hbm>>
    %dma_start3A_802 = arith.constant 0 : i32
    %dma_start3A_803 = tpu.memref_slice %arg4[%dma_start3A_798, %add3A_797, %dma_start3A_802] : memref<4x4096x1024xf32, #tpu.memory_space<hbm>> -> memref<1x16x1024xf32, #tpu.memory_space<hbm>>
    %dma_start3A_804 = tpu.memref_squeeze %dma_start3A_803 : memref<1x16x1024xf32, #tpu.memory_space<hbm>> -> memref<16x1024xf32, #tpu.memory_space<hbm>>
    tpu.enqueue_dma source(%arg8 : memref<16x1024xf32, #tpu.memory_space<vmem>>) target(%dma_start3A_804 : memref<16x1024xf32, #tpu.memory_space<hbm>>) target_semaphore(%arg15 : memref<!tpu.dma_semaphore, #tpu.memory_space<semaphore_mem>>)
    %add3A_805 = arith.constant 80 : i32
    %add3A_806 = arith.addi %mul3A_2, %add3A_805 : i32
    %dma_start3A_807 = arith.constant 3 : i32
    %dma_start3A_808 = arith.constant 0 : i32
    %dma_start3A_809 = tpu.memref_slice %arg2[%dma_start3A_807, %add3A_806, %dma_start3A_808] : memref<4x4096x1024xf32, #tpu.memory_space<hbm>> -> memref<1x16x1024xf32, #tpu.memory_space<hbm>>
    %dma_start3A_810 = tpu.memref_squeeze %dma_start3A_809 : memref<1x16x1024xf32, #tpu.memory_space<hbm>> -> memref<16x1024xf32, #tpu.memory_space<hbm>>
    %dma_start3A_811 = arith.constant 0 : i32
    %dma_start3A_812 = tpu.memref_slice %arg2[%dma_start3A_807, %add3A_806, %dma_start3A_811] : memref<4x4096x1024xf32, #tpu.memory_space<hbm>> -> memref<1x16x1024xf32, #tpu.memory_space<hbm>>
    %dma_start3A_813 = tpu.memref_squeeze %dma_start3A_812 : memref<1x16x1024xf32, #tpu.memory_space<hbm>> -> memref<16x1024xf32, #tpu.memory_space<hbm>>
    tpu.enqueue_dma source(%dma_start3A_813 : memref<16x1024xf32, #tpu.memory_space<hbm>>) target(%arg7 : memref<16x1024xf32, #tpu.memory_space<vmem>>) target_semaphore(%arg14 : memref<!tpu.dma_semaphore, #tpu.memory_space<semaphore_mem>>)
    %dma_wait3A_814 = arith.constant 3 : i32
    %dma_wait3A_815 = arith.constant 0 : i32
    %dma_wait3A_816 = tpu.memref_slice %arg4[%dma_wait3A_814, %add3A_752, %dma_wait3A_815] : memref<4x4096x1024xf32, #tpu.memory_space<hbm>> -> memref<1x16x1024xf32, #tpu.memory_space<hbm>>
    %dma_wait3A_817 = tpu.memref_squeeze %dma_wait3A_816 : memref<1x16x1024xf32, #tpu.memory_space<hbm>> -> memref<16x1024xf32, #tpu.memory_space<hbm>>
    %dma_wait3A_818 = arith.constant 0 : i32
    %dma_wait3A_819 = tpu.memref_slice %arg4[%dma_wait3A_814, %add3A_752, %dma_wait3A_818] : memref<4x4096x1024xf32, #tpu.memory_space<hbm>> -> memref<1x16x1024xf32, #tpu.memory_space<hbm>>
    %dma_wait3A_820 = tpu.memref_squeeze %dma_wait3A_819 : memref<1x16x1024xf32, #tpu.memory_space<hbm>> -> memref<16x1024xf32, #tpu.memory_space<hbm>>
    tpu.wait_dma2 semaphore(%arg16 : memref<!tpu.dma_semaphore, #tpu.memory_space<semaphore_mem>>) src(%arg9 : memref<16x1024xf32, #tpu.memory_space<vmem>>) dst(%dma_wait3A_820 : memref<16x1024xf32, #tpu.memory_space<hbm>>)
    %dma_wait3A_821 = arith.constant 1 : i32
    %dma_wait3A_822 = arith.constant 0 : i32
    %dma_wait3A_823 = tpu.memref_slice %arg2[%dma_wait3A_821, %add3A_726, %dma_wait3A_822] : memref<4x4096x1024xf32, #tpu.memory_space<hbm>> -> memref<1x16x1024xf32, #tpu.memory_space<hbm>>
    %dma_wait3A_824 = tpu.memref_squeeze %dma_wait3A_823 : memref<1x16x1024xf32, #tpu.memory_space<hbm>> -> memref<16x1024xf32, #tpu.memory_space<hbm>>
    %dma_wait3A_825 = arith.constant 0 : i32
    %dma_wait3A_826 = tpu.memref_slice %arg2[%dma_wait3A_821, %add3A_726, %dma_wait3A_825] : memref<4x4096x1024xf32, #tpu.memory_space<hbm>> -> memref<1x16x1024xf32, #tpu.memory_space<hbm>>
    %dma_wait3A_827 = tpu.memref_squeeze %dma_wait3A_826 : memref<1x16x1024xf32, #tpu.memory_space<hbm>> -> memref<16x1024xf32, #tpu.memory_space<hbm>>
    tpu.wait_dma2 semaphore(%arg12 : memref<!tpu.dma_semaphore, #tpu.memory_space<semaphore_mem>>) src(%dma_wait3A_827 : memref<16x1024xf32, #tpu.memory_space<hbm>>) dst(%arg5 : memref<16x1024xf32, #tpu.memory_space<vmem>>)
    %parallel_loop3A_828 = arith.constant 0 : i32
    %parallel_loop3A_829 = arith.constant 16384 : i32
    %parallel_loop3A_830 = arith.constant 16 : i32
    scf.for %parallel_loop3A_1200 = %parallel_loop3A_828 to %parallel_loop3A_829 step %parallel_loop3A_830  : i32 {
      %parallel_loop3A_1201 = arith.constant 10 : i32
      %parallel_loop3A_1202 = arith.shrsi %parallel_loop3A_1200, %parallel_loop3A_1201 : i32
      %parallel_loop3A_1203 = arith.constant 1023 : i32
      %parallel_loop3A_1204 = arith.andi %parallel_loop3A_1200, %parallel_loop3A_1203 : i32
      %parallel_loop3A_1205 = tpu.assume_multiple %parallel_loop3A_1204, 16 : i32
      %parallel_loop3A_1206 = arith.index_cast %parallel_loop3A_1202 : i32 to index
      %parallel_loop3A_1207 = arith.index_cast %parallel_loop3A_1205 : i32 to index
      %parallel_loop3A_1208 = tpu.vector_load %arg5[%parallel_loop3A_1206, %parallel_loop3A_1207] {strides = array<i32>} : memref<16x1024xf32, #tpu.memory_space<vmem>>, vector<1x16xf32>,
      %parallel_loop3A_1209 = vector.shape_cast %parallel_loop3A_1208 : vector<1x16xf32> to vector<16xf32>
      %parallel_loop3A_1210 = arith.index_cast %parallel_loop3A_1202 : i32 to index
      %parallel_loop3A_1211 = arith.index_cast %parallel_loop3A_1205 : i32 to index
      %parallel_loop3A_1212 = tpu.vector_load %arg11[%parallel_loop3A_1210, %parallel_loop3A_1211] {strides = array<i32>} : memref<16x1024xf32, #tpu.memory_space<vmem>>, vector<1x16xf32>,
      %parallel_loop3A_1213 = vector.shape_cast %parallel_loop3A_1212 : vector<1x16xf32> to vector<16xf32>
      %parallel_loop3A_1214 = arith.addf %parallel_loop3A_1209, %parallel_loop3A_1213 : vector<16xf32>
      %parallel_loop3A_1215 = arith.index_cast %parallel_loop3A_1202 : i32 to index
      %parallel_loop3A_1216 = arith.index_cast %parallel_loop3A_1205 : i32 to index
      %parallel_loop3A_1217 = tpu.vector_load %arg9[%parallel_loop3A_1215, %parallel_loop3A_1216] {strides = array<i32>} : memref<16x1024xf32, #tpu.memory_space<vmem>>, vector<1x16xf32>,
      %parallel_loop3A_1218 = vector.shape_cast %parallel_loop3A_1217 : vector<1x16xf32> to vector<16xf32>
      %parallel_loop3A_1219 = vector.shape_cast %parallel_loop3A_1214 : vector<16xf32> to vector<1x16xf32>
      tpu.vector_store %arg9[%parallel_loop3A_1215, %parallel_loop3A_1216], %parallel_loop3A_1219 {strides = array<i32>} : memref<16x1024xf32, #tpu.memory_space<vmem>>, vector<1x16xf32>,
    } {sc.loop_unroll_factor = 8 : i64, sc.parallel_access}
    %add3A_831 = arith.constant 80 : i32
    %add3A_832 = arith.addi %mul3A_2, %add3A_831 : i32
    %dma_start3A_833 = arith.constant 1 : i32
    %dma_start3A_834 = arith.constant 0 : i32
    %dma_start3A_835 = tpu.memref_slice %arg4[%dma_start3A_833, %add3A_832, %dma_start3A_834] : memref<4x4096x1024xf32, #tpu.memory_space<hbm>> -> memref<1x16x1024xf32, #tpu.memory_space<hbm>>
    %dma_start3A_836 = tpu.memref_squeeze %dma_start3A_835 : memref<1x16x1024xf32, #tpu.memory_space<hbm>> -> memref<16x1024xf32, #tpu.memory_space<hbm>>
    %dma_start3A_837 = arith.constant 0 : i32
    %dma_start3A_838 = tpu.memref_slice %arg4[%dma_start3A_833, %add3A_832, %dma_start3A_837] : memref<4x4096x1024xf32, #tpu.memory_space<hbm>> -> memref<1x16x1024xf32, #tpu.memory_space<hbm>>
    %dma_start3A_839 = tpu.memref_squeeze %dma_start3A_838 : memref<1x16x1024xf32, #tpu.memory_space<hbm>> -> memref<16x1024xf32, #tpu.memory_space<hbm>>
    tpu.enqueue_dma source(%arg9 : memref<16x1024xf32, #tpu.memory_space<vmem>>) target(%dma_start3A_839 : memref<16x1024xf32, #tpu.memory_space<hbm>>) target_semaphore(%arg16 : memref<!tpu.dma_semaphore, #tpu.memory_space<semaphore_mem>>)
    %add3A_840 = arith.constant 96 : i32
    %add3A_841 = arith.addi %mul3A_2, %add3A_840 : i32
    %dma_start3A_842 = arith.constant 0 : i32
    %dma_start3A_843 = arith.constant 0 : i32
    %dma_start3A_844 = tpu.memref_slice %arg2[%dma_start3A_842, %add3A_841, %dma_start3A_843] : memref<4x4096x1024xf32, #tpu.memory_space<hbm>> -> memref<1x16x1024xf32, #tpu.memory_space<hbm>>
    %dma_start3A_845 = tpu.memref_squeeze %dma_start3A_844 : memref<1x16x1024xf32, #tpu.memory_space<hbm>> -> memref<16x1024xf32, #tpu.memory_space<hbm>>
    %dma_start3A_846 = arith.constant 0 : i32
    %dma_start3A_847 = tpu.memref_slice %arg2[%dma_start3A_842, %add3A_841, %dma_start3A_846] : memref<4x4096x1024xf32, #tpu.memory_space<hbm>> -> memref<1x16x1024xf32, #tpu.memory_space<hbm>>
    %dma_start3A_848 = tpu.memref_squeeze %dma_start3A_847 : memref<1x16x1024xf32, #tpu.memory_space<hbm>> -> memref<16x1024xf32, #tpu.memory_space<hbm>>
    tpu.enqueue_dma source(%dma_start3A_848 : memref<16x1024xf32, #tpu.memory_space<hbm>>) target(%arg5 : memref<16x1024xf32, #tpu.memory_space<vmem>>) target_semaphore(%arg12 : memref<!tpu.dma_semaphore, #tpu.memory_space<semaphore_mem>>)
    %dma_wait3A_849 = arith.constant 0 : i32
    %dma_wait3A_850 = arith.constant 0 : i32
    %dma_wait3A_851 = tpu.memref_slice %arg4[%dma_wait3A_849, %add3A_797, %dma_wait3A_850] : memref<4x4096x1024xf32, #tpu.memory_space<hbm>> -> memref<1x16x1024xf32, #tpu.memory_space<hbm>>
    %dma_wait3A_852 = tpu.memref_squeeze %dma_wait3A_851 : memref<1x16x1024xf32, #tpu.memory_space<hbm>> -> memref<16x1024xf32, #tpu.memory_space<hbm>>
    %dma_wait3A_853 = arith.constant 0 : i32
    %dma_wait3A_854 = tpu.memref_slice %arg4[%dma_wait3A_849, %add3A_797, %dma_wait3A_853] : memref<4x4096x1024xf32, #tpu.memory_space<hbm>> -> memref<1x16x1024xf32, #tpu.memory_space<hbm>>
    %dma_wait3A_855 = tpu.memref_squeeze %dma_wait3A_854 : memref<1x16x1024xf32, #tpu.memory_space<hbm>> -> memref<16x1024xf32, #tpu.memory_space<hbm>>
    tpu.wait_dma2 semaphore(%arg15 : memref<!tpu.dma_semaphore, #tpu.memory_space<semaphore_mem>>) src(%arg8 : memref<16x1024xf32, #tpu.memory_space<vmem>>) dst(%dma_wait3A_855 : memref<16x1024xf32, #tpu.memory_space<hbm>>)
    %dma_wait3A_856 = arith.constant 2 : i32
    %dma_wait3A_857 = arith.constant 0 : i32
    %dma_wait3A_858 = tpu.memref_slice %arg2[%dma_wait3A_856, %add3A_761, %dma_wait3A_857] : memref<4x4096x1024xf32, #tpu.memory_space<hbm>> -> memref<1x16x1024xf32, #tpu.memory_space<hbm>>
    %dma_wait3A_859 = tpu.memref_squeeze %dma_wait3A_858 : memref<1x16x1024xf32, #tpu.memory_space<hbm>> -> memref<16x1024xf32, #tpu.memory_space<hbm>>
    %dma_wait3A_860 = arith.constant 0 : i32
    %dma_wait3A_861 = tpu.memref_slice %arg2[%dma_wait3A_856, %add3A_761, %dma_wait3A_860] : memref<4x4096x1024xf32, #tpu.memory_space<hbm>> -> memref<1x16x1024xf32, #tpu.memory_space<hbm>>
    %dma_wait3A_862 = tpu.memref_squeeze %dma_wait3A_861 : memref<1x16x1024xf32, #tpu.memory_space<hbm>> -> memref<16x1024xf32, #tpu.memory_space<hbm>>
    tpu.wait_dma2 semaphore(%arg13 : memref<!tpu.dma_semaphore, #tpu.memory_space<semaphore_mem>>) src(%dma_wait3A_862 : memref<16x1024xf32, #tpu.memory_space<hbm>>) dst(%arg6 : memref<16x1024xf32, #tpu.memory_space<vmem>>)
    %parallel_loop3A_863 = arith.constant 0 : i32
    %parallel_loop3A_864 = arith.constant 16384 : i32
    %parallel_loop3A_865 = arith.constant 16 : i32
    scf.for %parallel_loop3A_1200 = %parallel_loop3A_863 to %parallel_loop3A_864 step %parallel_loop3A_865  : i32 {
      %parallel_loop3A_1201 = arith.constant 10 : i32
      %parallel_loop3A_1202 = arith.shrsi %parallel_loop3A_1200, %parallel_loop3A_1201 : i32
      %parallel_loop3A_1203 = arith.constant 1023 : i32
      %parallel_loop3A_1204 = arith.andi %parallel_loop3A_1200, %parallel_loop3A_1203 : i32
      %parallel_loop3A_1205 = tpu.assume_multiple %parallel_loop3A_1204, 16 : i32
      %parallel_loop3A_1206 = arith.index_cast %parallel_loop3A_1202 : i32 to index
      %parallel_loop3A_1207 = arith.index_cast %parallel_loop3A_1205 : i32 to index
      %parallel_loop3A_1208 = tpu.vector_load %arg6[%parallel_loop3A_1206, %parallel_loop3A_1207] {strides = array<i32>} : memref<16x1024xf32, #tpu.memory_space<vmem>>, vector<1x16xf32>,
      %parallel_loop3A_1209 = vector.shape_cast %parallel_loop3A_1208 : vector<1x16xf32> to vector<16xf32>
      %parallel_loop3A_1210 = arith.index_cast %parallel_loop3A_1202 : i32 to index
      %parallel_loop3A_1211 = arith.index_cast %parallel_loop3A_1205 : i32 to index
      %parallel_loop3A_1212 = tpu.vector_load %arg11[%parallel_loop3A_1210, %parallel_loop3A_1211] {strides = array<i32>} : memref<16x1024xf32, #tpu.memory_space<vmem>>, vector<1x16xf32>,
      %parallel_loop3A_1213 = vector.shape_cast %parallel_loop3A_1212 : vector<1x16xf32> to vector<16xf32>
      %parallel_loop3A_1214 = arith.addf %parallel_loop3A_1209, %parallel_loop3A_1213 : vector<16xf32>
      %parallel_loop3A_1215 = arith.index_cast %parallel_loop3A_1202 : i32 to index
      %parallel_loop3A_1216 = arith.index_cast %parallel_loop3A_1205 : i32 to index
      %parallel_loop3A_1217 = tpu.vector_load %arg8[%parallel_loop3A_1215, %parallel_loop3A_1216] {strides = array<i32>} : memref<16x1024xf32, #tpu.memory_space<vmem>>, vector<1x16xf32>,
      %parallel_loop3A_1218 = vector.shape_cast %parallel_loop3A_1217 : vector<1x16xf32> to vector<16xf32>
      %parallel_loop3A_1219 = vector.shape_cast %parallel_loop3A_1214 : vector<16xf32> to vector<1x16xf32>
      tpu.vector_store %arg8[%parallel_loop3A_1215, %parallel_loop3A_1216], %parallel_loop3A_1219 {strides = array<i32>} : memref<16x1024xf32, #tpu.memory_space<vmem>>, vector<1x16xf32>,
    } {sc.loop_unroll_factor = 8 : i64, sc.parallel_access}
    %add3A_866 = arith.constant 80 : i32
    %add3A_867 = arith.addi %mul3A_2, %add3A_866 : i32
    %dma_start3A_868 = arith.constant 2 : i32
    %dma_start3A_869 = arith.constant 0 : i32
    %dma_start3A_870 = tpu.memref_slice %arg4[%dma_start3A_868, %add3A_867, %dma_start3A_869] : memref<4x4096x1024xf32, #tpu.memory_space<hbm>> -> memref<1x16x1024xf32, #tpu.memory_space<hbm>>
    %dma_start3A_871 = tpu.memref_squeeze %dma_start3A_870 : memref<1x16x1024xf32, #tpu.memory_space<hbm>> -> memref<16x1024xf32, #tpu.memory_space<hbm>>
    %dma_start3A_872 = arith.constant 0 : i32
    %dma_start3A_873 = tpu.memref_slice %arg4[%dma_start3A_868, %add3A_867, %dma_start3A_872] : memref<4x4096x1024xf32, #tpu.memory_space<hbm>> -> memref<1x16x1024xf32, #tpu.memory_space<hbm>>
    %dma_start3A_874 = tpu.memref_squeeze %dma_start3A_873 : memref<1x16x1024xf32, #tpu.memory_space<hbm>> -> memref<16x1024xf32, #tpu.memory_space<hbm>>
    tpu.enqueue_dma source(%arg8 : memref<16x1024xf32, #tpu.memory_space<vmem>>) target(%dma_start3A_874 : memref<16x1024xf32, #tpu.memory_space<hbm>>) target_semaphore(%arg15 : memref<!tpu.dma_semaphore, #tpu.memory_space<semaphore_mem>>)
    %add3A_875 = arith.constant 96 : i32
    %add3A_876 = arith.addi %mul3A_2, %add3A_875 : i32
    %dma_start3A_877 = arith.constant 1 : i32
    %dma_start3A_878 = arith.constant 0 : i32
    %dma_start3A_879 = tpu.memref_slice %arg2[%dma_start3A_877, %add3A_876, %dma_start3A_878] : memref<4x4096x1024xf32, #tpu.memory_space<hbm>> -> memref<1x16x1024xf32, #tpu.memory_space<hbm>>
    %dma_start3A_880 = tpu.memref_squeeze %dma_start3A_879 : memref<1x16x1024xf32, #tpu.memory_space<hbm>> -> memref<16x1024xf32, #tpu.memory_space<hbm>>
    %dma_start3A_881 = arith.constant 0 : i32
    %dma_start3A_882 = tpu.memref_slice %arg2[%dma_start3A_877, %add3A_876, %dma_start3A_881] : memref<4x4096x1024xf32, #tpu.memory_space<hbm>> -> memref<1x16x1024xf32, #tpu.memory_space<hbm>>
    %dma_start3A_883 = tpu.memref_squeeze %dma_start3A_882 : memref<1x16x1024xf32, #tpu.memory_space<hbm>> -> memref<16x1024xf32, #tpu.memory_space<hbm>>
    tpu.enqueue_dma source(%dma_start3A_883 : memref<16x1024xf32, #tpu.memory_space<hbm>>) target(%arg6 : memref<16x1024xf32, #tpu.memory_space<vmem>>) target_semaphore(%arg13 : memref<!tpu.dma_semaphore, #tpu.memory_space<semaphore_mem>>)
    %dma_wait3A_884 = arith.constant 1 : i32
    %dma_wait3A_885 = arith.constant 0 : i32
    %dma_wait3A_886 = tpu.memref_slice %arg4[%dma_wait3A_884, %add3A_832, %dma_wait3A_885] : memref<4x4096x1024xf32, #tpu.memory_space<hbm>> -> memref<1x16x1024xf32, #tpu.memory_space<hbm>>
    %dma_wait3A_887 = tpu.memref_squeeze %dma_wait3A_886 : memref<1x16x1024xf32, #tpu.memory_space<hbm>> -> memref<16x1024xf32, #tpu.memory_space<hbm>>
    %dma_wait3A_888 = arith.constant 0 : i32
    %dma_wait3A_889 = tpu.memref_slice %arg4[%dma_wait3A_884, %add3A_832, %dma_wait3A_888] : memref<4x4096x1024xf32, #tpu.memory_space<hbm>> -> memref<1x16x1024xf32, #tpu.memory_space<hbm>>
    %dma_wait3A_890 = tpu.memref_squeeze %dma_wait3A_889 : memref<1x16x1024xf32, #tpu.memory_space<hbm>> -> memref<16x1024xf32, #tpu.memory_space<hbm>>
    tpu.wait_dma2 semaphore(%arg16 : memref<!tpu.dma_semaphore, #tpu.memory_space<semaphore_mem>>) src(%arg9 : memref<16x1024xf32, #tpu.memory_space<vmem>>) dst(%dma_wait3A_890 : memref<16x1024xf32, #tpu.memory_space<hbm>>)
    %dma_wait3A_891 = arith.constant 3 : i32
    %dma_wait3A_892 = arith.constant 0 : i32
    %dma_wait3A_893 = tpu.memref_slice %arg2[%dma_wait3A_891, %add3A_806, %dma_wait3A_892] : memref<4x4096x1024xf32, #tpu.memory_space<hbm>> -> memref<1x16x1024xf32, #tpu.memory_space<hbm>>
    %dma_wait3A_894 = tpu.memref_squeeze %dma_wait3A_893 : memref<1x16x1024xf32, #tpu.memory_space<hbm>> -> memref<16x1024xf32, #tpu.memory_space<hbm>>
    %dma_wait3A_895 = arith.constant 0 : i32
    %dma_wait3A_896 = tpu.memref_slice %arg2[%dma_wait3A_891, %add3A_806, %dma_wait3A_895] : memref<4x4096x1024xf32, #tpu.memory_space<hbm>> -> memref<1x16x1024xf32, #tpu.memory_space<hbm>>
    %dma_wait3A_897 = tpu.memref_squeeze %dma_wait3A_896 : memref<1x16x1024xf32, #tpu.memory_space<hbm>> -> memref<16x1024xf32, #tpu.memory_space<hbm>>
    tpu.wait_dma2 semaphore(%arg14 : memref<!tpu.dma_semaphore, #tpu.memory_space<semaphore_mem>>) src(%dma_wait3A_897 : memref<16x1024xf32, #tpu.memory_space<hbm>>) dst(%arg7 : memref<16x1024xf32, #tpu.memory_space<vmem>>)
    %parallel_loop3A_898 = arith.constant 0 : i32
    %parallel_loop3A_899 = arith.constant 16384 : i32
    %parallel_loop3A_900 = arith.constant 16 : i32
    scf.for %parallel_loop3A_1200 = %parallel_loop3A_898 to %parallel_loop3A_899 step %parallel_loop3A_900  : i32 {
      %parallel_loop3A_1201 = arith.constant 10 : i32
      %parallel_loop3A_1202 = arith.shrsi %parallel_loop3A_1200, %parallel_loop3A_1201 : i32
      %parallel_loop3A_1203 = arith.constant 1023 : i32
      %parallel_loop3A_1204 = arith.andi %parallel_loop3A_1200, %parallel_loop3A_1203 : i32
      %parallel_loop3A_1205 = tpu.assume_multiple %parallel_loop3A_1204, 16 : i32
      %parallel_loop3A_1206 = arith.index_cast %parallel_loop3A_1202 : i32 to index
      %parallel_loop3A_1207 = arith.index_cast %parallel_loop3A_1205 : i32 to index
      %parallel_loop3A_1208 = tpu.vector_load %arg7[%parallel_loop3A_1206, %parallel_loop3A_1207] {strides = array<i32>} : memref<16x1024xf32, #tpu.memory_space<vmem>>, vector<1x16xf32>,
      %parallel_loop3A_1209 = vector.shape_cast %parallel_loop3A_1208 : vector<1x16xf32> to vector<16xf32>
      %parallel_loop3A_1210 = arith.index_cast %parallel_loop3A_1202 : i32 to index
      %parallel_loop3A_1211 = arith.index_cast %parallel_loop3A_1205 : i32 to index
      %parallel_loop3A_1212 = tpu.vector_load %arg11[%parallel_loop3A_1210, %parallel_loop3A_1211] {strides = array<i32>} : memref<16x1024xf32, #tpu.memory_space<vmem>>, vector<1x16xf32>,
      %parallel_loop3A_1213 = vector.shape_cast %parallel_loop3A_1212 : vector<1x16xf32> to vector<16xf32>
      %parallel_loop3A_1214 = arith.addf %parallel_loop3A_1209, %parallel_loop3A_1213 : vector<16xf32>
      %parallel_loop3A_1215 = arith.index_cast %parallel_loop3A_1202 : i32 to index
      %parallel_loop3A_1216 = arith.index_cast %parallel_loop3A_1205 : i32 to index
      %parallel_loop3A_1217 = tpu.vector_load %arg9[%parallel_loop3A_1215, %parallel_loop3A_1216] {strides = array<i32>} : memref<16x1024xf32, #tpu.memory_space<vmem>>, vector<1x16xf32>,
      %parallel_loop3A_1218 = vector.shape_cast %parallel_loop3A_1217 : vector<1x16xf32> to vector<16xf32>
      %parallel_loop3A_1219 = vector.shape_cast %parallel_loop3A_1214 : vector<16xf32> to vector<1x16xf32>
      tpu.vector_store %arg9[%parallel_loop3A_1215, %parallel_loop3A_1216], %parallel_loop3A_1219 {strides = array<i32>} : memref<16x1024xf32, #tpu.memory_space<vmem>>, vector<1x16xf32>,
    } {sc.loop_unroll_factor = 8 : i64, sc.parallel_access}
    %add3A_901 = arith.constant 80 : i32
    %add3A_902 = arith.addi %mul3A_2, %add3A_901 : i32
    %dma_start3A_903 = arith.constant 3 : i32
    %dma_start3A_904 = arith.constant 0 : i32
    %dma_start3A_905 = tpu.memref_slice %arg4[%dma_start3A_903, %add3A_902, %dma_start3A_904] : memref<4x4096x1024xf32, #tpu.memory_space<hbm>> -> memref<1x16x1024xf32, #tpu.memory_space<hbm>>
    %dma_start3A_906 = tpu.memref_squeeze %dma_start3A_905 : memref<1x16x1024xf32, #tpu.memory_space<hbm>> -> memref<16x1024xf32, #tpu.memory_space<hbm>>
    %dma_start3A_907 = arith.constant 0 : i32
    %dma_start3A_908 = tpu.memref_slice %arg4[%dma_start3A_903, %add3A_902, %dma_start3A_907] : memref<4x4096x1024xf32, #tpu.memory_space<hbm>> -> memref<1x16x1024xf32, #tpu.memory_space<hbm>>
    %dma_start3A_909 = tpu.memref_squeeze %dma_start3A_908 : memref<1x16x1024xf32, #tpu.memory_space<hbm>> -> memref<16x1024xf32, #tpu.memory_space<hbm>>
    tpu.enqueue_dma source(%arg9 : memref<16x1024xf32, #tpu.memory_space<vmem>>) target(%dma_start3A_909 : memref<16x1024xf32, #tpu.memory_space<hbm>>) target_semaphore(%arg16 : memref<!tpu.dma_semaphore, #tpu.memory_space<semaphore_mem>>)
    %add3A_910 = arith.constant 96 : i32
    %add3A_911 = arith.addi %mul3A_2, %add3A_910 : i32
    %dma_start3A_912 = arith.constant 2 : i32
    %dma_start3A_913 = arith.constant 0 : i32
    %dma_start3A_914 = tpu.memref_slice %arg2[%dma_start3A_912, %add3A_911, %dma_start3A_913] : memref<4x4096x1024xf32, #tpu.memory_space<hbm>> -> memref<1x16x1024xf32, #tpu.memory_space<hbm>>
    %dma_start3A_915 = tpu.memref_squeeze %dma_start3A_914 : memref<1x16x1024xf32, #tpu.memory_space<hbm>> -> memref<16x1024xf32, #tpu.memory_space<hbm>>
    %dma_start3A_916 = arith.constant 0 : i32
    %dma_start3A_917 = tpu.memref_slice %arg2[%dma_start3A_912, %add3A_911, %dma_start3A_916] : memref<4x4096x1024xf32, #tpu.memory_space<hbm>> -> memref<1x16x1024xf32, #tpu.memory_space<hbm>>
    %dma_start3A_918 = tpu.memref_squeeze %dma_start3A_917 : memref<1x16x1024xf32, #tpu.memory_space<hbm>> -> memref<16x1024xf32, #tpu.memory_space<hbm>>
    tpu.enqueue_dma source(%dma_start3A_918 : memref<16x1024xf32, #tpu.memory_space<hbm>>) target(%arg7 : memref<16x1024xf32, #tpu.memory_space<vmem>>) target_semaphore(%arg14 : memref<!tpu.dma_semaphore, #tpu.memory_space<semaphore_mem>>)
    %add3A_919 = arith.constant 112 : i32
    %add3A_920 = arith.addi %mul3A_2, %add3A_919 : i32
    %dma_start3A_921 = arith.constant 0 : i32
    %dma_start3A_922 = tpu.memref_slice %arg3[%add3A_920, %dma_start3A_921] : memref<4096x1024xf32, #tpu.memory_space<hbm>> -> memref<16x1024xf32, #tpu.memory_space<hbm>>
    %dma_start3A_923 = arith.constant 0 : i32
    %dma_start3A_924 = tpu.memref_slice %arg3[%add3A_920, %dma_start3A_923] : memref<4096x1024xf32, #tpu.memory_space<hbm>> -> memref<16x1024xf32, #tpu.memory_space<hbm>>
    tpu.enqueue_dma source(%dma_start3A_924 : memref<16x1024xf32, #tpu.memory_space<hbm>>) target(%arg11 : memref<16x1024xf32, #tpu.memory_space<vmem>>) target_semaphore(%arg18 : memref<!tpu.dma_semaphore, #tpu.memory_space<semaphore_mem>>)
    %dma_wait3A_925 = arith.constant 2 : i32
    %dma_wait3A_926 = arith.constant 0 : i32
    %dma_wait3A_927 = tpu.memref_slice %arg4[%dma_wait3A_925, %add3A_867, %dma_wait3A_926] : memref<4x4096x1024xf32, #tpu.memory_space<hbm>> -> memref<1x16x1024xf32, #tpu.memory_space<hbm>>
    %dma_wait3A_928 = tpu.memref_squeeze %dma_wait3A_927 : memref<1x16x1024xf32, #tpu.memory_space<hbm>> -> memref<16x1024xf32, #tpu.memory_space<hbm>>
    %dma_wait3A_929 = arith.constant 0 : i32
    %dma_wait3A_930 = tpu.memref_slice %arg4[%dma_wait3A_925, %add3A_867, %dma_wait3A_929] : memref<4x4096x1024xf32, #tpu.memory_space<hbm>> -> memref<1x16x1024xf32, #tpu.memory_space<hbm>>
    %dma_wait3A_931 = tpu.memref_squeeze %dma_wait3A_930 : memref<1x16x1024xf32, #tpu.memory_space<hbm>> -> memref<16x1024xf32, #tpu.memory_space<hbm>>
    tpu.wait_dma2 semaphore(%arg15 : memref<!tpu.dma_semaphore, #tpu.memory_space<semaphore_mem>>) src(%arg8 : memref<16x1024xf32, #tpu.memory_space<vmem>>) dst(%dma_wait3A_931 : memref<16x1024xf32, #tpu.memory_space<hbm>>)
    %dma_wait3A_932 = arith.constant 0 : i32
    %dma_wait3A_933 = tpu.memref_slice %arg3[%add3A_770, %dma_wait3A_932] : memref<4096x1024xf32, #tpu.memory_space<hbm>> -> memref<16x1024xf32, #tpu.memory_space<hbm>>
    %dma_wait3A_934 = arith.constant 0 : i32
    %dma_wait3A_935 = tpu.memref_slice %arg3[%add3A_770, %dma_wait3A_934] : memref<4096x1024xf32, #tpu.memory_space<hbm>> -> memref<16x1024xf32, #tpu.memory_space<hbm>>
    tpu.wait_dma2 semaphore(%arg17 : memref<!tpu.dma_semaphore, #tpu.memory_space<semaphore_mem>>) src(%dma_wait3A_935 : memref<16x1024xf32, #tpu.memory_space<hbm>>) dst(%arg10 : memref<16x1024xf32, #tpu.memory_space<vmem>>)
    %dma_wait3A_936 = arith.constant 0 : i32
    %dma_wait3A_937 = arith.constant 0 : i32
    %dma_wait3A_938 = tpu.memref_slice %arg2[%dma_wait3A_936, %add3A_841, %dma_wait3A_937] : memref<4x4096x1024xf32, #tpu.memory_space<hbm>> -> memref<1x16x1024xf32, #tpu.memory_space<hbm>>
    %dma_wait3A_939 = tpu.memref_squeeze %dma_wait3A_938 : memref<1x16x1024xf32, #tpu.memory_space<hbm>> -> memref<16x1024xf32, #tpu.memory_space<hbm>>
    %dma_wait3A_940 = arith.constant 0 : i32
    %dma_wait3A_941 = tpu.memref_slice %arg2[%dma_wait3A_936, %add3A_841, %dma_wait3A_940] : memref<4x4096x1024xf32, #tpu.memory_space<hbm>> -> memref<1x16x1024xf32, #tpu.memory_space<hbm>>
    %dma_wait3A_942 = tpu.memref_squeeze %dma_wait3A_941 : memref<1x16x1024xf32, #tpu.memory_space<hbm>> -> memref<16x1024xf32, #tpu.memory_space<hbm>>
    tpu.wait_dma2 semaphore(%arg12 : memref<!tpu.dma_semaphore, #tpu.memory_space<semaphore_mem>>) src(%dma_wait3A_942 : memref<16x1024xf32, #tpu.memory_space<hbm>>) dst(%arg5 : memref<16x1024xf32, #tpu.memory_space<vmem>>)
    %parallel_loop3A_943 = arith.constant 0 : i32
    %parallel_loop3A_944 = arith.constant 16384 : i32
    %parallel_loop3A_945 = arith.constant 16 : i32
    scf.for %parallel_loop3A_1200 = %parallel_loop3A_943 to %parallel_loop3A_944 step %parallel_loop3A_945  : i32 {
      %parallel_loop3A_1201 = arith.constant 10 : i32
      %parallel_loop3A_1202 = arith.shrsi %parallel_loop3A_1200, %parallel_loop3A_1201 : i32
      %parallel_loop3A_1203 = arith.constant 1023 : i32
      %parallel_loop3A_1204 = arith.andi %parallel_loop3A_1200, %parallel_loop3A_1203 : i32
      %parallel_loop3A_1205 = tpu.assume_multiple %parallel_loop3A_1204, 16 : i32
      %parallel_loop3A_1206 = arith.index_cast %parallel_loop3A_1202 : i32 to index
      %parallel_loop3A_1207 = arith.index_cast %parallel_loop3A_1205 : i32 to index
      %parallel_loop3A_1208 = tpu.vector_load %arg5[%parallel_loop3A_1206, %parallel_loop3A_1207] {strides = array<i32>} : memref<16x1024xf32, #tpu.memory_space<vmem>>, vector<1x16xf32>,
      %parallel_loop3A_1209 = vector.shape_cast %parallel_loop3A_1208 : vector<1x16xf32> to vector<16xf32>
      %parallel_loop3A_1210 = arith.index_cast %parallel_loop3A_1202 : i32 to index
      %parallel_loop3A_1211 = arith.index_cast %parallel_loop3A_1205 : i32 to index
      %parallel_loop3A_1212 = tpu.vector_load %arg10[%parallel_loop3A_1210, %parallel_loop3A_1211] {strides = array<i32>} : memref<16x1024xf32, #tpu.memory_space<vmem>>, vector<1x16xf32>,
      %parallel_loop3A_1213 = vector.shape_cast %parallel_loop3A_1212 : vector<1x16xf32> to vector<16xf32>
      %parallel_loop3A_1214 = arith.addf %parallel_loop3A_1209, %parallel_loop3A_1213 : vector<16xf32>
      %parallel_loop3A_1215 = arith.index_cast %parallel_loop3A_1202 : i32 to index
      %parallel_loop3A_1216 = arith.index_cast %parallel_loop3A_1205 : i32 to index
      %parallel_loop3A_1217 = tpu.vector_load %arg8[%parallel_loop3A_1215, %parallel_loop3A_1216] {strides = array<i32>} : memref<16x1024xf32, #tpu.memory_space<vmem>>, vector<1x16xf32>,
      %parallel_loop3A_1218 = vector.shape_cast %parallel_loop3A_1217 : vector<1x16xf32> to vector<16xf32>
      %parallel_loop3A_1219 = vector.shape_cast %parallel_loop3A_1214 : vector<16xf32> to vector<1x16xf32>
      tpu.vector_store %arg8[%parallel_loop3A_1215, %parallel_loop3A_1216], %parallel_loop3A_1219 {strides = array<i32>} : memref<16x1024xf32, #tpu.memory_space<vmem>>, vector<1x16xf32>,
    } {sc.loop_unroll_factor = 8 : i64, sc.parallel_access}
    %add3A_946 = arith.constant 96 : i32
    %add3A_947 = arith.addi %mul3A_2, %add3A_946 : i32
    %dma_start3A_948 = arith.constant 0 : i32
    %dma_start3A_949 = arith.constant 0 : i32
    %dma_start3A_950 = tpu.memref_slice %arg4[%dma_start3A_948, %add3A_947, %dma_start3A_949] : memref<4x4096x1024xf32, #tpu.memory_space<hbm>> -> memref<1x16x1024xf32, #tpu.memory_space<hbm>>
    %dma_start3A_951 = tpu.memref_squeeze %dma_start3A_950 : memref<1x16x1024xf32, #tpu.memory_space<hbm>> -> memref<16x1024xf32, #tpu.memory_space<hbm>>
    %dma_start3A_952 = arith.constant 0 : i32
    %dma_start3A_953 = tpu.memref_slice %arg4[%dma_start3A_948, %add3A_947, %dma_start3A_952] : memref<4x4096x1024xf32, #tpu.memory_space<hbm>> -> memref<1x16x1024xf32, #tpu.memory_space<hbm>>
    %dma_start3A_954 = tpu.memref_squeeze %dma_start3A_953 : memref<1x16x1024xf32, #tpu.memory_space<hbm>> -> memref<16x1024xf32, #tpu.memory_space<hbm>>
    tpu.enqueue_dma source(%arg8 : memref<16x1024xf32, #tpu.memory_space<vmem>>) target(%dma_start3A_954 : memref<16x1024xf32, #tpu.memory_space<hbm>>) target_semaphore(%arg15 : memref<!tpu.dma_semaphore, #tpu.memory_space<semaphore_mem>>)
    %add3A_955 = arith.constant 96 : i32
    %add3A_956 = arith.addi %mul3A_2, %add3A_955 : i32
    %dma_start3A_957 = arith.constant 3 : i32
    %dma_start3A_958 = arith.constant 0 : i32
    %dma_start3A_959 = tpu.memref_slice %arg2[%dma_start3A_957, %add3A_956, %dma_start3A_958] : memref<4x4096x1024xf32, #tpu.memory_space<hbm>> -> memref<1x16x1024xf32, #tpu.memory_space<hbm>>
    %dma_start3A_960 = tpu.memref_squeeze %dma_start3A_959 : memref<1x16x1024xf32, #tpu.memory_space<hbm>> -> memref<16x1024xf32, #tpu.memory_space<hbm>>
    %dma_start3A_961 = arith.constant 0 : i32
    %dma_start3A_962 = tpu.memref_slice %arg2[%dma_start3A_957, %add3A_956, %dma_start3A_961] : memref<4x4096x1024xf32, #tpu.memory_space<hbm>> -> memref<1x16x1024xf32, #tpu.memory_space<hbm>>
    %dma_start3A_963 = tpu.memref_squeeze %dma_start3A_962 : memref<1x16x1024xf32, #tpu.memory_space<hbm>> -> memref<16x1024xf32, #tpu.memory_space<hbm>>
    tpu.enqueue_dma source(%dma_start3A_963 : memref<16x1024xf32, #tpu.memory_space<hbm>>) target(%arg5 : memref<16x1024xf32, #tpu.memory_space<vmem>>) target_semaphore(%arg12 : memref<!tpu.dma_semaphore, #tpu.memory_space<semaphore_mem>>)
    %dma_wait3A_964 = arith.constant 3 : i32
    %dma_wait3A_965 = arith.constant 0 : i32
    %dma_wait3A_966 = tpu.memref_slice %arg4[%dma_wait3A_964, %add3A_902, %dma_wait3A_965] : memref<4x4096x1024xf32, #tpu.memory_space<hbm>> -> memref<1x16x1024xf32, #tpu.memory_space<hbm>>
    %dma_wait3A_967 = tpu.memref_squeeze %dma_wait3A_966 : memref<1x16x1024xf32, #tpu.memory_space<hbm>> -> memref<16x1024xf32, #tpu.memory_space<hbm>>
    %dma_wait3A_968 = arith.constant 0 : i32
    %dma_wait3A_969 = tpu.memref_slice %arg4[%dma_wait3A_964, %add3A_902, %dma_wait3A_968] : memref<4x4096x1024xf32, #tpu.memory_space<hbm>> -> memref<1x16x1024xf32, #tpu.memory_space<hbm>>
    %dma_wait3A_970 = tpu.memref_squeeze %dma_wait3A_969 : memref<1x16x1024xf32, #tpu.memory_space<hbm>> -> memref<16x1024xf32, #tpu.memory_space<hbm>>
    tpu.wait_dma2 semaphore(%arg16 : memref<!tpu.dma_semaphore, #tpu.memory_space<semaphore_mem>>) src(%arg9 : memref<16x1024xf32, #tpu.memory_space<vmem>>) dst(%dma_wait3A_970 : memref<16x1024xf32, #tpu.memory_space<hbm>>)
    %dma_wait3A_971 = arith.constant 1 : i32
    %dma_wait3A_972 = arith.constant 0 : i32
    %dma_wait3A_973 = tpu.memref_slice %arg2[%dma_wait3A_971, %add3A_876, %dma_wait3A_972] : memref<4x4096x1024xf32, #tpu.memory_space<hbm>> -> memref<1x16x1024xf32, #tpu.memory_space<hbm>>
    %dma_wait3A_974 = tpu.memref_squeeze %dma_wait3A_973 : memref<1x16x1024xf32, #tpu.memory_space<hbm>> -> memref<16x1024xf32, #tpu.memory_space<hbm>>
    %dma_wait3A_975 = arith.constant 0 : i32
    %dma_wait3A_976 = tpu.memref_slice %arg2[%dma_wait3A_971, %add3A_876, %dma_wait3A_975] : memref<4x4096x1024xf32, #tpu.memory_space<hbm>> -> memref<1x16x1024xf32, #tpu.memory_space<hbm>>
    %dma_wait3A_977 = tpu.memref_squeeze %dma_wait3A_976 : memref<1x16x1024xf32, #tpu.memory_space<hbm>> -> memref<16x1024xf32, #tpu.memory_space<hbm>>
    tpu.wait_dma2 semaphore(%arg13 : memref<!tpu.dma_semaphore, #tpu.memory_space<semaphore_mem>>) src(%dma_wait3A_977 : memref<16x1024xf32, #tpu.memory_space<hbm>>) dst(%arg6 : memref<16x1024xf32, #tpu.memory_space<vmem>>)
    %parallel_loop3A_978 = arith.constant 0 : i32
    %parallel_loop3A_979 = arith.constant 16384 : i32
    %parallel_loop3A_980 = arith.constant 16 : i32
    scf.for %parallel_loop3A_1200 = %parallel_loop3A_978 to %parallel_loop3A_979 step %parallel_loop3A_980  : i32 {
      %parallel_loop3A_1201 = arith.constant 10 : i32
      %parallel_loop3A_1202 = arith.shrsi %parallel_loop3A_1200, %parallel_loop3A_1201 : i32
      %parallel_loop3A_1203 = arith.constant 1023 : i32
      %parallel_loop3A_1204 = arith.andi %parallel_loop3A_1200, %parallel_loop3A_1203 : i32
      %parallel_loop3A_1205 = tpu.assume_multiple %parallel_loop3A_1204, 16 : i32
      %parallel_loop3A_1206 = arith.index_cast %parallel_loop3A_1202 : i32 to index
      %parallel_loop3A_1207 = arith.index_cast %parallel_loop3A_1205 : i32 to index
      %parallel_loop3A_1208 = tpu.vector_load %arg6[%parallel_loop3A_1206, %parallel_loop3A_1207] {strides = array<i32>} : memref<16x1024xf32, #tpu.memory_space<vmem>>, vector<1x16xf32>,
      %parallel_loop3A_1209 = vector.shape_cast %parallel_loop3A_1208 : vector<1x16xf32> to vector<16xf32>
      %parallel_loop3A_1210 = arith.index_cast %parallel_loop3A_1202 : i32 to index
      %parallel_loop3A_1211 = arith.index_cast %parallel_loop3A_1205 : i32 to index
      %parallel_loop3A_1212 = tpu.vector_load %arg10[%parallel_loop3A_1210, %parallel_loop3A_1211] {strides = array<i32>} : memref<16x1024xf32, #tpu.memory_space<vmem>>, vector<1x16xf32>,
      %parallel_loop3A_1213 = vector.shape_cast %parallel_loop3A_1212 : vector<1x16xf32> to vector<16xf32>
      %parallel_loop3A_1214 = arith.addf %parallel_loop3A_1209, %parallel_loop3A_1213 : vector<16xf32>
      %parallel_loop3A_1215 = arith.index_cast %parallel_loop3A_1202 : i32 to index
      %parallel_loop3A_1216 = arith.index_cast %parallel_loop3A_1205 : i32 to index
      %parallel_loop3A_1217 = tpu.vector_load %arg9[%parallel_loop3A_1215, %parallel_loop3A_1216] {strides = array<i32>} : memref<16x1024xf32, #tpu.memory_space<vmem>>, vector<1x16xf32>,
      %parallel_loop3A_1218 = vector.shape_cast %parallel_loop3A_1217 : vector<1x16xf32> to vector<16xf32>
      %parallel_loop3A_1219 = vector.shape_cast %parallel_loop3A_1214 : vector<16xf32> to vector<1x16xf32>
      tpu.vector_store %arg9[%parallel_loop3A_1215, %parallel_loop3A_1216], %parallel_loop3A_1219 {strides = array<i32>} : memref<16x1024xf32, #tpu.memory_space<vmem>>, vector<1x16xf32>,
    } {sc.loop_unroll_factor = 8 : i64, sc.parallel_access}
    %add3A_981 = arith.constant 96 : i32
    %add3A_982 = arith.addi %mul3A_2, %add3A_981 : i32
    %dma_start3A_983 = arith.constant 1 : i32
    %dma_start3A_984 = arith.constant 0 : i32
    %dma_start3A_985 = tpu.memref_slice %arg4[%dma_start3A_983, %add3A_982, %dma_start3A_984] : memref<4x4096x1024xf32, #tpu.memory_space<hbm>> -> memref<1x16x1024xf32, #tpu.memory_space<hbm>>
    %dma_start3A_986 = tpu.memref_squeeze %dma_start3A_985 : memref<1x16x1024xf32, #tpu.memory_space<hbm>> -> memref<16x1024xf32, #tpu.memory_space<hbm>>
    %dma_start3A_987 = arith.constant 0 : i32
    %dma_start3A_988 = tpu.memref_slice %arg4[%dma_start3A_983, %add3A_982, %dma_start3A_987] : memref<4x4096x1024xf32, #tpu.memory_space<hbm>> -> memref<1x16x1024xf32, #tpu.memory_space<hbm>>
    %dma_start3A_989 = tpu.memref_squeeze %dma_start3A_988 : memref<1x16x1024xf32, #tpu.memory_space<hbm>> -> memref<16x1024xf32, #tpu.memory_space<hbm>>
    tpu.enqueue_dma source(%arg9 : memref<16x1024xf32, #tpu.memory_space<vmem>>) target(%dma_start3A_989 : memref<16x1024xf32, #tpu.memory_space<hbm>>) target_semaphore(%arg16 : memref<!tpu.dma_semaphore, #tpu.memory_space<semaphore_mem>>)
    %add3A_990 = arith.constant 112 : i32
    %add3A_991 = arith.addi %mul3A_2, %add3A_990 : i32
    %dma_start3A_992 = arith.constant 0 : i32
    %dma_start3A_993 = arith.constant 0 : i32
    %dma_start3A_994 = tpu.memref_slice %arg2[%dma_start3A_992, %add3A_991, %dma_start3A_993] : memref<4x4096x1024xf32, #tpu.memory_space<hbm>> -> memref<1x16x1024xf32, #tpu.memory_space<hbm>>
    %dma_start3A_995 = tpu.memref_squeeze %dma_start3A_994 : memref<1x16x1024xf32, #tpu.memory_space<hbm>> -> memref<16x1024xf32, #tpu.memory_space<hbm>>
    %dma_start3A_996 = arith.constant 0 : i32
    %dma_start3A_997 = tpu.memref_slice %arg2[%dma_start3A_992, %add3A_991, %dma_start3A_996] : memref<4x4096x1024xf32, #tpu.memory_space<hbm>> -> memref<1x16x1024xf32, #tpu.memory_space<hbm>>
    %dma_start3A_998 = tpu.memref_squeeze %dma_start3A_997 : memref<1x16x1024xf32, #tpu.memory_space<hbm>> -> memref<16x1024xf32, #tpu.memory_space<hbm>>
    tpu.enqueue_dma source(%dma_start3A_998 : memref<16x1024xf32, #tpu.memory_space<hbm>>) target(%arg6 : memref<16x1024xf32, #tpu.memory_space<vmem>>) target_semaphore(%arg13 : memref<!tpu.dma_semaphore, #tpu.memory_space<semaphore_mem>>)
    %dma_wait3A_999 = arith.constant 0 : i32
    %dma_wait3A_1000 = arith.constant 0 : i32
    %dma_wait3A_1001 = tpu.memref_slice %arg4[%dma_wait3A_999, %add3A_947, %dma_wait3A_1000] : memref<4x4096x1024xf32, #tpu.memory_space<hbm>> -> memref<1x16x1024xf32, #tpu.memory_space<hbm>>
    %dma_wait3A_1002 = tpu.memref_squeeze %dma_wait3A_1001 : memref<1x16x1024xf32, #tpu.memory_space<hbm>> -> memref<16x1024xf32, #tpu.memory_space<hbm>>
    %dma_wait3A_1003 = arith.constant 0 : i32
    %dma_wait3A_1004 = tpu.memref_slice %arg4[%dma_wait3A_999, %add3A_947, %dma_wait3A_1003] : memref<4x4096x1024xf32, #tpu.memory_space<hbm>> -> memref<1x16x1024xf32, #tpu.memory_space<hbm>>
    %dma_wait3A_1005 = tpu.memref_squeeze %dma_wait3A_1004 : memref<1x16x1024xf32, #tpu.memory_space<hbm>> -> memref<16x1024xf32, #tpu.memory_space<hbm>>
    tpu.wait_dma2 semaphore(%arg15 : memref<!tpu.dma_semaphore, #tpu.memory_space<semaphore_mem>>) src(%arg8 : memref<16x1024xf32, #tpu.memory_space<vmem>>) dst(%dma_wait3A_1005 : memref<16x1024xf32, #tpu.memory_space<hbm>>)
    %dma_wait3A_1006 = arith.constant 2 : i32
    %dma_wait3A_1007 = arith.constant 0 : i32
    %dma_wait3A_1008 = tpu.memref_slice %arg2[%dma_wait3A_1006, %add3A_911, %dma_wait3A_1007] : memref<4x4096x1024xf32, #tpu.memory_space<hbm>> -> memref<1x16x1024xf32, #tpu.memory_space<hbm>>
    %dma_wait3A_1009 = tpu.memref_squeeze %dma_wait3A_1008 : memref<1x16x1024xf32, #tpu.memory_space<hbm>> -> memref<16x1024xf32, #tpu.memory_space<hbm>>
    %dma_wait3A_1010 = arith.constant 0 : i32
    %dma_wait3A_1011 = tpu.memref_slice %arg2[%dma_wait3A_1006, %add3A_911, %dma_wait3A_1010] : memref<4x4096x1024xf32, #tpu.memory_space<hbm>> -> memref<1x16x1024xf32, #tpu.memory_space<hbm>>
    %dma_wait3A_1012 = tpu.memref_squeeze %dma_wait3A_1011 : memref<1x16x1024xf32, #tpu.memory_space<hbm>> -> memref<16x1024xf32, #tpu.memory_space<hbm>>
    tpu.wait_dma2 semaphore(%arg14 : memref<!tpu.dma_semaphore, #tpu.memory_space<semaphore_mem>>) src(%dma_wait3A_1012 : memref<16x1024xf32, #tpu.memory_space<hbm>>) dst(%arg7 : memref<16x1024xf32, #tpu.memory_space<vmem>>)
    %parallel_loop3A_1013 = arith.constant 0 : i32
    %parallel_loop3A_1014 = arith.constant 16384 : i32
    %parallel_loop3A_1015 = arith.constant 16 : i32
    scf.for %parallel_loop3A_1200 = %parallel_loop3A_1013 to %parallel_loop3A_1014 step %parallel_loop3A_1015  : i32 {
      %parallel_loop3A_1201 = arith.constant 10 : i32
      %parallel_loop3A_1202 = arith.shrsi %parallel_loop3A_1200, %parallel_loop3A_1201 : i32
      %parallel_loop3A_1203 = arith.constant 1023 : i32
      %parallel_loop3A_1204 = arith.andi %parallel_loop3A_1200, %parallel_loop3A_1203 : i32
      %parallel_loop3A_1205 = tpu.assume_multiple %parallel_loop3A_1204, 16 : i32
      %parallel_loop3A_1206 = arith.index_cast %parallel_loop3A_1202 : i32 to index
      %parallel_loop3A_1207 = arith.index_cast %parallel_loop3A_1205 : i32 to index
      %parallel_loop3A_1208 = tpu.vector_load %arg7[%parallel_loop3A_1206, %parallel_loop3A_1207] {strides = array<i32>} : memref<16x1024xf32, #tpu.memory_space<vmem>>, vector<1x16xf32>,
      %parallel_loop3A_1209 = vector.shape_cast %parallel_loop3A_1208 : vector<1x16xf32> to vector<16xf32>
      %parallel_loop3A_1210 = arith.index_cast %parallel_loop3A_1202 : i32 to index
      %parallel_loop3A_1211 = arith.index_cast %parallel_loop3A_1205 : i32 to index
      %parallel_loop3A_1212 = tpu.vector_load %arg10[%parallel_loop3A_1210, %parallel_loop3A_1211] {strides = array<i32>} : memref<16x1024xf32, #tpu.memory_space<vmem>>, vector<1x16xf32>,
      %parallel_loop3A_1213 = vector.shape_cast %parallel_loop3A_1212 : vector<1x16xf32> to vector<16xf32>
      %parallel_loop3A_1214 = arith.addf %parallel_loop3A_1209, %parallel_loop3A_1213 : vector<16xf32>
      %parallel_loop3A_1215 = arith.index_cast %parallel_loop3A_1202 : i32 to index
      %parallel_loop3A_1216 = arith.index_cast %parallel_loop3A_1205 : i32 to index
      %parallel_loop3A_1217 = tpu.vector_load %arg8[%parallel_loop3A_1215, %parallel_loop3A_1216] {strides = array<i32>} : memref<16x1024xf32, #tpu.memory_space<vmem>>, vector<1x16xf32>,
      %parallel_loop3A_1218 = vector.shape_cast %parallel_loop3A_1217 : vector<1x16xf32> to vector<16xf32>
      %parallel_loop3A_1219 = vector.shape_cast %parallel_loop3A_1214 : vector<16xf32> to vector<1x16xf32>
      tpu.vector_store %arg8[%parallel_loop3A_1215, %parallel_loop3A_1216], %parallel_loop3A_1219 {strides = array<i32>} : memref<16x1024xf32, #tpu.memory_space<vmem>>, vector<1x16xf32>,
    } {sc.loop_unroll_factor = 8 : i64, sc.parallel_access}
    %add3A_1016 = arith.constant 96 : i32
    %add3A_1017 = arith.addi %mul3A_2, %add3A_1016 : i32
    %dma_start3A_1018 = arith.constant 2 : i32
    %dma_start3A_1019 = arith.constant 0 : i32
    %dma_start3A_1020 = tpu.memref_slice %arg4[%dma_start3A_1018, %add3A_1017, %dma_start3A_1019] : memref<4x4096x1024xf32, #tpu.memory_space<hbm>> -> memref<1x16x1024xf32, #tpu.memory_space<hbm>>
    %dma_start3A_1021 = tpu.memref_squeeze %dma_start3A_1020 : memref<1x16x1024xf32, #tpu.memory_space<hbm>> -> memref<16x1024xf32, #tpu.memory_space<hbm>>
    %dma_start3A_1022 = arith.constant 0 : i32
    %dma_start3A_1023 = tpu.memref_slice %arg4[%dma_start3A_1018, %add3A_1017, %dma_start3A_1022] : memref<4x4096x1024xf32, #tpu.memory_space<hbm>> -> memref<1x16x1024xf32, #tpu.memory_space<hbm>>
    %dma_start3A_1024 = tpu.memref_squeeze %dma_start3A_1023 : memref<1x16x1024xf32, #tpu.memory_space<hbm>> -> memref<16x1024xf32, #tpu.memory_space<hbm>>
    tpu.enqueue_dma source(%arg8 : memref<16x1024xf32, #tpu.memory_space<vmem>>) target(%dma_start3A_1024 : memref<16x1024xf32, #tpu.memory_space<hbm>>) target_semaphore(%arg15 : memref<!tpu.dma_semaphore, #tpu.memory_space<semaphore_mem>>)
    %add3A_1025 = arith.constant 112 : i32
    %add3A_1026 = arith.addi %mul3A_2, %add3A_1025 : i32
    %dma_start3A_1027 = arith.constant 1 : i32
    %dma_start3A_1028 = arith.constant 0 : i32
    %dma_start3A_1029 = tpu.memref_slice %arg2[%dma_start3A_1027, %add3A_1026, %dma_start3A_1028] : memref<4x4096x1024xf32, #tpu.memory_space<hbm>> -> memref<1x16x1024xf32, #tpu.memory_space<hbm>>
    %dma_start3A_1030 = tpu.memref_squeeze %dma_start3A_1029 : memref<1x16x1024xf32, #tpu.memory_space<hbm>> -> memref<16x1024xf32, #tpu.memory_space<hbm>>
    %dma_start3A_1031 = arith.constant 0 : i32
    %dma_start3A_1032 = tpu.memref_slice %arg2[%dma_start3A_1027, %add3A_1026, %dma_start3A_1031] : memref<4x4096x1024xf32, #tpu.memory_space<hbm>> -> memref<1x16x1024xf32, #tpu.memory_space<hbm>>
    %dma_start3A_1033 = tpu.memref_squeeze %dma_start3A_1032 : memref<1x16x1024xf32, #tpu.memory_space<hbm>> -> memref<16x1024xf32, #tpu.memory_space<hbm>>
    tpu.enqueue_dma source(%dma_start3A_1033 : memref<16x1024xf32, #tpu.memory_space<hbm>>) target(%arg7 : memref<16x1024xf32, #tpu.memory_space<vmem>>) target_semaphore(%arg14 : memref<!tpu.dma_semaphore, #tpu.memory_space<semaphore_mem>>)
    %dma_wait3A_1034 = arith.constant 1 : i32
    %dma_wait3A_1035 = arith.constant 0 : i32
    %dma_wait3A_1036 = tpu.memref_slice %arg4[%dma_wait3A_1034, %add3A_982, %dma_wait3A_1035] : memref<4x4096x1024xf32, #tpu.memory_space<hbm>> -> memref<1x16x1024xf32, #tpu.memory_space<hbm>>
    %dma_wait3A_1037 = tpu.memref_squeeze %dma_wait3A_1036 : memref<1x16x1024xf32, #tpu.memory_space<hbm>> -> memref<16x1024xf32, #tpu.memory_space<hbm>>
    %dma_wait3A_1038 = arith.constant 0 : i32
    %dma_wait3A_1039 = tpu.memref_slice %arg4[%dma_wait3A_1034, %add3A_982, %dma_wait3A_1038] : memref<4x4096x1024xf32, #tpu.memory_space<hbm>> -> memref<1x16x1024xf32, #tpu.memory_space<hbm>>
    %dma_wait3A_1040 = tpu.memref_squeeze %dma_wait3A_1039 : memref<1x16x1024xf32, #tpu.memory_space<hbm>> -> memref<16x1024xf32, #tpu.memory_space<hbm>>
    tpu.wait_dma2 semaphore(%arg16 : memref<!tpu.dma_semaphore, #tpu.memory_space<semaphore_mem>>) src(%arg9 : memref<16x1024xf32, #tpu.memory_space<vmem>>) dst(%dma_wait3A_1040 : memref<16x1024xf32, #tpu.memory_space<hbm>>)
    %dma_wait3A_1041 = arith.constant 3 : i32
    %dma_wait3A_1042 = arith.constant 0 : i32
    %dma_wait3A_1043 = tpu.memref_slice %arg2[%dma_wait3A_1041, %add3A_956, %dma_wait3A_1042] : memref<4x4096x1024xf32, #tpu.memory_space<hbm>> -> memref<1x16x1024xf32, #tpu.memory_space<hbm>>
    %dma_wait3A_1044 = tpu.memref_squeeze %dma_wait3A_1043 : memref<1x16x1024xf32, #tpu.memory_space<hbm>> -> memref<16x1024xf32, #tpu.memory_space<hbm>>
    %dma_wait3A_1045 = arith.constant 0 : i32
    %dma_wait3A_1046 = tpu.memref_slice %arg2[%dma_wait3A_1041, %add3A_956, %dma_wait3A_1045] : memref<4x4096x1024xf32, #tpu.memory_space<hbm>> -> memref<1x16x1024xf32, #tpu.memory_space<hbm>>
    %dma_wait3A_1047 = tpu.memref_squeeze %dma_wait3A_1046 : memref<1x16x1024xf32, #tpu.memory_space<hbm>> -> memref<16x1024xf32, #tpu.memory_space<hbm>>
    tpu.wait_dma2 semaphore(%arg12 : memref<!tpu.dma_semaphore, #tpu.memory_space<semaphore_mem>>) src(%dma_wait3A_1047 : memref<16x1024xf32, #tpu.memory_space<hbm>>) dst(%arg5 : memref<16x1024xf32, #tpu.memory_space<vmem>>)
    %parallel_loop3A_1048 = arith.constant 0 : i32
    %parallel_loop3A_1049 = arith.constant 16384 : i32
    %parallel_loop3A_1050 = arith.constant 16 : i32
    scf.for %parallel_loop3A_1200 = %parallel_loop3A_1048 to %parallel_loop3A_1049 step %parallel_loop3A_1050  : i32 {
      %parallel_loop3A_1201 = arith.constant 10 : i32
      %parallel_loop3A_1202 = arith.shrsi %parallel_loop3A_1200, %parallel_loop3A_1201 : i32
      %parallel_loop3A_1203 = arith.constant 1023 : i32
      %parallel_loop3A_1204 = arith.andi %parallel_loop3A_1200, %parallel_loop3A_1203 : i32
      %parallel_loop3A_1205 = tpu.assume_multiple %parallel_loop3A_1204, 16 : i32
      %parallel_loop3A_1206 = arith.index_cast %parallel_loop3A_1202 : i32 to index
      %parallel_loop3A_1207 = arith.index_cast %parallel_loop3A_1205 : i32 to index
      %parallel_loop3A_1208 = tpu.vector_load %arg5[%parallel_loop3A_1206, %parallel_loop3A_1207] {strides = array<i32>} : memref<16x1024xf32, #tpu.memory_space<vmem>>, vector<1x16xf32>,
      %parallel_loop3A_1209 = vector.shape_cast %parallel_loop3A_1208 : vector<1x16xf32> to vector<16xf32>
      %parallel_loop3A_1210 = arith.index_cast %parallel_loop3A_1202 : i32 to index
      %parallel_loop3A_1211 = arith.index_cast %parallel_loop3A_1205 : i32 to index
      %parallel_loop3A_1212 = tpu.vector_load %arg10[%parallel_loop3A_1210, %parallel_loop3A_1211] {strides = array<i32>} : memref<16x1024xf32, #tpu.memory_space<vmem>>, vector<1x16xf32>,
      %parallel_loop3A_1213 = vector.shape_cast %parallel_loop3A_1212 : vector<1x16xf32> to vector<16xf32>
      %parallel_loop3A_1214 = arith.addf %parallel_loop3A_1209, %parallel_loop3A_1213 : vector<16xf32>
      %parallel_loop3A_1215 = arith.index_cast %parallel_loop3A_1202 : i32 to index
      %parallel_loop3A_1216 = arith.index_cast %parallel_loop3A_1205 : i32 to index
      %parallel_loop3A_1217 = tpu.vector_load %arg9[%parallel_loop3A_1215, %parallel_loop3A_1216] {strides = array<i32>} : memref<16x1024xf32, #tpu.memory_space<vmem>>, vector<1x16xf32>,
      %parallel_loop3A_1218 = vector.shape_cast %parallel_loop3A_1217 : vector<1x16xf32> to vector<16xf32>
      %parallel_loop3A_1219 = vector.shape_cast %parallel_loop3A_1214 : vector<16xf32> to vector<1x16xf32>
      tpu.vector_store %arg9[%parallel_loop3A_1215, %parallel_loop3A_1216], %parallel_loop3A_1219 {strides = array<i32>} : memref<16x1024xf32, #tpu.memory_space<vmem>>, vector<1x16xf32>,
    } {sc.loop_unroll_factor = 8 : i64, sc.parallel_access}
    %add3A_1051 = arith.constant 96 : i32
    %add3A_1052 = arith.addi %mul3A_2, %add3A_1051 : i32
    %dma_start3A_1053 = arith.constant 3 : i32
    %dma_start3A_1054 = arith.constant 0 : i32
    %dma_start3A_1055 = tpu.memref_slice %arg4[%dma_start3A_1053, %add3A_1052, %dma_start3A_1054] : memref<4x4096x1024xf32, #tpu.memory_space<hbm>> -> memref<1x16x1024xf32, #tpu.memory_space<hbm>>
    %dma_start3A_1056 = tpu.memref_squeeze %dma_start3A_1055 : memref<1x16x1024xf32, #tpu.memory_space<hbm>> -> memref<16x1024xf32, #tpu.memory_space<hbm>>
    %dma_start3A_1057 = arith.constant 0 : i32
    %dma_start3A_1058 = tpu.memref_slice %arg4[%dma_start3A_1053, %add3A_1052, %dma_start3A_1057] : memref<4x4096x1024xf32, #tpu.memory_space<hbm>> -> memref<1x16x1024xf32, #tpu.memory_space<hbm>>
    %dma_start3A_1059 = tpu.memref_squeeze %dma_start3A_1058 : memref<1x16x1024xf32, #tpu.memory_space<hbm>> -> memref<16x1024xf32, #tpu.memory_space<hbm>>
    tpu.enqueue_dma source(%arg9 : memref<16x1024xf32, #tpu.memory_space<vmem>>) target(%dma_start3A_1059 : memref<16x1024xf32, #tpu.memory_space<hbm>>) target_semaphore(%arg16 : memref<!tpu.dma_semaphore, #tpu.memory_space<semaphore_mem>>)
    %add3A_1060 = arith.constant 112 : i32
    %add3A_1061 = arith.addi %mul3A_2, %add3A_1060 : i32
    %dma_start3A_1062 = arith.constant 2 : i32
    %dma_start3A_1063 = arith.constant 0 : i32
    %dma_start3A_1064 = tpu.memref_slice %arg2[%dma_start3A_1062, %add3A_1061, %dma_start3A_1063] : memref<4x4096x1024xf32, #tpu.memory_space<hbm>> -> memref<1x16x1024xf32, #tpu.memory_space<hbm>>
    %dma_start3A_1065 = tpu.memref_squeeze %dma_start3A_1064 : memref<1x16x1024xf32, #tpu.memory_space<hbm>> -> memref<16x1024xf32, #tpu.memory_space<hbm>>
    %dma_start3A_1066 = arith.constant 0 : i32
    %dma_start3A_1067 = tpu.memref_slice %arg2[%dma_start3A_1062, %add3A_1061, %dma_start3A_1066] : memref<4x4096x1024xf32, #tpu.memory_space<hbm>> -> memref<1x16x1024xf32, #tpu.memory_space<hbm>>
    %dma_start3A_1068 = tpu.memref_squeeze %dma_start3A_1067 : memref<1x16x1024xf32, #tpu.memory_space<hbm>> -> memref<16x1024xf32, #tpu.memory_space<hbm>>
    tpu.enqueue_dma source(%dma_start3A_1068 : memref<16x1024xf32, #tpu.memory_space<hbm>>) target(%arg5 : memref<16x1024xf32, #tpu.memory_space<vmem>>) target_semaphore(%arg12 : memref<!tpu.dma_semaphore, #tpu.memory_space<semaphore_mem>>)
    %dma_wait3A_1069 = arith.constant 2 : i32
    %dma_wait3A_1070 = arith.constant 0 : i32
    %dma_wait3A_1071 = tpu.memref_slice %arg4[%dma_wait3A_1069, %add3A_1017, %dma_wait3A_1070] : memref<4x4096x1024xf32, #tpu.memory_space<hbm>> -> memref<1x16x1024xf32, #tpu.memory_space<hbm>>
    %dma_wait3A_1072 = tpu.memref_squeeze %dma_wait3A_1071 : memref<1x16x1024xf32, #tpu.memory_space<hbm>> -> memref<16x1024xf32, #tpu.memory_space<hbm>>
    %dma_wait3A_1073 = arith.constant 0 : i32
    %dma_wait3A_1074 = tpu.memref_slice %arg4[%dma_wait3A_1069, %add3A_1017, %dma_wait3A_1073] : memref<4x4096x1024xf32, #tpu.memory_space<hbm>> -> memref<1x16x1024xf32, #tpu.memory_space<hbm>>
    %dma_wait3A_1075 = tpu.memref_squeeze %dma_wait3A_1074 : memref<1x16x1024xf32, #tpu.memory_space<hbm>> -> memref<16x1024xf32, #tpu.memory_space<hbm>>
    tpu.wait_dma2 semaphore(%arg15 : memref<!tpu.dma_semaphore, #tpu.memory_space<semaphore_mem>>) src(%arg8 : memref<16x1024xf32, #tpu.memory_space<vmem>>) dst(%dma_wait3A_1075 : memref<16x1024xf32, #tpu.memory_space<hbm>>)
    %dma_wait3A_1076 = arith.constant 0 : i32
    %dma_wait3A_1077 = tpu.memref_slice %arg3[%add3A_920, %dma_wait3A_1076] : memref<4096x1024xf32, #tpu.memory_space<hbm>> -> memref<16x1024xf32, #tpu.memory_space<hbm>>
    %dma_wait3A_1078 = arith.constant 0 : i32
    %dma_wait3A_1079 = tpu.memref_slice %arg3[%add3A_920, %dma_wait3A_1078] : memref<4096x1024xf32, #tpu.memory_space<hbm>> -> memref<16x1024xf32, #tpu.memory_space<hbm>>
    tpu.wait_dma2 semaphore(%arg18 : memref<!tpu.dma_semaphore, #tpu.memory_space<semaphore_mem>>) src(%dma_wait3A_1079 : memref<16x1024xf32, #tpu.memory_space<hbm>>) dst(%arg11 : memref<16x1024xf32, #tpu.memory_space<vmem>>)
    %dma_wait3A_1080 = arith.constant 0 : i32
    %dma_wait3A_1081 = arith.constant 0 : i32
    %dma_wait3A_1082 = tpu.memref_slice %arg2[%dma_wait3A_1080, %add3A_991, %dma_wait3A_1081] : memref<4x4096x1024xf32, #tpu.memory_space<hbm>> -> memref<1x16x1024xf32, #tpu.memory_space<hbm>>
    %dma_wait3A_1083 = tpu.memref_squeeze %dma_wait3A_1082 : memref<1x16x1024xf32, #tpu.memory_space<hbm>> -> memref<16x1024xf32, #tpu.memory_space<hbm>>
    %dma_wait3A_1084 = arith.constant 0 : i32
    %dma_wait3A_1085 = tpu.memref_slice %arg2[%dma_wait3A_1080, %add3A_991, %dma_wait3A_1084] : memref<4x4096x1024xf32, #tpu.memory_space<hbm>> -> memref<1x16x1024xf32, #tpu.memory_space<hbm>>
    %dma_wait3A_1086 = tpu.memref_squeeze %dma_wait3A_1085 : memref<1x16x1024xf32, #tpu.memory_space<hbm>> -> memref<16x1024xf32, #tpu.memory_space<hbm>>
    tpu.wait_dma2 semaphore(%arg13 : memref<!tpu.dma_semaphore, #tpu.memory_space<semaphore_mem>>) src(%dma_wait3A_1086 : memref<16x1024xf32, #tpu.memory_space<hbm>>) dst(%arg6 : memref<16x1024xf32, #tpu.memory_space<vmem>>)
    %parallel_loop3A_1087 = arith.constant 0 : i32
    %parallel_loop3A_1088 = arith.constant 16384 : i32
    %parallel_loop3A_1089 = arith.constant 16 : i32
    scf.for %parallel_loop3A_1200 = %parallel_loop3A_1087 to %parallel_loop3A_1088 step %parallel_loop3A_1089  : i32 {
      %parallel_loop3A_1201 = arith.constant 10 : i32
      %parallel_loop3A_1202 = arith.shrsi %parallel_loop3A_1200, %parallel_loop3A_1201 : i32
      %parallel_loop3A_1203 = arith.constant 1023 : i32
      %parallel_loop3A_1204 = arith.andi %parallel_loop3A_1200, %parallel_loop3A_1203 : i32
      %parallel_loop3A_1205 = tpu.assume_multiple %parallel_loop3A_1204, 16 : i32
      %parallel_loop3A_1206 = arith.index_cast %parallel_loop3A_1202 : i32 to index
      %parallel_loop3A_1207 = arith.index_cast %parallel_loop3A_1205 : i32 to index
      %parallel_loop3A_1208 = tpu.vector_load %arg6[%parallel_loop3A_1206, %parallel_loop3A_1207] {strides = array<i32>} : memref<16x1024xf32, #tpu.memory_space<vmem>>, vector<1x16xf32>,
      %parallel_loop3A_1209 = vector.shape_cast %parallel_loop3A_1208 : vector<1x16xf32> to vector<16xf32>
      %parallel_loop3A_1210 = arith.index_cast %parallel_loop3A_1202 : i32 to index
      %parallel_loop3A_1211 = arith.index_cast %parallel_loop3A_1205 : i32 to index
      %parallel_loop3A_1212 = tpu.vector_load %arg11[%parallel_loop3A_1210, %parallel_loop3A_1211] {strides = array<i32>} : memref<16x1024xf32, #tpu.memory_space<vmem>>, vector<1x16xf32>,
      %parallel_loop3A_1213 = vector.shape_cast %parallel_loop3A_1212 : vector<1x16xf32> to vector<16xf32>
      %parallel_loop3A_1214 = arith.addf %parallel_loop3A_1209, %parallel_loop3A_1213 : vector<16xf32>
      %parallel_loop3A_1215 = arith.index_cast %parallel_loop3A_1202 : i32 to index
      %parallel_loop3A_1216 = arith.index_cast %parallel_loop3A_1205 : i32 to index
      %parallel_loop3A_1217 = tpu.vector_load %arg8[%parallel_loop3A_1215, %parallel_loop3A_1216] {strides = array<i32>} : memref<16x1024xf32, #tpu.memory_space<vmem>>, vector<1x16xf32>,
      %parallel_loop3A_1218 = vector.shape_cast %parallel_loop3A_1217 : vector<1x16xf32> to vector<16xf32>
      %parallel_loop3A_1219 = vector.shape_cast %parallel_loop3A_1214 : vector<16xf32> to vector<1x16xf32>
      tpu.vector_store %arg8[%parallel_loop3A_1215, %parallel_loop3A_1216], %parallel_loop3A_1219 {strides = array<i32>} : memref<16x1024xf32, #tpu.memory_space<vmem>>, vector<1x16xf32>,
    } {sc.loop_unroll_factor = 8 : i64, sc.parallel_access}
    %add3A_1090 = arith.constant 112 : i32
    %add3A_1091 = arith.addi %mul3A_2, %add3A_1090 : i32
    %dma_start3A_1092 = arith.constant 0 : i32
    %dma_start3A_1093 = arith.constant 0 : i32
    %dma_start3A_1094 = tpu.memref_slice %arg4[%dma_start3A_1092, %add3A_1091, %dma_start3A_1093] : memref<4x4096x1024xf32, #tpu.memory_space<hbm>> -> memref<1x16x1024xf32, #tpu.memory_space<hbm>>
    %dma_start3A_1095 = tpu.memref_squeeze %dma_start3A_1094 : memref<1x16x1024xf32, #tpu.memory_space<hbm>> -> memref<16x1024xf32, #tpu.memory_space<hbm>>
    %dma_start3A_1096 = arith.constant 0 : i32
    %dma_start3A_1097 = tpu.memref_slice %arg4[%dma_start3A_1092, %add3A_1091, %dma_start3A_1096] : memref<4x4096x1024xf32, #tpu.memory_space<hbm>> -> memref<1x16x1024xf32, #tpu.memory_space<hbm>>
    %dma_start3A_1098 = tpu.memref_squeeze %dma_start3A_1097 : memref<1x16x1024xf32, #tpu.memory_space<hbm>> -> memref<16x1024xf32, #tpu.memory_space<hbm>>
    tpu.enqueue_dma source(%arg8 : memref<16x1024xf32, #tpu.memory_space<vmem>>) target(%dma_start3A_1098 : memref<16x1024xf32, #tpu.memory_space<hbm>>) target_semaphore(%arg15 : memref<!tpu.dma_semaphore, #tpu.memory_space<semaphore_mem>>)
    %add3A_1099 = arith.constant 112 : i32
    %add3A_1100 = arith.addi %mul3A_2, %add3A_1099 : i32
    %dma_start3A_1101 = arith.constant 3 : i32
    %dma_start3A_1102 = arith.constant 0 : i32
    %dma_start3A_1103 = tpu.memref_slice %arg2[%dma_start3A_1101, %add3A_1100, %dma_start3A_1102] : memref<4x4096x1024xf32, #tpu.memory_space<hbm>> -> memref<1x16x1024xf32, #tpu.memory_space<hbm>>
    %dma_start3A_1104 = tpu.memref_squeeze %dma_start3A_1103 : memref<1x16x1024xf32, #tpu.memory_space<hbm>> -> memref<16x1024xf32, #tpu.memory_space<hbm>>
    %dma_start3A_1105 = arith.constant 0 : i32
    %dma_start3A_1106 = tpu.memref_slice %arg2[%dma_start3A_1101, %add3A_1100, %dma_start3A_1105] : memref<4x4096x1024xf32, #tpu.memory_space<hbm>> -> memref<1x16x1024xf32, #tpu.memory_space<hbm>>
    %dma_start3A_1107 = tpu.memref_squeeze %dma_start3A_1106 : memref<1x16x1024xf32, #tpu.memory_space<hbm>> -> memref<16x1024xf32, #tpu.memory_space<hbm>>
    tpu.enqueue_dma source(%dma_start3A_1107 : memref<16x1024xf32, #tpu.memory_space<hbm>>) target(%arg6 : memref<16x1024xf32, #tpu.memory_space<vmem>>) target_semaphore(%arg13 : memref<!tpu.dma_semaphore, #tpu.memory_space<semaphore_mem>>)
    %dma_wait3A_1108 = arith.constant 3 : i32
    %dma_wait3A_1109 = arith.constant 0 : i32
    %dma_wait3A_1110 = tpu.memref_slice %arg4[%dma_wait3A_1108, %add3A_1052, %dma_wait3A_1109] : memref<4x4096x1024xf32, #tpu.memory_space<hbm>> -> memref<1x16x1024xf32, #tpu.memory_space<hbm>>
    %dma_wait3A_1111 = tpu.memref_squeeze %dma_wait3A_1110 : memref<1x16x1024xf32, #tpu.memory_space<hbm>> -> memref<16x1024xf32, #tpu.memory_space<hbm>>
    %dma_wait3A_1112 = arith.constant 0 : i32
    %dma_wait3A_1113 = tpu.memref_slice %arg4[%dma_wait3A_1108, %add3A_1052, %dma_wait3A_1112] : memref<4x4096x1024xf32, #tpu.memory_space<hbm>> -> memref<1x16x1024xf32, #tpu.memory_space<hbm>>
    %dma_wait3A_1114 = tpu.memref_squeeze %dma_wait3A_1113 : memref<1x16x1024xf32, #tpu.memory_space<hbm>> -> memref<16x1024xf32, #tpu.memory_space<hbm>>
    tpu.wait_dma2 semaphore(%arg16 : memref<!tpu.dma_semaphore, #tpu.memory_space<semaphore_mem>>) src(%arg9 : memref<16x1024xf32, #tpu.memory_space<vmem>>) dst(%dma_wait3A_1114 : memref<16x1024xf32, #tpu.memory_space<hbm>>)
    %dma_wait3A_1115 = arith.constant 1 : i32
    %dma_wait3A_1116 = arith.constant 0 : i32
    %dma_wait3A_1117 = tpu.memref_slice %arg2[%dma_wait3A_1115, %add3A_1026, %dma_wait3A_1116] : memref<4x4096x1024xf32, #tpu.memory_space<hbm>> -> memref<1x16x1024xf32, #tpu.memory_space<hbm>>
    %dma_wait3A_1118 = tpu.memref_squeeze %dma_wait3A_1117 : memref<1x16x1024xf32, #tpu.memory_space<hbm>> -> memref<16x1024xf32, #tpu.memory_space<hbm>>
    %dma_wait3A_1119 = arith.constant 0 : i32
    %dma_wait3A_1120 = tpu.memref_slice %arg2[%dma_wait3A_1115, %add3A_1026, %dma_wait3A_1119] : memref<4x4096x1024xf32, #tpu.memory_space<hbm>> -> memref<1x16x1024xf32, #tpu.memory_space<hbm>>
    %dma_wait3A_1121 = tpu.memref_squeeze %dma_wait3A_1120 : memref<1x16x1024xf32, #tpu.memory_space<hbm>> -> memref<16x1024xf32, #tpu.memory_space<hbm>>
    tpu.wait_dma2 semaphore(%arg14 : memref<!tpu.dma_semaphore, #tpu.memory_space<semaphore_mem>>) src(%dma_wait3A_1121 : memref<16x1024xf32, #tpu.memory_space<hbm>>) dst(%arg7 : memref<16x1024xf32, #tpu.memory_space<vmem>>)
    %parallel_loop3A_1122 = arith.constant 0 : i32
    %parallel_loop3A_1123 = arith.constant 16384 : i32
    %parallel_loop3A_1124 = arith.constant 16 : i32
    scf.for %parallel_loop3A_1200 = %parallel_loop3A_1122 to %parallel_loop3A_1123 step %parallel_loop3A_1124  : i32 {
      %parallel_loop3A_1201 = arith.constant 10 : i32
      %parallel_loop3A_1202 = arith.shrsi %parallel_loop3A_1200, %parallel_loop3A_1201 : i32
      %parallel_loop3A_1203 = arith.constant 1023 : i32
      %parallel_loop3A_1204 = arith.andi %parallel_loop3A_1200, %parallel_loop3A_1203 : i32
      %parallel_loop3A_1205 = tpu.assume_multiple %parallel_loop3A_1204, 16 : i32
      %parallel_loop3A_1206 = arith.index_cast %parallel_loop3A_1202 : i32 to index
      %parallel_loop3A_1207 = arith.index_cast %parallel_loop3A_1205 : i32 to index
      %parallel_loop3A_1208 = tpu.vector_load %arg7[%parallel_loop3A_1206, %parallel_loop3A_1207] {strides = array<i32>} : memref<16x1024xf32, #tpu.memory_space<vmem>>, vector<1x16xf32>,
      %parallel_loop3A_1209 = vector.shape_cast %parallel_loop3A_1208 : vector<1x16xf32> to vector<16xf32>
      %parallel_loop3A_1210 = arith.index_cast %parallel_loop3A_1202 : i32 to index
      %parallel_loop3A_1211 = arith.index_cast %parallel_loop3A_1205 : i32 to index
      %parallel_loop3A_1212 = tpu.vector_load %arg11[%parallel_loop3A_1210, %parallel_loop3A_1211] {strides = array<i32>} : memref<16x1024xf32, #tpu.memory_space<vmem>>, vector<1x16xf32>,
      %parallel_loop3A_1213 = vector.shape_cast %parallel_loop3A_1212 : vector<1x16xf32> to vector<16xf32>
      %parallel_loop3A_1214 = arith.addf %parallel_loop3A_1209, %parallel_loop3A_1213 : vector<16xf32>
      %parallel_loop3A_1215 = arith.index_cast %parallel_loop3A_1202 : i32 to index
      %parallel_loop3A_1216 = arith.index_cast %parallel_loop3A_1205 : i32 to index
      %parallel_loop3A_1217 = tpu.vector_load %arg9[%parallel_loop3A_1215, %parallel_loop3A_1216] {strides = array<i32>} : memref<16x1024xf32, #tpu.memory_space<vmem>>, vector<1x16xf32>,
      %parallel_loop3A_1218 = vector.shape_cast %parallel_loop3A_1217 : vector<1x16xf32> to vector<16xf32>
      %parallel_loop3A_1219 = vector.shape_cast %parallel_loop3A_1214 : vector<16xf32> to vector<1x16xf32>
      tpu.vector_store %arg9[%parallel_loop3A_1215, %parallel_loop3A_1216], %parallel_loop3A_1219 {strides = array<i32>} : memref<16x1024xf32, #tpu.memory_space<vmem>>, vector<1x16xf32>,
    } {sc.loop_unroll_factor = 8 : i64, sc.parallel_access}
    %add3A_1125 = arith.constant 112 : i32
    %add3A_1126 = arith.addi %mul3A_2, %add3A_1125 : i32
    %dma_start3A_1127 = arith.constant 1 : i32
    %dma_start3A_1128 = arith.constant 0 : i32
    %dma_start3A_1129 = tpu.memref_slice %arg4[%dma_start3A_1127, %add3A_1126, %dma_start3A_1128] : memref<4x4096x1024xf32, #tpu.memory_space<hbm>> -> memref<1x16x1024xf32, #tpu.memory_space<hbm>>
    %dma_start3A_1130 = tpu.memref_squeeze %dma_start3A_1129 : memref<1x16x1024xf32, #tpu.memory_space<hbm>> -> memref<16x1024xf32, #tpu.memory_space<hbm>>
    %dma_start3A_1131 = arith.constant 0 : i32
    %dma_start3A_1132 = tpu.memref_slice %arg4[%dma_start3A_1127, %add3A_1126, %dma_start3A_1131] : memref<4x4096x1024xf32, #tpu.memory_space<hbm>> -> memref<1x16x1024xf32, #tpu.memory_space<hbm>>
    %dma_start3A_1133 = tpu.memref_squeeze %dma_start3A_1132 : memref<1x16x1024xf32, #tpu.memory_space<hbm>> -> memref<16x1024xf32, #tpu.memory_space<hbm>>
    tpu.enqueue_dma source(%arg9 : memref<16x1024xf32, #tpu.memory_space<vmem>>) target(%dma_start3A_1133 : memref<16x1024xf32, #tpu.memory_space<hbm>>) target_semaphore(%arg16 : memref<!tpu.dma_semaphore, #tpu.memory_space<semaphore_mem>>)
    %dma_wait3A_1134 = arith.constant 0 : i32
    %dma_wait3A_1135 = arith.constant 0 : i32
    %dma_wait3A_1136 = tpu.memref_slice %arg4[%dma_wait3A_1134, %add3A_1091, %dma_wait3A_1135] : memref<4x4096x1024xf32, #tpu.memory_space<hbm>> -> memref<1x16x1024xf32, #tpu.memory_space<hbm>>
    %dma_wait3A_1137 = tpu.memref_squeeze %dma_wait3A_1136 : memref<1x16x1024xf32, #tpu.memory_space<hbm>> -> memref<16x1024xf32, #tpu.memory_space<hbm>>
    %dma_wait3A_1138 = arith.constant 0 : i32
    %dma_wait3A_1139 = tpu.memref_slice %arg4[%dma_wait3A_1134, %add3A_1091, %dma_wait3A_1138] : memref<4x4096x1024xf32, #tpu.memory_space<hbm>> -> memref<1x16x1024xf32, #tpu.memory_space<hbm>>
    %dma_wait3A_1140 = tpu.memref_squeeze %dma_wait3A_1139 : memref<1x16x1024xf32, #tpu.memory_space<hbm>> -> memref<16x1024xf32, #tpu.memory_space<hbm>>
    tpu.wait_dma2 semaphore(%arg15 : memref<!tpu.dma_semaphore, #tpu.memory_space<semaphore_mem>>) src(%arg8 : memref<16x1024xf32, #tpu.memory_space<vmem>>) dst(%dma_wait3A_1140 : memref<16x1024xf32, #tpu.memory_space<hbm>>)
    %dma_wait3A_1141 = arith.constant 2 : i32
    %dma_wait3A_1142 = arith.constant 0 : i32
    %dma_wait3A_1143 = tpu.memref_slice %arg2[%dma_wait3A_1141, %add3A_1061, %dma_wait3A_1142] : memref<4x4096x1024xf32, #tpu.memory_space<hbm>> -> memref<1x16x1024xf32, #tpu.memory_space<hbm>>
    %dma_wait3A_1144 = tpu.memref_squeeze %dma_wait3A_1143 : memref<1x16x1024xf32, #tpu.memory_space<hbm>> -> memref<16x1024xf32, #tpu.memory_space<hbm>>
    %dma_wait3A_1145 = arith.constant 0 : i32
    %dma_wait3A_1146 = tpu.memref_slice %arg2[%dma_wait3A_1141, %add3A_1061, %dma_wait3A_1145] : memref<4x4096x1024xf32, #tpu.memory_space<hbm>> -> memref<1x16x1024xf32, #tpu.memory_space<hbm>>
    %dma_wait3A_1147 = tpu.memref_squeeze %dma_wait3A_1146 : memref<1x16x1024xf32, #tpu.memory_space<hbm>> -> memref<16x1024xf32, #tpu.memory_space<hbm>>
    tpu.wait_dma2 semaphore(%arg12 : memref<!tpu.dma_semaphore, #tpu.memory_space<semaphore_mem>>) src(%dma_wait3A_1147 : memref<16x1024xf32, #tpu.memory_space<hbm>>) dst(%arg5 : memref<16x1024xf32, #tpu.memory_space<vmem>>)
    %parallel_loop3A_1148 = arith.constant 0 : i32
    %parallel_loop3A_1149 = arith.constant 16384 : i32
    %parallel_loop3A_1150 = arith.constant 16 : i32
    scf.for %parallel_loop3A_1200 = %parallel_loop3A_1148 to %parallel_loop3A_1149 step %parallel_loop3A_1150  : i32 {
      %parallel_loop3A_1201 = arith.constant 10 : i32
      %parallel_loop3A_1202 = arith.shrsi %parallel_loop3A_1200, %parallel_loop3A_1201 : i32
      %parallel_loop3A_1203 = arith.constant 1023 : i32
      %parallel_loop3A_1204 = arith.andi %parallel_loop3A_1200, %parallel_loop3A_1203 : i32
      %parallel_loop3A_1205 = tpu.assume_multiple %parallel_loop3A_1204, 16 : i32
      %parallel_loop3A_1206 = arith.index_cast %parallel_loop3A_1202 : i32 to index
      %parallel_loop3A_1207 = arith.index_cast %parallel_loop3A_1205 : i32 to index
      %parallel_loop3A_1208 = tpu.vector_load %arg5[%parallel_loop3A_1206, %parallel_loop3A_1207] {strides = array<i32>} : memref<16x1024xf32, #tpu.memory_space<vmem>>, vector<1x16xf32>,
      %parallel_loop3A_1209 = vector.shape_cast %parallel_loop3A_1208 : vector<1x16xf32> to vector<16xf32>
      %parallel_loop3A_1210 = arith.index_cast %parallel_loop3A_1202 : i32 to index
      %parallel_loop3A_1211 = arith.index_cast %parallel_loop3A_1205 : i32 to index
      %parallel_loop3A_1212 = tpu.vector_load %arg11[%parallel_loop3A_1210, %parallel_loop3A_1211] {strides = array<i32>} : memref<16x1024xf32, #tpu.memory_space<vmem>>, vector<1x16xf32>,
      %parallel_loop3A_1213 = vector.shape_cast %parallel_loop3A_1212 : vector<1x16xf32> to vector<16xf32>
      %parallel_loop3A_1214 = arith.addf %parallel_loop3A_1209, %parallel_loop3A_1213 : vector<16xf32>
      %parallel_loop3A_1215 = arith.index_cast %parallel_loop3A_1202 : i32 to index
      %parallel_loop3A_1216 = arith.index_cast %parallel_loop3A_1205 : i32 to index
      %parallel_loop3A_1217 = tpu.vector_load %arg8[%parallel_loop3A_1215, %parallel_loop3A_1216] {strides = array<i32>} : memref<16x1024xf32, #tpu.memory_space<vmem>>, vector<1x16xf32>,
      %parallel_loop3A_1218 = vector.shape_cast %parallel_loop3A_1217 : vector<1x16xf32> to vector<16xf32>
      %parallel_loop3A_1219 = vector.shape_cast %parallel_loop3A_1214 : vector<16xf32> to vector<1x16xf32>
      tpu.vector_store %arg8[%parallel_loop3A_1215, %parallel_loop3A_1216], %parallel_loop3A_1219 {strides = array<i32>} : memref<16x1024xf32, #tpu.memory_space<vmem>>, vector<1x16xf32>,
    } {sc.loop_unroll_factor = 8 : i64, sc.parallel_access}
    %add3A_1151 = arith.constant 112 : i32
    %add3A_1152 = arith.addi %mul3A_2, %add3A_1151 : i32
    %dma_start3A_1153 = arith.constant 2 : i32
    %dma_start3A_1154 = arith.constant 0 : i32
    %dma_start3A_1155 = tpu.memref_slice %arg4[%dma_start3A_1153, %add3A_1152, %dma_start3A_1154] : memref<4x4096x1024xf32, #tpu.memory_space<hbm>> -> memref<1x16x1024xf32, #tpu.memory_space<hbm>>
    %dma_start3A_1156 = tpu.memref_squeeze %dma_start3A_1155 : memref<1x16x1024xf32, #tpu.memory_space<hbm>> -> memref<16x1024xf32, #tpu.memory_space<hbm>>
    %dma_start3A_1157 = arith.constant 0 : i32
    %dma_start3A_1158 = tpu.memref_slice %arg4[%dma_start3A_1153, %add3A_1152, %dma_start3A_1157] : memref<4x4096x1024xf32, #tpu.memory_space<hbm>> -> memref<1x16x1024xf32, #tpu.memory_space<hbm>>
    %dma_start3A_1159 = tpu.memref_squeeze %dma_start3A_1158 : memref<1x16x1024xf32, #tpu.memory_space<hbm>> -> memref<16x1024xf32, #tpu.memory_space<hbm>>
    tpu.enqueue_dma source(%arg8 : memref<16x1024xf32, #tpu.memory_space<vmem>>) target(%dma_start3A_1159 : memref<16x1024xf32, #tpu.memory_space<hbm>>) target_semaphore(%arg15 : memref<!tpu.dma_semaphore, #tpu.memory_space<semaphore_mem>>)
    %dma_wait3A_1160 = arith.constant 1 : i32
    %dma_wait3A_1161 = arith.constant 0 : i32
    %dma_wait3A_1162 = tpu.memref_slice %arg4[%dma_wait3A_1160, %add3A_1126, %dma_wait3A_1161] : memref<4x4096x1024xf32, #tpu.memory_space<hbm>> -> memref<1x16x1024xf32, #tpu.memory_space<hbm>>
    %dma_wait3A_1163 = tpu.memref_squeeze %dma_wait3A_1162 : memref<1x16x1024xf32, #tpu.memory_space<hbm>> -> memref<16x1024xf32, #tpu.memory_space<hbm>>
    %dma_wait3A_1164 = arith.constant 0 : i32
    %dma_wait3A_1165 = tpu.memref_slice %arg4[%dma_wait3A_1160, %add3A_1126, %dma_wait3A_1164] : memref<4x4096x1024xf32, #tpu.memory_space<hbm>> -> memref<1x16x1024xf32, #tpu.memory_space<hbm>>
    %dma_wait3A_1166 = tpu.memref_squeeze %dma_wait3A_1165 : memref<1x16x1024xf32, #tpu.memory_space<hbm>> -> memref<16x1024xf32, #tpu.memory_space<hbm>>
    tpu.wait_dma2 semaphore(%arg16 : memref<!tpu.dma_semaphore, #tpu.memory_space<semaphore_mem>>) src(%arg9 : memref<16x1024xf32, #tpu.memory_space<vmem>>) dst(%dma_wait3A_1166 : memref<16x1024xf32, #tpu.memory_space<hbm>>)
    %dma_wait3A_1167 = arith.constant 3 : i32
    %dma_wait3A_1168 = arith.constant 0 : i32
    %dma_wait3A_1169 = tpu.memref_slice %arg2[%dma_wait3A_1167, %add3A_1100, %dma_wait3A_1168] : memref<4x4096x1024xf32, #tpu.memory_space<hbm>> -> memref<1x16x1024xf32, #tpu.memory_space<hbm>>
    %dma_wait3A_1170 = tpu.memref_squeeze %dma_wait3A_1169 : memref<1x16x1024xf32, #tpu.memory_space<hbm>> -> memref<16x1024xf32, #tpu.memory_space<hbm>>
    %dma_wait3A_1171 = arith.constant 0 : i32
    %dma_wait3A_1172 = tpu.memref_slice %arg2[%dma_wait3A_1167, %add3A_1100, %dma_wait3A_1171] : memref<4x4096x1024xf32, #tpu.memory_space<hbm>> -> memref<1x16x1024xf32, #tpu.memory_space<hbm>>
    %dma_wait3A_1173 = tpu.memref_squeeze %dma_wait3A_1172 : memref<1x16x1024xf32, #tpu.memory_space<hbm>> -> memref<16x1024xf32, #tpu.memory_space<hbm>>
    tpu.wait_dma2 semaphore(%arg13 : memref<!tpu.dma_semaphore, #tpu.memory_space<semaphore_mem>>) src(%dma_wait3A_1173 : memref<16x1024xf32, #tpu.memory_space<hbm>>) dst(%arg6 : memref<16x1024xf32, #tpu.memory_space<vmem>>)
    %parallel_loop3A_1174 = arith.constant 0 : i32
    %parallel_loop3A_1175 = arith.constant 16384 : i32
    %parallel_loop3A_1176 = arith.constant 16 : i32
    scf.for %parallel_loop3A_1200 = %parallel_loop3A_1174 to %parallel_loop3A_1175 step %parallel_loop3A_1176  : i32 {
      %parallel_loop3A_1201 = arith.constant 10 : i32
      %parallel_loop3A_1202 = arith.shrsi %parallel_loop3A_1200, %parallel_loop3A_1201 : i32
      %parallel_loop3A_1203 = arith.constant 1023 : i32
      %parallel_loop3A_1204 = arith.andi %parallel_loop3A_1200, %parallel_loop3A_1203 : i32
      %parallel_loop3A_1205 = tpu.assume_multiple %parallel_loop3A_1204, 16 : i32
      %parallel_loop3A_1206 = arith.index_cast %parallel_loop3A_1202 : i32 to index
      %parallel_loop3A_1207 = arith.index_cast %parallel_loop3A_1205 : i32 to index
      %parallel_loop3A_1208 = tpu.vector_load %arg6[%parallel_loop3A_1206, %parallel_loop3A_1207] {strides = array<i32>} : memref<16x1024xf32, #tpu.memory_space<vmem>>, vector<1x16xf32>,
      %parallel_loop3A_1209 = vector.shape_cast %parallel_loop3A_1208 : vector<1x16xf32> to vector<16xf32>
      %parallel_loop3A_1210 = arith.index_cast %parallel_loop3A_1202 : i32 to index
      %parallel_loop3A_1211 = arith.index_cast %parallel_loop3A_1205 : i32 to index
      %parallel_loop3A_1212 = tpu.vector_load %arg11[%parallel_loop3A_1210, %parallel_loop3A_1211] {strides = array<i32>} : memref<16x1024xf32, #tpu.memory_space<vmem>>, vector<1x16xf32>,
      %parallel_loop3A_1213 = vector.shape_cast %parallel_loop3A_1212 : vector<1x16xf32> to vector<16xf32>
      %parallel_loop3A_1214 = arith.addf %parallel_loop3A_1209, %parallel_loop3A_1213 : vector<16xf32>
      %parallel_loop3A_1215 = arith.index_cast %parallel_loop3A_1202 : i32 to index
      %parallel_loop3A_1216 = arith.index_cast %parallel_loop3A_1205 : i32 to index
      %parallel_loop3A_1217 = tpu.vector_load %arg9[%parallel_loop3A_1215, %parallel_loop3A_1216] {strides = array<i32>} : memref<16x1024xf32, #tpu.memory_space<vmem>>, vector<1x16xf32>,
      %parallel_loop3A_1218 = vector.shape_cast %parallel_loop3A_1217 : vector<1x16xf32> to vector<16xf32>
      %parallel_loop3A_1219 = vector.shape_cast %parallel_loop3A_1214 : vector<16xf32> to vector<1x16xf32>
      tpu.vector_store %arg9[%parallel_loop3A_1215, %parallel_loop3A_1216], %parallel_loop3A_1219 {strides = array<i32>} : memref<16x1024xf32, #tpu.memory_space<vmem>>, vector<1x16xf32>,
    } {sc.loop_unroll_factor = 8 : i64, sc.parallel_access}
    %add3A_1177 = arith.constant 112 : i32
    %add3A_1178 = arith.addi %mul3A_2, %add3A_1177 : i32
    %dma_start3A_1179 = arith.constant 3 : i32
    %dma_start3A_1180 = arith.constant 0 : i32
    %dma_start3A_1181 = tpu.memref_slice %arg4[%dma_start3A_1179, %add3A_1178, %dma_start3A_1180] : memref<4x4096x1024xf32, #tpu.memory_space<hbm>> -> memref<1x16x1024xf32, #tpu.memory_space<hbm>>
    %dma_start3A_1182 = tpu.memref_squeeze %dma_start3A_1181 : memref<1x16x1024xf32, #tpu.memory_space<hbm>> -> memref<16x1024xf32, #tpu.memory_space<hbm>>
    %dma_start3A_1183 = arith.constant 0 : i32
    %dma_start3A_1184 = tpu.memref_slice %arg4[%dma_start3A_1179, %add3A_1178, %dma_start3A_1183] : memref<4x4096x1024xf32, #tpu.memory_space<hbm>> -> memref<1x16x1024xf32, #tpu.memory_space<hbm>>
    %dma_start3A_1185 = tpu.memref_squeeze %dma_start3A_1184 : memref<1x16x1024xf32, #tpu.memory_space<hbm>> -> memref<16x1024xf32, #tpu.memory_space<hbm>>
    tpu.enqueue_dma source(%arg9 : memref<16x1024xf32, #tpu.memory_space<vmem>>) target(%dma_start3A_1185 : memref<16x1024xf32, #tpu.memory_space<hbm>>) target_semaphore(%arg16 : memref<!tpu.dma_semaphore, #tpu.memory_space<semaphore_mem>>)
    %dma_wait3A_1186 = arith.constant 2 : i32
    %dma_wait3A_1187 = arith.constant 0 : i32
    %dma_wait3A_1188 = tpu.memref_slice %arg4[%dma_wait3A_1186, %add3A_1152, %dma_wait3A_1187] : memref<4x4096x1024xf32, #tpu.memory_space<hbm>> -> memref<1x16x1024xf32, #tpu.memory_space<hbm>>
    %dma_wait3A_1189 = tpu.memref_squeeze %dma_wait3A_1188 : memref<1x16x1024xf32, #tpu.memory_space<hbm>> -> memref<16x1024xf32, #tpu.memory_space<hbm>>
    %dma_wait3A_1190 = arith.constant 0 : i32
    %dma_wait3A_1191 = tpu.memref_slice %arg4[%dma_wait3A_1186, %add3A_1152, %dma_wait3A_1190] : memref<4x4096x1024xf32, #tpu.memory_space<hbm>> -> memref<1x16x1024xf32, #tpu.memory_space<hbm>>
    %dma_wait3A_1192 = tpu.memref_squeeze %dma_wait3A_1191 : memref<1x16x1024xf32, #tpu.memory_space<hbm>> -> memref<16x1024xf32, #tpu.memory_space<hbm>>
    tpu.wait_dma2 semaphore(%arg15 : memref<!tpu.dma_semaphore, #tpu.memory_space<semaphore_mem>>) src(%arg8 : memref<16x1024xf32, #tpu.memory_space<vmem>>) dst(%dma_wait3A_1192 : memref<16x1024xf32, #tpu.memory_space<hbm>>)
    %dma_wait3A_1193 = arith.constant 3 : i32
    %dma_wait3A_1194 = arith.constant 0 : i32
    %dma_wait3A_1195 = tpu.memref_slice %arg4[%dma_wait3A_1193, %add3A_1178, %dma_wait3A_1194] : memref<4x4096x1024xf32, #tpu.memory_space<hbm>> -> memref<1x16x1024xf32, #tpu.memory_space<hbm>>
    %dma_wait3A_1196 = tpu.memref_squeeze %dma_wait3A_1195 : memref<1x16x1024xf32, #tpu.memory_space<hbm>> -> memref<16x1024xf32, #tpu.memory_space<hbm>>
    %dma_wait3A_1197 = arith.constant 0 : i32
    %dma_wait3A_1198 = tpu.memref_slice %arg4[%dma_wait3A_1193, %add3A_1178, %dma_wait3A_1197] : memref<4x4096x1024xf32, #tpu.memory_space<hbm>> -> memref<1x16x1024xf32, #tpu.memory_space<hbm>>
    %dma_wait3A_1199 = tpu.memref_squeeze %dma_wait3A_1198 : memref<1x16x1024xf32, #tpu.memory_space<hbm>> -> memref<16x1024xf32, #tpu.memory_space<hbm>>
    tpu.wait_dma2 semaphore(%arg16 : memref<!tpu.dma_semaphore, #tpu.memory_space<semaphore_mem>>) src(%arg9 : memref<16x1024xf32, #tpu.memory_space<vmem>>) dst(%dma_wait3A_1199 : memref<16x1024xf32, #tpu.memory_space<hbm>>)
    return
  }
}

</mosaic_0001>

<sc_bundles>
// kernel: kernel.3.cloned.1.call-start
scs
__scs_entry_jumppad:
0x0: {  	(pc) =	sbr.rel $0x88, $3  }
0x1: {  	(tag) =	ssettag $0x0;
	lr =	simm.s32 $0x1  }
0x2: {  	[smem:$0x3F9F] =	sst lr;
	_ =	strace $0xD0000000  }
0x3: {  	_ = 	snop  }
0x4: {  	_ = 	snop  }
0x5: {  	_ = 	snop  }
0x6: {  	_ = 	snop  }
0x7: {  	_ = 	snop  }
__scs_overlays_trampoline_lowered:
0x8: {  	[smem:$0x3FAE] =	sst s0  }
0x9: {  	[smem:$0x3FAF] =	sst s1  }
0xa: {  	[smem:$0x3FB0] =	sst s2  }
0xb: {  	[smem:$0x3FB1] =	sst s3  }
0xc: {  	[smem:$0x3FB2] =	sst s4  }
0xd: {  	[smem:$0x3FB3] =	sst s5  }
0xe: {  	[smem:$0x3FB4] =	sst s6  }
0xf: {  	[smem:$0x3FB5] =	sst s7  }
0x10: {  	[smem:$0x3FB6] =	sst s8  }
0x11: {  	[smem:$0x3FB7] =	sst s9;
	s0 =	simm.s32 @!p0 $0x0  }
0x12: {  	s1 =	sld [smem:$0x3F9D];
	s0 =	simm.s32 @p0 $0x1  }
0x13: {  	[smem:$0x3FB8] =	sst s0;
	s0 =	simm.s32 @!p1 $0x0  }
0x14: {  	s2 =	sld [smem:$0x3F9C];
	s0 =	simm.s32 @p1 $0x1  }
0x15: {  	[smem:$0x3FB9] =	sst s0;
	s0 =	simm.s32 @!p2 $0x0  }
0x16: {  	s3 =	sld [smem:$0x3FDB];
	s0 =	simm.s32 @p2 $0x1  }
0x17: {  	s4 =	simm.s32 $0x1BF5;
	[smem:$0x3FBB] =	sst s0  }
0x18: {  	s0 =	sld [smem:$0x3F9E];
	_ =	swait.ge [sflag:s4], $0x0  }
0x19: {  	s7 =	sld [smem:$0x3F9F]  }
0x1a: {  	s8 =	sadd.s32 $0xFFFFE003, lr  }
0x1b: {  	s9 =	sadd.s32 $0xFFFFFEF7, lr;
	s5 =	simm.s32 $0xFFFFFFFF;
	p2 =	slt.u32 s8, $0xFFFFF086  }
0x1c: {  	p1 =	slt.u32 s9, $0xF7A;
	s5 =	simm.s32 @!p2 $0x0  }
0x1d: {  	s5 =	simm.s32 @p1 $0x1;
	p0 =	seq.s32 s7, s2  }
0x1e: {  	s7 =	smul.u32 @!p0 $0xF7A, s2;
	p2 =	seq.s32 @!p0 s5, $0x0  }
0x1f: {  	s9 =	smul.u32 $0xF7A, s1;
	s8 =	simm.s32 @!p0 $0x1BF5;
	p2 =	por !p2, p0  }
0x20: {  	[sflag:s8] =	ssyncset.s32 @!p0 $0xFFFFF086;
	s6 =	sadd.s32 @!p0 s3, s7;
	s7 =	simm.s32 @!p0 $0x108  }
0x21: {  	s3 =	sadd.s32 s3, s9;
	s6 =	sadd.s32 @!p0 $0x88, s6;
	s7 =	simm.s32 @p2 $0x1082  }
0x22: {  	[simem:s7], [sflag:s8] =	dma.local @!p0 [hbm:s6], $0xF7A  }
0x23: {  	s9 =	sor.u32 $0xD0000000, s2;
	s6 =	simm.s32 $0x108;
	_ =	swait.ge @!p0 [sflag:s8], $0x0  }
0x24: {  	s3 =	sadd.s32 $0x88, s3;
	s6 =	simm.s32 @!p1 $0x1082;
	[sflag:s4] =	ssyncset.s32 $0xFFFFF086  }
0x25: {  	[simem:s6], [sflag:s4] =	dma.local [hbm:s3], $0xF7A  }
0x26: {  	[smem:$0x3F9F] =	sst s1;
	(tag) =	ssettag s2;
	_ =	strace s9  }
0x27: {  	s1 =	sld [smem:$0x3FAF]  }
0x28: {  	s2 =	sld [smem:$0x3FB0]  }
0x29: {  	s4 =	sld [smem:$0x3FB2]  }
0x2a: {  	p0 =	seq.s32 s5, $0x0;
	s5 =	sld [smem:$0x3FB3]  }
0x2b: {  	s6 =	sld [smem:$0x3FB4]  }
0x2c: {  	s7 =	sld [smem:$0x3FB5]  }
0x2d: {  	s3 =	simm.s32 $0x108;
	s8 =	sld [smem:$0x3FB6]  }
0x2e: {  	s3 =	simm.s32 @!p0 $0x1082;
	s9 =	sld [smem:$0x3FB7]  }
0x2f: {  	lr =	sadd.s32 s0, s3;
	s0 =	sld [smem:$0x3FAE]  }
0x30: {  	s3 =	sld [smem:$0x3FB1]  }
0x31: {  	[smem:$0x3FBA] =	sst s10  }
0x32: {  	s10 =	sld [smem:$0x3FB8];
	_ =	sdelay $0x3  }
0x33: {  	p0 =	seq.s32 s10, $0x1;
	s10 =	sld [smem:$0x3FBA];
	_ =	sdelay $0x3  }
0x34: {  	[smem:$0x3FBA] =	sst s10  }
0x35: {  	s10 =	sld [smem:$0x3FB9];
	_ =	sdelay $0x3  }
0x36: {  	p1 =	seq.s32 s10, $0x1;
	s10 =	sld [smem:$0x3FBA];
	_ =	sdelay $0x3  }
0x37: {  	[smem:$0x3FBA] =	sst s10  }
0x38: {  	s10 =	sld [smem:$0x3FBB]  }
0x39: {  	_ = 	snop;
	(pc) =	sbr.ind lr, $3  }
0x3a: {  	_ = 	snop  }
0x3b: {  	_ = 	snop  }
0x3c: {  	p2 =	seq.s32 s10, $0x1;
	s10 =	sld [smem:$0x3FBA]  }
0x3d: {  	_ =	shalt  }
0x3e: {  	_ =	shalt  }
0x3f: {  	_ =	shalt  }
0x40: {  	_ =	shalt  }
0x41: {  	_ =	shalt  }
0x42: {  	_ =	shalt  }
0x43: {  	_ =	shalt  }
0x44: {  	_ =	shalt  }
0x45: {  	_ =	shalt  }
0x46: {  	_ =	shalt  }
0x47: {  	_ =	shalt  }
0x48: {  	_ =	shalt  }
0x49: {  	_ =	shalt  }
0x4a: {  	_ =	shalt  }
0x4b: {  	_ =	shalt  }
0x4c: {  	_ =	shalt  }
0x4d: {  	_ =	shalt  }
0x4e: {  	_ =	shalt  }
0x4f: {  	_ =	shalt  }
0x50: {  	_ =	shalt  }
0x51: {  	_ =	shalt  }
0x52: {  	_ =	shalt  }
0x53: {  	_ =	shalt  }
0x54: {  	_ =	shalt  }
0x55: {  	_ =	shalt  }
0x56: {  	_ =	shalt  }
0x57: {  	_ =	shalt  }
0x58: {  	_ =	shalt  }
0x59: {  	_ =	shalt  }
0x5a: {  	_ =	shalt  }
0x5b: {  	_ =	shalt  }
0x5c: {  	_ =	shalt  }
0x5d: {  	_ =	shalt  }
0x5e: {  	_ =	shalt  }
0x5f: {  	_ =	shalt  }
0x60: {  	_ =	shalt  }
0x61: {  	_ =	shalt  }
0x62: {  	_ =	shalt  }
0x63: {  	_ =	shalt  }
0x64: {  	_ =	shalt  }
0x65: {  	_ =	shalt  }
0x66: {  	_ =	shalt  }
0x67: {  	_ =	shalt  }
0x68: {  	_ =	shalt  }
0x69: {  	_ =	shalt  }
0x6a: {  	_ =	shalt  }
0x6b: {  	_ =	shalt  }
0x6c: {  	_ =	shalt  }
0x6d: {  	_ =	shalt  }
0x6e: {  	_ =	shalt  }
0x6f: {  	_ =	shalt  }
0x70: {  	_ =	shalt  }
0x71: {  	_ =	shalt  }
0x72: {  	_ =	shalt  }
0x73: {  	_ =	shalt  }
0x74: {  	_ =	shalt  }
0x75: {  	_ =	shalt  }
0x76: {  	_ =	shalt  }
0x77: {  	_ =	shalt  }
0x78: {  	_ =	shalt  }
0x79: {  	_ =	shalt  }
0x7a: {  	_ =	shalt  }
0x7b: {  	_ =	shalt  }
0x7c: {  	_ =	shalt  }
0x7d: {  	_ =	shalt  }
0x7e: {  	_ =	shalt  }
0x7f: {  	_ =	shalt  }
0x80: {  	_ =	shalt  }
0x81: {  	_ =	shalt  }
0x82: {  	_ =	shalt  }
0x83: {  	_ =	shalt  }
0x84: {  	_ =	shalt  }
0x85: {  	_ =	shalt  }
0x86: {  	_ =	shalt  }
0x87: {  	_ =	shalt  }
.Lfunc_end0:
.L_simem_size_0:
called_computation_lowered:
.L_overlay_start_0:
0x88: {  	s2 =	sld [smem:$0x3FD9]  }
0x89: {  	s3 =	sld [smem:$0x3FFE];
	_ =	sdelay $0x1  }
0x8a: {  	s1 =	srdreg.scid  }
0x8b: {  	s0 =	sand.u32 $0x1, s1  }
0x8c: {  	s18 =	sshll.u32 s0, $0xA;
	s2 =	sadd.s32 s3, s2  }
0x8d: {  	s2 =	sadd.s32 s2, s18  }
0x8e: {  	[smem:$0x3FC6] =	sst s2  }
0x8f: {  	_ = 	snop  }
0x90: {  	s2 =	sld [smem:$0x3FC9]  }
0x91: {  	s19 =	sld [smem:$0x3FC8]  }
0x92: {  	s4 =	sld [smem:$0x3FD0];
	(tm) =	ssettm $0x1  }
0x93: {  	s5 =	sld [smem:$0x3FFB];
	_ =	sdelay $0x3  }
0x94: {  	_ =	strace s5  }
0x95: {  	s5 =	sld [smem:$0x3FFC];
	_ =	sdelay $0x3  }
0x96: {  	_ =	strace s5  }
0x97: {  	s5 =	sld [smem:$0x3FFD];
	_ =	sdelay $0x3  }
0x98: {  	_ =	strace s5  }
0x99: {  	_ =	strace $0x8FFFFFFF  }
0x9a: {  	s20 =	sld [smem:$0x3FDB];
	_ =	sdelay $0x1  }
0x9b: {  	s6 =	simm.s32 $_scs_section_size  }
0x9c: {  	s7 =	simm.s32 $_size__tile_overlayer_lowered;
	s8 =	simm.s32 $_tile_overlayer_lowered  }
0x9d: {  	s23 =	simm.s32 $0x1BFF;
	s22 =	sshll.u32 s8, $0x1;
	s5 =	sadd.s32 s6, s20  }
0x9e: {  	s9 =	simm.s32 $0x0;
	s21 =	sshll.u32 s7, $0x1;
	s7 =	sadd.s32 s22, s5  }
0x9f: {  	[timem:s9], [sflag:s23] =	dma.local [hbm:s7], s21  }
0xa0: {  	_ =	swait.ge [sflag:s23], s21  }
0xa1: {  	s6 =	ssub.s32 $0x0, s21;
	[sflag:s23] =	ssyncset.done $0x0  }
0xa2: {  	[sflag:s23] =	ssyncadd.s32 s6;
	_ =	sdelay $0x1  }
0xa3: {  	s24 =	simm.s32 $0x1B8B  }
0xa4: {  	_ =	swait.ge [sflag:s24], $0x1  }
0xa5: {  	[sflag:s24] =	ssyncset.done $0x0  }
0xa6: {  	s25 =	simm.s32 $0x1B8E;
	[sflag:s24] =	ssyncadd.s32 $0xFFFFFFFF  }
0xa7: {  	s26 =	simm.s32 $execute0_lowered;
	[smem:$0x3FD2] =	sst s25  }
0xa8: {  	s6 =	sshll.u32 s26, $0x1;
	_ =	strace $0x80000046;
	[dreg:$0x1] =	wrdreg $0xFFFFFFFF  }
0xa9: {  	s28 =	simm.s32 $_size_execute0_lowered;
	s5 =	sadd.s32 s5, s6;
	[dreg:$0x0] =	wrdreg $0x0  }
0xaa: {  	s6 =	sshll.u32 s28, $0x1;
	[dreg:$0x2] =	wrdreg s5  }
0xab: {  	[dreg:$0x3] =	wrdreg s6  }
0xac: {  	[dreg:$0x4] =	wrdreg $0xC0  }
0xad: {  	_ =	task [dreg:s9], $0x5FFFF  }
0xae: {  	[dreg:$0x1] =	wrdreg $0xFFFFFFFF  }
0xaf: {  	[dreg:$0x0] =	wrdreg $0x60  }
0xb0: {  	[dreg:$0x2] =	wrdreg s2  }
0xb1: {  	[dreg:$0x3] =	wrdreg s19  }
0xb2: {  	[dreg:$0x4] =	wrdreg s4  }
0xb3: {  	[dreg:$0x5] =	wrdreg $0x9  }
0xb4: {  	_ =	task.clear_ibuf [dreg:s9], $0x6FFFF;
	_ =	strace $0x90000046  }
0xb5: {  	s29 =	simm.s32 $0x9;
	_ =	strace $0x80000048  }
0xb6: {  	_ =	swait.ge [sflag:s29], $0x1  }
0xb7: {  	[sflag:s29] =	ssyncadd.s32 $0xFFFFFFFF  }
0xb8: {  	_ =	strace $0x90000048  }
0xb9: {  	_ =	sfence  }
0xba: {  	s30 =	sld [smem:$0x0];
	_ =	sdelay $0x2  }
0xbb: {  	s31 =	sshll.u32 s1, $0xD;
	s1 =	sshrl.u32 s1, $0x2  }
0xbc: {  	s3 =	sand.u32 $0x4000, s31;
	s1 =	sadd.s32 s1, s30  }
0xbd: {  	s0 =	sor.u32 s3, s0;
	s1 =	sshll.u32 s1, $0x11  }
0xbe: {  	s0 =	sor.u32 s1, s0  }
0xbf: {  	s0 =	sadd.s32 $0x8F2B, s0  }
0xc0: {  	[sflag:s0] =	ssyncadd.remote.s32 $0x1  }
0xc1: {  	_ =	sfence.sel $0xFFFF  }
0xc2: {  	[dreg:$0x0] =	wrdreg $0xFFFFFFFF;
	(pc) =	sbr.abs _section_cstart, $3  }
0xc3: {  	[dreg:$0x1] =	wrdreg $0xFFFFFFFF  }
0xc4: {  	_ =	task.clear_ibuf [dreg:s9], $0x2FFFF;
	_ =	strace $0x9FFFFFFF  }
0xc5: {  	(tm) =	ssettm $0x7FFFFFFF  }
tec
execute0_lowered:
.L_overlay_start_1:
0x0: {  	(tag) =	ssettag $0x1  }
0x1: {  	s1 =	srdreg.scid  }
0x2: {  	s10 =	rddreg [dreg:$0x0];
	s3 =	stileid.u32;
	s2 =	sand.u32 $0x1, s1  }
0x3: {  	s0 =	rddreg [dreg:$0x1];
	s3 =	sshll.u32 s3, $0xF;
	s4 =	sshll.u32 s2, $0xE  }
0x4: {  	s13 =	rddreg [dreg:$0x2];
	s8 =	sor.u32 s4, s3  }
0x5: {  	s1 =	simm.s32 $0x0;
	s2 =	ssub.s32 $0x2, s2;
	s4 =	sor.u32 $0x800, s8  }
0x6: {  	[smem:$0x7FF] =	sst s1;
	s24 =	sor.u32 $0x80000, s8;
	s23 =	sadd.s32 s0, s4  }
0x7: {  	s26 =	sor.u32 $0x100000, s8;
	s25 =	sadd.s32 s10, s24;
	[dreg:$0x4] =	wrdreg s23  }
0x8: {  	s5 =	sor.u32 $0x180000, s8;
	s6 =	sadd.s32 s10, s26;
	[dreg:$0x5] =	wrdreg s25  }
0x9: {  	s22 =	sshrl.u32 s2, $0x1;
	s30 =	sadd.s32 s10, s5;
	[dreg:$0x6] =	wrdreg s6  }
0xa: {  	s14 =	ssub.s32 s2, s22;
	s2 =	sadd.s32 s13, s24;
	[dreg:$0x7] =	wrdreg s30  }
0xb: {  	s31 =	sadd.s32 s10, s4;
	[dreg:$0x8] =	wrdreg s2  }
0xc: {  	s3 =	sadd.s32 s13, s26;
	[dreg:$0x9] =	wrdreg s31  }
0xd: {  	s12 =	sor.u32 $0x100800, s8;
	s11 =	sadd.s32 s13, s5;
	[dreg:$0xa] =	wrdreg s3  }
0xe: {  	s16 =	sor.u32 $0x1000, s8;
	s15 =	sadd.s32 s10, s12;
	[dreg:$0xc] =	wrdreg s11  }
0xf: {  	s7 =	sadd.s32 s0, s16;
	[dreg:$0xd] =	wrdreg s15  }
0x10: {  	s17 =	sor.u32 $0x180800, s8;
	s4 =	sadd.s32 s13, s4;
	[dreg:$0xe] =	wrdreg s7  }
0x11: {  	s18 =	sadd.s32 s10, s17;
	[dreg:$0xf] =	wrdreg s4  }
0x12: {  	s19 =	sadd.s32 s10, s16;
	[dreg:$0x10] =	wrdreg s18  }
0x13: {  	s20 =	sadd.s32 s13, s12;
	[dreg:$0x12] =	wrdreg s19  }
0x14: {  	s21 =	sor.u32 $0x81000, s8;
	s22 =	sadd.s32 s13, s17;
	[dreg:$0x13] =	wrdreg s20  }
0x15: {  	s24 =	sadd.s32 s10, s21;
	[dreg:$0x14] =	wrdreg s22  }
0x16: {  	s6 =	sor.u32 $0x80800, s8;
	s23 =	sadd.s32 s13, s16;
	[dreg:$0x16] =	wrdreg s24  }
0x17: {  	s9 =	sadd.s32 s10, s6;
	[dreg:$0x15] =	wrdreg s23  }
0x18: {  	s25 =	sor.u32 $0x101000, s8;
	s2 =	sadd.s32 s13, s6;
	[dreg:$0xb] =	wrdreg s9  }
0x19: {  	s30 =	sor.u32 $0x181000, s8;
	s26 =	sadd.s32 s10, s25;
	[dreg:$0x11] =	wrdreg s2  }
0x1a: {  	s4 =	sor.u32 $0x1800, s8;
	s31 =	sadd.s32 s10, s30;
	[dreg:$0x18] =	wrdreg s26  }
0x1b: {  	s5 =	sadd.s32 s0, s4;
	[dreg:$0x1a] =	wrdreg s31  }
0x1c: {  	s7 =	sor.u32 $0x81800, s8;
	s6 =	sadd.s32 s10, s4;
	[dreg:$0x1c] =	wrdreg s5  }
0x1d: {  	s11 =	sor.u32 $0x101800, s8;
	s3 =	sadd.s32 s13, s7;
	[dreg:$0x1d] =	wrdreg s6  }
0x1e: {  	s15 =	sor.u32 $0x181800, s8;
	s12 =	sadd.s32 s10, s11;
	[smem:$0x7DB] =	sst s3  }
0x1f: {  	s16 =	sor.u32 $0x2000, s8;
	s17 =	sadd.s32 s10, s15;
	[smem:$0x7DC] =	sst s12  }
0x20: {  	s18 =	sadd.s32 s0, s16;
	[smem:$0x7DE] =	sst s17  }
0x21: {  	s20 =	sor.u32 $0x82000, s8;
	s19 =	sadd.s32 s10, s16;
	[smem:$0x7E0] =	sst s18  }
0x22: {  	s22 =	sadd.s32 s10, s20;
	[smem:$0x7E1] =	sst s19  }
0x23: {  	s2 =	sadd.s32 s13, s21;
	[smem:$0x7E3] =	sst s22  }
0x24: {  	s9 =	sadd.s32 s10, s7;
	[dreg:$0x17] =	wrdreg s2  }
0x25: {  	s3 =	sadd.s32 s13, s15;
	[dreg:$0x1f] =	wrdreg s9  }
0x26: {  	s21 =	sor.u32 $0x102000, s8;
	s2 =	sadd.s32 s13, s25;
	[smem:$0x7DF] =	sst s3  }
0x27: {  	s28 =	simm.s32 $0x7;
	s23 =	sadd.s32 s10, s21;
	[dreg:$0x19] =	wrdreg s2  }
0x28: {  	s26 =	sor.u32 $0x182000, s8;
	s24 =	sadd.s32 s13, s21;
	[smem:$0x7E5] =	sst s23  }
0x29: {  	s5 =	sor.u32 $0x82800, s8;
	s3 =	sadd.s32 s13, s26;
	[smem:$0x7E6] =	sst s24  }
0x2a: {  	s7 =	sor.u32 $0x102800, s8;
	s6 =	sadd.s32 s10, s5;
	[smem:$0x7E8] =	sst s3  }
0x2b: {  	s15 =	sor.u32 $0x3000, s8;
	s9 =	sadd.s32 s10, s7;
	[smem:$0x7EC] =	sst s6  }
0x2c: {  	s29 =	simm.s32 $0x0;
	s17 =	sadd.s32 s0, s15;
	[smem:$0x7EE] =	sst s9  }
0x2d: {  	s14 =	smax.u32 s14, $0x1;
	s19 =	sadd.s32 s10, s15;
	[smem:$0x7F3] =	sst s17  }
0x2e: {  	s18 =	sor.u32 $0x3800, s8;
	s2 =	sadd.s32 s13, s30;
	[smem:$0x7F5] =	sst s19  }
0x2f: {  	s25 =	sor.u32 $0x2800, s8;
	s30 =	sadd.s32 s10, s26;
	[dreg:$0x1b] =	wrdreg s2  }
0x30: {  	s22 =	sor.u32 $0x103000, s8;
	s31 =	sadd.s32 s0, s25;
	[smem:$0x7E7] =	sst s30  }
0x31: {  	s23 =	sadd.s32 s10, s22;
	s24 =	sor.u32 $0x183000, s8;
	[smem:$0x7E9] =	sst s31  }
0x32: {  	s26 =	sadd.s32 s10, s18;
	s6 =	sadd.s32 s10, s8;
	[smem:$0x7F9] =	sst s23  }
0x33: {  	s17 =	simm.s32 $0x4000;
	s2 =	sadd.s32 s13, s4;
	[smem:$0x7FD] =	sst s26  }
0x34: {  	s19 =	simm.s32 $0x6;
	s4 =	sadd.s32 s10, s25;
	[dreg:$0x1e] =	wrdreg s2  }
0x35: {  	s30 =	sor.u32 $0x83800, s8;
	s2 =	sadd.s32 s13, s11;
	[smem:$0x7EA] =	sst s4  }
0x36: {  	s11 =	sor.u32 $0x182800, s8;
	[smem:$0x7DD] =	sst s2;
	s2 =	sadd.s32 s13, s16  }
0x37: {  	s31 =	sor.u32 $0x103800, s8;
	s12 =	sadd.s32 s10, s11;
	[smem:$0x7E2] =	sst s2  }
0x38: {  	s23 =	simm.s32 $0x10000;
	s16 =	sadd.s32 s0, s8;
	[smem:$0x7F0] =	sst s12  }
0x39: {  	s26 =	simm.s32 $0x5;
	s0 =	sadd.s32 s0, s18;
	[smem:$0x7F2] =	sst s16  }
0x3a: {  	s9 =	sadd.s32 s10, s31;
	s2 =	sadd.s32 s13, s20;
	[smem:$0x7F4] =	sst s0  }
0x3b: {  	s20 =	sor.u32 $0x83000, s8;
	[smem:$0x7E4] =	sst s2;
	s2 =	sadd.s32 s13, s25  }
0x3c: {  	s12 =	sadd.s32 s13, s31;
	s21 =	sadd.s32 s10, s20;
	[smem:$0x7EB] =	sst s2  }
0x3d: {  	s16 =	simm.s32 $0x18000;
	s0 =	sadd.s32 s13, s20;
	[smem:$0x7F7] =	sst s21  }
0x3e: {  	s25 =	sadd.s32 s10, s24;
	s20 =	simm.s32 $0x1;
	[smem:$0x7F8] =	sst s0  }
0x3f: {  	s2 =	sadd.s32 s13, s5;
	[smem:$0x7FB] =	sst s25;
	s0 =	sadd.s32 s13, s24  }
0x40: {  	s5 =	sadd.s32 s13, s18;
	s18 =	simm.s32 $0x8000;
	s21 =	simm.s32 $0xC000  }
0x41: {  	s24 =	simm.s32 $0x4;
	s25 =	simm.s32 $0x3;
	[smem:$0x7ED] =	sst s2  }
0x42: {  	s2 =	sadd.s32 s13, s7;
	[smem:$0x7FC] =	sst s0;
	s7 =	sadd.s32 s13, s8  }
0x43: {  	[smem:$0x7EF] =	sst s2;
	s2 =	sadd.s32 s13, s11;
	s11 =	sadd.s32 s13, s30  }
0x44: {  	[smem:$0x7F1] =	sst s2;
	s2 =	sadd.s32 s13, s15;
	s15 =	sor.u32 $0x183800, s8  }
0x45: {  	s8 =	sadd.s32 s10, s30;
	[smem:$0x7F6] =	sst s2;
	s2 =	sadd.s32 s13, s22  }
0x46: {  	s10 =	sadd.s32 s10, s15;
	s13 =	sadd.s32 s13, s15;
	[smem:$0x7FA] =	sst s2  }
0x47: {  	s15 =	simm.s32 $0x14000;
	s22 =	simm.s32 $0x2;
	_ =	strace $0x80000047  }
.LBB2_1:
0x48: {  	s0 =	sld [smem:$0x7F2];
	_ =	sdelay $0x2  }
0x49: {  	[tilespmem:s15], [sflag:$0x6] =	stream.linear.gather [hbm4b:s0+s1], $0x4000, $0x38;
	[tilespmem:$0x1C000] =	vst v63  }
0x4a: {  	s3 =	rddreg [dreg:$0x4]  }
0x4b: {  	[tilespmem:s16], [sflag:$0x7] =	stream.linear.gather [hbm4b:s3+s1], $0x4000, $0x38;
	[tilespmem:$0x1C000] =	vst v63  }
0x4c: {  	_ = 	snop  }
0x4d: {  	[tilespmem:s1], [sflag:$0x1] =	stream.linear.gather [hbm4b:s6+s1], $0x4000, $0x38;
	[tilespmem:$0x1C000] =	vst v63  }
0x4e: {  	s4 =	rddreg [dreg:$0x5]  }
0x4f: {  	[tilespmem:s17], [sflag:$0x2] =	stream.linear.gather [hbm4b:s4+s1], $0x4000, $0x38;
	[tilespmem:$0x1C000] =	vst v63  }
0x50: {  	s2 =	rddreg [dreg:$0x6]  }
0x51: {  	[tilespmem:s18], [sflag:$0x3] =	stream.linear.gather [hbm4b:s2+s1], $0x4000, $0x38;
	[tilespmem:$0x1C000] =	vst v63  }
0x52: {  	_ =	swait.ge [sflag:s19], $0x4000  }
0x53: {  	[sflag:s19] =	ssyncset.done $0x0  }
0x54: {  	s31 =	simm.s32 $0x0;
	[sflag:s19] =	ssyncadd.s32 $0xFFFFC000  }
0x55: {  	s3 =	sand.u32 $0x2000, s31;
	s2 =	sand.u32 $0x1C00, s1;
	_ =	swait.ge [sflag:s20], $0x4000  }
0x56: {  	s4 =	sand.u32 $0x380, s1;
	s0 =	sor.u32 s3, s2;
	[sflag:s20] =	ssyncset.done $0x0  }
0x57: {  	s30 =	sor.u32 s4, s0;
	[sflag:s20] =	ssyncadd.s32 $0xFFFFC000  }
0x58: {  	v0 =	vld [tilespmem:s30+$0x70]  }
0x59: {  	v1 =	vld [tilespmem:s30+$0x14070]  }
0x5a: {  	v3 =	vld [tilespmem:s30+$0x0]  }
0x5b: {  	v4 =	vld [tilespmem:s30+$0x14000]  }
0x5c: {  	v6 =	vld [tilespmem:s30+$0x10]  }
0x5d: {  	v7 =	vld [tilespmem:s30+$0x14010]  }
0x5e: {  	v2 =	vld [tilespmem:s30+$0x20]  }
0x5f: {  	v5 =	vld [tilespmem:s30+$0x14020]  }
0x60: {  	v1 =	vadd.f32 v1, v0;
	v0 =	vld [tilespmem:s30+$0x30]  }
0x61: {  	v4 =	vadd.f32 v4, v3;
	v3 =	vld [tilespmem:s30+$0x14030]  }
0x62: {  	v6 =	vadd.f32 v7, v6;
	[tilespmem:s30+$0xC070] =	vst v1;
	v1 =	vld [tilespmem:s30+$0x40]  }
0x63: {  	s2 =	simm.s32 $0x0;
	s0 =	simm.s32 $0x0;
	[tilespmem:s30+$0xC000] =	vst v4;
	v4 =	vld [tilespmem:s30+$0x14040]  }
.LBB2_2:
0x64: {  	s31 =	sadd.s32 $0x80, s31;
	[tilespmem:s30+$0xC010] =	vst v6;
	v2 =	vadd.f32 v5, v2;
	v5 =	vld [tilespmem:s30+$0x50];
	s0 =	sadd.s32 $0x400, s0  }
0x65: {  	s2 =	sadd.s32 $0x10, s2;
	s3 =	sand.u32 $0x2000, s31;
	s4 =	sand.u32 $0x1C00, s0;
	v6 =	vld [tilespmem:s30+$0x14050]  }
0x66: {  	p0 =	slt.u32 s31, $0x3F80;
	s3 =	sor.u32 s3, s4;
	s4 =	sand.u32 $0x380, s2;
	[tilespmem:s30+$0xC020] =	vst v2;
	v0 =	vadd.f32 v3, v0;
	v2 =	vld [tilespmem:s30+$0x60]  }
0x67: {  	s3 =	sor.u32 s4, s3;
	v3 =	vld [tilespmem:s30+$0x14060]  }
0x68: {  	v7 =	vld [tilespmem:s3+$0x70];
	[tilespmem:s30+$0xC030] =	vst v0;
	v0 =	vadd.f32 v4, v1  }
0x69: {  	v1 =	vld [tilespmem:s3+$0x14070]  }
0x6a: {  	v4 =	vld [tilespmem:s3+$0x0];
	[tilespmem:s30+$0xC040] =	vst v0;
	v0 =	vadd.f32 v6, v5  }
0x6b: {  	v6 =	vld [tilespmem:s3+$0x14000]  }
0x6c: {  	v8 =	vld [tilespmem:s3+$0x10];
	[tilespmem:s30+$0xC050] =	vst v0;
	v0 =	vadd.f32 v3, v2  }
0x6d: {  	v9 =	vld [tilespmem:s3+$0x14010]  }
0x6e: {  	v2 =	vld [tilespmem:s3+$0x20];
	v1 =	vadd.f32 v1, v7;
	[tilespmem:s30+$0xC060] =	vst v0;
	s30 =	smov.u32 s3  }
.Ltmp0:
0x6f: {  	v5 =	vld [tilespmem:s30+$0x14020];
	(pc) =	sbr.rel @p0 .LBB2_2-.Ltmp0, $4  }
0x70: {  	v4 =	vadd.f32 v6, v4;
	v0 =	vld [tilespmem:s30+$0x30];
	[tilespmem:s30+$0xC070] =	vst v1  }
0x71: {  	v3 =	vld [tilespmem:s30+$0x14030]  }
0x72: {  	[tilespmem:s30+$0xC000] =	vst v4;
	v6 =	vadd.f32 v9, v8;
	v1 =	vld [tilespmem:s30+$0x40]  }
0x73: {  	v4 =	vld [tilespmem:s30+$0x14040]  }
0x74: {  	v7 =	vld [tilespmem:s30+$0x50]  }
0x75: {  	v8 =	vld [tilespmem:s30+$0x14050]  }
0x76: {  	v9 =	vld [tilespmem:s30+$0x60]  }
0x77: {  	v10 =	vld [tilespmem:s30+$0x14060]  }
0x78: {  	v2 =	vadd.f32 v5, v2  }
0x79: {  	[tilespmem:s30+$0xC010] =	vst v6;
	v0 =	vadd.f32 v3, v0  }
0x7a: {  	[tilespmem:s30+$0xC020] =	vst v2;
	v1 =	vadd.f32 v4, v1  }
0x7b: {  	[tilespmem:s30+$0xC030] =	vst v0;
	v0 =	vadd.f32 v8, v7  }
0x7c: {  	[tilespmem:s30+$0xC040] =	vst v1;
	v1 =	vadd.f32 v10, v9  }
0x7d: {  	[tilespmem:s30+$0xC050] =	vst v0  }
0x7e: {  	s31 =	simm.s32 $0x0;
	[tilespmem:s30+$0xC060] =	vst v1  }
0x7f: {  	[hbm4b:s7+s31] =	stream.linear.scatter [tilespmem:s21], [sflag:$0x4], $0x4000, $0x38;
	[tilespmem:$0x1C000] =	vst v63  }
0x80: {  	s0 =	rddreg [dreg:$0x7]  }
0x81: {  	[tilespmem:s31], [sflag:$0x1] =	stream.linear.gather [hbm4b:s0+s31], $0x4000, $0x38;
	[tilespmem:$0x1C000] =	vst v63  }
0x82: {  	s0 =	simm.s32 $0x0  }
0x83: {  	s3 =	sand.u32 $0x1C00, s31;
	_ =	swait.ge [sflag:s22], $0x4000;
	s2 =	sand.u32 $0x2000, s0  }
0x84: {  	s4 =	sand.u32 $0x380, s31;
	[sflag:s22] =	ssyncset.done $0x0;
	s2 =	sor.u32 s2, s3  }
0x85: {  	[sflag:s22] =	ssyncadd.s32 $0xFFFFC000;
	s30 =	sor.u32 s4, s2  }
0x86: {  	v0 =	vld [tilespmem:s30+$0x4070]  }
0x87: {  	v1 =	vld [tilespmem:s30+$0x14070]  }
0x88: {  	v3 =	vld [tilespmem:s30+$0x4000]  }
0x89: {  	v4 =	vld [tilespmem:s30+$0x14000]  }
0x8a: {  	v6 =	vld [tilespmem:s30+$0x4010]  }
0x8b: {  	v7 =	vld [tilespmem:s30+$0x14010]  }
0x8c: {  	v2 =	vld [tilespmem:s30+$0x4020]  }
0x8d: {  	v5 =	vld [tilespmem:s30+$0x14020]  }
0x8e: {  	v1 =	vadd.f32 v1, v0;
	v0 =	vld [tilespmem:s30+$0x4030]  }
0x8f: {  	v4 =	vadd.f32 v4, v3;
	v3 =	vld [tilespmem:s30+$0x14030]  }
0x90: {  	v6 =	vadd.f32 v7, v6;
	[tilespmem:s30+$0x10070] =	vst v1;
	v1 =	vld [tilespmem:s30+$0x4040]  }
0x91: {  	s2 =	simm.s32 $0x0;
	[tilespmem:s30+$0x10000] =	vst v4;
	v4 =	vld [tilespmem:s30+$0x14040]  }
.LBB2_4:
0x92: {  	s0 =	sadd.s32 $0x80, s0;
	[tilespmem:s30+$0x10010] =	vst v6;
	v2 =	vadd.f32 v5, v2;
	v5 =	vld [tilespmem:s30+$0x4050];
	s31 =	sadd.s32 $0x400, s31  }
0x93: {  	s2 =	sadd.s32 $0x10, s2;
	s3 =	sand.u32 $0x2000, s0;
	s4 =	sand.u32 $0x1C00, s31;
	v6 =	vld [tilespmem:s30+$0x14050]  }
0x94: {  	p0 =	slt.u32 s0, $0x3F80;
	s3 =	sor.u32 s3, s4;
	s4 =	sand.u32 $0x380, s2;
	[tilespmem:s30+$0x10020] =	vst v2;
	v0 =	vadd.f32 v3, v0;
	v2 =	vld [tilespmem:s30+$0x4060]  }
0x95: {  	s3 =	sor.u32 s4, s3;
	v3 =	vld [tilespmem:s30+$0x14060]  }
0x96: {  	v7 =	vld [tilespmem:s3+$0x4070];
	[tilespmem:s30+$0x10030] =	vst v0;
	v0 =	vadd.f32 v4, v1  }
0x97: {  	v1 =	vld [tilespmem:s3+$0x14070]  }
0x98: {  	v4 =	vld [tilespmem:s3+$0x4000];
	[tilespmem:s30+$0x10040] =	vst v0;
	v0 =	vadd.f32 v6, v5  }
0x99: {  	v6 =	vld [tilespmem:s3+$0x14000]  }
0x9a: {  	v8 =	vld [tilespmem:s3+$0x4010];
	[tilespmem:s30+$0x10050] =	vst v0;
	v0 =	vadd.f32 v3, v2  }
0x9b: {  	v9 =	vld [tilespmem:s3+$0x14010]  }
0x9c: {  	v2 =	vld [tilespmem:s3+$0x4020];
	v1 =	vadd.f32 v1, v7;
	[tilespmem:s30+$0x10060] =	vst v0;
	s30 =	smov.u32 s3  }
.Ltmp1:
0x9d: {  	v5 =	vld [tilespmem:s30+$0x14020];
	(pc) =	sbr.rel @p0 .LBB2_4-.Ltmp1, $4  }
0x9e: {  	v4 =	vadd.f32 v6, v4;
	v0 =	vld [tilespmem:s30+$0x4030];
	[tilespmem:s30+$0x10070] =	vst v1  }
0x9f: {  	v3 =	vld [tilespmem:s30+$0x14030]  }
0xa0: {  	[tilespmem:s30+$0x10000] =	vst v4;
	v6 =	vadd.f32 v9, v8;
	v1 =	vld [tilespmem:s30+$0x4040]  }
0xa1: {  	v4 =	vld [tilespmem:s30+$0x14040]  }
0xa2: {  	v7 =	vld [tilespmem:s30+$0x4050]  }
0xa3: {  	v8 =	vld [tilespmem:s30+$0x14050]  }
0xa4: {  	v9 =	vld [tilespmem:s30+$0x4060]  }
0xa5: {  	v10 =	vld [tilespmem:s30+$0x14060]  }
0xa6: {  	v2 =	vadd.f32 v5, v2  }
0xa7: {  	[tilespmem:s30+$0x10010] =	vst v6;
	v0 =	vadd.f32 v3, v0  }
0xa8: {  	[tilespmem:s30+$0x10020] =	vst v2;
	v1 =	vadd.f32 v4, v1  }
0xa9: {  	[tilespmem:s30+$0x10030] =	vst v0;
	v0 =	vadd.f32 v8, v7  }
0xaa: {  	[tilespmem:s30+$0x10040] =	vst v1;
	v1 =	vadd.f32 v10, v9  }
0xab: {  	[tilespmem:s30+$0x10050] =	vst v0  }
0xac: {  	[tilespmem:s30+$0x10060] =	vst v1  }
0xad: {  	s31 =	simm.s32 $0x0;
	s0 =	rddreg [dreg:$0x8]  }
0xae: {  	[hbm4b:s0+s31] =	stream.linear.scatter [tilespmem:s23], [sflag:$0x5], $0x4000, $0x38;
	[tilespmem:$0x1C000] =	vst v63  }
0xaf: {  	s3 =	rddreg [dreg:$0x9]  }
0xb0: {  	[tilespmem:s17], [sflag:$0x2] =	stream.linear.gather [hbm4b:s3+s31], $0x4000, $0x38;
	[tilespmem:$0x1C000] =	vst v63  }
0xb1: {  	_ =	swait.ge [sflag:s24], $0x4000  }
0xb2: {  	[sflag:s24] =	ssyncset.done $0x0  }
0xb3: {  	s0 =	simm.s32 $0x0;
	[sflag:s24] =	ssyncadd.s32 $0xFFFFC000  }
0xb4: {  	s2 =	sand.u32 $0x2000, s0;
	s3 =	sand.u32 $0x1C00, s31;
	_ =	swait.ge [sflag:s25], $0x4000  }
0xb5: {  	s4 =	sand.u32 $0x380, s31;
	s2 =	sor.u32 s2, s3;
	[sflag:s25] =	ssyncset.done $0x0  }
0xb6: {  	s30 =	sor.u32 s4, s2;
	[sflag:s25] =	ssyncadd.s32 $0xFFFFC000  }
0xb7: {  	v0 =	vld [tilespmem:s30+$0x8070]  }
0xb8: {  	v1 =	vld [tilespmem:s30+$0x14070]  }
0xb9: {  	v3 =	vld [tilespmem:s30+$0x8000]  }
0xba: {  	v4 =	vld [tilespmem:s30+$0x14000]  }
0xbb: {  	v6 =	vld [tilespmem:s30+$0x8010]  }
0xbc: {  	v7 =	vld [tilespmem:s30+$0x14010]  }
0xbd: {  	v2 =	vld [tilespmem:s30+$0x8020]  }
0xbe: {  	v5 =	vld [tilespmem:s30+$0x14020]  }
0xbf: {  	v1 =	vadd.f32 v1, v0;
	v0 =	vld [tilespmem:s30+$0x8030]  }
0xc0: {  	v4 =	vadd.f32 v4, v3;
	v3 =	vld [tilespmem:s30+$0x14030]  }
0xc1: {  	v6 =	vadd.f32 v7, v6;
	[tilespmem:s30+$0xC070] =	vst v1;
	v1 =	vld [tilespmem:s30+$0x8040]  }
0xc2: {  	s2 =	simm.s32 $0x0;
	[tilespmem:s30+$0xC000] =	vst v4;
	v4 =	vld [tilespmem:s30+$0x14040]  }
.LBB2_6:
0xc3: {  	s0 =	sadd.s32 $0x80, s0;
	[tilespmem:s30+$0xC010] =	vst v6;
	v2 =	vadd.f32 v5, v2;
	v5 =	vld [tilespmem:s30+$0x8050];
	s31 =	sadd.s32 $0x400, s31  }
0xc4: {  	s2 =	sadd.s32 $0x10, s2;
	s3 =	sand.u32 $0x2000, s0;
	s4 =	sand.u32 $0x1C00, s31;
	v6 =	vld [tilespmem:s30+$0x14050]  }
0xc5: {  	p0 =	slt.u32 s0, $0x3F80;
	s3 =	sor.u32 s3, s4;
	s4 =	sand.u32 $0x380, s2;
	[tilespmem:s30+$0xC020] =	vst v2;
	v0 =	vadd.f32 v3, v0;
	v2 =	vld [tilespmem:s30+$0x8060]  }
0xc6: {  	s3 =	sor.u32 s4, s3;
	v3 =	vld [tilespmem:s30+$0x14060]  }
0xc7: {  	v7 =	vld [tilespmem:s3+$0x8070];
	[tilespmem:s30+$0xC030] =	vst v0;
	v0 =	vadd.f32 v4, v1  }
0xc8: {  	v1 =	vld [tilespmem:s3+$0x14070]  }
0xc9: {  	v4 =	vld [tilespmem:s3+$0x8000];
	[tilespmem:s30+$0xC040] =	vst v0;
	v0 =	vadd.f32 v6, v5  }
0xca: {  	v6 =	vld [tilespmem:s3+$0x14000]  }
0xcb: {  	v8 =	vld [tilespmem:s3+$0x8010];
	[tilespmem:s30+$0xC050] =	vst v0;
	v0 =	vadd.f32 v3, v2  }
0xcc: {  	v9 =	vld [tilespmem:s3+$0x14010]  }
0xcd: {  	v2 =	vld [tilespmem:s3+$0x8020];
	v1 =	vadd.f32 v1, v7;
	[tilespmem:s30+$0xC060] =	vst v0;
	s30 =	smov.u32 s3  }
.Ltmp2:
0xce: {  	v5 =	vld [tilespmem:s30+$0x14020];
	(pc) =	sbr.rel @p0 .LBB2_6-.Ltmp2, $4  }
0xcf: {  	v4 =	vadd.f32 v6, v4;
	v0 =	vld [tilespmem:s30+$0x8030];
	[tilespmem:s30+$0xC070] =	vst v1  }
0xd0: {  	v3 =	vld [tilespmem:s30+$0x14030]  }
0xd1: {  	[tilespmem:s30+$0xC000] =	vst v4;
	v6 =	vadd.f32 v9, v8;
	v1 =	vld [tilespmem:s30+$0x8040]  }
0xd2: {  	v4 =	vld [tilespmem:s30+$0x14040]  }
0xd3: {  	v7 =	vld [tilespmem:s30+$0x8050]  }
0xd4: {  	v8 =	vld [tilespmem:s30+$0x14050]  }
0xd5: {  	v9 =	vld [tilespmem:s30+$0x8060]  }
0xd6: {  	v10 =	vld [tilespmem:s30+$0x14060]  }
0xd7: {  	v2 =	vadd.f32 v5, v2  }
0xd8: {  	[tilespmem:s30+$0xC010] =	vst v6;
	v0 =	vadd.f32 v3, v0  }
0xd9: {  	[tilespmem:s30+$0xC020] =	vst v2;
	v1 =	vadd.f32 v4, v1  }
0xda: {  	[tilespmem:s30+$0xC030] =	vst v0;
	v0 =	vadd.f32 v8, v7  }
0xdb: {  	[tilespmem:s30+$0xC040] =	vst v1;
	v1 =	vadd.f32 v10, v9  }
0xdc: {  	[tilespmem:s30+$0xC050] =	vst v0  }
0xdd: {  	[tilespmem:s30+$0xC060] =	vst v1  }
0xde: {  	s31 =	simm.s32 $0x0;
	s0 =	rddreg [dreg:$0xa]  }
0xdf: {  	[hbm4b:s0+s31] =	stream.linear.scatter [tilespmem:s21], [sflag:$0x4], $0x4000, $0x38;
	[tilespmem:$0x1C000] =	vst v63  }
0xe0: {  	s3 =	rddreg [dreg:$0xb]  }
0xe1: {  	[tilespmem:s18], [sflag:$0x3] =	stream.linear.gather [hbm4b:s3+s31], $0x4000, $0x38;
	[tilespmem:$0x1C000] =	vst v63  }
0xe2: {  	_ =	swait.ge [sflag:s26], $0x4000  }
0xe3: {  	[sflag:s26] =	ssyncset.done $0x0  }
0xe4: {  	s0 =	simm.s32 $0x0;
	[sflag:s26] =	ssyncadd.s32 $0xFFFFC000  }
0xe5: {  	s2 =	sand.u32 $0x2000, s0;
	s3 =	sand.u32 $0x1C00, s31;
	_ =	swait.ge [sflag:s20], $0x4000  }
0xe6: {  	s4 =	sand.u32 $0x380, s31;
	s2 =	sor.u32 s2, s3;
	[sflag:s20] =	ssyncset.done $0x0  }
0xe7: {  	s30 =	sor.u32 s4, s2;
	[sflag:s20] =	ssyncadd.s32 $0xFFFFC000  }
0xe8: {  	v0 =	vld [tilespmem:s30+$0x70]  }
0xe9: {  	v1 =	vld [tilespmem:s30+$0x14070]  }
0xea: {  	v3 =	vld [tilespmem:s30+$0x0]  }
0xeb: {  	v4 =	vld [tilespmem:s30+$0x14000]  }
0xec: {  	v6 =	vld [tilespmem:s30+$0x10]  }
0xed: {  	v7 =	vld [tilespmem:s30+$0x14010]  }
0xee: {  	v2 =	vld [tilespmem:s30+$0x20]  }
0xef: {  	v5 =	vld [tilespmem:s30+$0x14020]  }
0xf0: {  	v1 =	vadd.f32 v1, v0;
	v0 =	vld [tilespmem:s30+$0x30]  }
0xf1: {  	v4 =	vadd.f32 v4, v3;
	v3 =	vld [tilespmem:s30+$0x14030]  }
0xf2: {  	v6 =	vadd.f32 v7, v6;
	[tilespmem:s30+$0x10070] =	vst v1;
	v1 =	vld [tilespmem:s30+$0x40]  }
0xf3: {  	s2 =	simm.s32 $0x0;
	[tilespmem:s30+$0x10000] =	vst v4;
	v4 =	vld [tilespmem:s30+$0x14040]  }
.LBB2_8:
0xf4: {  	s0 =	sadd.s32 $0x80, s0;
	[tilespmem:s30+$0x10010] =	vst v6;
	v2 =	vadd.f32 v5, v2;
	v5 =	vld [tilespmem:s30+$0x50];
	s31 =	sadd.s32 $0x400, s31  }
0xf5: {  	s2 =	sadd.s32 $0x10, s2;
	s3 =	sand.u32 $0x2000, s0;
	s4 =	sand.u32 $0x1C00, s31;
	v6 =	vld [tilespmem:s30+$0x14050]  }
0xf6: {  	p0 =	slt.u32 s0, $0x3F80;
	s3 =	sor.u32 s3, s4;
	s4 =	sand.u32 $0x380, s2;
	[tilespmem:s30+$0x10020] =	vst v2;
	v0 =	vadd.f32 v3, v0;
	v2 =	vld [tilespmem:s30+$0x60]  }
0xf7: {  	s3 =	sor.u32 s4, s3;
	v3 =	vld [tilespmem:s30+$0x14060]  }
0xf8: {  	v7 =	vld [tilespmem:s3+$0x70];
	[tilespmem:s30+$0x10030] =	vst v0;
	v0 =	vadd.f32 v4, v1  }
0xf9: {  	v1 =	vld [tilespmem:s3+$0x14070]  }
0xfa: {  	v4 =	vld [tilespmem:s3+$0x0];
	[tilespmem:s30+$0x10040] =	vst v0;
	v0 =	vadd.f32 v6, v5  }
0xfb: {  	v6 =	vld [tilespmem:s3+$0x14000]  }
0xfc: {  	v8 =	vld [tilespmem:s3+$0x10];
	[tilespmem:s30+$0x10050] =	vst v0;
	v0 =	vadd.f32 v3, v2  }
0xfd: {  	v9 =	vld [tilespmem:s3+$0x14010]  }
0xfe: {  	v2 =	vld [tilespmem:s3+$0x20];
	v1 =	vadd.f32 v1, v7;
	[tilespmem:s30+$0x10060] =	vst v0;
	s30 =	smov.u32 s3  }
.Ltmp3:
0xff: {  	v5 =	vld [tilespmem:s30+$0x14020];
	(pc) =	sbr.rel @p0 .LBB2_8-.Ltmp3, $4  }
0x100: {  	v4 =	vadd.f32 v6, v4;
	v0 =	vld [tilespmem:s30+$0x30];
	[tilespmem:s30+$0x10070] =	vst v1  }
0x101: {  	v3 =	vld [tilespmem:s30+$0x14030]  }
0x102: {  	[tilespmem:s30+$0x10000] =	vst v4;
	v6 =	vadd.f32 v9, v8;
	v1 =	vld [tilespmem:s30+$0x40]  }
0x103: {  	v4 =	vld [tilespmem:s30+$0x14040]  }
0x104: {  	v7 =	vld [tilespmem:s30+$0x50]  }
0x105: {  	v8 =	vld [tilespmem:s30+$0x14050]  }
0x106: {  	v9 =	vld [tilespmem:s30+$0x60]  }
0x107: {  	v10 =	vld [tilespmem:s30+$0x14060]  }
0x108: {  	v2 =	vadd.f32 v5, v2  }
0x109: {  	[tilespmem:s30+$0x10010] =	vst v6;
	v0 =	vadd.f32 v3, v0  }
0x10a: {  	[tilespmem:s30+$0x10020] =	vst v2;
	v1 =	vadd.f32 v4, v1  }
0x10b: {  	[tilespmem:s30+$0x10030] =	vst v0;
	v0 =	vadd.f32 v8, v7  }
0x10c: {  	[tilespmem:s30+$0x10040] =	vst v1;
	v1 =	vadd.f32 v10, v9  }
0x10d: {  	[tilespmem:s30+$0x10050] =	vst v0  }
0x10e: {  	[tilespmem:s30+$0x10060] =	vst v1  }
0x10f: {  	s30 =	simm.s32 $0x0;
	s0 =	rddreg [dreg:$0xc]  }
0x110: {  	[hbm4b:s0+s30] =	stream.linear.scatter [tilespmem:s23], [sflag:$0x5], $0x4000, $0x38;
	[tilespmem:$0x1C000] =	vst v63  }
0x111: {  	s2 =	rddreg [dreg:$0xd]  }
0x112: {  	[tilespmem:s30], [sflag:$0x1] =	stream.linear.gather [hbm4b:s2+s30], $0x4000, $0x38;
	[tilespmem:$0x1C000] =	vst v63  }
0x113: {  	s3 =	rddreg [dreg:$0xe]  }
0x114: {  	[tilespmem:s15], [sflag:$0x6] =	stream.linear.gather [hbm4b:s3+s30], $0x4000, $0x38;
	[tilespmem:$0x1C000] =	vst v63  }
0x115: {  	_ =	swait.ge [sflag:s24], $0x4000  }
0x116: {  	[sflag:s24] =	ssyncset.done $0x0  }
0x117: {  	[sflag:s24] =	ssyncadd.s32 $0xFFFFC000  }
0x118: {  	_ =	swait.ge [sflag:s28], $0x4000  }
0x119: {  	[sflag:s28] =	ssyncset.done $0x0  }
0x11a: {  	s0 =	simm.s32 $0x0;
	[sflag:s28] =	ssyncadd.s32 $0xFFFFC000  }
0x11b: {  	s2 =	sand.u32 $0x2000, s0;
	s3 =	sand.u32 $0x1C00, s30;
	_ =	swait.ge [sflag:s22], $0x4000  }
0x11c: {  	s4 =	sand.u32 $0x380, s30;
	s2 =	sor.u32 s2, s3;
	[sflag:s22] =	ssyncset.done $0x0  }
0x11d: {  	s31 =	sor.u32 s4, s2;
	[sflag:s22] =	ssyncadd.s32 $0xFFFFC000  }
0x11e: {  	v0 =	vld [tilespmem:s31+$0x4070]  }
0x11f: {  	v1 =	vld [tilespmem:s31+$0x18070]  }
0x120: {  	v3 =	vld [tilespmem:s31+$0x4000]  }
0x121: {  	v4 =	vld [tilespmem:s31+$0x18000]  }
0x122: {  	v6 =	vld [tilespmem:s31+$0x4010]  }
0x123: {  	v7 =	vld [tilespmem:s31+$0x18010]  }
0x124: {  	v2 =	vld [tilespmem:s31+$0x4020]  }
0x125: {  	v5 =	vld [tilespmem:s31+$0x18020]  }
0x126: {  	v1 =	vadd.f32 v1, v0;
	v0 =	vld [tilespmem:s31+$0x4030]  }
0x127: {  	v4 =	vadd.f32 v4, v3;
	v3 =	vld [tilespmem:s31+$0x18030]  }
0x128: {  	v6 =	vadd.f32 v7, v6;
	[tilespmem:s31+$0xC070] =	vst v1;
	v1 =	vld [tilespmem:s31+$0x4040]  }
0x129: {  	s2 =	simm.s32 $0x0;
	[tilespmem:s31+$0xC000] =	vst v4;
	v4 =	vld [tilespmem:s31+$0x18040]  }
.LBB2_10:
0x12a: {  	s0 =	sadd.s32 $0x80, s0;
	[tilespmem:s31+$0xC010] =	vst v6;
	v2 =	vadd.f32 v5, v2;
	v5 =	vld [tilespmem:s31+$0x4050];
	s30 =	sadd.s32 $0x400, s30  }
0x12b: {  	s2 =	sadd.s32 $0x10, s2;
	s3 =	sand.u32 $0x2000, s0;
	s4 =	sand.u32 $0x1C00, s30;
	v6 =	vld [tilespmem:s31+$0x18050]  }
0x12c: {  	p0 =	slt.u32 s0, $0x3F80;
	s3 =	sor.u32 s3, s4;
	s4 =	sand.u32 $0x380, s2;
	[tilespmem:s31+$0xC020] =	vst v2;
	v0 =	vadd.f32 v3, v0;
	v2 =	vld [tilespmem:s31+$0x4060]  }
0x12d: {  	s3 =	sor.u32 s4, s3;
	v3 =	vld [tilespmem:s31+$0x18060]  }
0x12e: {  	v7 =	vld [tilespmem:s3+$0x4070];
	[tilespmem:s31+$0xC030] =	vst v0;
	v0 =	vadd.f32 v4, v1  }
0x12f: {  	v1 =	vld [tilespmem:s3+$0x18070]  }
0x130: {  	v4 =	vld [tilespmem:s3+$0x4000];
	[tilespmem:s31+$0xC040] =	vst v0;
	v0 =	vadd.f32 v6, v5  }
0x131: {  	v6 =	vld [tilespmem:s3+$0x18000]  }
0x132: {  	v8 =	vld [tilespmem:s3+$0x4010];
	[tilespmem:s31+$0xC050] =	vst v0;
	v0 =	vadd.f32 v3, v2  }
0x133: {  	v9 =	vld [tilespmem:s3+$0x18010]  }
0x134: {  	v2 =	vld [tilespmem:s3+$0x4020];
	v1 =	vadd.f32 v1, v7;
	[tilespmem:s31+$0xC060] =	vst v0;
	s31 =	smov.u32 s3  }
.Ltmp4:
0x135: {  	v5 =	vld [tilespmem:s31+$0x18020];
	(pc) =	sbr.rel @p0 .LBB2_10-.Ltmp4, $4  }
0x136: {  	v4 =	vadd.f32 v6, v4;
	v0 =	vld [tilespmem:s31+$0x4030];
	[tilespmem:s31+$0xC070] =	vst v1  }
0x137: {  	v3 =	vld [tilespmem:s31+$0x18030]  }
0x138: {  	[tilespmem:s31+$0xC000] =	vst v4;
	v6 =	vadd.f32 v9, v8;
	v1 =	vld [tilespmem:s31+$0x4040]  }
0x139: {  	v4 =	vld [tilespmem:s31+$0x18040]  }
0x13a: {  	v7 =	vld [tilespmem:s31+$0x4050]  }
0x13b: {  	v8 =	vld [tilespmem:s31+$0x18050]  }
0x13c: {  	v9 =	vld [tilespmem:s31+$0x4060]  }
0x13d: {  	v10 =	vld [tilespmem:s31+$0x18060]  }
0x13e: {  	v2 =	vadd.f32 v5, v2  }
0x13f: {  	[tilespmem:s31+$0xC010] =	vst v6;
	v0 =	vadd.f32 v3, v0  }
0x140: {  	[tilespmem:s31+$0xC020] =	vst v2;
	v1 =	vadd.f32 v4, v1  }
0x141: {  	[tilespmem:s31+$0xC030] =	vst v0;
	v0 =	vadd.f32 v8, v7  }
0x142: {  	[tilespmem:s31+$0xC040] =	vst v1;
	v1 =	vadd.f32 v10, v9  }
0x143: {  	[tilespmem:s31+$0xC050] =	vst v0  }
0x144: {  	[tilespmem:s31+$0xC060] =	vst v1  }
0x145: {  	s31 =	simm.s32 $0x0;
	s0 =	rddreg [dreg:$0xf]  }
0x146: {  	[hbm4b:s0+s31] =	stream.linear.scatter [tilespmem:s21], [sflag:$0x4], $0x4000, $0x38;
	[tilespmem:$0x1C000] =	vst v63  }
0x147: {  	s3 =	rddreg [dreg:$0x10]  }
0x148: {  	[tilespmem:s17], [sflag:$0x2] =	stream.linear.gather [hbm4b:s3+s31], $0x4000, $0x38;
	[tilespmem:$0x1C000] =	vst v63  }
0x149: {  	_ =	swait.ge [sflag:s26], $0x4000  }
0x14a: {  	[sflag:s26] =	ssyncset.done $0x0  }
0x14b: {  	s0 =	simm.s32 $0x0;
	[sflag:s26] =	ssyncadd.s32 $0xFFFFC000  }
0x14c: {  	s2 =	sand.u32 $0x2000, s0;
	s3 =	sand.u32 $0x1C00, s31;
	_ =	swait.ge [sflag:s25], $0x4000  }
0x14d: {  	s4 =	sand.u32 $0x380, s31;
	s2 =	sor.u32 s2, s3;
	[sflag:s25] =	ssyncset.done $0x0  }
0x14e: {  	s30 =	sor.u32 s4, s2;
	[sflag:s25] =	ssyncadd.s32 $0xFFFFC000  }
0x14f: {  	v0 =	vld [tilespmem:s30+$0x8070]  }
0x150: {  	v1 =	vld [tilespmem:s30+$0x18070]  }
0x151: {  	v3 =	vld [tilespmem:s30+$0x8000]  }
0x152: {  	v4 =	vld [tilespmem:s30+$0x18000]  }
0x153: {  	v6 =	vld [tilespmem:s30+$0x8010]  }
0x154: {  	v7 =	vld [tilespmem:s30+$0x18010]  }
0x155: {  	v2 =	vld [tilespmem:s30+$0x8020]  }
0x156: {  	v5 =	vld [tilespmem:s30+$0x18020]  }
0x157: {  	v1 =	vadd.f32 v1, v0;
	v0 =	vld [tilespmem:s30+$0x8030]  }
0x158: {  	v4 =	vadd.f32 v4, v3;
	v3 =	vld [tilespmem:s30+$0x18030]  }
0x159: {  	v6 =	vadd.f32 v7, v6;
	[tilespmem:s30+$0x10070] =	vst v1;
	v1 =	vld [tilespmem:s30+$0x8040]  }
0x15a: {  	s2 =	simm.s32 $0x0;
	[tilespmem:s30+$0x10000] =	vst v4;
	v4 =	vld [tilespmem:s30+$0x18040]  }
.LBB2_12:
0x15b: {  	s0 =	sadd.s32 $0x80, s0;
	[tilespmem:s30+$0x10010] =	vst v6;
	v2 =	vadd.f32 v5, v2;
	v5 =	vld [tilespmem:s30+$0x8050];
	s31 =	sadd.s32 $0x400, s31  }
0x15c: {  	s2 =	sadd.s32 $0x10, s2;
	s3 =	sand.u32 $0x2000, s0;
	s4 =	sand.u32 $0x1C00, s31;
	v6 =	vld [tilespmem:s30+$0x18050]  }
0x15d: {  	p0 =	slt.u32 s0, $0x3F80;
	s3 =	sor.u32 s3, s4;
	s4 =	sand.u32 $0x380, s2;
	[tilespmem:s30+$0x10020] =	vst v2;
	v0 =	vadd.f32 v3, v0;
	v2 =	vld [tilespmem:s30+$0x8060]  }
0x15e: {  	s3 =	sor.u32 s4, s3;
	v3 =	vld [tilespmem:s30+$0x18060]  }
0x15f: {  	v7 =	vld [tilespmem:s3+$0x8070];
	[tilespmem:s30+$0x10030] =	vst v0;
	v0 =	vadd.f32 v4, v1  }
0x160: {  	v1 =	vld [tilespmem:s3+$0x18070]  }
0x161: {  	v4 =	vld [tilespmem:s3+$0x8000];
	[tilespmem:s30+$0x10040] =	vst v0;
	v0 =	vadd.f32 v6, v5  }
0x162: {  	v6 =	vld [tilespmem:s3+$0x18000]  }
0x163: {  	v8 =	vld [tilespmem:s3+$0x8010];
	[tilespmem:s30+$0x10050] =	vst v0;
	v0 =	vadd.f32 v3, v2  }
0x164: {  	v9 =	vld [tilespmem:s3+$0x18010]  }
0x165: {  	v2 =	vld [tilespmem:s3+$0x8020];
	v1 =	vadd.f32 v1, v7;
	[tilespmem:s30+$0x10060] =	vst v0;
	s30 =	smov.u32 s3  }
.Ltmp5:
0x166: {  	v5 =	vld [tilespmem:s30+$0x18020];
	(pc) =	sbr.rel @p0 .LBB2_12-.Ltmp5, $4  }
0x167: {  	v4 =	vadd.f32 v6, v4;
	v0 =	vld [tilespmem:s30+$0x8030];
	[tilespmem:s30+$0x10070] =	vst v1  }
0x168: {  	v3 =	vld [tilespmem:s30+$0x18030]  }
0x169: {  	[tilespmem:s30+$0x10000] =	vst v4;
	v6 =	vadd.f32 v9, v8;
	v1 =	vld [tilespmem:s30+$0x8040]  }
0x16a: {  	v4 =	vld [tilespmem:s30+$0x18040]  }
0x16b: {  	v7 =	vld [tilespmem:s30+$0x8050]  }
0x16c: {  	v8 =	vld [tilespmem:s30+$0x18050]  }
0x16d: {  	v9 =	vld [tilespmem:s30+$0x8060]  }
0x16e: {  	v10 =	vld [tilespmem:s30+$0x18060]  }
0x16f: {  	v2 =	vadd.f32 v5, v2  }
0x170: {  	[tilespmem:s30+$0x10010] =	vst v6;
	v0 =	vadd.f32 v3, v0  }
0x171: {  	[tilespmem:s30+$0x10020] =	vst v2;
	v1 =	vadd.f32 v4, v1  }
0x172: {  	[tilespmem:s30+$0x10030] =	vst v0;
	v0 =	vadd.f32 v8, v7  }
0x173: {  	[tilespmem:s30+$0x10040] =	vst v1;
	v1 =	vadd.f32 v10, v9  }
0x174: {  	[tilespmem:s30+$0x10050] =	vst v0  }
0x175: {  	[tilespmem:s30+$0x10060] =	vst v1  }
0x176: {  	s31 =	simm.s32 $0x0;
	s0 =	rddreg [dreg:$0x11]  }
0x177: {  	[hbm4b:s0+s31] =	stream.linear.scatter [tilespmem:s23], [sflag:$0x5], $0x4000, $0x38;
	[tilespmem:$0x1C000] =	vst v63  }
0x178: {  	s3 =	rddreg [dreg:$0x12]  }
0x179: {  	[tilespmem:s18], [sflag:$0x3] =	stream.linear.gather [hbm4b:s3+s31], $0x4000, $0x38;
	[tilespmem:$0x1C000] =	vst v63  }
0x17a: {  	_ =	swait.ge [sflag:s24], $0x4000  }
0x17b: {  	[sflag:s24] =	ssyncset.done $0x0  }
0x17c: {  	s0 =	simm.s32 $0x0;
	[sflag:s24] =	ssyncadd.s32 $0xFFFFC000  }
0x17d: {  	s2 =	sand.u32 $0x2000, s0;
	s3 =	sand.u32 $0x1C00, s31;
	_ =	swait.ge [sflag:s20], $0x4000  }
0x17e: {  	s4 =	sand.u32 $0x380, s31;
	s2 =	sor.u32 s2, s3;
	[sflag:s20] =	ssyncset.done $0x0  }
0x17f: {  	s30 =	sor.u32 s4, s2;
	[sflag:s20] =	ssyncadd.s32 $0xFFFFC000  }
0x180: {  	v0 =	vld [tilespmem:s30+$0x70]  }
0x181: {  	v1 =	vld [tilespmem:s30+$0x18070]  }
0x182: {  	v3 =	vld [tilespmem:s30+$0x0]  }
0x183: {  	v4 =	vld [tilespmem:s30+$0x18000]  }
0x184: {  	v6 =	vld [tilespmem:s30+$0x10]  }
0x185: {  	v7 =	vld [tilespmem:s30+$0x18010]  }
0x186: {  	v2 =	vld [tilespmem:s30+$0x20]  }
0x187: {  	v5 =	vld [tilespmem:s30+$0x18020]  }
0x188: {  	v1 =	vadd.f32 v1, v0;
	v0 =	vld [tilespmem:s30+$0x30]  }
0x189: {  	v4 =	vadd.f32 v4, v3;
	v3 =	vld [tilespmem:s30+$0x18030]  }
0x18a: {  	v6 =	vadd.f32 v7, v6;
	[tilespmem:s30+$0xC070] =	vst v1;
	v1 =	vld [tilespmem:s30+$0x40]  }
0x18b: {  	s2 =	simm.s32 $0x0;
	[tilespmem:s30+$0xC000] =	vst v4;
	v4 =	vld [tilespmem:s30+$0x18040]  }
.LBB2_14:
0x18c: {  	s0 =	sadd.s32 $0x80, s0;
	[tilespmem:s30+$0xC010] =	vst v6;
	v2 =	vadd.f32 v5, v2;
	v5 =	vld [tilespmem:s30+$0x50];
	s31 =	sadd.s32 $0x400, s31  }
0x18d: {  	s2 =	sadd.s32 $0x10, s2;
	s3 =	sand.u32 $0x2000, s0;
	s4 =	sand.u32 $0x1C00, s31;
	v6 =	vld [tilespmem:s30+$0x18050]  }
0x18e: {  	p0 =	slt.u32 s0, $0x3F80;
	s3 =	sor.u32 s3, s4;
	s4 =	sand.u32 $0x380, s2;
	[tilespmem:s30+$0xC020] =	vst v2;
	v0 =	vadd.f32 v3, v0;
	v2 =	vld [tilespmem:s30+$0x60]  }
0x18f: {  	s3 =	sor.u32 s4, s3;
	v3 =	vld [tilespmem:s30+$0x18060]  }
0x190: {  	v7 =	vld [tilespmem:s3+$0x70];
	[tilespmem:s30+$0xC030] =	vst v0;
	v0 =	vadd.f32 v4, v1  }
0x191: {  	v1 =	vld [tilespmem:s3+$0x18070]  }
0x192: {  	v4 =	vld [tilespmem:s3+$0x0];
	[tilespmem:s30+$0xC040] =	vst v0;
	v0 =	vadd.f32 v6, v5  }
0x193: {  	v6 =	vld [tilespmem:s3+$0x18000]  }
0x194: {  	v8 =	vld [tilespmem:s3+$0x10];
	[tilespmem:s30+$0xC050] =	vst v0;
	v0 =	vadd.f32 v3, v2  }
0x195: {  	v9 =	vld [tilespmem:s3+$0x18010]  }
0x196: {  	v2 =	vld [tilespmem:s3+$0x20];
	v1 =	vadd.f32 v1, v7;
	[tilespmem:s30+$0xC060] =	vst v0;
	s30 =	smov.u32 s3  }
.Ltmp6:
0x197: {  	v5 =	vld [tilespmem:s30+$0x18020];
	(pc) =	sbr.rel @p0 .LBB2_14-.Ltmp6, $4  }
0x198: {  	v4 =	vadd.f32 v6, v4;
	v0 =	vld [tilespmem:s30+$0x30];
	[tilespmem:s30+$0xC070] =	vst v1  }
0x199: {  	v3 =	vld [tilespmem:s30+$0x18030]  }
0x19a: {  	[tilespmem:s30+$0xC000] =	vst v4;
	v6 =	vadd.f32 v9, v8;
	v1 =	vld [tilespmem:s30+$0x40]  }
0x19b: {  	v4 =	vld [tilespmem:s30+$0x18040]  }
0x19c: {  	v7 =	vld [tilespmem:s30+$0x50]  }
0x19d: {  	v8 =	vld [tilespmem:s30+$0x18050]  }
0x19e: {  	v9 =	vld [tilespmem:s30+$0x60]  }
0x19f: {  	v10 =	vld [tilespmem:s30+$0x18060]  }
0x1a0: {  	v2 =	vadd.f32 v5, v2  }
0x1a1: {  	[tilespmem:s30+$0xC010] =	vst v6;
	v0 =	vadd.f32 v3, v0  }
0x1a2: {  	[tilespmem:s30+$0xC020] =	vst v2;
	v1 =	vadd.f32 v4, v1  }
0x1a3: {  	[tilespmem:s30+$0xC030] =	vst v0;
	v0 =	vadd.f32 v8, v7  }
0x1a4: {  	[tilespmem:s30+$0xC040] =	vst v1;
	v1 =	vadd.f32 v10, v9  }
0x1a5: {  	[tilespmem:s30+$0xC050] =	vst v0  }
0x1a6: {  	[tilespmem:s30+$0xC060] =	vst v1  }
0x1a7: {  	s31 =	simm.s32 $0x0;
	s0 =	rddreg [dreg:$0x13]  }
0x1a8: {  	[hbm4b:s0+s31] =	stream.linear.scatter [tilespmem:s21], [sflag:$0x4], $0x4000, $0x38;
	[tilespmem:$0x1C000] =	vst v63  }
0x1a9: {  	s3 =	rddreg [dreg:$0x16]  }
0x1aa: {  	[tilespmem:s31], [sflag:$0x1] =	stream.linear.gather [hbm4b:s3+s31], $0x4000, $0x38;
	[tilespmem:$0x1C000] =	vst v63  }
0x1ab: {  	_ =	swait.ge [sflag:s26], $0x4000  }
0x1ac: {  	[sflag:s26] =	ssyncset.done $0x0  }
0x1ad: {  	s0 =	simm.s32 $0x0;
	[sflag:s26] =	ssyncadd.s32 $0xFFFFC000  }
0x1ae: {  	s2 =	sand.u32 $0x2000, s0;
	s3 =	sand.u32 $0x1C00, s31;
	_ =	swait.ge [sflag:s22], $0x4000  }
0x1af: {  	s4 =	sand.u32 $0x380, s31;
	s2 =	sor.u32 s2, s3;
	[sflag:s22] =	ssyncset.done $0x0  }
0x1b0: {  	s30 =	sor.u32 s4, s2;
	[sflag:s22] =	ssyncadd.s32 $0xFFFFC000  }
0x1b1: {  	v0 =	vld [tilespmem:s30+$0x4070]  }
0x1b2: {  	v1 =	vld [tilespmem:s30+$0x18070]  }
0x1b3: {  	v3 =	vld [tilespmem:s30+$0x4000]  }
0x1b4: {  	v4 =	vld [tilespmem:s30+$0x18000]  }
0x1b5: {  	v6 =	vld [tilespmem:s30+$0x4010]  }
0x1b6: {  	v7 =	vld [tilespmem:s30+$0x18010]  }
0x1b7: {  	v2 =	vld [tilespmem:s30+$0x4020]  }
0x1b8: {  	v5 =	vld [tilespmem:s30+$0x18020]  }
0x1b9: {  	v1 =	vadd.f32 v1, v0;
	v0 =	vld [tilespmem:s30+$0x4030]  }
0x1ba: {  	v4 =	vadd.f32 v4, v3;
	v3 =	vld [tilespmem:s30+$0x18030]  }
0x1bb: {  	v6 =	vadd.f32 v7, v6;
	[tilespmem:s30+$0x10070] =	vst v1;
	v1 =	vld [tilespmem:s30+$0x4040]  }
0x1bc: {  	s2 =	simm.s32 $0x0;
	[tilespmem:s30+$0x10000] =	vst v4;
	v4 =	vld [tilespmem:s30+$0x18040]  }
.LBB2_16:
0x1bd: {  	s0 =	sadd.s32 $0x80, s0;
	[tilespmem:s30+$0x10010] =	vst v6;
	v2 =	vadd.f32 v5, v2;
	v5 =	vld [tilespmem:s30+$0x4050];
	s31 =	sadd.s32 $0x400, s31  }
0x1be: {  	s2 =	sadd.s32 $0x10, s2;
	s3 =	sand.u32 $0x2000, s0;
	s4 =	sand.u32 $0x1C00, s31;
	v6 =	vld [tilespmem:s30+$0x18050]  }
0x1bf: {  	p0 =	slt.u32 s0, $0x3F80;
	s3 =	sor.u32 s3, s4;
	s4 =	sand.u32 $0x380, s2;
	[tilespmem:s30+$0x10020] =	vst v2;
	v0 =	vadd.f32 v3, v0;
	v2 =	vld [tilespmem:s30+$0x4060]  }
0x1c0: {  	s3 =	sor.u32 s4, s3;
	v3 =	vld [tilespmem:s30+$0x18060]  }
0x1c1: {  	v7 =	vld [tilespmem:s3+$0x4070];
	[tilespmem:s30+$0x10030] =	vst v0;
	v0 =	vadd.f32 v4, v1  }
0x1c2: {  	v1 =	vld [tilespmem:s3+$0x18070]  }
0x1c3: {  	v4 =	vld [tilespmem:s3+$0x4000];
	[tilespmem:s30+$0x10040] =	vst v0;
	v0 =	vadd.f32 v6, v5  }
0x1c4: {  	v6 =	vld [tilespmem:s3+$0x18000]  }
0x1c5: {  	v8 =	vld [tilespmem:s3+$0x4010];
	[tilespmem:s30+$0x10050] =	vst v0;
	v0 =	vadd.f32 v3, v2  }
0x1c6: {  	v9 =	vld [tilespmem:s3+$0x18010]  }
0x1c7: {  	v2 =	vld [tilespmem:s3+$0x4020];
	v1 =	vadd.f32 v1, v7;
	[tilespmem:s30+$0x10060] =	vst v0;
	s30 =	smov.u32 s3  }
.Ltmp7:
0x1c8: {  	v5 =	vld [tilespmem:s30+$0x18020];
	(pc) =	sbr.rel @p0 .LBB2_16-.Ltmp7, $4  }
0x1c9: {  	v4 =	vadd.f32 v6, v4;
	v0 =	vld [tilespmem:s30+$0x4030];
	[tilespmem:s30+$0x10070] =	vst v1  }
0x1ca: {  	v3 =	vld [tilespmem:s30+$0x18030]  }
0x1cb: {  	[tilespmem:s30+$0x10000] =	vst v4;
	v6 =	vadd.f32 v9, v8;
	v1 =	vld [tilespmem:s30+$0x4040]  }
0x1cc: {  	v4 =	vld [tilespmem:s30+$0x18040]  }
0x1cd: {  	v7 =	vld [tilespmem:s30+$0x4050]  }
0x1ce: {  	v8 =	vld [tilespmem:s30+$0x18050]  }
0x1cf: {  	v9 =	vld [tilespmem:s30+$0x4060]  }
0x1d0: {  	v10 =	vld [tilespmem:s30+$0x18060]  }
0x1d1: {  	v2 =	vadd.f32 v5, v2  }
0x1d2: {  	[tilespmem:s30+$0x10010] =	vst v6;
	v0 =	vadd.f32 v3, v0  }
0x1d3: {  	[tilespmem:s30+$0x10020] =	vst v2;
	v1 =	vadd.f32 v4, v1  }
0x1d4: {  	[tilespmem:s30+$0x10030] =	vst v0;
	v0 =	vadd.f32 v8, v7  }
0x1d5: {  	[tilespmem:s30+$0x10040] =	vst v1;
	v1 =	vadd.f32 v10, v9  }
0x1d6: {  	[tilespmem:s30+$0x10050] =	vst v0  }
0x1d7: {  	[tilespmem:s30+$0x10060] =	vst v1  }
0x1d8: {  	s30 =	simm.s32 $0x0;
	s0 =	rddreg [dreg:$0x14]  }
0x1d9: {  	[hbm4b:s0+s30] =	stream.linear.scatter [tilespmem:s23], [sflag:$0x5], $0x4000, $0x38;
	[tilespmem:$0x1C000] =	vst v63  }
0x1da: {  	s2 =	rddreg [dreg:$0x18]  }
0x1db: {  	[tilespmem:s17], [sflag:$0x2] =	stream.linear.gather [hbm4b:s2+s30], $0x4000, $0x38;
	[tilespmem:$0x1C000] =	vst v63  }
0x1dc: {  	s3 =	rddreg [dreg:$0x1c]  }
0x1dd: {  	[tilespmem:s16], [sflag:$0x7] =	stream.linear.gather [hbm4b:s3+s30], $0x4000, $0x38;
	[tilespmem:$0x1C000] =	vst v63  }
0x1de: {  	_ =	swait.ge [sflag:s24], $0x4000  }
0x1df: {  	[sflag:s24] =	ssyncset.done $0x0  }
0x1e0: {  	[sflag:s24] =	ssyncadd.s32 $0xFFFFC000  }
0x1e1: {  	_ =	swait.ge [sflag:s19], $0x4000  }
0x1e2: {  	[sflag:s19] =	ssyncset.done $0x0  }
0x1e3: {  	s0 =	simm.s32 $0x0;
	[sflag:s19] =	ssyncadd.s32 $0xFFFFC000  }
0x1e4: {  	s2 =	sand.u32 $0x2000, s0;
	s3 =	sand.u32 $0x1C00, s30;
	_ =	swait.ge [sflag:s25], $0x4000  }
0x1e5: {  	s4 =	sand.u32 $0x380, s30;
	s2 =	sor.u32 s2, s3;
	[sflag:s25] =	ssyncset.done $0x0  }
0x1e6: {  	s31 =	sor.u32 s4, s2;
	[sflag:s25] =	ssyncadd.s32 $0xFFFFC000  }
0x1e7: {  	v0 =	vld [tilespmem:s31+$0x8070]  }
0x1e8: {  	v1 =	vld [tilespmem:s31+$0x14070]  }
0x1e9: {  	v3 =	vld [tilespmem:s31+$0x8000]  }
0x1ea: {  	v4 =	vld [tilespmem:s31+$0x14000]  }
0x1eb: {  	v6 =	vld [tilespmem:s31+$0x8010]  }
0x1ec: {  	v7 =	vld [tilespmem:s31+$0x14010]  }
0x1ed: {  	v2 =	vld [tilespmem:s31+$0x8020]  }
0x1ee: {  	v5 =	vld [tilespmem:s31+$0x14020]  }
0x1ef: {  	v1 =	vadd.f32 v1, v0;
	v0 =	vld [tilespmem:s31+$0x8030]  }
0x1f0: {  	v4 =	vadd.f32 v4, v3;
	v3 =	vld [tilespmem:s31+$0x14030]  }
0x1f1: {  	v6 =	vadd.f32 v7, v6;
	[tilespmem:s31+$0xC070] =	vst v1;
	v1 =	vld [tilespmem:s31+$0x8040]  }
0x1f2: {  	s2 =	simm.s32 $0x0;
	[tilespmem:s31+$0xC000] =	vst v4;
	v4 =	vld [tilespmem:s31+$0x14040]  }
.LBB2_18:
0x1f3: {  	s0 =	sadd.s32 $0x80, s0;
	[tilespmem:s31+$0xC010] =	vst v6;
	v2 =	vadd.f32 v5, v2;
	v5 =	vld [tilespmem:s31+$0x8050];
	s30 =	sadd.s32 $0x400, s30  }
0x1f4: {  	s2 =	sadd.s32 $0x10, s2;
	s3 =	sand.u32 $0x2000, s0;
	s4 =	sand.u32 $0x1C00, s30;
	v6 =	vld [tilespmem:s31+$0x14050]  }
0x1f5: {  	p0 =	slt.u32 s0, $0x3F80;
	s3 =	sor.u32 s3, s4;
	s4 =	sand.u32 $0x380, s2;
	[tilespmem:s31+$0xC020] =	vst v2;
	v0 =	vadd.f32 v3, v0;
	v2 =	vld [tilespmem:s31+$0x8060]  }
0x1f6: {  	s3 =	sor.u32 s4, s3;
	v3 =	vld [tilespmem:s31+$0x14060]  }
0x1f7: {  	v7 =	vld [tilespmem:s3+$0x8070];
	[tilespmem:s31+$0xC030] =	vst v0;
	v0 =	vadd.f32 v4, v1  }
0x1f8: {  	v1 =	vld [tilespmem:s3+$0x14070]  }
0x1f9: {  	v4 =	vld [tilespmem:s3+$0x8000];
	[tilespmem:s31+$0xC040] =	vst v0;
	v0 =	vadd.f32 v6, v5  }
0x1fa: {  	v6 =	vld [tilespmem:s3+$0x14000]  }
0x1fb: {  	v8 =	vld [tilespmem:s3+$0x8010];
	[tilespmem:s31+$0xC050] =	vst v0;
	v0 =	vadd.f32 v3, v2  }
0x1fc: {  	v9 =	vld [tilespmem:s3+$0x14010]  }
0x1fd: {  	v2 =	vld [tilespmem:s3+$0x8020];
	v1 =	vadd.f32 v1, v7;
	[tilespmem:s31+$0xC060] =	vst v0;
	s31 =	smov.u32 s3  }
.Ltmp8:
0x1fe: {  	v5 =	vld [tilespmem:s31+$0x14020];
	(pc) =	sbr.rel @p0 .LBB2_18-.Ltmp8, $4  }
0x1ff: {  	v4 =	vadd.f32 v6, v4;
	v0 =	vld [tilespmem:s31+$0x8030];
	[tilespmem:s31+$0xC070] =	vst v1  }
0x200: {  	v3 =	vld [tilespmem:s31+$0x14030]  }
0x201: {  	[tilespmem:s31+$0xC000] =	vst v4;
	v6 =	vadd.f32 v9, v8;
	v1 =	vld [tilespmem:s31+$0x8040]  }
0x202: {  	v4 =	vld [tilespmem:s31+$0x14040]  }
0x203: {  	v7 =	vld [tilespmem:s31+$0x8050]  }
0x204: {  	v8 =	vld [tilespmem:s31+$0x14050]  }
0x205: {  	v9 =	vld [tilespmem:s31+$0x8060]  }
0x206: {  	v10 =	vld [tilespmem:s31+$0x14060]  }
0x207: {  	v2 =	vadd.f32 v5, v2  }
0x208: {  	[tilespmem:s31+$0xC010] =	vst v6;
	v0 =	vadd.f32 v3, v0  }
0x209: {  	[tilespmem:s31+$0xC020] =	vst v2;
	v1 =	vadd.f32 v4, v1  }
0x20a: {  	[tilespmem:s31+$0xC030] =	vst v0;
	v0 =	vadd.f32 v8, v7  }
0x20b: {  	[tilespmem:s31+$0xC040] =	vst v1;
	v1 =	vadd.f32 v10, v9  }
0x20c: {  	[tilespmem:s31+$0xC050] =	vst v0  }
0x20d: {  	[tilespmem:s31+$0xC060] =	vst v1  }
0x20e: {  	s31 =	simm.s32 $0x0;
	s0 =	rddreg [dreg:$0x15]  }
0x20f: {  	[hbm4b:s0+s31] =	stream.linear.scatter [tilespmem:s21], [sflag:$0x4], $0x4000, $0x38;
	[tilespmem:$0x1C000] =	vst v63  }
0x210: {  	s3 =	rddreg [dreg:$0x1a]  }
0x211: {  	[tilespmem:s18], [sflag:$0x3] =	stream.linear.gather [hbm4b:s3+s31], $0x4000, $0x38;
	[tilespmem:$0x1C000] =	vst v63  }
0x212: {  	_ =	swait.ge [sflag:s26], $0x4000  }
0x213: {  	[sflag:s26] =	ssyncset.done $0x0  }
0x214: {  	s0 =	simm.s32 $0x0;
	[sflag:s26] =	ssyncadd.s32 $0xFFFFC000  }
0x215: {  	s2 =	sand.u32 $0x2000, s0;
	s3 =	sand.u32 $0x1C00, s31;
	_ =	swait.ge [sflag:s20], $0x4000  }
0x216: {  	s4 =	sand.u32 $0x380, s31;
	s2 =	sor.u32 s2, s3;
	[sflag:s20] =	ssyncset.done $0x0  }
0x217: {  	s30 =	sor.u32 s4, s2;
	[sflag:s20] =	ssyncadd.s32 $0xFFFFC000  }
0x218: {  	v0 =	vld [tilespmem:s30+$0x70]  }
0x219: {  	v1 =	vld [tilespmem:s30+$0x14070]  }
0x21a: {  	v3 =	vld [tilespmem:s30+$0x0]  }
0x21b: {  	v4 =	vld [tilespmem:s30+$0x14000]  }
0x21c: {  	v6 =	vld [tilespmem:s30+$0x10]  }
0x21d: {  	v7 =	vld [tilespmem:s30+$0x14010]  }
0x21e: {  	v2 =	vld [tilespmem:s30+$0x20]  }
0x21f: {  	v5 =	vld [tilespmem:s30+$0x14020]  }
0x220: {  	v1 =	vadd.f32 v1, v0;
	v0 =	vld [tilespmem:s30+$0x30]  }
0x221: {  	v4 =	vadd.f32 v4, v3;
	v3 =	vld [tilespmem:s30+$0x14030]  }
0x222: {  	v6 =	vadd.f32 v7, v6;
	[tilespmem:s30+$0x10070] =	vst v1;
	v1 =	vld [tilespmem:s30+$0x40]  }
0x223: {  	s2 =	simm.s32 $0x0;
	[tilespmem:s30+$0x10000] =	vst v4;
	v4 =	vld [tilespmem:s30+$0x14040]  }
.LBB2_20:
0x224: {  	s0 =	sadd.s32 $0x80, s0;
	[tilespmem:s30+$0x10010] =	vst v6;
	v2 =	vadd.f32 v5, v2;
	v5 =	vld [tilespmem:s30+$0x50];
	s31 =	sadd.s32 $0x400, s31  }
0x225: {  	s2 =	sadd.s32 $0x10, s2;
	s3 =	sand.u32 $0x2000, s0;
	s4 =	sand.u32 $0x1C00, s31;
	v6 =	vld [tilespmem:s30+$0x14050]  }
0x226: {  	p0 =	slt.u32 s0, $0x3F80;
	s3 =	sor.u32 s3, s4;
	s4 =	sand.u32 $0x380, s2;
	[tilespmem:s30+$0x10020] =	vst v2;
	v0 =	vadd.f32 v3, v0;
	v2 =	vld [tilespmem:s30+$0x60]  }
0x227: {  	s3 =	sor.u32 s4, s3;
	v3 =	vld [tilespmem:s30+$0x14060]  }
0x228: {  	v7 =	vld [tilespmem:s3+$0x70];
	[tilespmem:s30+$0x10030] =	vst v0;
	v0 =	vadd.f32 v4, v1  }
0x229: {  	v1 =	vld [tilespmem:s3+$0x14070]  }
0x22a: {  	v4 =	vld [tilespmem:s3+$0x0];
	[tilespmem:s30+$0x10040] =	vst v0;
	v0 =	vadd.f32 v6, v5  }
0x22b: {  	v6 =	vld [tilespmem:s3+$0x14000]  }
0x22c: {  	v8 =	vld [tilespmem:s3+$0x10];
	[tilespmem:s30+$0x10050] =	vst v0;
	v0 =	vadd.f32 v3, v2  }
0x22d: {  	v9 =	vld [tilespmem:s3+$0x14010]  }
0x22e: {  	v2 =	vld [tilespmem:s3+$0x20];
	v1 =	vadd.f32 v1, v7;
	[tilespmem:s30+$0x10060] =	vst v0;
	s30 =	smov.u32 s3  }
.Ltmp9:
0x22f: {  	v5 =	vld [tilespmem:s30+$0x14020];
	(pc) =	sbr.rel @p0 .LBB2_20-.Ltmp9, $4  }
0x230: {  	v4 =	vadd.f32 v6, v4;
	v0 =	vld [tilespmem:s30+$0x30];
	[tilespmem:s30+$0x10070] =	vst v1  }
0x231: {  	v3 =	vld [tilespmem:s30+$0x14030]  }
0x232: {  	[tilespmem:s30+$0x10000] =	vst v4;
	v6 =	vadd.f32 v9, v8;
	v1 =	vld [tilespmem:s30+$0x40]  }
0x233: {  	v4 =	vld [tilespmem:s30+$0x14040]  }
0x234: {  	v7 =	vld [tilespmem:s30+$0x50]  }
0x235: {  	v8 =	vld [tilespmem:s30+$0x14050]  }
0x236: {  	v9 =	vld [tilespmem:s30+$0x60]  }
0x237: {  	v10 =	vld [tilespmem:s30+$0x14060]  }
0x238: {  	v2 =	vadd.f32 v5, v2  }
0x239: {  	[tilespmem:s30+$0x10010] =	vst v6;
	v0 =	vadd.f32 v3, v0  }
0x23a: {  	[tilespmem:s30+$0x10020] =	vst v2;
	v1 =	vadd.f32 v4, v1  }
0x23b: {  	[tilespmem:s30+$0x10030] =	vst v0;
	v0 =	vadd.f32 v8, v7  }
0x23c: {  	[tilespmem:s30+$0x10040] =	vst v1;
	v1 =	vadd.f32 v10, v9  }
0x23d: {  	[tilespmem:s30+$0x10050] =	vst v0  }
0x23e: {  	[tilespmem:s30+$0x10060] =	vst v1  }
0x23f: {  	s31 =	simm.s32 $0x0;
	s0 =	rddreg [dreg:$0x17]  }
0x240: {  	[hbm4b:s0+s31] =	stream.linear.scatter [tilespmem:s23], [sflag:$0x5], $0x4000, $0x38;
	[tilespmem:$0x1C000] =	vst v63  }
0x241: {  	s3 =	rddreg [dreg:$0x1d]  }
0x242: {  	[tilespmem:s31], [sflag:$0x1] =	stream.linear.gather [hbm4b:s3+s31], $0x4000, $0x38;
	[tilespmem:$0x1C000] =	vst v63  }
0x243: {  	_ =	swait.ge [sflag:s24], $0x4000  }
0x244: {  	[sflag:s24] =	ssyncset.done $0x0  }
0x245: {  	s0 =	simm.s32 $0x0;
	[sflag:s24] =	ssyncadd.s32 $0xFFFFC000  }
0x246: {  	s2 =	sand.u32 $0x2000, s0;
	s3 =	sand.u32 $0x1C00, s31;
	_ =	swait.ge [sflag:s22], $0x4000  }
0x247: {  	s4 =	sand.u32 $0x380, s31;
	s2 =	sor.u32 s2, s3;
	[sflag:s22] =	ssyncset.done $0x0  }
0x248: {  	s30 =	sor.u32 s4, s2;
	[sflag:s22] =	ssyncadd.s32 $0xFFFFC000  }
0x249: {  	v0 =	vld [tilespmem:s30+$0x4070]  }
0x24a: {  	v1 =	vld [tilespmem:s30+$0x14070]  }
0x24b: {  	v3 =	vld [tilespmem:s30+$0x4000]  }
0x24c: {  	v4 =	vld [tilespmem:s30+$0x14000]  }
0x24d: {  	v6 =	vld [tilespmem:s30+$0x4010]  }
0x24e: {  	v7 =	vld [tilespmem:s30+$0x14010]  }
0x24f: {  	v2 =	vld [tilespmem:s30+$0x4020]  }
0x250: {  	v5 =	vld [tilespmem:s30+$0x14020]  }
0x251: {  	v1 =	vadd.f32 v1, v0;
	v0 =	vld [tilespmem:s30+$0x4030]  }
0x252: {  	v4 =	vadd.f32 v4, v3;
	v3 =	vld [tilespmem:s30+$0x14030]  }
0x253: {  	v6 =	vadd.f32 v7, v6;
	[tilespmem:s30+$0xC070] =	vst v1;
	v1 =	vld [tilespmem:s30+$0x4040]  }
0x254: {  	s2 =	simm.s32 $0x0;
	[tilespmem:s30+$0xC000] =	vst v4;
	v4 =	vld [tilespmem:s30+$0x14040]  }
.LBB2_22:
0x255: {  	s0 =	sadd.s32 $0x80, s0;
	[tilespmem:s30+$0xC010] =	vst v6;
	v2 =	vadd.f32 v5, v2;
	v5 =	vld [tilespmem:s30+$0x4050];
	s31 =	sadd.s32 $0x400, s31  }
0x256: {  	s2 =	sadd.s32 $0x10, s2;
	s3 =	sand.u32 $0x2000, s0;
	s4 =	sand.u32 $0x1C00, s31;
	v6 =	vld [tilespmem:s30+$0x14050]  }
0x257: {  	p0 =	slt.u32 s0, $0x3F80;
	s3 =	sor.u32 s3, s4;
	s4 =	sand.u32 $0x380, s2;
	[tilespmem:s30+$0xC020] =	vst v2;
	v0 =	vadd.f32 v3, v0;
	v2 =	vld [tilespmem:s30+$0x4060]  }
0x258: {  	s3 =	sor.u32 s4, s3;
	v3 =	vld [tilespmem:s30+$0x14060]  }
0x259: {  	v7 =	vld [tilespmem:s3+$0x4070];
	[tilespmem:s30+$0xC030] =	vst v0;
	v0 =	vadd.f32 v4, v1  }
0x25a: {  	v1 =	vld [tilespmem:s3+$0x14070]  }
0x25b: {  	v4 =	vld [tilespmem:s3+$0x4000];
	[tilespmem:s30+$0xC040] =	vst v0;
	v0 =	vadd.f32 v6, v5  }
0x25c: {  	v6 =	vld [tilespmem:s3+$0x14000]  }
0x25d: {  	v8 =	vld [tilespmem:s3+$0x4010];
	[tilespmem:s30+$0xC050] =	vst v0;
	v0 =	vadd.f32 v3, v2  }
0x25e: {  	v9 =	vld [tilespmem:s3+$0x14010]  }
0x25f: {  	v2 =	vld [tilespmem:s3+$0x4020];
	v1 =	vadd.f32 v1, v7;
	[tilespmem:s30+$0xC060] =	vst v0;
	s30 =	smov.u32 s3  }
.Ltmp10:
0x260: {  	v5 =	vld [tilespmem:s30+$0x14020];
	(pc) =	sbr.rel @p0 .LBB2_22-.Ltmp10, $4  }
0x261: {  	v4 =	vadd.f32 v6, v4;
	v0 =	vld [tilespmem:s30+$0x4030];
	[tilespmem:s30+$0xC070] =	vst v1  }
0x262: {  	v3 =	vld [tilespmem:s30+$0x14030]  }
0x263: {  	[tilespmem:s30+$0xC000] =	vst v4;
	v6 =	vadd.f32 v9, v8;
	v1 =	vld [tilespmem:s30+$0x4040]  }
0x264: {  	v4 =	vld [tilespmem:s30+$0x14040]  }
0x265: {  	v7 =	vld [tilespmem:s30+$0x4050]  }
0x266: {  	v8 =	vld [tilespmem:s30+$0x14050]  }
0x267: {  	v9 =	vld [tilespmem:s30+$0x4060]  }
0x268: {  	v10 =	vld [tilespmem:s30+$0x14060]  }
0x269: {  	v2 =	vadd.f32 v5, v2  }
0x26a: {  	[tilespmem:s30+$0xC010] =	vst v6;
	v0 =	vadd.f32 v3, v0  }
0x26b: {  	[tilespmem:s30+$0xC020] =	vst v2;
	v1 =	vadd.f32 v4, v1  }
0x26c: {  	[tilespmem:s30+$0xC030] =	vst v0;
	v0 =	vadd.f32 v8, v7  }
0x26d: {  	[tilespmem:s30+$0xC040] =	vst v1;
	v1 =	vadd.f32 v10, v9  }
0x26e: {  	[tilespmem:s30+$0xC050] =	vst v0  }
0x26f: {  	[tilespmem:s30+$0xC060] =	vst v1  }
0x270: {  	s31 =	simm.s32 $0x0;
	s0 =	rddreg [dreg:$0x19]  }
0x271: {  	[hbm4b:s0+s31] =	stream.linear.scatter [tilespmem:s21], [sflag:$0x4], $0x4000, $0x38;
	[tilespmem:$0x1C000] =	vst v63  }
0x272: {  	s3 =	rddreg [dreg:$0x1f]  }
0x273: {  	[tilespmem:s17], [sflag:$0x2] =	stream.linear.gather [hbm4b:s3+s31], $0x4000, $0x38;
	[tilespmem:$0x1C000] =	vst v63  }
0x274: {  	_ =	swait.ge [sflag:s26], $0x4000  }
0x275: {  	[sflag:s26] =	ssyncset.done $0x0  }
0x276: {  	s0 =	simm.s32 $0x0;
	[sflag:s26] =	ssyncadd.s32 $0xFFFFC000  }
0x277: {  	s2 =	sand.u32 $0x2000, s0;
	s3 =	sand.u32 $0x1C00, s31;
	_ =	swait.ge [sflag:s25], $0x4000  }
0x278: {  	s4 =	sand.u32 $0x380, s31;
	s2 =	sor.u32 s2, s3;
	[sflag:s25] =	ssyncset.done $0x0  }
0x279: {  	s30 =	sor.u32 s4, s2;
	[sflag:s25] =	ssyncadd.s32 $0xFFFFC000  }
0x27a: {  	v0 =	vld [tilespmem:s30+$0x8070]  }
0x27b: {  	v1 =	vld [tilespmem:s30+$0x14070]  }
0x27c: {  	v3 =	vld [tilespmem:s30+$0x8000]  }
0x27d: {  	v4 =	vld [tilespmem:s30+$0x14000]  }
0x27e: {  	v6 =	vld [tilespmem:s30+$0x8010]  }
0x27f: {  	v7 =	vld [tilespmem:s30+$0x14010]  }
0x280: {  	v2 =	vld [tilespmem:s30+$0x8020]  }
0x281: {  	v5 =	vld [tilespmem:s30+$0x14020]  }
0x282: {  	v1 =	vadd.f32 v1, v0;
	v0 =	vld [tilespmem:s30+$0x8030]  }
0x283: {  	v4 =	vadd.f32 v4, v3;
	v3 =	vld [tilespmem:s30+$0x14030]  }
0x284: {  	v6 =	vadd.f32 v7, v6;
	[tilespmem:s30+$0x10070] =	vst v1;
	v1 =	vld [tilespmem:s30+$0x8040]  }
0x285: {  	s2 =	simm.s32 $0x0;
	[tilespmem:s30+$0x10000] =	vst v4;
	v4 =	vld [tilespmem:s30+$0x14040]  }
.LBB2_24:
0x286: {  	s0 =	sadd.s32 $0x80, s0;
	[tilespmem:s30+$0x10010] =	vst v6;
	v2 =	vadd.f32 v5, v2;
	v5 =	vld [tilespmem:s30+$0x8050];
	s31 =	sadd.s32 $0x400, s31  }
0x287: {  	s2 =	sadd.s32 $0x10, s2;
	s3 =	sand.u32 $0x2000, s0;
	s4 =	sand.u32 $0x1C00, s31;
	v6 =	vld [tilespmem:s30+$0x14050]  }
0x288: {  	p0 =	slt.u32 s0, $0x3F80;
	s3 =	sor.u32 s3, s4;
	s4 =	sand.u32 $0x380, s2;
	[tilespmem:s30+$0x10020] =	vst v2;
	v0 =	vadd.f32 v3, v0;
	v2 =	vld [tilespmem:s30+$0x8060]  }
0x289: {  	s3 =	sor.u32 s4, s3;
	v3 =	vld [tilespmem:s30+$0x14060]  }
0x28a: {  	v7 =	vld [tilespmem:s3+$0x8070];
	[tilespmem:s30+$0x10030] =	vst v0;
	v0 =	vadd.f32 v4, v1  }
0x28b: {  	v1 =	vld [tilespmem:s3+$0x14070]  }
0x28c: {  	v4 =	vld [tilespmem:s3+$0x8000];
	[tilespmem:s30+$0x10040] =	vst v0;
	v0 =	vadd.f32 v6, v5  }
0x28d: {  	v6 =	vld [tilespmem:s3+$0x14000]  }
0x28e: {  	v8 =	vld [tilespmem:s3+$0x8010];
	[tilespmem:s30+$0x10050] =	vst v0;
	v0 =	vadd.f32 v3, v2  }
0x28f: {  	v9 =	vld [tilespmem:s3+$0x14010]  }
0x290: {  	v2 =	vld [tilespmem:s3+$0x8020];
	v1 =	vadd.f32 v1, v7;
	[tilespmem:s30+$0x10060] =	vst v0;
	s30 =	smov.u32 s3  }
.Ltmp11:
0x291: {  	v5 =	vld [tilespmem:s30+$0x14020];
	(pc) =	sbr.rel @p0 .LBB2_24-.Ltmp11, $4  }
0x292: {  	v4 =	vadd.f32 v6, v4;
	v0 =	vld [tilespmem:s30+$0x8030];
	[tilespmem:s30+$0x10070] =	vst v1  }
0x293: {  	v3 =	vld [tilespmem:s30+$0x14030]  }
0x294: {  	[tilespmem:s30+$0x10000] =	vst v4;
	v6 =	vadd.f32 v9, v8;
	v1 =	vld [tilespmem:s30+$0x8040]  }
0x295: {  	v4 =	vld [tilespmem:s30+$0x14040]  }
0x296: {  	v7 =	vld [tilespmem:s30+$0x8050]  }
0x297: {  	v8 =	vld [tilespmem:s30+$0x14050]  }
0x298: {  	v9 =	vld [tilespmem:s30+$0x8060]  }
0x299: {  	v10 =	vld [tilespmem:s30+$0x14060]  }
0x29a: {  	v2 =	vadd.f32 v5, v2  }
0x29b: {  	[tilespmem:s30+$0x10010] =	vst v6;
	v0 =	vadd.f32 v3, v0  }
0x29c: {  	[tilespmem:s30+$0x10020] =	vst v2;
	v1 =	vadd.f32 v4, v1  }
0x29d: {  	[tilespmem:s30+$0x10030] =	vst v0;
	v0 =	vadd.f32 v8, v7  }
0x29e: {  	[tilespmem:s30+$0x10040] =	vst v1;
	v1 =	vadd.f32 v10, v9  }
0x29f: {  	[tilespmem:s30+$0x10050] =	vst v0  }
0x2a0: {  	[tilespmem:s30+$0x10060] =	vst v1  }
0x2a1: {  	s0 =	rddreg [dreg:$0x1b]  }
0x2a2: {  	s30 =	simm.s32 $0x0;
	s2 =	sld [smem:$0x7DC]  }
0x2a3: {  	[hbm4b:s0+s30] =	stream.linear.scatter [tilespmem:s23], [sflag:$0x5], $0x4000, $0x38;
	[tilespmem:$0x1C000] =	vst v63  }
0x2a4: {  	s3 =	sld [smem:$0x7E0]  }
0x2a5: {  	[tilespmem:s18], [sflag:$0x3] =	stream.linear.gather [hbm4b:s2+s30], $0x4000, $0x38;
	[tilespmem:$0x1C000] =	vst v63  }
0x2a6: {  	_ = 	snop  }
0x2a7: {  	[tilespmem:s15], [sflag:$0x6] =	stream.linear.gather [hbm4b:s3+s30], $0x4000, $0x38;
	[tilespmem:$0x1C000] =	vst v63  }
0x2a8: {  	_ =	swait.ge [sflag:s24], $0x4000  }
0x2a9: {  	[sflag:s24] =	ssyncset.done $0x0  }
0x2aa: {  	[sflag:s24] =	ssyncadd.s32 $0xFFFFC000  }
0x2ab: {  	_ =	swait.ge [sflag:s28], $0x4000  }
0x2ac: {  	[sflag:s28] =	ssyncset.done $0x0  }
0x2ad: {  	s0 =	simm.s32 $0x0;
	[sflag:s28] =	ssyncadd.s32 $0xFFFFC000  }
0x2ae: {  	s2 =	sand.u32 $0x2000, s0;
	s3 =	sand.u32 $0x1C00, s30;
	_ =	swait.ge [sflag:s20], $0x4000  }
0x2af: {  	s4 =	sand.u32 $0x380, s30;
	s2 =	sor.u32 s2, s3;
	[sflag:s20] =	ssyncset.done $0x0  }
0x2b0: {  	s31 =	sor.u32 s4, s2;
	[sflag:s20] =	ssyncadd.s32 $0xFFFFC000  }
0x2b1: {  	v0 =	vld [tilespmem:s31+$0x70]  }
0x2b2: {  	v1 =	vld [tilespmem:s31+$0x18070]  }
0x2b3: {  	v3 =	vld [tilespmem:s31+$0x0]  }
0x2b4: {  	v4 =	vld [tilespmem:s31+$0x18000]  }
0x2b5: {  	v6 =	vld [tilespmem:s31+$0x10]  }
0x2b6: {  	v7 =	vld [tilespmem:s31+$0x18010]  }
0x2b7: {  	v2 =	vld [tilespmem:s31+$0x20]  }
0x2b8: {  	v5 =	vld [tilespmem:s31+$0x18020]  }
0x2b9: {  	v1 =	vadd.f32 v1, v0;
	v0 =	vld [tilespmem:s31+$0x30]  }
0x2ba: {  	v4 =	vadd.f32 v4, v3;
	v3 =	vld [tilespmem:s31+$0x18030]  }
0x2bb: {  	v6 =	vadd.f32 v7, v6;
	[tilespmem:s31+$0xC070] =	vst v1;
	v1 =	vld [tilespmem:s31+$0x40]  }
0x2bc: {  	s2 =	simm.s32 $0x0;
	[tilespmem:s31+$0xC000] =	vst v4;
	v4 =	vld [tilespmem:s31+$0x18040]  }
.LBB2_26:
0x2bd: {  	s0 =	sadd.s32 $0x80, s0;
	[tilespmem:s31+$0xC010] =	vst v6;
	v2 =	vadd.f32 v5, v2;
	v5 =	vld [tilespmem:s31+$0x50];
	s30 =	sadd.s32 $0x400, s30  }
0x2be: {  	s2 =	sadd.s32 $0x10, s2;
	s3 =	sand.u32 $0x2000, s0;
	s4 =	sand.u32 $0x1C00, s30;
	v6 =	vld [tilespmem:s31+$0x18050]  }
0x2bf: {  	p0 =	slt.u32 s0, $0x3F80;
	s3 =	sor.u32 s3, s4;
	s4 =	sand.u32 $0x380, s2;
	[tilespmem:s31+$0xC020] =	vst v2;
	v0 =	vadd.f32 v3, v0;
	v2 =	vld [tilespmem:s31+$0x60]  }
0x2c0: {  	s3 =	sor.u32 s4, s3;
	v3 =	vld [tilespmem:s31+$0x18060]  }
0x2c1: {  	v7 =	vld [tilespmem:s3+$0x70];
	[tilespmem:s31+$0xC030] =	vst v0;
	v0 =	vadd.f32 v4, v1  }
0x2c2: {  	v1 =	vld [tilespmem:s3+$0x18070]  }
0x2c3: {  	v4 =	vld [tilespmem:s3+$0x0];
	[tilespmem:s31+$0xC040] =	vst v0;
	v0 =	vadd.f32 v6, v5  }
0x2c4: {  	v6 =	vld [tilespmem:s3+$0x18000]  }
0x2c5: {  	v8 =	vld [tilespmem:s3+$0x10];
	[tilespmem:s31+$0xC050] =	vst v0;
	v0 =	vadd.f32 v3, v2  }
0x2c6: {  	v9 =	vld [tilespmem:s3+$0x18010]  }
0x2c7: {  	v2 =	vld [tilespmem:s3+$0x20];
	v1 =	vadd.f32 v1, v7;
	[tilespmem:s31+$0xC060] =	vst v0;
	s31 =	smov.u32 s3  }
.Ltmp12:
0x2c8: {  	v5 =	vld [tilespmem:s31+$0x18020];
	(pc) =	sbr.rel @p0 .LBB2_26-.Ltmp12, $4  }
0x2c9: {  	v4 =	vadd.f32 v6, v4;
	v0 =	vld [tilespmem:s31+$0x30];
	[tilespmem:s31+$0xC070] =	vst v1  }
0x2ca: {  	v3 =	vld [tilespmem:s31+$0x18030]  }
0x2cb: {  	[tilespmem:s31+$0xC000] =	vst v4;
	v6 =	vadd.f32 v9, v8;
	v1 =	vld [tilespmem:s31+$0x40]  }
0x2cc: {  	v4 =	vld [tilespmem:s31+$0x18040]  }
0x2cd: {  	v7 =	vld [tilespmem:s31+$0x50]  }
0x2ce: {  	v8 =	vld [tilespmem:s31+$0x18050]  }
0x2cf: {  	v9 =	vld [tilespmem:s31+$0x60]  }
0x2d0: {  	v10 =	vld [tilespmem:s31+$0x18060]  }
0x2d1: {  	v2 =	vadd.f32 v5, v2  }
0x2d2: {  	[tilespmem:s31+$0xC010] =	vst v6;
	v0 =	vadd.f32 v3, v0  }
0x2d3: {  	[tilespmem:s31+$0xC020] =	vst v2;
	v1 =	vadd.f32 v4, v1  }
0x2d4: {  	[tilespmem:s31+$0xC030] =	vst v0;
	v0 =	vadd.f32 v8, v7  }
0x2d5: {  	[tilespmem:s31+$0xC040] =	vst v1;
	v1 =	vadd.f32 v10, v9  }
0x2d6: {  	[tilespmem:s31+$0xC050] =	vst v0  }
0x2d7: {  	[tilespmem:s31+$0xC060] =	vst v1  }
0x2d8: {  	s0 =	rddreg [dreg:$0x1e]  }
0x2d9: {  	s31 =	simm.s32 $0x0;
	s3 =	sld [smem:$0x7DE]  }
0x2da: {  	[hbm4b:s0+s31] =	stream.linear.scatter [tilespmem:s21], [sflag:$0x4], $0x4000, $0x38;
	[tilespmem:$0x1C000] =	vst v63  }
0x2db: {  	_ = 	snop  }
0x2dc: {  	[tilespmem:s31], [sflag:$0x1] =	stream.linear.gather [hbm4b:s3+s31], $0x4000, $0x38;
	[tilespmem:$0x1C000] =	vst v63  }
0x2dd: {  	_ =	swait.ge [sflag:s26], $0x4000  }
0x2de: {  	[sflag:s26] =	ssyncset.done $0x0  }
0x2df: {  	s0 =	simm.s32 $0x0;
	[sflag:s26] =	ssyncadd.s32 $0xFFFFC000  }
0x2e0: {  	s2 =	sand.u32 $0x2000, s0;
	s3 =	sand.u32 $0x1C00, s31;
	_ =	swait.ge [sflag:s22], $0x4000  }
0x2e1: {  	s4 =	sand.u32 $0x380, s31;
	s2 =	sor.u32 s2, s3;
	[sflag:s22] =	ssyncset.done $0x0  }
0x2e2: {  	s30 =	sor.u32 s4, s2;
	[sflag:s22] =	ssyncadd.s32 $0xFFFFC000  }
0x2e3: {  	v0 =	vld [tilespmem:s30+$0x4070]  }
0x2e4: {  	v1 =	vld [tilespmem:s30+$0x18070]  }
0x2e5: {  	v3 =	vld [tilespmem:s30+$0x4000]  }
0x2e6: {  	v4 =	vld [tilespmem:s30+$0x18000]  }
0x2e7: {  	v6 =	vld [tilespmem:s30+$0x4010]  }
0x2e8: {  	v7 =	vld [tilespmem:s30+$0x18010]  }
0x2e9: {  	v2 =	vld [tilespmem:s30+$0x4020]  }
0x2ea: {  	v5 =	vld [tilespmem:s30+$0x18020]  }
0x2eb: {  	v1 =	vadd.f32 v1, v0;
	v0 =	vld [tilespmem:s30+$0x4030]  }
0x2ec: {  	v4 =	vadd.f32 v4, v3;
	v3 =	vld [tilespmem:s30+$0x18030]  }
0x2ed: {  	v6 =	vadd.f32 v7, v6;
	[tilespmem:s30+$0x10070] =	vst v1;
	v1 =	vld [tilespmem:s30+$0x4040]  }
0x2ee: {  	s2 =	simm.s32 $0x0;
	[tilespmem:s30+$0x10000] =	vst v4;
	v4 =	vld [tilespmem:s30+$0x18040]  }
.LBB2_28:
0x2ef: {  	s0 =	sadd.s32 $0x80, s0;
	[tilespmem:s30+$0x10010] =	vst v6;
	v2 =	vadd.f32 v5, v2;
	v5 =	vld [tilespmem:s30+$0x4050];
	s31 =	sadd.s32 $0x400, s31  }
0x2f0: {  	s2 =	sadd.s32 $0x10, s2;
	s3 =	sand.u32 $0x2000, s0;
	s4 =	sand.u32 $0x1C00, s31;
	v6 =	vld [tilespmem:s30+$0x18050]  }
0x2f1: {  	p0 =	slt.u32 s0, $0x3F80;
	s3 =	sor.u32 s3, s4;
	s4 =	sand.u32 $0x380, s2;
	[tilespmem:s30+$0x10020] =	vst v2;
	v0 =	vadd.f32 v3, v0;
	v2 =	vld [tilespmem:s30+$0x4060]  }
0x2f2: {  	s3 =	sor.u32 s4, s3;
	v3 =	vld [tilespmem:s30+$0x18060]  }
0x2f3: {  	v7 =	vld [tilespmem:s3+$0x4070];
	[tilespmem:s30+$0x10030] =	vst v0;
	v0 =	vadd.f32 v4, v1  }
0x2f4: {  	v1 =	vld [tilespmem:s3+$0x18070]  }
0x2f5: {  	v4 =	vld [tilespmem:s3+$0x4000];
	[tilespmem:s30+$0x10040] =	vst v0;
	v0 =	vadd.f32 v6, v5  }
0x2f6: {  	v6 =	vld [tilespmem:s3+$0x18000]  }
0x2f7: {  	v8 =	vld [tilespmem:s3+$0x4010];
	[tilespmem:s30+$0x10050] =	vst v0;
	v0 =	vadd.f32 v3, v2  }
0x2f8: {  	v9 =	vld [tilespmem:s3+$0x18010]  }
0x2f9: {  	v2 =	vld [tilespmem:s3+$0x4020];
	v1 =	vadd.f32 v1, v7;
	[tilespmem:s30+$0x10060] =	vst v0;
	s30 =	smov.u32 s3  }
.Ltmp13:
0x2fa: {  	v5 =	vld [tilespmem:s30+$0x18020];
	(pc) =	sbr.rel @p0 .LBB2_28-.Ltmp13, $4  }
0x2fb: {  	v4 =	vadd.f32 v6, v4;
	v0 =	vld [tilespmem:s30+$0x4030];
	[tilespmem:s30+$0x10070] =	vst v1  }
0x2fc: {  	v3 =	vld [tilespmem:s30+$0x18030]  }
0x2fd: {  	[tilespmem:s30+$0x10000] =	vst v4;
	v6 =	vadd.f32 v9, v8;
	v1 =	vld [tilespmem:s30+$0x4040]  }
0x2fe: {  	v4 =	vld [tilespmem:s30+$0x18040]  }
0x2ff: {  	v7 =	vld [tilespmem:s30+$0x4050]  }
0x300: {  	v8 =	vld [tilespmem:s30+$0x18050]  }
0x301: {  	v9 =	vld [tilespmem:s30+$0x4060]  }
0x302: {  	v10 =	vld [tilespmem:s30+$0x18060]  }
0x303: {  	v2 =	vadd.f32 v5, v2  }
0x304: {  	[tilespmem:s30+$0x10010] =	vst v6;
	v0 =	vadd.f32 v3, v0  }
0x305: {  	[tilespmem:s30+$0x10020] =	vst v2;
	v1 =	vadd.f32 v4, v1  }
0x306: {  	[tilespmem:s30+$0x10030] =	vst v0;
	v0 =	vadd.f32 v8, v7  }
0x307: {  	[tilespmem:s30+$0x10040] =	vst v1;
	v1 =	vadd.f32 v10, v9  }
0x308: {  	[tilespmem:s30+$0x10050] =	vst v0  }
0x309: {  	[tilespmem:s30+$0x10060] =	vst v1  }
0x30a: {  	s0 =	sld [smem:$0x7DB];
	_ =	sdelay $0x1  }
0x30b: {  	s31 =	simm.s32 $0x0;
	s3 =	sld [smem:$0x7E1]  }
0x30c: {  	[hbm4b:s0+s31] =	stream.linear.scatter [tilespmem:s23], [sflag:$0x5], $0x4000, $0x38;
	[tilespmem:$0x1C000] =	vst v63  }
0x30d: {  	_ = 	snop  }
0x30e: {  	[tilespmem:s17], [sflag:$0x2] =	stream.linear.gather [hbm4b:s3+s31], $0x4000, $0x38;
	[tilespmem:$0x1C000] =	vst v63  }
0x30f: {  	_ =	swait.ge [sflag:s24], $0x4000  }
0x310: {  	[sflag:s24] =	ssyncset.done $0x0  }
0x311: {  	s0 =	simm.s32 $0x0;
	[sflag:s24] =	ssyncadd.s32 $0xFFFFC000  }
0x312: {  	s2 =	sand.u32 $0x2000, s0;
	s3 =	sand.u32 $0x1C00, s31;
	_ =	swait.ge [sflag:s25], $0x4000  }
0x313: {  	s4 =	sand.u32 $0x380, s31;
	s2 =	sor.u32 s2, s3;
	[sflag:s25] =	ssyncset.done $0x0  }
0x314: {  	s30 =	sor.u32 s4, s2;
	[sflag:s25] =	ssyncadd.s32 $0xFFFFC000  }
0x315: {  	v0 =	vld [tilespmem:s30+$0x8070]  }
0x316: {  	v1 =	vld [tilespmem:s30+$0x18070]  }
0x317: {  	v3 =	vld [tilespmem:s30+$0x8000]  }
0x318: {  	v4 =	vld [tilespmem:s30+$0x18000]  }
0x319: {  	v6 =	vld [tilespmem:s30+$0x8010]  }
0x31a: {  	v7 =	vld [tilespmem:s30+$0x18010]  }
0x31b: {  	v2 =	vld [tilespmem:s30+$0x8020]  }
0x31c: {  	v5 =	vld [tilespmem:s30+$0x18020]  }
0x31d: {  	v1 =	vadd.f32 v1, v0;
	v0 =	vld [tilespmem:s30+$0x8030]  }
0x31e: {  	v4 =	vadd.f32 v4, v3;
	v3 =	vld [tilespmem:s30+$0x18030]  }
0x31f: {  	v6 =	vadd.f32 v7, v6;
	[tilespmem:s30+$0xC070] =	vst v1;
	v1 =	vld [tilespmem:s30+$0x8040]  }
0x320: {  	s2 =	simm.s32 $0x0;
	[tilespmem:s30+$0xC000] =	vst v4;
	v4 =	vld [tilespmem:s30+$0x18040]  }
.LBB2_30:
0x321: {  	s0 =	sadd.s32 $0x80, s0;
	[tilespmem:s30+$0xC010] =	vst v6;
	v2 =	vadd.f32 v5, v2;
	v5 =	vld [tilespmem:s30+$0x8050];
	s31 =	sadd.s32 $0x400, s31  }
0x322: {  	s2 =	sadd.s32 $0x10, s2;
	s3 =	sand.u32 $0x2000, s0;
	s4 =	sand.u32 $0x1C00, s31;
	v6 =	vld [tilespmem:s30+$0x18050]  }
0x323: {  	p0 =	slt.u32 s0, $0x3F80;
	s3 =	sor.u32 s3, s4;
	s4 =	sand.u32 $0x380, s2;
	[tilespmem:s30+$0xC020] =	vst v2;
	v0 =	vadd.f32 v3, v0;
	v2 =	vld [tilespmem:s30+$0x8060]  }
0x324: {  	s3 =	sor.u32 s4, s3;
	v3 =	vld [tilespmem:s30+$0x18060]  }
0x325: {  	v7 =	vld [tilespmem:s3+$0x8070];
	[tilespmem:s30+$0xC030] =	vst v0;
	v0 =	vadd.f32 v4, v1  }
0x326: {  	v1 =	vld [tilespmem:s3+$0x18070]  }
0x327: {  	v4 =	vld [tilespmem:s3+$0x8000];
	[tilespmem:s30+$0xC040] =	vst v0;
	v0 =	vadd.f32 v6, v5  }
0x328: {  	v6 =	vld [tilespmem:s3+$0x18000]  }
0x329: {  	v8 =	vld [tilespmem:s3+$0x8010];
	[tilespmem:s30+$0xC050] =	vst v0;
	v0 =	vadd.f32 v3, v2  }
0x32a: {  	v9 =	vld [tilespmem:s3+$0x18010]  }
0x32b: {  	v2 =	vld [tilespmem:s3+$0x8020];
	v1 =	vadd.f32 v1, v7;
	[tilespmem:s30+$0xC060] =	vst v0;
	s30 =	smov.u32 s3  }
.Ltmp14:
0x32c: {  	v5 =	vld [tilespmem:s30+$0x18020];
	(pc) =	sbr.rel @p0 .LBB2_30-.Ltmp14, $4  }
0x32d: {  	v4 =	vadd.f32 v6, v4;
	v0 =	vld [tilespmem:s30+$0x8030];
	[tilespmem:s30+$0xC070] =	vst v1  }
0x32e: {  	v3 =	vld [tilespmem:s30+$0x18030]  }
0x32f: {  	[tilespmem:s30+$0xC000] =	vst v4;
	v6 =	vadd.f32 v9, v8;
	v1 =	vld [tilespmem:s30+$0x8040]  }
0x330: {  	v4 =	vld [tilespmem:s30+$0x18040]  }
0x331: {  	v7 =	vld [tilespmem:s30+$0x8050]  }
0x332: {  	v8 =	vld [tilespmem:s30+$0x18050]  }
0x333: {  	v9 =	vld [tilespmem:s30+$0x8060]  }
0x334: {  	v10 =	vld [tilespmem:s30+$0x18060]  }
0x335: {  	v2 =	vadd.f32 v5, v2  }
0x336: {  	[tilespmem:s30+$0xC010] =	vst v6;
	v0 =	vadd.f32 v3, v0  }
0x337: {  	[tilespmem:s30+$0xC020] =	vst v2;
	v1 =	vadd.f32 v4, v1  }
0x338: {  	[tilespmem:s30+$0xC030] =	vst v0;
	v0 =	vadd.f32 v8, v7  }
0x339: {  	[tilespmem:s30+$0xC040] =	vst v1;
	v1 =	vadd.f32 v10, v9  }
0x33a: {  	[tilespmem:s30+$0xC050] =	vst v0  }
0x33b: {  	[tilespmem:s30+$0xC060] =	vst v1  }
0x33c: {  	s0 =	sld [smem:$0x7DD];
	_ =	sdelay $0x1  }
0x33d: {  	s31 =	simm.s32 $0x0;
	s3 =	sld [smem:$0x7E3]  }
0x33e: {  	[hbm4b:s0+s31] =	stream.linear.scatter [tilespmem:s21], [sflag:$0x4], $0x4000, $0x38;
	[tilespmem:$0x1C000] =	vst v63  }
0x33f: {  	_ = 	snop  }
0x340: {  	[tilespmem:s18], [sflag:$0x3] =	stream.linear.gather [hbm4b:s3+s31], $0x4000, $0x38;
	[tilespmem:$0x1C000] =	vst v63  }
0x341: {  	_ =	swait.ge [sflag:s26], $0x4000  }
0x342: {  	[sflag:s26] =	ssyncset.done $0x0  }
0x343: {  	s0 =	simm.s32 $0x0;
	[sflag:s26] =	ssyncadd.s32 $0xFFFFC000  }
0x344: {  	s2 =	sand.u32 $0x2000, s0;
	s3 =	sand.u32 $0x1C00, s31;
	_ =	swait.ge [sflag:s20], $0x4000  }
0x345: {  	s4 =	sand.u32 $0x380, s31;
	s2 =	sor.u32 s2, s3;
	[sflag:s20] =	ssyncset.done $0x0  }
0x346: {  	s30 =	sor.u32 s4, s2;
	[sflag:s20] =	ssyncadd.s32 $0xFFFFC000  }
0x347: {  	v0 =	vld [tilespmem:s30+$0x70]  }
0x348: {  	v1 =	vld [tilespmem:s30+$0x18070]  }
0x349: {  	v3 =	vld [tilespmem:s30+$0x0]  }
0x34a: {  	v4 =	vld [tilespmem:s30+$0x18000]  }
0x34b: {  	v6 =	vld [tilespmem:s30+$0x10]  }
0x34c: {  	v7 =	vld [tilespmem:s30+$0x18010]  }
0x34d: {  	v2 =	vld [tilespmem:s30+$0x20]  }
0x34e: {  	v5 =	vld [tilespmem:s30+$0x18020]  }
0x34f: {  	v1 =	vadd.f32 v1, v0;
	v0 =	vld [tilespmem:s30+$0x30]  }
0x350: {  	v4 =	vadd.f32 v4, v3;
	v3 =	vld [tilespmem:s30+$0x18030]  }
0x351: {  	v6 =	vadd.f32 v7, v6;
	[tilespmem:s30+$0x10070] =	vst v1;
	v1 =	vld [tilespmem:s30+$0x40]  }
0x352: {  	s2 =	simm.s32 $0x0;
	[tilespmem:s30+$0x10000] =	vst v4;
	v4 =	vld [tilespmem:s30+$0x18040]  }
.LBB2_32:
0x353: {  	s0 =	sadd.s32 $0x80, s0;
	[tilespmem:s30+$0x10010] =	vst v6;
	v2 =	vadd.f32 v5, v2;
	v5 =	vld [tilespmem:s30+$0x50];
	s31 =	sadd.s32 $0x400, s31  }
0x354: {  	s2 =	sadd.s32 $0x10, s2;
	s3 =	sand.u32 $0x2000, s0;
	s4 =	sand.u32 $0x1C00, s31;
	v6 =	vld [tilespmem:s30+$0x18050]  }
0x355: {  	p0 =	slt.u32 s0, $0x3F80;
	s3 =	sor.u32 s3, s4;
	s4 =	sand.u32 $0x380, s2;
	[tilespmem:s30+$0x10020] =	vst v2;
	v0 =	vadd.f32 v3, v0;
	v2 =	vld [tilespmem:s30+$0x60]  }
0x356: {  	s3 =	sor.u32 s4, s3;
	v3 =	vld [tilespmem:s30+$0x18060]  }
0x357: {  	v7 =	vld [tilespmem:s3+$0x70];
	[tilespmem:s30+$0x10030] =	vst v0;
	v0 =	vadd.f32 v4, v1  }
0x358: {  	v1 =	vld [tilespmem:s3+$0x18070]  }
0x359: {  	v4 =	vld [tilespmem:s3+$0x0];
	[tilespmem:s30+$0x10040] =	vst v0;
	v0 =	vadd.f32 v6, v5  }
0x35a: {  	v6 =	vld [tilespmem:s3+$0x18000]  }
0x35b: {  	v8 =	vld [tilespmem:s3+$0x10];
	[tilespmem:s30+$0x10050] =	vst v0;
	v0 =	vadd.f32 v3, v2  }
0x35c: {  	v9 =	vld [tilespmem:s3+$0x18010]  }
0x35d: {  	v2 =	vld [tilespmem:s3+$0x20];
	v1 =	vadd.f32 v1, v7;
	[tilespmem:s30+$0x10060] =	vst v0;
	s30 =	smov.u32 s3  }
.Ltmp15:
0x35e: {  	v5 =	vld [tilespmem:s30+$0x18020];
	(pc) =	sbr.rel @p0 .LBB2_32-.Ltmp15, $4  }
0x35f: {  	v4 =	vadd.f32 v6, v4;
	v0 =	vld [tilespmem:s30+$0x30];
	[tilespmem:s30+$0x10070] =	vst v1  }
0x360: {  	v3 =	vld [tilespmem:s30+$0x18030]  }
0x361: {  	[tilespmem:s30+$0x10000] =	vst v4;
	v6 =	vadd.f32 v9, v8;
	v1 =	vld [tilespmem:s30+$0x40]  }
0x362: {  	v4 =	vld [tilespmem:s30+$0x18040]  }
0x363: {  	v7 =	vld [tilespmem:s30+$0x50]  }
0x364: {  	v8 =	vld [tilespmem:s30+$0x18050]  }
0x365: {  	v9 =	vld [tilespmem:s30+$0x60]  }
0x366: {  	v10 =	vld [tilespmem:s30+$0x18060]  }
0x367: {  	v2 =	vadd.f32 v5, v2  }
0x368: {  	[tilespmem:s30+$0x10010] =	vst v6;
	v0 =	vadd.f32 v3, v0  }
0x369: {  	[tilespmem:s30+$0x10020] =	vst v2;
	v1 =	vadd.f32 v4, v1  }
0x36a: {  	[tilespmem:s30+$0x10030] =	vst v0;
	v0 =	vadd.f32 v8, v7  }
0x36b: {  	[tilespmem:s30+$0x10040] =	vst v1;
	v1 =	vadd.f32 v10, v9  }
0x36c: {  	[tilespmem:s30+$0x10050] =	vst v0  }
0x36d: {  	[tilespmem:s30+$0x10060] =	vst v1  }
0x36e: {  	s0 =	sld [smem:$0x7DF];
	_ =	sdelay $0x1  }
0x36f: {  	s30 =	simm.s32 $0x0;
	s2 =	sld [smem:$0x7E5]  }
0x370: {  	[hbm4b:s0+s30] =	stream.linear.scatter [tilespmem:s23], [sflag:$0x5], $0x4000, $0x38;
	[tilespmem:$0x1C000] =	vst v63  }
0x371: {  	s3 =	sld [smem:$0x7E9]  }
0x372: {  	[tilespmem:s30], [sflag:$0x1] =	stream.linear.gather [hbm4b:s2+s30], $0x4000, $0x38;
	[tilespmem:$0x1C000] =	vst v63  }
0x373: {  	_ = 	snop  }
0x374: {  	[tilespmem:s16], [sflag:$0x7] =	stream.linear.gather [hbm4b:s3+s30], $0x4000, $0x38;
	[tilespmem:$0x1C000] =	vst v63  }
0x375: {  	_ =	swait.ge [sflag:s24], $0x4000  }
0x376: {  	[sflag:s24] =	ssyncset.done $0x0  }
0x377: {  	[sflag:s24] =	ssyncadd.s32 $0xFFFFC000  }
0x378: {  	_ =	swait.ge [sflag:s19], $0x4000  }
0x379: {  	[sflag:s19] =	ssyncset.done $0x0  }
0x37a: {  	s0 =	simm.s32 $0x0;
	[sflag:s19] =	ssyncadd.s32 $0xFFFFC000  }
0x37b: {  	s2 =	sand.u32 $0x2000, s0;
	s3 =	sand.u32 $0x1C00, s30;
	_ =	swait.ge [sflag:s22], $0x4000  }
0x37c: {  	s4 =	sand.u32 $0x380, s30;
	s2 =	sor.u32 s2, s3;
	[sflag:s22] =	ssyncset.done $0x0  }
0x37d: {  	s31 =	sor.u32 s4, s2;
	[sflag:s22] =	ssyncadd.s32 $0xFFFFC000  }
0x37e: {  	v0 =	vld [tilespmem:s31+$0x4070]  }
0x37f: {  	v1 =	vld [tilespmem:s31+$0x14070]  }
0x380: {  	v3 =	vld [tilespmem:s31+$0x4000]  }
0x381: {  	v4 =	vld [tilespmem:s31+$0x14000]  }
0x382: {  	v6 =	vld [tilespmem:s31+$0x4010]  }
0x383: {  	v7 =	vld [tilespmem:s31+$0x14010]  }
0x384: {  	v2 =	vld [tilespmem:s31+$0x4020]  }
0x385: {  	v5 =	vld [tilespmem:s31+$0x14020]  }
0x386: {  	v1 =	vadd.f32 v1, v0;
	v0 =	vld [tilespmem:s31+$0x4030]  }
0x387: {  	v4 =	vadd.f32 v4, v3;
	v3 =	vld [tilespmem:s31+$0x14030]  }
0x388: {  	v6 =	vadd.f32 v7, v6;
	[tilespmem:s31+$0xC070] =	vst v1;
	v1 =	vld [tilespmem:s31+$0x4040]  }
0x389: {  	s2 =	simm.s32 $0x0;
	[tilespmem:s31+$0xC000] =	vst v4;
	v4 =	vld [tilespmem:s31+$0x14040]  }
.LBB2_34:
0x38a: {  	s0 =	sadd.s32 $0x80, s0;
	[tilespmem:s31+$0xC010] =	vst v6;
	v2 =	vadd.f32 v5, v2;
	v5 =	vld [tilespmem:s31+$0x4050];
	s30 =	sadd.s32 $0x400, s30  }
0x38b: {  	s2 =	sadd.s32 $0x10, s2;
	s3 =	sand.u32 $0x2000, s0;
	s4 =	sand.u32 $0x1C00, s30;
	v6 =	vld [tilespmem:s31+$0x14050]  }
0x38c: {  	p0 =	slt.u32 s0, $0x3F80;
	s3 =	sor.u32 s3, s4;
	s4 =	sand.u32 $0x380, s2;
	[tilespmem:s31+$0xC020] =	vst v2;
	v0 =	vadd.f32 v3, v0;
	v2 =	vld [tilespmem:s31+$0x4060]  }
0x38d: {  	s3 =	sor.u32 s4, s3;
	v3 =	vld [tilespmem:s31+$0x14060]  }
0x38e: {  	v7 =	vld [tilespmem:s3+$0x4070];
	[tilespmem:s31+$0xC030] =	vst v0;
	v0 =	vadd.f32 v4, v1  }
0x38f: {  	v1 =	vld [tilespmem:s3+$0x14070]  }
0x390: {  	v4 =	vld [tilespmem:s3+$0x4000];
	[tilespmem:s31+$0xC040] =	vst v0;
	v0 =	vadd.f32 v6, v5  }
0x391: {  	v6 =	vld [tilespmem:s3+$0x14000]  }
0x392: {  	v8 =	vld [tilespmem:s3+$0x4010];
	[tilespmem:s31+$0xC050] =	vst v0;
	v0 =	vadd.f32 v3, v2  }
0x393: {  	v9 =	vld [tilespmem:s3+$0x14010]  }
0x394: {  	v2 =	vld [tilespmem:s3+$0x4020];
	v1 =	vadd.f32 v1, v7;
	[tilespmem:s31+$0xC060] =	vst v0;
	s31 =	smov.u32 s3  }
.Ltmp16:
0x395: {  	v5 =	vld [tilespmem:s31+$0x14020];
	(pc) =	sbr.rel @p0 .LBB2_34-.Ltmp16, $4  }
0x396: {  	v4 =	vadd.f32 v6, v4;
	v0 =	vld [tilespmem:s31+$0x4030];
	[tilespmem:s31+$0xC070] =	vst v1  }
0x397: {  	v3 =	vld [tilespmem:s31+$0x14030]  }
0x398: {  	[tilespmem:s31+$0xC000] =	vst v4;
	v6 =	vadd.f32 v9, v8;
	v1 =	vld [tilespmem:s31+$0x4040]  }
0x399: {  	v4 =	vld [tilespmem:s31+$0x14040]  }
0x39a: {  	v7 =	vld [tilespmem:s31+$0x4050]  }
0x39b: {  	v8 =	vld [tilespmem:s31+$0x14050]  }
0x39c: {  	v9 =	vld [tilespmem:s31+$0x4060]  }
0x39d: {  	v10 =	vld [tilespmem:s31+$0x14060]  }
0x39e: {  	v2 =	vadd.f32 v5, v2  }
0x39f: {  	[tilespmem:s31+$0xC010] =	vst v6;
	v0 =	vadd.f32 v3, v0  }
0x3a0: {  	[tilespmem:s31+$0xC020] =	vst v2;
	v1 =	vadd.f32 v4, v1  }
0x3a1: {  	[tilespmem:s31+$0xC030] =	vst v0;
	v0 =	vadd.f32 v8, v7  }
0x3a2: {  	[tilespmem:s31+$0xC040] =	vst v1;
	v1 =	vadd.f32 v10, v9  }
0x3a3: {  	[tilespmem:s31+$0xC050] =	vst v0  }
0x3a4: {  	[tilespmem:s31+$0xC060] =	vst v1  }
0x3a5: {  	s0 =	sld [smem:$0x7E2];
	_ =	sdelay $0x1  }
0x3a6: {  	s31 =	simm.s32 $0x0;
	s3 =	sld [smem:$0x7E7]  }
0x3a7: {  	[hbm4b:s0+s31] =	stream.linear.scatter [tilespmem:s21], [sflag:$0x4], $0x4000, $0x38;
	[tilespmem:$0x1C000] =	vst v63  }
0x3a8: {  	_ = 	snop  }
0x3a9: {  	[tilespmem:s17], [sflag:$0x2] =	stream.linear.gather [hbm4b:s3+s31], $0x4000, $0x38;
	[tilespmem:$0x1C000] =	vst v63  }
0x3aa: {  	_ =	swait.ge [sflag:s26], $0x4000  }
0x3ab: {  	[sflag:s26] =	ssyncset.done $0x0  }
0x3ac: {  	s0 =	simm.s32 $0x0;
	[sflag:s26] =	ssyncadd.s32 $0xFFFFC000  }
0x3ad: {  	s2 =	sand.u32 $0x2000, s0;
	s3 =	sand.u32 $0x1C00, s31;
	_ =	swait.ge [sflag:s25], $0x4000  }
0x3ae: {  	s4 =	sand.u32 $0x380, s31;
	s2 =	sor.u32 s2, s3;
	[sflag:s25] =	ssyncset.done $0x0  }
0x3af: {  	s30 =	sor.u32 s4, s2;
	[sflag:s25] =	ssyncadd.s32 $0xFFFFC000  }
0x3b0: {  	v0 =	vld [tilespmem:s30+$0x8070]  }
0x3b1: {  	v1 =	vld [tilespmem:s30+$0x14070]  }
0x3b2: {  	v3 =	vld [tilespmem:s30+$0x8000]  }
0x3b3: {  	v4 =	vld [tilespmem:s30+$0x14000]  }
0x3b4: {  	v6 =	vld [tilespmem:s30+$0x8010]  }
0x3b5: {  	v7 =	vld [tilespmem:s30+$0x14010]  }
0x3b6: {  	v2 =	vld [tilespmem:s30+$0x8020]  }
0x3b7: {  	v5 =	vld [tilespmem:s30+$0x14020]  }
0x3b8: {  	v1 =	vadd.f32 v1, v0;
	v0 =	vld [tilespmem:s30+$0x8030]  }
0x3b9: {  	v4 =	vadd.f32 v4, v3;
	v3 =	vld [tilespmem:s30+$0x14030]  }
0x3ba: {  	v6 =	vadd.f32 v7, v6;
	[tilespmem:s30+$0x10070] =	vst v1;
	v1 =	vld [tilespmem:s30+$0x8040]  }
0x3bb: {  	s2 =	simm.s32 $0x0;
	[tilespmem:s30+$0x10000] =	vst v4;
	v4 =	vld [tilespmem:s30+$0x14040]  }
.LBB2_36:
0x3bc: {  	s0 =	sadd.s32 $0x80, s0;
	[tilespmem:s30+$0x10010] =	vst v6;
	v2 =	vadd.f32 v5, v2;
	v5 =	vld [tilespmem:s30+$0x8050];
	s31 =	sadd.s32 $0x400, s31  }
0x3bd: {  	s2 =	sadd.s32 $0x10, s2;
	s3 =	sand.u32 $0x2000, s0;
	s4 =	sand.u32 $0x1C00, s31;
	v6 =	vld [tilespmem:s30+$0x14050]  }
0x3be: {  	p0 =	slt.u32 s0, $0x3F80;
	s3 =	sor.u32 s3, s4;
	s4 =	sand.u32 $0x380, s2;
	[tilespmem:s30+$0x10020] =	vst v2;
	v0 =	vadd.f32 v3, v0;
	v2 =	vld [tilespmem:s30+$0x8060]  }
0x3bf: {  	s3 =	sor.u32 s4, s3;
	v3 =	vld [tilespmem:s30+$0x14060]  }
0x3c0: {  	v7 =	vld [tilespmem:s3+$0x8070];
	[tilespmem:s30+$0x10030] =	vst v0;
	v0 =	vadd.f32 v4, v1  }
0x3c1: {  	v1 =	vld [tilespmem:s3+$0x14070]  }
0x3c2: {  	v4 =	vld [tilespmem:s3+$0x8000];
	[tilespmem:s30+$0x10040] =	vst v0;
	v0 =	vadd.f32 v6, v5  }
0x3c3: {  	v6 =	vld [tilespmem:s3+$0x14000]  }
0x3c4: {  	v8 =	vld [tilespmem:s3+$0x8010];
	[tilespmem:s30+$0x10050] =	vst v0;
	v0 =	vadd.f32 v3, v2  }
0x3c5: {  	v9 =	vld [tilespmem:s3+$0x14010]  }
0x3c6: {  	v2 =	vld [tilespmem:s3+$0x8020];
	v1 =	vadd.f32 v1, v7;
	[tilespmem:s30+$0x10060] =	vst v0;
	s30 =	smov.u32 s3  }
.Ltmp17:
0x3c7: {  	v5 =	vld [tilespmem:s30+$0x14020];
	(pc) =	sbr.rel @p0 .LBB2_36-.Ltmp17, $4  }
0x3c8: {  	v4 =	vadd.f32 v6, v4;
	v0 =	vld [tilespmem:s30+$0x8030];
	[tilespmem:s30+$0x10070] =	vst v1  }
0x3c9: {  	v3 =	vld [tilespmem:s30+$0x14030]  }
0x3ca: {  	[tilespmem:s30+$0x10000] =	vst v4;
	v6 =	vadd.f32 v9, v8;
	v1 =	vld [tilespmem:s30+$0x8040]  }
0x3cb: {  	v4 =	vld [tilespmem:s30+$0x14040]  }
0x3cc: {  	v7 =	vld [tilespmem:s30+$0x8050]  }
0x3cd: {  	v8 =	vld [tilespmem:s30+$0x14050]  }
0x3ce: {  	v9 =	vld [tilespmem:s30+$0x8060]  }
0x3cf: {  	v10 =	vld [tilespmem:s30+$0x14060]  }
0x3d0: {  	v2 =	vadd.f32 v5, v2  }
0x3d1: {  	[tilespmem:s30+$0x10010] =	vst v6;
	v0 =	vadd.f32 v3, v0  }
0x3d2: {  	[tilespmem:s30+$0x10020] =	vst v2;
	v1 =	vadd.f32 v4, v1  }
0x3d3: {  	[tilespmem:s30+$0x10030] =	vst v0;
	v0 =	vadd.f32 v8, v7  }
0x3d4: {  	[tilespmem:s30+$0x10040] =	vst v1;
	v1 =	vadd.f32 v10, v9  }
0x3d5: {  	[tilespmem:s30+$0x10050] =	vst v0  }
0x3d6: {  	[tilespmem:s30+$0x10060] =	vst v1  }
0x3d7: {  	s0 =	sld [smem:$0x7E4];
	_ =	sdelay $0x1  }
0x3d8: {  	s31 =	simm.s32 $0x0;
	s3 =	sld [smem:$0x7EA]  }
0x3d9: {  	[hbm4b:s0+s31] =	stream.linear.scatter [tilespmem:s23], [sflag:$0x5], $0x4000, $0x38;
	[tilespmem:$0x1C000] =	vst v63  }
0x3da: {  	_ = 	snop  }
0x3db: {  	[tilespmem:s18], [sflag:$0x3] =	stream.linear.gather [hbm4b:s3+s31], $0x4000, $0x38;
	[tilespmem:$0x1C000] =	vst v63  }
0x3dc: {  	_ =	swait.ge [sflag:s24], $0x4000  }
0x3dd: {  	[sflag:s24] =	ssyncset.done $0x0  }
0x3de: {  	s0 =	simm.s32 $0x0;
	[sflag:s24] =	ssyncadd.s32 $0xFFFFC000  }
0x3df: {  	s2 =	sand.u32 $0x2000, s0;
	s3 =	sand.u32 $0x1C00, s31;
	_ =	swait.ge [sflag:s20], $0x4000  }
0x3e0: {  	s4 =	sand.u32 $0x380, s31;
	s2 =	sor.u32 s2, s3;
	[sflag:s20] =	ssyncset.done $0x0  }
0x3e1: {  	s30 =	sor.u32 s4, s2;
	[sflag:s20] =	ssyncadd.s32 $0xFFFFC000  }
0x3e2: {  	v0 =	vld [tilespmem:s30+$0x70]  }
0x3e3: {  	v1 =	vld [tilespmem:s30+$0x14070]  }
0x3e4: {  	v3 =	vld [tilespmem:s30+$0x0]  }
0x3e5: {  	v4 =	vld [tilespmem:s30+$0x14000]  }
0x3e6: {  	v6 =	vld [tilespmem:s30+$0x10]  }
0x3e7: {  	v7 =	vld [tilespmem:s30+$0x14010]  }
0x3e8: {  	v2 =	vld [tilespmem:s30+$0x20]  }
0x3e9: {  	v5 =	vld [tilespmem:s30+$0x14020]  }
0x3ea: {  	v1 =	vadd.f32 v1, v0;
	v0 =	vld [tilespmem:s30+$0x30]  }
0x3eb: {  	v4 =	vadd.f32 v4, v3;
	v3 =	vld [tilespmem:s30+$0x14030]  }
0x3ec: {  	v6 =	vadd.f32 v7, v6;
	[tilespmem:s30+$0xC070] =	vst v1;
	v1 =	vld [tilespmem:s30+$0x40]  }
0x3ed: {  	s2 =	simm.s32 $0x0;
	[tilespmem:s30+$0xC000] =	vst v4;
	v4 =	vld [tilespmem:s30+$0x14040]  }
.LBB2_38:
0x3ee: {  	s0 =	sadd.s32 $0x80, s0;
	[tilespmem:s30+$0xC010] =	vst v6;
	v2 =	vadd.f32 v5, v2;
	v5 =	vld [tilespmem:s30+$0x50];
	s31 =	sadd.s32 $0x400, s31  }
0x3ef: {  	s2 =	sadd.s32 $0x10, s2;
	s3 =	sand.u32 $0x2000, s0;
	s4 =	sand.u32 $0x1C00, s31;
	v6 =	vld [tilespmem:s30+$0x14050]  }
0x3f0: {  	p0 =	slt.u32 s0, $0x3F80;
	s3 =	sor.u32 s3, s4;
	s4 =	sand.u32 $0x380, s2;
	[tilespmem:s30+$0xC020] =	vst v2;
	v0 =	vadd.f32 v3, v0;
	v2 =	vld [tilespmem:s30+$0x60]  }
0x3f1: {  	s3 =	sor.u32 s4, s3;
	v3 =	vld [tilespmem:s30+$0x14060]  }
0x3f2: {  	v7 =	vld [tilespmem:s3+$0x70];
	[tilespmem:s30+$0xC030] =	vst v0;
	v0 =	vadd.f32 v4, v1  }
0x3f3: {  	v1 =	vld [tilespmem:s3+$0x14070]  }
0x3f4: {  	v4 =	vld [tilespmem:s3+$0x0];
	[tilespmem:s30+$0xC040] =	vst v0;
	v0 =	vadd.f32 v6, v5  }
0x3f5: {  	v6 =	vld [tilespmem:s3+$0x14000]  }
0x3f6: {  	v8 =	vld [tilespmem:s3+$0x10];
	[tilespmem:s30+$0xC050] =	vst v0;
	v0 =	vadd.f32 v3, v2  }
0x3f7: {  	v9 =	vld [tilespmem:s3+$0x14010]  }
0x3f8: {  	v2 =	vld [tilespmem:s3+$0x20];
	v1 =	vadd.f32 v1, v7;
	[tilespmem:s30+$0xC060] =	vst v0;
	s30 =	smov.u32 s3  }
.Ltmp18:
0x3f9: {  	v5 =	vld [tilespmem:s30+$0x14020];
	(pc) =	sbr.rel @p0 .LBB2_38-.Ltmp18, $4  }
0x3fa: {  	v4 =	vadd.f32 v6, v4;
	v0 =	vld [tilespmem:s30+$0x30];
	[tilespmem:s30+$0xC070] =	vst v1  }
0x3fb: {  	v3 =	vld [tilespmem:s30+$0x14030]  }
0x3fc: {  	[tilespmem:s30+$0xC000] =	vst v4;
	v6 =	vadd.f32 v9, v8;
	v1 =	vld [tilespmem:s30+$0x40]  }
0x3fd: {  	v4 =	vld [tilespmem:s30+$0x14040]  }
0x3fe: {  	v7 =	vld [tilespmem:s30+$0x50]  }
0x3ff: {  	v8 =	vld [tilespmem:s30+$0x14050]  }
0x400: {  	v9 =	vld [tilespmem:s30+$0x60]  }
0x401: {  	v10 =	vld [tilespmem:s30+$0x14060]  }
0x402: {  	v2 =	vadd.f32 v5, v2  }
0x403: {  	[tilespmem:s30+$0xC010] =	vst v6;
	v0 =	vadd.f32 v3, v0  }
0x404: {  	[tilespmem:s30+$0xC020] =	vst v2;
	v1 =	vadd.f32 v4, v1  }
0x405: {  	[tilespmem:s30+$0xC030] =	vst v0;
	v0 =	vadd.f32 v8, v7  }
0x406: {  	[tilespmem:s30+$0xC040] =	vst v1;
	v1 =	vadd.f32 v10, v9  }
0x407: {  	[tilespmem:s30+$0xC050] =	vst v0  }
0x408: {  	[tilespmem:s30+$0xC060] =	vst v1  }
0x409: {  	s0 =	sld [smem:$0x7E6];
	_ =	sdelay $0x1  }
0x40a: {  	s31 =	simm.s32 $0x0;
	s3 =	sld [smem:$0x7EC]  }
0x40b: {  	[hbm4b:s0+s31] =	stream.linear.scatter [tilespmem:s21], [sflag:$0x4], $0x4000, $0x38;
	[tilespmem:$0x1C000] =	vst v63  }
0x40c: {  	_ = 	snop  }
0x40d: {  	[tilespmem:s31], [sflag:$0x1] =	stream.linear.gather [hbm4b:s3+s31], $0x4000, $0x38;
	[tilespmem:$0x1C000] =	vst v63  }
0x40e: {  	_ =	swait.ge [sflag:s26], $0x4000  }
0x40f: {  	[sflag:s26] =	ssyncset.done $0x0  }
0x410: {  	s0 =	simm.s32 $0x0;
	[sflag:s26] =	ssyncadd.s32 $0xFFFFC000  }
0x411: {  	s2 =	sand.u32 $0x2000, s0;
	s3 =	sand.u32 $0x1C00, s31;
	_ =	swait.ge [sflag:s22], $0x4000  }
0x412: {  	s4 =	sand.u32 $0x380, s31;
	s2 =	sor.u32 s2, s3;
	[sflag:s22] =	ssyncset.done $0x0  }
0x413: {  	s30 =	sor.u32 s4, s2;
	[sflag:s22] =	ssyncadd.s32 $0xFFFFC000  }
0x414: {  	v0 =	vld [tilespmem:s30+$0x4070]  }
0x415: {  	v1 =	vld [tilespmem:s30+$0x14070]  }
0x416: {  	v3 =	vld [tilespmem:s30+$0x4000]  }
0x417: {  	v4 =	vld [tilespmem:s30+$0x14000]  }
0x418: {  	v6 =	vld [tilespmem:s30+$0x4010]  }
0x419: {  	v7 =	vld [tilespmem:s30+$0x14010]  }
0x41a: {  	v2 =	vld [tilespmem:s30+$0x4020]  }
0x41b: {  	v5 =	vld [tilespmem:s30+$0x14020]  }
0x41c: {  	v1 =	vadd.f32 v1, v0;
	v0 =	vld [tilespmem:s30+$0x4030]  }
0x41d: {  	v4 =	vadd.f32 v4, v3;
	v3 =	vld [tilespmem:s30+$0x14030]  }
0x41e: {  	v6 =	vadd.f32 v7, v6;
	[tilespmem:s30+$0x10070] =	vst v1;
	v1 =	vld [tilespmem:s30+$0x4040]  }
0x41f: {  	s2 =	simm.s32 $0x0;
	[tilespmem:s30+$0x10000] =	vst v4;
	v4 =	vld [tilespmem:s30+$0x14040]  }
.LBB2_40:
0x420: {  	s0 =	sadd.s32 $0x80, s0;
	[tilespmem:s30+$0x10010] =	vst v6;
	v2 =	vadd.f32 v5, v2;
	v5 =	vld [tilespmem:s30+$0x4050];
	s31 =	sadd.s32 $0x400, s31  }
0x421: {  	s2 =	sadd.s32 $0x10, s2;
	s3 =	sand.u32 $0x2000, s0;
	s4 =	sand.u32 $0x1C00, s31;
	v6 =	vld [tilespmem:s30+$0x14050]  }
0x422: {  	p0 =	slt.u32 s0, $0x3F80;
	s3 =	sor.u32 s3, s4;
	s4 =	sand.u32 $0x380, s2;
	[tilespmem:s30+$0x10020] =	vst v2;
	v0 =	vadd.f32 v3, v0;
	v2 =	vld [tilespmem:s30+$0x4060]  }
0x423: {  	s3 =	sor.u32 s4, s3;
	v3 =	vld [tilespmem:s30+$0x14060]  }
0x424: {  	v7 =	vld [tilespmem:s3+$0x4070];
	[tilespmem:s30+$0x10030] =	vst v0;
	v0 =	vadd.f32 v4, v1  }
0x425: {  	v1 =	vld [tilespmem:s3+$0x14070]  }
0x426: {  	v4 =	vld [tilespmem:s3+$0x4000];
	[tilespmem:s30+$0x10040] =	vst v0;
	v0 =	vadd.f32 v6, v5  }
0x427: {  	v6 =	vld [tilespmem:s3+$0x14000]  }
0x428: {  	v8 =	vld [tilespmem:s3+$0x4010];
	[tilespmem:s30+$0x10050] =	vst v0;
	v0 =	vadd.f32 v3, v2  }
0x429: {  	v9 =	vld [tilespmem:s3+$0x14010]  }
0x42a: {  	v2 =	vld [tilespmem:s3+$0x4020];
	v1 =	vadd.f32 v1, v7;
	[tilespmem:s30+$0x10060] =	vst v0;
	s30 =	smov.u32 s3  }
.Ltmp19:
0x42b: {  	v5 =	vld [tilespmem:s30+$0x14020];
	(pc) =	sbr.rel @p0 .LBB2_40-.Ltmp19, $4  }
0x42c: {  	v4 =	vadd.f32 v6, v4;
	v0 =	vld [tilespmem:s30+$0x4030];
	[tilespmem:s30+$0x10070] =	vst v1  }
0x42d: {  	v3 =	vld [tilespmem:s30+$0x14030]  }
0x42e: {  	[tilespmem:s30+$0x10000] =	vst v4;
	v6 =	vadd.f32 v9, v8;
	v1 =	vld [tilespmem:s30+$0x4040]  }
0x42f: {  	v4 =	vld [tilespmem:s30+$0x14040]  }
0x430: {  	v7 =	vld [tilespmem:s30+$0x4050]  }
0x431: {  	v8 =	vld [tilespmem:s30+$0x14050]  }
0x432: {  	v9 =	vld [tilespmem:s30+$0x4060]  }
0x433: {  	v10 =	vld [tilespmem:s30+$0x14060]  }
0x434: {  	v2 =	vadd.f32 v5, v2  }
0x435: {  	[tilespmem:s30+$0x10010] =	vst v6;
	v0 =	vadd.f32 v3, v0  }
0x436: {  	[tilespmem:s30+$0x10020] =	vst v2;
	v1 =	vadd.f32 v4, v1  }
0x437: {  	[tilespmem:s30+$0x10030] =	vst v0;
	v0 =	vadd.f32 v8, v7  }
0x438: {  	[tilespmem:s30+$0x10040] =	vst v1;
	v1 =	vadd.f32 v10, v9  }
0x439: {  	[tilespmem:s30+$0x10050] =	vst v0  }
0x43a: {  	[tilespmem:s30+$0x10060] =	vst v1  }
0x43b: {  	s0 =	sld [smem:$0x7E8];
	_ =	sdelay $0x1  }
0x43c: {  	s30 =	simm.s32 $0x0;
	s2 =	sld [smem:$0x7EE]  }
0x43d: {  	[hbm4b:s0+s30] =	stream.linear.scatter [tilespmem:s23], [sflag:$0x5], $0x4000, $0x38;
	[tilespmem:$0x1C000] =	vst v63  }
0x43e: {  	s3 =	sld [smem:$0x7F3]  }
0x43f: {  	[tilespmem:s17], [sflag:$0x2] =	stream.linear.gather [hbm4b:s2+s30], $0x4000, $0x38;
	[tilespmem:$0x1C000] =	vst v63  }
0x440: {  	_ = 	snop  }
0x441: {  	[tilespmem:s15], [sflag:$0x6] =	stream.linear.gather [hbm4b:s3+s30], $0x4000, $0x38;
	[tilespmem:$0x1C000] =	vst v63  }
0x442: {  	_ =	swait.ge [sflag:s24], $0x4000  }
0x443: {  	[sflag:s24] =	ssyncset.done $0x0  }
0x444: {  	[sflag:s24] =	ssyncadd.s32 $0xFFFFC000  }
0x445: {  	_ =	swait.ge [sflag:s28], $0x4000  }
0x446: {  	[sflag:s28] =	ssyncset.done $0x0  }
0x447: {  	s0 =	simm.s32 $0x0;
	[sflag:s28] =	ssyncadd.s32 $0xFFFFC000  }
0x448: {  	s2 =	sand.u32 $0x2000, s0;
	s3 =	sand.u32 $0x1C00, s30;
	_ =	swait.ge [sflag:s25], $0x4000  }
0x449: {  	s4 =	sand.u32 $0x380, s30;
	s2 =	sor.u32 s2, s3;
	[sflag:s25] =	ssyncset.done $0x0  }
0x44a: {  	s31 =	sor.u32 s4, s2;
	[sflag:s25] =	ssyncadd.s32 $0xFFFFC000  }
0x44b: {  	v0 =	vld [tilespmem:s31+$0x8070]  }
0x44c: {  	v1 =	vld [tilespmem:s31+$0x18070]  }
0x44d: {  	v3 =	vld [tilespmem:s31+$0x8000]  }
0x44e: {  	v4 =	vld [tilespmem:s31+$0x18000]  }
0x44f: {  	v6 =	vld [tilespmem:s31+$0x8010]  }
0x450: {  	v7 =	vld [tilespmem:s31+$0x18010]  }
0x451: {  	v2 =	vld [tilespmem:s31+$0x8020]  }
0x452: {  	v5 =	vld [tilespmem:s31+$0x18020]  }
0x453: {  	v1 =	vadd.f32 v1, v0;
	v0 =	vld [tilespmem:s31+$0x8030]  }
0x454: {  	v4 =	vadd.f32 v4, v3;
	v3 =	vld [tilespmem:s31+$0x18030]  }
0x455: {  	v6 =	vadd.f32 v7, v6;
	[tilespmem:s31+$0xC070] =	vst v1;
	v1 =	vld [tilespmem:s31+$0x8040]  }
0x456: {  	s2 =	simm.s32 $0x0;
	[tilespmem:s31+$0xC000] =	vst v4;
	v4 =	vld [tilespmem:s31+$0x18040]  }
.LBB2_42:
0x457: {  	s0 =	sadd.s32 $0x80, s0;
	[tilespmem:s31+$0xC010] =	vst v6;
	v2 =	vadd.f32 v5, v2;
	v5 =	vld [tilespmem:s31+$0x8050];
	s30 =	sadd.s32 $0x400, s30  }
0x458: {  	s2 =	sadd.s32 $0x10, s2;
	s3 =	sand.u32 $0x2000, s0;
	s4 =	sand.u32 $0x1C00, s30;
	v6 =	vld [tilespmem:s31+$0x18050]  }
0x459: {  	p0 =	slt.u32 s0, $0x3F80;
	s3 =	sor.u32 s3, s4;
	s4 =	sand.u32 $0x380, s2;
	[tilespmem:s31+$0xC020] =	vst v2;
	v0 =	vadd.f32 v3, v0;
	v2 =	vld [tilespmem:s31+$0x8060]  }
0x45a: {  	s3 =	sor.u32 s4, s3;
	v3 =	vld [tilespmem:s31+$0x18060]  }
0x45b: {  	v7 =	vld [tilespmem:s3+$0x8070];
	[tilespmem:s31+$0xC030] =	vst v0;
	v0 =	vadd.f32 v4, v1  }
0x45c: {  	v1 =	vld [tilespmem:s3+$0x18070]  }
0x45d: {  	v4 =	vld [tilespmem:s3+$0x8000];
	[tilespmem:s31+$0xC040] =	vst v0;
	v0 =	vadd.f32 v6, v5  }
0x45e: {  	v6 =	vld [tilespmem:s3+$0x18000]  }
0x45f: {  	v8 =	vld [tilespmem:s3+$0x8010];
	[tilespmem:s31+$0xC050] =	vst v0;
	v0 =	vadd.f32 v3, v2  }
0x460: {  	v9 =	vld [tilespmem:s3+$0x18010]  }
0x461: {  	v2 =	vld [tilespmem:s3+$0x8020];
	v1 =	vadd.f32 v1, v7;
	[tilespmem:s31+$0xC060] =	vst v0;
	s31 =	smov.u32 s3  }
.Ltmp20:
0x462: {  	v5 =	vld [tilespmem:s31+$0x18020];
	(pc) =	sbr.rel @p0 .LBB2_42-.Ltmp20, $4  }
0x463: {  	v4 =	vadd.f32 v6, v4;
	v0 =	vld [tilespmem:s31+$0x8030];
	[tilespmem:s31+$0xC070] =	vst v1  }
0x464: {  	v3 =	vld [tilespmem:s31+$0x18030]  }
0x465: {  	[tilespmem:s31+$0xC000] =	vst v4;
	v6 =	vadd.f32 v9, v8;
	v1 =	vld [tilespmem:s31+$0x8040]  }
0x466: {  	v4 =	vld [tilespmem:s31+$0x18040]  }
0x467: {  	v7 =	vld [tilespmem:s31+$0x8050]  }
0x468: {  	v8 =	vld [tilespmem:s31+$0x18050]  }
0x469: {  	v9 =	vld [tilespmem:s31+$0x8060]  }
0x46a: {  	v10 =	vld [tilespmem:s31+$0x18060]  }
0x46b: {  	v2 =	vadd.f32 v5, v2  }
0x46c: {  	[tilespmem:s31+$0xC010] =	vst v6;
	v0 =	vadd.f32 v3, v0  }
0x46d: {  	[tilespmem:s31+$0xC020] =	vst v2;
	v1 =	vadd.f32 v4, v1  }
0x46e: {  	[tilespmem:s31+$0xC030] =	vst v0;
	v0 =	vadd.f32 v8, v7  }
0x46f: {  	[tilespmem:s31+$0xC040] =	vst v1;
	v1 =	vadd.f32 v10, v9  }
0x470: {  	[tilespmem:s31+$0xC050] =	vst v0  }
0x471: {  	[tilespmem:s31+$0xC060] =	vst v1  }
0x472: {  	s0 =	sld [smem:$0x7EB];
	_ =	sdelay $0x1  }
0x473: {  	s31 =	simm.s32 $0x0;
	s3 =	sld [smem:$0x7F0]  }
0x474: {  	[hbm4b:s0+s31] =	stream.linear.scatter [tilespmem:s21], [sflag:$0x4], $0x4000, $0x38;
	[tilespmem:$0x1C000] =	vst v63  }
0x475: {  	_ = 	snop  }
0x476: {  	[tilespmem:s18], [sflag:$0x3] =	stream.linear.gather [hbm4b:s3+s31], $0x4000, $0x38;
	[tilespmem:$0x1C000] =	vst v63  }
0x477: {  	_ =	swait.ge [sflag:s26], $0x4000  }
0x478: {  	[sflag:s26] =	ssyncset.done $0x0  }
0x479: {  	s0 =	simm.s32 $0x0;
	[sflag:s26] =	ssyncadd.s32 $0xFFFFC000  }
0x47a: {  	s2 =	sand.u32 $0x2000, s0;
	s3 =	sand.u32 $0x1C00, s31;
	_ =	swait.ge [sflag:s20], $0x4000  }
0x47b: {  	s4 =	sand.u32 $0x380, s31;
	s2 =	sor.u32 s2, s3;
	[sflag:s20] =	ssyncset.done $0x0  }
0x47c: {  	s30 =	sor.u32 s4, s2;
	[sflag:s20] =	ssyncadd.s32 $0xFFFFC000  }
0x47d: {  	v0 =	vld [tilespmem:s30+$0x70]  }
0x47e: {  	v1 =	vld [tilespmem:s30+$0x18070]  }
0x47f: {  	v3 =	vld [tilespmem:s30+$0x0]  }
0x480: {  	v4 =	vld [tilespmem:s30+$0x18000]  }
0x481: {  	v6 =	vld [tilespmem:s30+$0x10]  }
0x482: {  	v7 =	vld [tilespmem:s30+$0x18010]  }
0x483: {  	v2 =	vld [tilespmem:s30+$0x20]  }
0x484: {  	v5 =	vld [tilespmem:s30+$0x18020]  }
0x485: {  	v1 =	vadd.f32 v1, v0;
	v0 =	vld [tilespmem:s30+$0x30]  }
0x486: {  	v4 =	vadd.f32 v4, v3;
	v3 =	vld [tilespmem:s30+$0x18030]  }
0x487: {  	v6 =	vadd.f32 v7, v6;
	[tilespmem:s30+$0x10070] =	vst v1;
	v1 =	vld [tilespmem:s30+$0x40]  }
0x488: {  	s2 =	simm.s32 $0x0;
	[tilespmem:s30+$0x10000] =	vst v4;
	v4 =	vld [tilespmem:s30+$0x18040]  }
.LBB2_44:
0x489: {  	s0 =	sadd.s32 $0x80, s0;
	[tilespmem:s30+$0x10010] =	vst v6;
	v2 =	vadd.f32 v5, v2;
	v5 =	vld [tilespmem:s30+$0x50];
	s31 =	sadd.s32 $0x400, s31  }
0x48a: {  	s2 =	sadd.s32 $0x10, s2;
	s3 =	sand.u32 $0x2000, s0;
	s4 =	sand.u32 $0x1C00, s31;
	v6 =	vld [tilespmem:s30+$0x18050]  }
0x48b: {  	p0 =	slt.u32 s0, $0x3F80;
	s3 =	sor.u32 s3, s4;
	s4 =	sand.u32 $0x380, s2;
	[tilespmem:s30+$0x10020] =	vst v2;
	v0 =	vadd.f32 v3, v0;
	v2 =	vld [tilespmem:s30+$0x60]  }
0x48c: {  	s3 =	sor.u32 s4, s3;
	v3 =	vld [tilespmem:s30+$0x18060]  }
0x48d: {  	v7 =	vld [tilespmem:s3+$0x70];
	[tilespmem:s30+$0x10030] =	vst v0;
	v0 =	vadd.f32 v4, v1  }
0x48e: {  	v1 =	vld [tilespmem:s3+$0x18070]  }
0x48f: {  	v4 =	vld [tilespmem:s3+$0x0];
	[tilespmem:s30+$0x10040] =	vst v0;
	v0 =	vadd.f32 v6, v5  }
0x490: {  	v6 =	vld [tilespmem:s3+$0x18000]  }
0x491: {  	v8 =	vld [tilespmem:s3+$0x10];
	[tilespmem:s30+$0x10050] =	vst v0;
	v0 =	vadd.f32 v3, v2  }
0x492: {  	v9 =	vld [tilespmem:s3+$0x18010]  }
0x493: {  	v2 =	vld [tilespmem:s3+$0x20];
	v1 =	vadd.f32 v1, v7;
	[tilespmem:s30+$0x10060] =	vst v0;
	s30 =	smov.u32 s3  }
.Ltmp21:
0x494: {  	v5 =	vld [tilespmem:s30+$0x18020];
	(pc) =	sbr.rel @p0 .LBB2_44-.Ltmp21, $4  }
0x495: {  	v4 =	vadd.f32 v6, v4;
	v0 =	vld [tilespmem:s30+$0x30];
	[tilespmem:s30+$0x10070] =	vst v1  }
0x496: {  	v3 =	vld [tilespmem:s30+$0x18030]  }
0x497: {  	[tilespmem:s30+$0x10000] =	vst v4;
	v6 =	vadd.f32 v9, v8;
	v1 =	vld [tilespmem:s30+$0x40]  }
0x498: {  	v4 =	vld [tilespmem:s30+$0x18040]  }
0x499: {  	v7 =	vld [tilespmem:s30+$0x50]  }
0x49a: {  	v8 =	vld [tilespmem:s30+$0x18050]  }
0x49b: {  	v9 =	vld [tilespmem:s30+$0x60]  }
0x49c: {  	v10 =	vld [tilespmem:s30+$0x18060]  }
0x49d: {  	v2 =	vadd.f32 v5, v2  }
0x49e: {  	[tilespmem:s30+$0x10010] =	vst v6;
	v0 =	vadd.f32 v3, v0  }
0x49f: {  	[tilespmem:s30+$0x10020] =	vst v2;
	v1 =	vadd.f32 v4, v1  }
0x4a0: {  	[tilespmem:s30+$0x10030] =	vst v0;
	v0 =	vadd.f32 v8, v7  }
0x4a1: {  	[tilespmem:s30+$0x10040] =	vst v1;
	v1 =	vadd.f32 v10, v9  }
0x4a2: {  	[tilespmem:s30+$0x10050] =	vst v0  }
0x4a3: {  	[tilespmem:s30+$0x10060] =	vst v1  }
0x4a4: {  	s0 =	sld [smem:$0x7ED];
	_ =	sdelay $0x1  }
0x4a5: {  	s31 =	simm.s32 $0x0;
	s3 =	sld [smem:$0x7F5]  }
0x4a6: {  	[hbm4b:s0+s31] =	stream.linear.scatter [tilespmem:s23], [sflag:$0x5], $0x4000, $0x38;
	[tilespmem:$0x1C000] =	vst v63  }
0x4a7: {  	_ = 	snop  }
0x4a8: {  	[tilespmem:s31], [sflag:$0x1] =	stream.linear.gather [hbm4b:s3+s31], $0x4000, $0x38;
	[tilespmem:$0x1C000] =	vst v63  }
0x4a9: {  	_ =	swait.ge [sflag:s24], $0x4000  }
0x4aa: {  	[sflag:s24] =	ssyncset.done $0x0  }
0x4ab: {  	s0 =	simm.s32 $0x0;
	[sflag:s24] =	ssyncadd.s32 $0xFFFFC000  }
0x4ac: {  	s2 =	sand.u32 $0x2000, s0;
	s3 =	sand.u32 $0x1C00, s31;
	_ =	swait.ge [sflag:s22], $0x4000  }
0x4ad: {  	s4 =	sand.u32 $0x380, s31;
	s2 =	sor.u32 s2, s3;
	[sflag:s22] =	ssyncset.done $0x0  }
0x4ae: {  	s30 =	sor.u32 s4, s2;
	[sflag:s22] =	ssyncadd.s32 $0xFFFFC000  }
0x4af: {  	v0 =	vld [tilespmem:s30+$0x4070]  }
0x4b0: {  	v1 =	vld [tilespmem:s30+$0x18070]  }
0x4b1: {  	v3 =	vld [tilespmem:s30+$0x4000]  }
0x4b2: {  	v4 =	vld [tilespmem:s30+$0x18000]  }
0x4b3: {  	v6 =	vld [tilespmem:s30+$0x4010]  }
0x4b4: {  	v7 =	vld [tilespmem:s30+$0x18010]  }
0x4b5: {  	v2 =	vld [tilespmem:s30+$0x4020]  }
0x4b6: {  	v5 =	vld [tilespmem:s30+$0x18020]  }
0x4b7: {  	v1 =	vadd.f32 v1, v0;
	v0 =	vld [tilespmem:s30+$0x4030]  }
0x4b8: {  	v4 =	vadd.f32 v4, v3;
	v3 =	vld [tilespmem:s30+$0x18030]  }
0x4b9: {  	v6 =	vadd.f32 v7, v6;
	[tilespmem:s30+$0xC070] =	vst v1;
	v1 =	vld [tilespmem:s30+$0x4040]  }
0x4ba: {  	s2 =	simm.s32 $0x0;
	[tilespmem:s30+$0xC000] =	vst v4;
	v4 =	vld [tilespmem:s30+$0x18040]  }
.LBB2_46:
0x4bb: {  	s0 =	sadd.s32 $0x80, s0;
	[tilespmem:s30+$0xC010] =	vst v6;
	v2 =	vadd.f32 v5, v2;
	v5 =	vld [tilespmem:s30+$0x4050];
	s31 =	sadd.s32 $0x400, s31  }
0x4bc: {  	s2 =	sadd.s32 $0x10, s2;
	s3 =	sand.u32 $0x2000, s0;
	s4 =	sand.u32 $0x1C00, s31;
	v6 =	vld [tilespmem:s30+$0x18050]  }
0x4bd: {  	p0 =	slt.u32 s0, $0x3F80;
	s3 =	sor.u32 s3, s4;
	s4 =	sand.u32 $0x380, s2;
	[tilespmem:s30+$0xC020] =	vst v2;
	v0 =	vadd.f32 v3, v0;
	v2 =	vld [tilespmem:s30+$0x4060]  }
0x4be: {  	s3 =	sor.u32 s4, s3;
	v3 =	vld [tilespmem:s30+$0x18060]  }
0x4bf: {  	v7 =	vld [tilespmem:s3+$0x4070];
	[tilespmem:s30+$0xC030] =	vst v0;
	v0 =	vadd.f32 v4, v1  }
0x4c0: {  	v1 =	vld [tilespmem:s3+$0x18070]  }
0x4c1: {  	v4 =	vld [tilespmem:s3+$0x4000];
	[tilespmem:s30+$0xC040] =	vst v0;
	v0 =	vadd.f32 v6, v5  }
0x4c2: {  	v6 =	vld [tilespmem:s3+$0x18000]  }
0x4c3: {  	v8 =	vld [tilespmem:s3+$0x4010];
	[tilespmem:s30+$0xC050] =	vst v0;
	v0 =	vadd.f32 v3, v2  }
0x4c4: {  	v9 =	vld [tilespmem:s3+$0x18010]  }
0x4c5: {  	v2 =	vld [tilespmem:s3+$0x4020];
	v1 =	vadd.f32 v1, v7;
	[tilespmem:s30+$0xC060] =	vst v0;
	s30 =	smov.u32 s3  }
.Ltmp22:
0x4c6: {  	v5 =	vld [tilespmem:s30+$0x18020];
	(pc) =	sbr.rel @p0 .LBB2_46-.Ltmp22, $4  }
0x4c7: {  	v4 =	vadd.f32 v6, v4;
	v0 =	vld [tilespmem:s30+$0x4030];
	[tilespmem:s30+$0xC070] =	vst v1  }
0x4c8: {  	v3 =	vld [tilespmem:s30+$0x18030]  }
0x4c9: {  	[tilespmem:s30+$0xC000] =	vst v4;
	v6 =	vadd.f32 v9, v8;
	v1 =	vld [tilespmem:s30+$0x4040]  }
0x4ca: {  	v4 =	vld [tilespmem:s30+$0x18040]  }
0x4cb: {  	v7 =	vld [tilespmem:s30+$0x4050]  }
0x4cc: {  	v8 =	vld [tilespmem:s30+$0x18050]  }
0x4cd: {  	v9 =	vld [tilespmem:s30+$0x4060]  }
0x4ce: {  	v10 =	vld [tilespmem:s30+$0x18060]  }
0x4cf: {  	v2 =	vadd.f32 v5, v2  }
0x4d0: {  	[tilespmem:s30+$0xC010] =	vst v6;
	v0 =	vadd.f32 v3, v0  }
0x4d1: {  	[tilespmem:s30+$0xC020] =	vst v2;
	v1 =	vadd.f32 v4, v1  }
0x4d2: {  	[tilespmem:s30+$0xC030] =	vst v0;
	v0 =	vadd.f32 v8, v7  }
0x4d3: {  	[tilespmem:s30+$0xC040] =	vst v1;
	v1 =	vadd.f32 v10, v9  }
0x4d4: {  	[tilespmem:s30+$0xC050] =	vst v0  }
0x4d5: {  	[tilespmem:s30+$0xC060] =	vst v1  }
0x4d6: {  	s0 =	sld [smem:$0x7EF];
	_ =	sdelay $0x1  }
0x4d7: {  	s31 =	simm.s32 $0x0;
	s3 =	sld [smem:$0x7F7]  }
0x4d8: {  	[hbm4b:s0+s31] =	stream.linear.scatter [tilespmem:s21], [sflag:$0x4], $0x4000, $0x38;
	[tilespmem:$0x1C000] =	vst v63  }
0x4d9: {  	_ = 	snop  }
0x4da: {  	[tilespmem:s17], [sflag:$0x2] =	stream.linear.gather [hbm4b:s3+s31], $0x4000, $0x38;
	[tilespmem:$0x1C000] =	vst v63  }
0x4db: {  	_ =	swait.ge [sflag:s26], $0x4000  }
0x4dc: {  	[sflag:s26] =	ssyncset.done $0x0  }
0x4dd: {  	s0 =	simm.s32 $0x0;
	[sflag:s26] =	ssyncadd.s32 $0xFFFFC000  }
0x4de: {  	s2 =	sand.u32 $0x2000, s0;
	s3 =	sand.u32 $0x1C00, s31;
	_ =	swait.ge [sflag:s25], $0x4000  }
0x4df: {  	s4 =	sand.u32 $0x380, s31;
	s2 =	sor.u32 s2, s3;
	[sflag:s25] =	ssyncset.done $0x0  }
0x4e0: {  	s30 =	sor.u32 s4, s2;
	[sflag:s25] =	ssyncadd.s32 $0xFFFFC000  }
0x4e1: {  	v0 =	vld [tilespmem:s30+$0x8070]  }
0x4e2: {  	v1 =	vld [tilespmem:s30+$0x18070]  }
0x4e3: {  	v3 =	vld [tilespmem:s30+$0x8000]  }
0x4e4: {  	v4 =	vld [tilespmem:s30+$0x18000]  }
0x4e5: {  	v6 =	vld [tilespmem:s30+$0x8010]  }
0x4e6: {  	v7 =	vld [tilespmem:s30+$0x18010]  }
0x4e7: {  	v2 =	vld [tilespmem:s30+$0x8020]  }
0x4e8: {  	v5 =	vld [tilespmem:s30+$0x18020]  }
0x4e9: {  	v1 =	vadd.f32 v1, v0;
	v0 =	vld [tilespmem:s30+$0x8030]  }
0x4ea: {  	v4 =	vadd.f32 v4, v3;
	v3 =	vld [tilespmem:s30+$0x18030]  }
0x4eb: {  	v6 =	vadd.f32 v7, v6;
	[tilespmem:s30+$0x10070] =	vst v1;
	v1 =	vld [tilespmem:s30+$0x8040]  }
0x4ec: {  	s2 =	simm.s32 $0x0;
	[tilespmem:s30+$0x10000] =	vst v4;
	v4 =	vld [tilespmem:s30+$0x18040]  }
.LBB2_48:
0x4ed: {  	s0 =	sadd.s32 $0x80, s0;
	[tilespmem:s30+$0x10010] =	vst v6;
	v2 =	vadd.f32 v5, v2;
	v5 =	vld [tilespmem:s30+$0x8050];
	s31 =	sadd.s32 $0x400, s31  }
0x4ee: {  	s2 =	sadd.s32 $0x10, s2;
	s3 =	sand.u32 $0x2000, s0;
	s4 =	sand.u32 $0x1C00, s31;
	v6 =	vld [tilespmem:s30+$0x18050]  }
0x4ef: {  	p0 =	slt.u32 s0, $0x3F80;
	s3 =	sor.u32 s3, s4;
	s4 =	sand.u32 $0x380, s2;
	[tilespmem:s30+$0x10020] =	vst v2;
	v0 =	vadd.f32 v3, v0;
	v2 =	vld [tilespmem:s30+$0x8060]  }
0x4f0: {  	s3 =	sor.u32 s4, s3;
	v3 =	vld [tilespmem:s30+$0x18060]  }
0x4f1: {  	v7 =	vld [tilespmem:s3+$0x8070];
	[tilespmem:s30+$0x10030] =	vst v0;
	v0 =	vadd.f32 v4, v1  }
0x4f2: {  	v1 =	vld [tilespmem:s3+$0x18070]  }
0x4f3: {  	v4 =	vld [tilespmem:s3+$0x8000];
	[tilespmem:s30+$0x10040] =	vst v0;
	v0 =	vadd.f32 v6, v5  }
0x4f4: {  	v6 =	vld [tilespmem:s3+$0x18000]  }
0x4f5: {  	v8 =	vld [tilespmem:s3+$0x8010];
	[tilespmem:s30+$0x10050] =	vst v0;
	v0 =	vadd.f32 v3, v2  }
0x4f6: {  	v9 =	vld [tilespmem:s3+$0x18010]  }
0x4f7: {  	v2 =	vld [tilespmem:s3+$0x8020];
	v1 =	vadd.f32 v1, v7;
	[tilespmem:s30+$0x10060] =	vst v0;
	s30 =	smov.u32 s3  }
.Ltmp23:
0x4f8: {  	v5 =	vld [tilespmem:s30+$0x18020];
	(pc) =	sbr.rel @p0 .LBB2_48-.Ltmp23, $4  }
0x4f9: {  	v4 =	vadd.f32 v6, v4;
	v0 =	vld [tilespmem:s30+$0x8030];
	[tilespmem:s30+$0x10070] =	vst v1  }
0x4fa: {  	v3 =	vld [tilespmem:s30+$0x18030]  }
0x4fb: {  	[tilespmem:s30+$0x10000] =	vst v4;
	v6 =	vadd.f32 v9, v8;
	v1 =	vld [tilespmem:s30+$0x8040]  }
0x4fc: {  	v4 =	vld [tilespmem:s30+$0x18040]  }
0x4fd: {  	v7 =	vld [tilespmem:s30+$0x8050]  }
0x4fe: {  	v8 =	vld [tilespmem:s30+$0x18050]  }
0x4ff: {  	v9 =	vld [tilespmem:s30+$0x8060]  }
0x500: {  	v10 =	vld [tilespmem:s30+$0x18060]  }
0x501: {  	v2 =	vadd.f32 v5, v2  }
0x502: {  	[tilespmem:s30+$0x10010] =	vst v6;
	v0 =	vadd.f32 v3, v0  }
0x503: {  	[tilespmem:s30+$0x10020] =	vst v2;
	v1 =	vadd.f32 v4, v1  }
0x504: {  	[tilespmem:s30+$0x10030] =	vst v0;
	v0 =	vadd.f32 v8, v7  }
0x505: {  	[tilespmem:s30+$0x10040] =	vst v1;
	v1 =	vadd.f32 v10, v9  }
0x506: {  	[tilespmem:s30+$0x10050] =	vst v0  }
0x507: {  	[tilespmem:s30+$0x10060] =	vst v1  }
0x508: {  	s0 =	sld [smem:$0x7F1];
	_ =	sdelay $0x1  }
0x509: {  	s30 =	simm.s32 $0x0;
	s2 =	sld [smem:$0x7F9]  }
0x50a: {  	[hbm4b:s0+s30] =	stream.linear.scatter [tilespmem:s23], [sflag:$0x5], $0x4000, $0x38;
	[tilespmem:$0x1C000] =	vst v63  }
0x50b: {  	s3 =	sld [smem:$0x7F4]  }
0x50c: {  	[tilespmem:s18], [sflag:$0x3] =	stream.linear.gather [hbm4b:s2+s30], $0x4000, $0x38;
	[tilespmem:$0x1C000] =	vst v63  }
0x50d: {  	_ = 	snop  }
0x50e: {  	[tilespmem:s16], [sflag:$0x7] =	stream.linear.gather [hbm4b:s3+s30], $0x4000, $0x38;
	[tilespmem:$0x1C000] =	vst v63  }
0x50f: {  	_ =	swait.ge [sflag:s24], $0x4000  }
0x510: {  	[sflag:s24] =	ssyncset.done $0x0  }
0x511: {  	[sflag:s24] =	ssyncadd.s32 $0xFFFFC000  }
0x512: {  	_ =	swait.ge [sflag:s19], $0x4000  }
0x513: {  	[sflag:s19] =	ssyncset.done $0x0  }
0x514: {  	s0 =	simm.s32 $0x0;
	[sflag:s19] =	ssyncadd.s32 $0xFFFFC000  }
0x515: {  	s2 =	sand.u32 $0x2000, s0;
	s3 =	sand.u32 $0x1C00, s30;
	_ =	swait.ge [sflag:s20], $0x4000  }
0x516: {  	s4 =	sand.u32 $0x380, s30;
	s2 =	sor.u32 s2, s3;
	[sflag:s20] =	ssyncset.done $0x0  }
0x517: {  	s31 =	sor.u32 s4, s2;
	[sflag:s20] =	ssyncadd.s32 $0xFFFFC000  }
0x518: {  	v0 =	vld [tilespmem:s31+$0x70]  }
0x519: {  	v1 =	vld [tilespmem:s31+$0x14070]  }
0x51a: {  	v3 =	vld [tilespmem:s31+$0x0]  }
0x51b: {  	v4 =	vld [tilespmem:s31+$0x14000]  }
0x51c: {  	v6 =	vld [tilespmem:s31+$0x10]  }
0x51d: {  	v7 =	vld [tilespmem:s31+$0x14010]  }
0x51e: {  	v2 =	vld [tilespmem:s31+$0x20]  }
0x51f: {  	v5 =	vld [tilespmem:s31+$0x14020]  }
0x520: {  	v1 =	vadd.f32 v1, v0;
	v0 =	vld [tilespmem:s31+$0x30]  }
0x521: {  	v4 =	vadd.f32 v4, v3;
	v3 =	vld [tilespmem:s31+$0x14030]  }
0x522: {  	v6 =	vadd.f32 v7, v6;
	[tilespmem:s31+$0xC070] =	vst v1;
	v1 =	vld [tilespmem:s31+$0x40]  }
0x523: {  	s2 =	simm.s32 $0x0;
	[tilespmem:s31+$0xC000] =	vst v4;
	v4 =	vld [tilespmem:s31+$0x14040]  }
.LBB2_50:
0x524: {  	s0 =	sadd.s32 $0x80, s0;
	[tilespmem:s31+$0xC010] =	vst v6;
	v2 =	vadd.f32 v5, v2;
	v5 =	vld [tilespmem:s31+$0x50];
	s30 =	sadd.s32 $0x400, s30  }
0x525: {  	s2 =	sadd.s32 $0x10, s2;
	s3 =	sand.u32 $0x2000, s0;
	s4 =	sand.u32 $0x1C00, s30;
	v6 =	vld [tilespmem:s31+$0x14050]  }
0x526: {  	p0 =	slt.u32 s0, $0x3F80;
	s3 =	sor.u32 s3, s4;
	s4 =	sand.u32 $0x380, s2;
	[tilespmem:s31+$0xC020] =	vst v2;
	v0 =	vadd.f32 v3, v0;
	v2 =	vld [tilespmem:s31+$0x60]  }
0x527: {  	s3 =	sor.u32 s4, s3;
	v3 =	vld [tilespmem:s31+$0x14060]  }
0x528: {  	v7 =	vld [tilespmem:s3+$0x70];
	[tilespmem:s31+$0xC030] =	vst v0;
	v0 =	vadd.f32 v4, v1  }
0x529: {  	v1 =	vld [tilespmem:s3+$0x14070]  }
0x52a: {  	v4 =	vld [tilespmem:s3+$0x0];
	[tilespmem:s31+$0xC040] =	vst v0;
	v0 =	vadd.f32 v6, v5  }
0x52b: {  	v6 =	vld [tilespmem:s3+$0x14000]  }
0x52c: {  	v8 =	vld [tilespmem:s3+$0x10];
	[tilespmem:s31+$0xC050] =	vst v0;
	v0 =	vadd.f32 v3, v2  }
0x52d: {  	v9 =	vld [tilespmem:s3+$0x14010]  }
0x52e: {  	v2 =	vld [tilespmem:s3+$0x20];
	v1 =	vadd.f32 v1, v7;
	[tilespmem:s31+$0xC060] =	vst v0;
	s31 =	smov.u32 s3  }
.Ltmp24:
0x52f: {  	v5 =	vld [tilespmem:s31+$0x14020];
	(pc) =	sbr.rel @p0 .LBB2_50-.Ltmp24, $4  }
0x530: {  	v4 =	vadd.f32 v6, v4;
	v0 =	vld [tilespmem:s31+$0x30];
	[tilespmem:s31+$0xC070] =	vst v1  }
0x531: {  	v3 =	vld [tilespmem:s31+$0x14030]  }
0x532: {  	[tilespmem:s31+$0xC000] =	vst v4;
	v6 =	vadd.f32 v9, v8;
	v1 =	vld [tilespmem:s31+$0x40]  }
0x533: {  	v4 =	vld [tilespmem:s31+$0x14040]  }
0x534: {  	v7 =	vld [tilespmem:s31+$0x50]  }
0x535: {  	v8 =	vld [tilespmem:s31+$0x14050]  }
0x536: {  	v9 =	vld [tilespmem:s31+$0x60]  }
0x537: {  	v10 =	vld [tilespmem:s31+$0x14060]  }
0x538: {  	v2 =	vadd.f32 v5, v2  }
0x539: {  	[tilespmem:s31+$0xC010] =	vst v6;
	v0 =	vadd.f32 v3, v0  }
0x53a: {  	[tilespmem:s31+$0xC020] =	vst v2;
	v1 =	vadd.f32 v4, v1  }
0x53b: {  	[tilespmem:s31+$0xC030] =	vst v0;
	v0 =	vadd.f32 v8, v7  }
0x53c: {  	[tilespmem:s31+$0xC040] =	vst v1;
	v1 =	vadd.f32 v10, v9  }
0x53d: {  	[tilespmem:s31+$0xC050] =	vst v0  }
0x53e: {  	[tilespmem:s31+$0xC060] =	vst v1  }
0x53f: {  	s0 =	sld [smem:$0x7F6];
	_ =	sdelay $0x1  }
0x540: {  	s31 =	simm.s32 $0x0;
	s3 =	sld [smem:$0x7FB]  }
0x541: {  	[hbm4b:s0+s31] =	stream.linear.scatter [tilespmem:s21], [sflag:$0x4], $0x4000, $0x38;
	[tilespmem:$0x1C000] =	vst v63  }
0x542: {  	_ = 	snop  }
0x543: {  	[tilespmem:s31], [sflag:$0x1] =	stream.linear.gather [hbm4b:s3+s31], $0x4000, $0x38;
	[tilespmem:$0x1C000] =	vst v63  }
0x544: {  	_ =	swait.ge [sflag:s26], $0x4000  }
0x545: {  	[sflag:s26] =	ssyncset.done $0x0  }
0x546: {  	s0 =	simm.s32 $0x0;
	[sflag:s26] =	ssyncadd.s32 $0xFFFFC000  }
0x547: {  	s2 =	sand.u32 $0x2000, s0;
	s3 =	sand.u32 $0x1C00, s31;
	_ =	swait.ge [sflag:s22], $0x4000  }
0x548: {  	s4 =	sand.u32 $0x380, s31;
	s2 =	sor.u32 s2, s3;
	[sflag:s22] =	ssyncset.done $0x0  }
0x549: {  	s30 =	sor.u32 s4, s2;
	[sflag:s22] =	ssyncadd.s32 $0xFFFFC000  }
0x54a: {  	v0 =	vld [tilespmem:s30+$0x4070]  }
0x54b: {  	v1 =	vld [tilespmem:s30+$0x14070]  }
0x54c: {  	v3 =	vld [tilespmem:s30+$0x4000]  }
0x54d: {  	v4 =	vld [tilespmem:s30+$0x14000]  }
0x54e: {  	v6 =	vld [tilespmem:s30+$0x4010]  }
0x54f: {  	v7 =	vld [tilespmem:s30+$0x14010]  }
0x550: {  	v2 =	vld [tilespmem:s30+$0x4020]  }
0x551: {  	v5 =	vld [tilespmem:s30+$0x14020]  }
0x552: {  	v1 =	vadd.f32 v1, v0;
	v0 =	vld [tilespmem:s30+$0x4030]  }
0x553: {  	v4 =	vadd.f32 v4, v3;
	v3 =	vld [tilespmem:s30+$0x14030]  }
0x554: {  	v6 =	vadd.f32 v7, v6;
	[tilespmem:s30+$0x10070] =	vst v1;
	v1 =	vld [tilespmem:s30+$0x4040]  }
0x555: {  	s2 =	simm.s32 $0x0;
	[tilespmem:s30+$0x10000] =	vst v4;
	v4 =	vld [tilespmem:s30+$0x14040]  }
.LBB2_52:
0x556: {  	s0 =	sadd.s32 $0x80, s0;
	[tilespmem:s30+$0x10010] =	vst v6;
	v2 =	vadd.f32 v5, v2;
	v5 =	vld [tilespmem:s30+$0x4050];
	s31 =	sadd.s32 $0x400, s31  }
0x557: {  	s2 =	sadd.s32 $0x10, s2;
	s3 =	sand.u32 $0x2000, s0;
	s4 =	sand.u32 $0x1C00, s31;
	v6 =	vld [tilespmem:s30+$0x14050]  }
0x558: {  	p0 =	slt.u32 s0, $0x3F80;
	s3 =	sor.u32 s3, s4;
	s4 =	sand.u32 $0x380, s2;
	[tilespmem:s30+$0x10020] =	vst v2;
	v0 =	vadd.f32 v3, v0;
	v2 =	vld [tilespmem:s30+$0x4060]  }
0x559: {  	s3 =	sor.u32 s4, s3;
	v3 =	vld [tilespmem:s30+$0x14060]  }
0x55a: {  	v7 =	vld [tilespmem:s3+$0x4070];
	[tilespmem:s30+$0x10030] =	vst v0;
	v0 =	vadd.f32 v4, v1  }
0x55b: {  	v1 =	vld [tilespmem:s3+$0x14070]  }
0x55c: {  	v4 =	vld [tilespmem:s3+$0x4000];
	[tilespmem:s30+$0x10040] =	vst v0;
	v0 =	vadd.f32 v6, v5  }
0x55d: {  	v6 =	vld [tilespmem:s3+$0x14000]  }
0x55e: {  	v8 =	vld [tilespmem:s3+$0x4010];
	[tilespmem:s30+$0x10050] =	vst v0;
	v0 =	vadd.f32 v3, v2  }
0x55f: {  	v9 =	vld [tilespmem:s3+$0x14010]  }
0x560: {  	v2 =	vld [tilespmem:s3+$0x4020];
	v1 =	vadd.f32 v1, v7;
	[tilespmem:s30+$0x10060] =	vst v0;
	s30 =	smov.u32 s3  }
.Ltmp25:
0x561: {  	v5 =	vld [tilespmem:s30+$0x14020];
	(pc) =	sbr.rel @p0 .LBB2_52-.Ltmp25, $4  }
0x562: {  	v4 =	vadd.f32 v6, v4;
	v0 =	vld [tilespmem:s30+$0x4030];
	[tilespmem:s30+$0x10070] =	vst v1  }
0x563: {  	v3 =	vld [tilespmem:s30+$0x14030]  }
0x564: {  	[tilespmem:s30+$0x10000] =	vst v4;
	v6 =	vadd.f32 v9, v8;
	v1 =	vld [tilespmem:s30+$0x4040]  }
0x565: {  	v4 =	vld [tilespmem:s30+$0x14040]  }
0x566: {  	v7 =	vld [tilespmem:s30+$0x4050]  }
0x567: {  	v8 =	vld [tilespmem:s30+$0x14050]  }
0x568: {  	v9 =	vld [tilespmem:s30+$0x4060]  }
0x569: {  	v10 =	vld [tilespmem:s30+$0x14060]  }
0x56a: {  	v2 =	vadd.f32 v5, v2  }
0x56b: {  	[tilespmem:s30+$0x10010] =	vst v6;
	v0 =	vadd.f32 v3, v0  }
0x56c: {  	[tilespmem:s30+$0x10020] =	vst v2;
	v1 =	vadd.f32 v4, v1  }
0x56d: {  	[tilespmem:s30+$0x10030] =	vst v0;
	v0 =	vadd.f32 v8, v7  }
0x56e: {  	[tilespmem:s30+$0x10040] =	vst v1;
	v1 =	vadd.f32 v10, v9  }
0x56f: {  	[tilespmem:s30+$0x10050] =	vst v0  }
0x570: {  	[tilespmem:s30+$0x10060] =	vst v1  }
0x571: {  	s0 =	sld [smem:$0x7F8];
	_ =	sdelay $0x1  }
0x572: {  	s31 =	simm.s32 $0x0;
	s3 =	sld [smem:$0x7FD]  }
0x573: {  	[hbm4b:s0+s31] =	stream.linear.scatter [tilespmem:s23], [sflag:$0x5], $0x4000, $0x38;
	[tilespmem:$0x1C000] =	vst v63  }
0x574: {  	_ = 	snop  }
0x575: {  	[tilespmem:s17], [sflag:$0x2] =	stream.linear.gather [hbm4b:s3+s31], $0x4000, $0x38;
	[tilespmem:$0x1C000] =	vst v63  }
0x576: {  	_ =	swait.ge [sflag:s24], $0x4000  }
0x577: {  	[sflag:s24] =	ssyncset.done $0x0  }
0x578: {  	s0 =	simm.s32 $0x0;
	[sflag:s24] =	ssyncadd.s32 $0xFFFFC000  }
0x579: {  	s2 =	sand.u32 $0x2000, s0;
	s3 =	sand.u32 $0x1C00, s31;
	_ =	swait.ge [sflag:s25], $0x4000  }
0x57a: {  	s4 =	sand.u32 $0x380, s31;
	s2 =	sor.u32 s2, s3;
	[sflag:s25] =	ssyncset.done $0x0  }
0x57b: {  	s30 =	sor.u32 s4, s2;
	[sflag:s25] =	ssyncadd.s32 $0xFFFFC000  }
0x57c: {  	v0 =	vld [tilespmem:s30+$0x8070]  }
0x57d: {  	v1 =	vld [tilespmem:s30+$0x14070]  }
0x57e: {  	v3 =	vld [tilespmem:s30+$0x8000]  }
0x57f: {  	v4 =	vld [tilespmem:s30+$0x14000]  }
0x580: {  	v6 =	vld [tilespmem:s30+$0x8010]  }
0x581: {  	v7 =	vld [tilespmem:s30+$0x14010]  }
0x582: {  	v2 =	vld [tilespmem:s30+$0x8020]  }
0x583: {  	v5 =	vld [tilespmem:s30+$0x14020]  }
0x584: {  	v1 =	vadd.f32 v1, v0;
	v0 =	vld [tilespmem:s30+$0x8030]  }
0x585: {  	v4 =	vadd.f32 v4, v3;
	v3 =	vld [tilespmem:s30+$0x14030]  }
0x586: {  	v6 =	vadd.f32 v7, v6;
	[tilespmem:s30+$0xC070] =	vst v1;
	v1 =	vld [tilespmem:s30+$0x8040]  }
0x587: {  	s2 =	simm.s32 $0x0;
	[tilespmem:s30+$0xC000] =	vst v4;
	v4 =	vld [tilespmem:s30+$0x14040]  }
.LBB2_54:
0x588: {  	s0 =	sadd.s32 $0x80, s0;
	[tilespmem:s30+$0xC010] =	vst v6;
	v2 =	vadd.f32 v5, v2;
	v5 =	vld [tilespmem:s30+$0x8050];
	s31 =	sadd.s32 $0x400, s31  }
0x589: {  	s2 =	sadd.s32 $0x10, s2;
	s3 =	sand.u32 $0x2000, s0;
	s4 =	sand.u32 $0x1C00, s31;
	v6 =	vld [tilespmem:s30+$0x14050]  }
0x58a: {  	p0 =	slt.u32 s0, $0x3F80;
	s3 =	sor.u32 s3, s4;
	s4 =	sand.u32 $0x380, s2;
	[tilespmem:s30+$0xC020] =	vst v2;
	v0 =	vadd.f32 v3, v0;
	v2 =	vld [tilespmem:s30+$0x8060]  }
0x58b: {  	s3 =	sor.u32 s4, s3;
	v3 =	vld [tilespmem:s30+$0x14060]  }
0x58c: {  	v7 =	vld [tilespmem:s3+$0x8070];
	[tilespmem:s30+$0xC030] =	vst v0;
	v0 =	vadd.f32 v4, v1  }
0x58d: {  	v1 =	vld [tilespmem:s3+$0x14070]  }
0x58e: {  	v4 =	vld [tilespmem:s3+$0x8000];
	[tilespmem:s30+$0xC040] =	vst v0;
	v0 =	vadd.f32 v6, v5  }
0x58f: {  	v6 =	vld [tilespmem:s3+$0x14000]  }
0x590: {  	v8 =	vld [tilespmem:s3+$0x8010];
	[tilespmem:s30+$0xC050] =	vst v0;
	v0 =	vadd.f32 v3, v2  }
0x591: {  	v9 =	vld [tilespmem:s3+$0x14010]  }
0x592: {  	v2 =	vld [tilespmem:s3+$0x8020];
	v1 =	vadd.f32 v1, v7;
	[tilespmem:s30+$0xC060] =	vst v0;
	s30 =	smov.u32 s3  }
.Ltmp26:
0x593: {  	v5 =	vld [tilespmem:s30+$0x14020];
	(pc) =	sbr.rel @p0 .LBB2_54-.Ltmp26, $4  }
0x594: {  	v4 =	vadd.f32 v6, v4;
	v0 =	vld [tilespmem:s30+$0x8030];
	[tilespmem:s30+$0xC070] =	vst v1  }
0x595: {  	v3 =	vld [tilespmem:s30+$0x14030]  }
0x596: {  	[tilespmem:s30+$0xC000] =	vst v4;
	v6 =	vadd.f32 v9, v8;
	v1 =	vld [tilespmem:s30+$0x8040]  }
0x597: {  	v4 =	vld [tilespmem:s30+$0x14040]  }
0x598: {  	v7 =	vld [tilespmem:s30+$0x8050]  }
0x599: {  	v8 =	vld [tilespmem:s30+$0x14050]  }
0x59a: {  	v9 =	vld [tilespmem:s30+$0x8060]  }
0x59b: {  	v10 =	vld [tilespmem:s30+$0x14060]  }
0x59c: {  	v2 =	vadd.f32 v5, v2  }
0x59d: {  	[tilespmem:s30+$0xC010] =	vst v6;
	v0 =	vadd.f32 v3, v0  }
0x59e: {  	[tilespmem:s30+$0xC020] =	vst v2;
	v1 =	vadd.f32 v4, v1  }
0x59f: {  	[tilespmem:s30+$0xC030] =	vst v0;
	v0 =	vadd.f32 v8, v7  }
0x5a0: {  	[tilespmem:s30+$0xC040] =	vst v1;
	v1 =	vadd.f32 v10, v9  }
0x5a1: {  	[tilespmem:s30+$0xC050] =	vst v0  }
0x5a2: {  	[tilespmem:s30+$0xC060] =	vst v1  }
0x5a3: {  	s0 =	sld [smem:$0x7FA];
	_ =	sdelay $0x1  }
0x5a4: {  	s31 =	simm.s32 $0x0  }
0x5a5: {  	[hbm4b:s0+s31] =	stream.linear.scatter [tilespmem:s21], [sflag:$0x4], $0x4000, $0x38;
	[tilespmem:$0x1C000] =	vst v63  }
0x5a6: {  	_ = 	snop  }
0x5a7: {  	[tilespmem:s18], [sflag:$0x3] =	stream.linear.gather [hbm4b:s8+s31], $0x4000, $0x38;
	[tilespmem:$0x1C000] =	vst v63  }
0x5a8: {  	_ =	swait.ge [sflag:s26], $0x4000  }
0x5a9: {  	[sflag:s26] =	ssyncset.done $0x0  }
0x5aa: {  	s0 =	simm.s32 $0x0;
	[sflag:s26] =	ssyncadd.s32 $0xFFFFC000  }
0x5ab: {  	s3 =	sand.u32 $0x1C00, s31;
	s2 =	sand.u32 $0x2000, s0;
	_ =	swait.ge [sflag:s20], $0x4000  }
0x5ac: {  	s4 =	sand.u32 $0x380, s31;
	s2 =	sor.u32 s2, s3;
	[sflag:s20] =	ssyncset.done $0x0  }
0x5ad: {  	s30 =	sor.u32 s4, s2;
	[sflag:s20] =	ssyncadd.s32 $0xFFFFC000  }
0x5ae: {  	v0 =	vld [tilespmem:s30+$0x70]  }
0x5af: {  	v1 =	vld [tilespmem:s30+$0x14070]  }
0x5b0: {  	v3 =	vld [tilespmem:s30+$0x0]  }
0x5b1: {  	v4 =	vld [tilespmem:s30+$0x14000]  }
0x5b2: {  	v6 =	vld [tilespmem:s30+$0x10]  }
0x5b3: {  	v7 =	vld [tilespmem:s30+$0x14010]  }
0x5b4: {  	v2 =	vld [tilespmem:s30+$0x20]  }
0x5b5: {  	v5 =	vld [tilespmem:s30+$0x14020]  }
0x5b6: {  	v1 =	vadd.f32 v1, v0;
	v0 =	vld [tilespmem:s30+$0x30]  }
0x5b7: {  	v4 =	vadd.f32 v4, v3;
	v3 =	vld [tilespmem:s30+$0x14030]  }
0x5b8: {  	v6 =	vadd.f32 v7, v6;
	[tilespmem:s30+$0x10070] =	vst v1;
	v1 =	vld [tilespmem:s30+$0x40]  }
0x5b9: {  	s2 =	simm.s32 $0x0;
	[tilespmem:s30+$0x10000] =	vst v4;
	v4 =	vld [tilespmem:s30+$0x14040]  }
.LBB2_56:
0x5ba: {  	s0 =	sadd.s32 $0x80, s0;
	[tilespmem:s30+$0x10010] =	vst v6;
	v2 =	vadd.f32 v5, v2;
	v5 =	vld [tilespmem:s30+$0x50];
	s31 =	sadd.s32 $0x400, s31  }
0x5bb: {  	s2 =	sadd.s32 $0x10, s2;
	s3 =	sand.u32 $0x2000, s0;
	s4 =	sand.u32 $0x1C00, s31;
	v6 =	vld [tilespmem:s30+$0x14050]  }
0x5bc: {  	p0 =	slt.u32 s0, $0x3F80;
	s3 =	sor.u32 s3, s4;
	s4 =	sand.u32 $0x380, s2;
	[tilespmem:s30+$0x10020] =	vst v2;
	v0 =	vadd.f32 v3, v0;
	v2 =	vld [tilespmem:s30+$0x60]  }
0x5bd: {  	s3 =	sor.u32 s4, s3;
	v3 =	vld [tilespmem:s30+$0x14060]  }
0x5be: {  	v7 =	vld [tilespmem:s3+$0x70];
	[tilespmem:s30+$0x10030] =	vst v0;
	v0 =	vadd.f32 v4, v1  }
0x5bf: {  	v1 =	vld [tilespmem:s3+$0x14070]  }
0x5c0: {  	v4 =	vld [tilespmem:s3+$0x0];
	[tilespmem:s30+$0x10040] =	vst v0;
	v0 =	vadd.f32 v6, v5  }
0x5c1: {  	v6 =	vld [tilespmem:s3+$0x14000]  }
0x5c2: {  	v8 =	vld [tilespmem:s3+$0x10];
	[tilespmem:s30+$0x10050] =	vst v0;
	v0 =	vadd.f32 v3, v2  }
0x5c3: {  	v9 =	vld [tilespmem:s3+$0x14010]  }
0x5c4: {  	v2 =	vld [tilespmem:s3+$0x20];
	v1 =	vadd.f32 v1, v7;
	[tilespmem:s30+$0x10060] =	vst v0;
	s30 =	smov.u32 s3  }
.Ltmp27:
0x5c5: {  	v5 =	vld [tilespmem:s30+$0x14020];
	(pc) =	sbr.rel @p0 .LBB2_56-.Ltmp27, $4  }
0x5c6: {  	v4 =	vadd.f32 v6, v4;
	v0 =	vld [tilespmem:s30+$0x30];
	[tilespmem:s30+$0x10070] =	vst v1  }
0x5c7: {  	v3 =	vld [tilespmem:s30+$0x14030]  }
0x5c8: {  	[tilespmem:s30+$0x10000] =	vst v4;
	v6 =	vadd.f32 v9, v8;
	v1 =	vld [tilespmem:s30+$0x40]  }
0x5c9: {  	v4 =	vld [tilespmem:s30+$0x14040]  }
0x5ca: {  	v7 =	vld [tilespmem:s30+$0x50]  }
0x5cb: {  	v8 =	vld [tilespmem:s30+$0x14050]  }
0x5cc: {  	v9 =	vld [tilespmem:s30+$0x60]  }
0x5cd: {  	v10 =	vld [tilespmem:s30+$0x14060]  }
0x5ce: {  	v2 =	vadd.f32 v5, v2  }
0x5cf: {  	[tilespmem:s30+$0x10010] =	vst v6;
	v0 =	vadd.f32 v3, v0  }
0x5d0: {  	[tilespmem:s30+$0x10020] =	vst v2;
	v1 =	vadd.f32 v4, v1  }
0x5d1: {  	[tilespmem:s30+$0x10030] =	vst v0;
	v0 =	vadd.f32 v8, v7  }
0x5d2: {  	[tilespmem:s30+$0x10040] =	vst v1;
	v1 =	vadd.f32 v10, v9  }
0x5d3: {  	[tilespmem:s30+$0x10050] =	vst v0  }
0x5d4: {  	[tilespmem:s30+$0x10060] =	vst v1  }
0x5d5: {  	s0 =	sld [smem:$0x7FC];
	_ =	sdelay $0x1  }
0x5d6: {  	s30 =	simm.s32 $0x0  }
0x5d7: {  	[hbm4b:s0+s30] =	stream.linear.scatter [tilespmem:s23], [sflag:$0x5], $0x4000, $0x38;
	[tilespmem:$0x1C000] =	vst v63  }
0x5d8: {  	_ = 	snop  }
0x5d9: {  	[tilespmem:s30], [sflag:$0x1] =	stream.linear.gather [hbm4b:s9+s30], $0x4000, $0x38;
	[tilespmem:$0x1C000] =	vst v63  }
0x5da: {  	_ =	swait.ge [sflag:s24], $0x4000  }
0x5db: {  	[sflag:s24] =	ssyncset.done $0x0  }
0x5dc: {  	[sflag:s24] =	ssyncadd.s32 $0xFFFFC000  }
0x5dd: {  	_ =	swait.ge [sflag:s28], $0x4000  }
0x5de: {  	[sflag:s28] =	ssyncset.done $0x0  }
0x5df: {  	s0 =	simm.s32 $0x0;
	[sflag:s28] =	ssyncadd.s32 $0xFFFFC000  }
0x5e0: {  	s3 =	sand.u32 $0x1C00, s30;
	s2 =	sand.u32 $0x2000, s0;
	_ =	swait.ge [sflag:s22], $0x4000  }
0x5e1: {  	s4 =	sand.u32 $0x380, s30;
	s2 =	sor.u32 s2, s3;
	[sflag:s22] =	ssyncset.done $0x0  }
0x5e2: {  	s31 =	sor.u32 s4, s2;
	[sflag:s22] =	ssyncadd.s32 $0xFFFFC000  }
0x5e3: {  	v0 =	vld [tilespmem:s31+$0x4070]  }
0x5e4: {  	v1 =	vld [tilespmem:s31+$0x18070]  }
0x5e5: {  	v3 =	vld [tilespmem:s31+$0x4000]  }
0x5e6: {  	v4 =	vld [tilespmem:s31+$0x18000]  }
0x5e7: {  	v6 =	vld [tilespmem:s31+$0x4010]  }
0x5e8: {  	v7 =	vld [tilespmem:s31+$0x18010]  }
0x5e9: {  	v2 =	vld [tilespmem:s31+$0x4020]  }
0x5ea: {  	v5 =	vld [tilespmem:s31+$0x18020]  }
0x5eb: {  	v1 =	vadd.f32 v1, v0;
	v0 =	vld [tilespmem:s31+$0x4030]  }
0x5ec: {  	v4 =	vadd.f32 v4, v3;
	v3 =	vld [tilespmem:s31+$0x18030]  }
0x5ed: {  	v6 =	vadd.f32 v7, v6;
	[tilespmem:s31+$0xC070] =	vst v1;
	v1 =	vld [tilespmem:s31+$0x4040]  }
0x5ee: {  	s2 =	simm.s32 $0x0;
	[tilespmem:s31+$0xC000] =	vst v4;
	v4 =	vld [tilespmem:s31+$0x18040]  }
.LBB2_58:
0x5ef: {  	s0 =	sadd.s32 $0x80, s0;
	[tilespmem:s31+$0xC010] =	vst v6;
	v2 =	vadd.f32 v5, v2;
	v5 =	vld [tilespmem:s31+$0x4050];
	s30 =	sadd.s32 $0x400, s30  }
0x5f0: {  	s2 =	sadd.s32 $0x10, s2;
	s3 =	sand.u32 $0x2000, s0;
	s4 =	sand.u32 $0x1C00, s30;
	v6 =	vld [tilespmem:s31+$0x18050]  }
0x5f1: {  	p0 =	slt.u32 s0, $0x3F80;
	s3 =	sor.u32 s3, s4;
	s4 =	sand.u32 $0x380, s2;
	[tilespmem:s31+$0xC020] =	vst v2;
	v0 =	vadd.f32 v3, v0;
	v2 =	vld [tilespmem:s31+$0x4060]  }
0x5f2: {  	s3 =	sor.u32 s4, s3;
	v3 =	vld [tilespmem:s31+$0x18060]  }
0x5f3: {  	v7 =	vld [tilespmem:s3+$0x4070];
	[tilespmem:s31+$0xC030] =	vst v0;
	v0 =	vadd.f32 v4, v1  }
0x5f4: {  	v1 =	vld [tilespmem:s3+$0x18070]  }
0x5f5: {  	v4 =	vld [tilespmem:s3+$0x4000];
	[tilespmem:s31+$0xC040] =	vst v0;
	v0 =	vadd.f32 v6, v5  }
0x5f6: {  	v6 =	vld [tilespmem:s3+$0x18000]  }
0x5f7: {  	v8 =	vld [tilespmem:s3+$0x4010];
	[tilespmem:s31+$0xC050] =	vst v0;
	v0 =	vadd.f32 v3, v2  }
0x5f8: {  	v9 =	vld [tilespmem:s3+$0x18010]  }
0x5f9: {  	v2 =	vld [tilespmem:s3+$0x4020];
	v1 =	vadd.f32 v1, v7;
	[tilespmem:s31+$0xC060] =	vst v0;
	s31 =	smov.u32 s3  }
.Ltmp28:
0x5fa: {  	v5 =	vld [tilespmem:s31+$0x18020];
	(pc) =	sbr.rel @p0 .LBB2_58-.Ltmp28, $4  }
0x5fb: {  	v4 =	vadd.f32 v6, v4;
	v0 =	vld [tilespmem:s31+$0x4030];
	[tilespmem:s31+$0xC070] =	vst v1  }
0x5fc: {  	v3 =	vld [tilespmem:s31+$0x18030]  }
0x5fd: {  	[tilespmem:s31+$0xC000] =	vst v4;
	v6 =	vadd.f32 v9, v8;
	v1 =	vld [tilespmem:s31+$0x4040]  }
0x5fe: {  	v4 =	vld [tilespmem:s31+$0x18040]  }
0x5ff: {  	v7 =	vld [tilespmem:s31+$0x4050]  }
0x600: {  	v8 =	vld [tilespmem:s31+$0x18050]  }
0x601: {  	v9 =	vld [tilespmem:s31+$0x4060]  }
0x602: {  	v10 =	vld [tilespmem:s31+$0x18060]  }
0x603: {  	v2 =	vadd.f32 v5, v2  }
0x604: {  	[tilespmem:s31+$0xC010] =	vst v6;
	v0 =	vadd.f32 v3, v0  }
0x605: {  	[tilespmem:s31+$0xC020] =	vst v2;
	v1 =	vadd.f32 v4, v1  }
0x606: {  	[tilespmem:s31+$0xC030] =	vst v0;
	v0 =	vadd.f32 v8, v7  }
0x607: {  	[tilespmem:s31+$0xC040] =	vst v1;
	v1 =	vadd.f32 v10, v9  }
0x608: {  	[tilespmem:s31+$0xC050] =	vst v0  }
0x609: {  	[tilespmem:s31+$0xC060] =	vst v1;
	s31 =	simm.s32 $0x0  }
0x60a: {  	[hbm4b:s5+s31] =	stream.linear.scatter [tilespmem:s21], [sflag:$0x4], $0x4000, $0x38;
	[tilespmem:$0x1C000] =	vst v63  }
0x60b: {  	_ = 	snop  }
0x60c: {  	[tilespmem:s17], [sflag:$0x2] =	stream.linear.gather [hbm4b:s10+s31], $0x4000, $0x38;
	[tilespmem:$0x1C000] =	vst v63  }
0x60d: {  	_ =	swait.ge [sflag:s26], $0x4000  }
0x60e: {  	[sflag:s26] =	ssyncset.done $0x0  }
0x60f: {  	s0 =	simm.s32 $0x0;
	[sflag:s26] =	ssyncadd.s32 $0xFFFFC000  }
0x610: {  	s2 =	sand.u32 $0x2000, s0;
	s3 =	sand.u32 $0x1C00, s31;
	_ =	swait.ge [sflag:s25], $0x4000  }
0x611: {  	s4 =	sand.u32 $0x380, s31;
	s2 =	sor.u32 s2, s3;
	[sflag:s25] =	ssyncset.done $0x0  }
0x612: {  	s30 =	sor.u32 s4, s2;
	[sflag:s25] =	ssyncadd.s32 $0xFFFFC000  }
0x613: {  	v0 =	vld [tilespmem:s30+$0x8070]  }
0x614: {  	v1 =	vld [tilespmem:s30+$0x18070]  }
0x615: {  	v3 =	vld [tilespmem:s30+$0x8000]  }
0x616: {  	v4 =	vld [tilespmem:s30+$0x18000]  }
0x617: {  	v6 =	vld [tilespmem:s30+$0x8010]  }
0x618: {  	v7 =	vld [tilespmem:s30+$0x18010]  }
0x619: {  	v2 =	vld [tilespmem:s30+$0x8020]  }
0x61a: {  	v5 =	vld [tilespmem:s30+$0x18020]  }
0x61b: {  	v1 =	vadd.f32 v1, v0;
	v0 =	vld [tilespmem:s30+$0x8030]  }
0x61c: {  	v4 =	vadd.f32 v4, v3;
	v3 =	vld [tilespmem:s30+$0x18030]  }
0x61d: {  	v6 =	vadd.f32 v7, v6;
	[tilespmem:s30+$0x10070] =	vst v1;
	v1 =	vld [tilespmem:s30+$0x8040]  }
0x61e: {  	s2 =	simm.s32 $0x0;
	[tilespmem:s30+$0x10000] =	vst v4;
	v4 =	vld [tilespmem:s30+$0x18040]  }
.LBB2_60:
0x61f: {  	s0 =	sadd.s32 $0x80, s0;
	[tilespmem:s30+$0x10010] =	vst v6;
	v2 =	vadd.f32 v5, v2;
	v5 =	vld [tilespmem:s30+$0x8050];
	s31 =	sadd.s32 $0x400, s31  }
0x620: {  	s2 =	sadd.s32 $0x10, s2;
	s3 =	sand.u32 $0x2000, s0;
	s4 =	sand.u32 $0x1C00, s31;
	v6 =	vld [tilespmem:s30+$0x18050]  }
0x621: {  	p0 =	slt.u32 s0, $0x3F80;
	s3 =	sor.u32 s3, s4;
	s4 =	sand.u32 $0x380, s2;
	[tilespmem:s30+$0x10020] =	vst v2;
	v0 =	vadd.f32 v3, v0;
	v2 =	vld [tilespmem:s30+$0x8060]  }
0x622: {  	s3 =	sor.u32 s4, s3;
	v3 =	vld [tilespmem:s30+$0x18060]  }
0x623: {  	v7 =	vld [tilespmem:s3+$0x8070];
	[tilespmem:s30+$0x10030] =	vst v0;
	v0 =	vadd.f32 v4, v1  }
0x624: {  	v1 =	vld [tilespmem:s3+$0x18070]  }
0x625: {  	v4 =	vld [tilespmem:s3+$0x8000];
	[tilespmem:s30+$0x10040] =	vst v0;
	v0 =	vadd.f32 v6, v5  }
0x626: {  	v6 =	vld [tilespmem:s3+$0x18000]  }
0x627: {  	v8 =	vld [tilespmem:s3+$0x8010];
	[tilespmem:s30+$0x10050] =	vst v0;
	v0 =	vadd.f32 v3, v2  }
0x628: {  	v9 =	vld [tilespmem:s3+$0x18010]  }
0x629: {  	v2 =	vld [tilespmem:s3+$0x8020];
	v1 =	vadd.f32 v1, v7;
	[tilespmem:s30+$0x10060] =	vst v0;
	s30 =	smov.u32 s3  }
.Ltmp29:
0x62a: {  	v5 =	vld [tilespmem:s30+$0x18020];
	(pc) =	sbr.rel @p0 .LBB2_60-.Ltmp29, $4  }
0x62b: {  	v4 =	vadd.f32 v6, v4;
	v0 =	vld [tilespmem:s30+$0x8030];
	[tilespmem:s30+$0x10070] =	vst v1  }
0x62c: {  	v3 =	vld [tilespmem:s30+$0x18030]  }
0x62d: {  	[tilespmem:s30+$0x10000] =	vst v4;
	v6 =	vadd.f32 v9, v8;
	v1 =	vld [tilespmem:s30+$0x8040]  }
0x62e: {  	v4 =	vld [tilespmem:s30+$0x18040]  }
0x62f: {  	v7 =	vld [tilespmem:s30+$0x8050]  }
0x630: {  	v8 =	vld [tilespmem:s30+$0x18050]  }
0x631: {  	v9 =	vld [tilespmem:s30+$0x8060]  }
0x632: {  	v10 =	vld [tilespmem:s30+$0x18060]  }
0x633: {  	v2 =	vadd.f32 v5, v2  }
0x634: {  	[tilespmem:s30+$0x10010] =	vst v6;
	v0 =	vadd.f32 v3, v0  }
0x635: {  	[tilespmem:s30+$0x10020] =	vst v2;
	v1 =	vadd.f32 v4, v1  }
0x636: {  	[tilespmem:s30+$0x10030] =	vst v0;
	v0 =	vadd.f32 v8, v7  }
0x637: {  	[tilespmem:s30+$0x10040] =	vst v1;
	v1 =	vadd.f32 v10, v9  }
0x638: {  	[tilespmem:s30+$0x10050] =	vst v0  }
0x639: {  	s31 =	simm.s32 $0x0;
	[tilespmem:s30+$0x10060] =	vst v1  }
0x63a: {  	[hbm4b:s11+s31] =	stream.linear.scatter [tilespmem:s23], [sflag:$0x5], $0x4000, $0x38;
	[tilespmem:$0x1C000] =	vst v63  }
0x63b: {  	_ =	swait.ge [sflag:s24], $0x4000  }
0x63c: {  	[sflag:s24] =	ssyncset.done $0x0  }
0x63d: {  	s0 =	simm.s32 $0x0;
	[sflag:s24] =	ssyncadd.s32 $0xFFFFC000  }
0x63e: {  	s2 =	sand.u32 $0x2000, s0;
	s3 =	sand.u32 $0x1C00, s31;
	_ =	swait.ge [sflag:s20], $0x4000  }
0x63f: {  	s4 =	sand.u32 $0x380, s31;
	s2 =	sor.u32 s2, s3;
	[sflag:s20] =	ssyncset.done $0x0  }
0x640: {  	s30 =	sor.u32 s4, s2;
	[sflag:s20] =	ssyncadd.s32 $0xFFFFC000  }
0x641: {  	v0 =	vld [tilespmem:s30+$0x70]  }
0x642: {  	v1 =	vld [tilespmem:s30+$0x18070]  }
0x643: {  	v3 =	vld [tilespmem:s30+$0x0]  }
0x644: {  	v4 =	vld [tilespmem:s30+$0x18000]  }
0x645: {  	v6 =	vld [tilespmem:s30+$0x10]  }
0x646: {  	v7 =	vld [tilespmem:s30+$0x18010]  }
0x647: {  	v2 =	vld [tilespmem:s30+$0x20]  }
0x648: {  	v5 =	vld [tilespmem:s30+$0x18020]  }
0x649: {  	v1 =	vadd.f32 v1, v0;
	v0 =	vld [tilespmem:s30+$0x30]  }
0x64a: {  	v4 =	vadd.f32 v4, v3;
	v3 =	vld [tilespmem:s30+$0x18030]  }
0x64b: {  	v6 =	vadd.f32 v7, v6;
	[tilespmem:s30+$0xC070] =	vst v1;
	v1 =	vld [tilespmem:s30+$0x40]  }
0x64c: {  	s2 =	simm.s32 $0x0;
	[tilespmem:s30+$0xC000] =	vst v4;
	v4 =	vld [tilespmem:s30+$0x18040]  }
.LBB2_62:
0x64d: {  	s0 =	sadd.s32 $0x80, s0;
	[tilespmem:s30+$0xC010] =	vst v6;
	v2 =	vadd.f32 v5, v2;
	v5 =	vld [tilespmem:s30+$0x50];
	s31 =	sadd.s32 $0x400, s31  }
0x64e: {  	s2 =	sadd.s32 $0x10, s2;
	s3 =	sand.u32 $0x2000, s0;
	s4 =	sand.u32 $0x1C00, s31;
	v6 =	vld [tilespmem:s30+$0x18050]  }
0x64f: {  	p0 =	slt.u32 s0, $0x3F80;
	s3 =	sor.u32 s3, s4;
	s4 =	sand.u32 $0x380, s2;
	[tilespmem:s30+$0xC020] =	vst v2;
	v0 =	vadd.f32 v3, v0;
	v2 =	vld [tilespmem:s30+$0x60]  }
0x650: {  	s3 =	sor.u32 s4, s3;
	v3 =	vld [tilespmem:s30+$0x18060]  }
0x651: {  	v7 =	vld [tilespmem:s3+$0x70];
	[tilespmem:s30+$0xC030] =	vst v0;
	v0 =	vadd.f32 v4, v1  }
0x652: {  	v1 =	vld [tilespmem:s3+$0x18070]  }
0x653: {  	v4 =	vld [tilespmem:s3+$0x0];
	[tilespmem:s30+$0xC040] =	vst v0;
	v0 =	vadd.f32 v6, v5  }
0x654: {  	v6 =	vld [tilespmem:s3+$0x18000]  }
0x655: {  	v8 =	vld [tilespmem:s3+$0x10];
	[tilespmem:s30+$0xC050] =	vst v0;
	v0 =	vadd.f32 v3, v2  }
0x656: {  	v9 =	vld [tilespmem:s3+$0x18010]  }
0x657: {  	v2 =	vld [tilespmem:s3+$0x20];
	v1 =	vadd.f32 v1, v7;
	[tilespmem:s30+$0xC060] =	vst v0;
	s30 =	smov.u32 s3  }
.Ltmp30:
0x658: {  	v5 =	vld [tilespmem:s30+$0x18020];
	(pc) =	sbr.rel @p0 .LBB2_62-.Ltmp30, $4  }
0x659: {  	v4 =	vadd.f32 v6, v4;
	v0 =	vld [tilespmem:s30+$0x30];
	[tilespmem:s30+$0xC070] =	vst v1  }
0x65a: {  	v3 =	vld [tilespmem:s30+$0x18030]  }
0x65b: {  	[tilespmem:s30+$0xC000] =	vst v4;
	v6 =	vadd.f32 v9, v8;
	v1 =	vld [tilespmem:s30+$0x40]  }
0x65c: {  	v4 =	vld [tilespmem:s30+$0x18040]  }
0x65d: {  	v7 =	vld [tilespmem:s30+$0x50]  }
0x65e: {  	v8 =	vld [tilespmem:s30+$0x18050]  }
0x65f: {  	v9 =	vld [tilespmem:s30+$0x60]  }
0x660: {  	v10 =	vld [tilespmem:s30+$0x18060]  }
0x661: {  	v2 =	vadd.f32 v5, v2  }
0x662: {  	[tilespmem:s30+$0xC010] =	vst v6;
	v0 =	vadd.f32 v3, v0  }
0x663: {  	[tilespmem:s30+$0xC020] =	vst v2;
	v1 =	vadd.f32 v4, v1  }
0x664: {  	[tilespmem:s30+$0xC030] =	vst v0;
	v0 =	vadd.f32 v8, v7  }
0x665: {  	[tilespmem:s30+$0xC040] =	vst v1;
	v1 =	vadd.f32 v10, v9  }
0x666: {  	[tilespmem:s30+$0xC050] =	vst v0  }
0x667: {  	s31 =	simm.s32 $0x0;
	[tilespmem:s30+$0xC060] =	vst v1  }
0x668: {  	[hbm4b:s12+s31] =	stream.linear.scatter [tilespmem:s21], [sflag:$0x4], $0x4000, $0x38;
	[tilespmem:$0x1C000] =	vst v63  }
0x669: {  	_ =	swait.ge [sflag:s26], $0x4000  }
0x66a: {  	[sflag:s26] =	ssyncset.done $0x0  }
0x66b: {  	s0 =	simm.s32 $0x0;
	[sflag:s26] =	ssyncadd.s32 $0xFFFFC000  }
0x66c: {  	s2 =	sand.u32 $0x2000, s0;
	s3 =	sand.u32 $0x1C00, s31;
	_ =	swait.ge [sflag:s22], $0x4000  }
0x66d: {  	s4 =	sand.u32 $0x380, s31;
	s2 =	sor.u32 s2, s3;
	[sflag:s22] =	ssyncset.done $0x0  }
0x66e: {  	s30 =	sor.u32 s4, s2;
	[sflag:s22] =	ssyncadd.s32 $0xFFFFC000  }
0x66f: {  	v0 =	vld [tilespmem:s30+$0x4070]  }
0x670: {  	v1 =	vld [tilespmem:s30+$0x18070]  }
0x671: {  	v3 =	vld [tilespmem:s30+$0x4000]  }
0x672: {  	v4 =	vld [tilespmem:s30+$0x18000]  }
0x673: {  	v6 =	vld [tilespmem:s30+$0x4010]  }
0x674: {  	v7 =	vld [tilespmem:s30+$0x18010]  }
0x675: {  	v2 =	vld [tilespmem:s30+$0x4020]  }
0x676: {  	v5 =	vld [tilespmem:s30+$0x18020]  }
0x677: {  	v1 =	vadd.f32 v1, v0;
	v0 =	vld [tilespmem:s30+$0x4030]  }
0x678: {  	v4 =	vadd.f32 v4, v3;
	v3 =	vld [tilespmem:s30+$0x18030]  }
0x679: {  	v6 =	vadd.f32 v7, v6;
	[tilespmem:s30+$0x10070] =	vst v1;
	v1 =	vld [tilespmem:s30+$0x4040]  }
0x67a: {  	s2 =	simm.s32 $0x0;
	[tilespmem:s30+$0x10000] =	vst v4;
	v4 =	vld [tilespmem:s30+$0x18040]  }
.LBB2_64:
0x67b: {  	s0 =	sadd.s32 $0x80, s0;
	[tilespmem:s30+$0x10010] =	vst v6;
	v2 =	vadd.f32 v5, v2;
	v5 =	vld [tilespmem:s30+$0x4050];
	s31 =	sadd.s32 $0x400, s31  }
0x67c: {  	s2 =	sadd.s32 $0x10, s2;
	s3 =	sand.u32 $0x2000, s0;
	s4 =	sand.u32 $0x1C00, s31;
	v6 =	vld [tilespmem:s30+$0x18050]  }
0x67d: {  	p0 =	slt.u32 s0, $0x3F80;
	s3 =	sor.u32 s3, s4;
	s4 =	sand.u32 $0x380, s2;
	[tilespmem:s30+$0x10020] =	vst v2;
	v0 =	vadd.f32 v3, v0;
	v2 =	vld [tilespmem:s30+$0x4060]  }
0x67e: {  	s3 =	sor.u32 s4, s3;
	v3 =	vld [tilespmem:s30+$0x18060]  }
0x67f: {  	v7 =	vld [tilespmem:s3+$0x4070];
	[tilespmem:s30+$0x10030] =	vst v0;
	v0 =	vadd.f32 v4, v1  }
0x680: {  	v1 =	vld [tilespmem:s3+$0x18070]  }
0x681: {  	v4 =	vld [tilespmem:s3+$0x4000];
	[tilespmem:s30+$0x10040] =	vst v0;
	v0 =	vadd.f32 v6, v5  }
0x682: {  	v6 =	vld [tilespmem:s3+$0x18000]  }
0x683: {  	v8 =	vld [tilespmem:s3+$0x4010];
	[tilespmem:s30+$0x10050] =	vst v0;
	v0 =	vadd.f32 v3, v2  }
0x684: {  	v9 =	vld [tilespmem:s3+$0x18010]  }
0x685: {  	v2 =	vld [tilespmem:s3+$0x4020];
	v1 =	vadd.f32 v1, v7;
	[tilespmem:s30+$0x10060] =	vst v0;
	s30 =	smov.u32 s3  }
.Ltmp31:
0x686: {  	v5 =	vld [tilespmem:s30+$0x18020];
	(pc) =	sbr.rel @p0 .LBB2_64-.Ltmp31, $4  }
0x687: {  	v4 =	vadd.f32 v6, v4;
	v0 =	vld [tilespmem:s30+$0x4030];
	[tilespmem:s30+$0x10070] =	vst v1  }
0x688: {  	v3 =	vld [tilespmem:s30+$0x18030]  }
0x689: {  	[tilespmem:s30+$0x10000] =	vst v4;
	v6 =	vadd.f32 v9, v8;
	v1 =	vld [tilespmem:s30+$0x4040]  }
0x68a: {  	v4 =	vld [tilespmem:s30+$0x18040]  }
0x68b: {  	v7 =	vld [tilespmem:s30+$0x4050]  }
0x68c: {  	v8 =	vld [tilespmem:s30+$0x18050]  }
0x68d: {  	v9 =	vld [tilespmem:s30+$0x4060]  }
0x68e: {  	v10 =	vld [tilespmem:s30+$0x18060]  }
0x68f: {  	v2 =	vadd.f32 v5, v2  }
0x690: {  	[tilespmem:s30+$0x10010] =	vst v6;
	v0 =	vadd.f32 v3, v0  }
0x691: {  	[tilespmem:s30+$0x10020] =	vst v2;
	v1 =	vadd.f32 v4, v1  }
0x692: {  	[tilespmem:s30+$0x10030] =	vst v0;
	v62 =	vadd.f32 v8, v7  }
0x693: {  	v63 =	vadd.f32 v10, v9;
	[tilespmem:s30+$0x10040] =	vst v1  }
0x694: {  	[tilespmem:s30+$0x10050] =	vst v62  }
0x695: {  	s29 =	sadd.s32 $0x1, s29;
	[tilespmem:s30+$0x10060] =	vst v63  }
0x696: {  	[hbm4b:s13+s1] =	stream.linear.scatter [tilespmem:s23], [sflag:$0x5], $0x4000, $0x38;
	[tilespmem:$0x1C000] =	vst v63  }
0x697: {  	p0 =	sne.s32 s29, s14;
	_ =	swait.ge [sflag:s24], $0x4000  }
.Ltmp32:
0x698: {  	[sflag:s24] =	ssyncset.done $0x0;
	(pc) =	sbr.rel @p0 .LBB2_1-.Ltmp32, $4  }
0x699: {  	[sflag:s24] =	ssyncadd.s32 $0xFFFFC000  }
0x69a: {  	_ =	swait.ge [sflag:s26], $0x4000  }
0x69b: {  	[sflag:s26] =	ssyncset.done $0x0  }
0x69c: {  	[sflag:s26] =	ssyncadd.s32 $0xFFFFC000  }
0x69d: {  	_ =	sfence.sel $0x180000  }
0x69e: {  	[bflag:$0x0] =	sbarrier.arrive $0xFFFF  }
0x69f: {  	_ =	strace $0x90000047  }
0x6a0: {  	s0 =	stileid.u32;
	[bflag:$0x2] =	sbarrier.arrive $0xFFFF  }
0x6a1: {  	p0 =	sne.s32 s0, $0x0;
	s0 =	rddreg [dreg:$0x3]  }
0x6a2: {  	s0 =	sadd.s32 @!p0 $0x100000, s0  }
0x6a3: {  	[sflag:s0] =	ssyncadd.tile.s32 @!p0 $0x1;
	_ =	shalt  }
.Lfunc_end2:
_tile_overlayer_lowered:
.L_overlay_start_2:
0x6a4: {  	(tag) =	ssettag $0x2  }
0x6a5: {  	s0 =	rddreg [dreg:$0x0];
	s2 =	stileid.u32  }
0x6a6: {  	s1 =	rddreg [dreg:$0x1];
	p0 =	sne.s32 s2, $0x0  }
0x6a7: {  	s3 =	rddreg [dreg:$0x2];
	[bflag:$0x3] =	sbarrier.arrive $0xFFFF;
	s2 =	simm.s32 @!p0 $0x1C08  }
0x6a8: {  	[timem:s3], [sflag:s2] =	dma.local @!p0 [hbm:s0], s1  }
0x6a9: {  	s0 =	simm.s32 @!p0 $0x8  }
0x6aa: {  	_ =	swait.ge @!p0 [sflag:s0], s1  }
0x6ab: {  	s1 =	ssub.s32 @!p0 $0x0, s1;
	[sflag:s0] =	ssyncset.done @!p0 $0x0  }
0x6ac: {  	[sflag:s0] =	ssyncadd.s32 @!p0 s1  }
0x6ad: {  	[bflag:$0x3] =	sbarrier.arrive $0xFFFF  }
0x6ae: {  	_ =	shalt  }

</sc_bundles>
